<compile_context>
chip_gen: v7x
topology: tpu7x:2x2x1
jax: 0.10.2.dev20260603
libtpu: 0.0.44.dev20260713+nightly
codegen_flags: <defaults>
</compile_context>

<pallas_src>
import functools

import jax
import jax.numpy as jnp
from jax import lax
from jax.experimental import pallas as pl
from jax.experimental.pallas import tpu as pltpu
from jax.experimental.pallas import tpu_sc as plsc

_ALPHA = 0.5
_LANES = 16
_W = 128
_BLK = 16


def _degree_kernel(np_, rows):
    mesh = plsc.VectorSubcoreMesh(core_axis_name="c", subcore_axis_name="s")
    base = rows // 32
    zchunk = np_ // 16

    @functools.partial(
        pl.kernel,
        out_type=jax.ShapeDtypeStruct((2, 2, np_), jnp.float32),
        mesh=mesh,
        scratch_types=[
            pltpu.VMEM((2, base, _W), jnp.int32),
            pltpu.VMEM((_W,), jnp.float32),
            pltpu.VMEM((zchunk,), jnp.float32),
            pltpu.VMEM_SHARED((np_,), jnp.float32),
            pltpu.VMEM_SHARED((np_,), jnp.float32),
            pltpu.SemaphoreType.DMA,
        ],
    )
    def deg_k(ei_hbm, out_hbm, idx_v, ones_v, zero_v, hist_s, hist_d, sem_s):
        c = lax.axis_index("c")
        s = lax.axis_index("s")
        w = c * 16 + s

        def fill_ones(i, _):
            ones_v[pl.ds(i * _LANES, _LANES)] = jnp.ones((_LANES,), jnp.float32)
            return 0

        lax.fori_loop(0, _W // _LANES, fill_ones, 0)

        def fill_zero(i, _):
            zero_v[pl.ds(i * _LANES, _LANES)] = jnp.zeros((_LANES,), jnp.float32)
            return 0

        lax.fori_loop(0, zchunk // _LANES, fill_zero, 0)

        pltpu.sync_copy(zero_v, hist_s.at[pl.ds(s * zchunk, zchunk)])
        pltpu.sync_copy(zero_v, hist_d.at[pl.ds(s * zchunk, zchunk)])
        plsc.subcore_barrier()

        rowbase = w * base
        pltpu.sync_copy(
            ei_hbm.at[pl.ds(0, 2), pl.ds(rowbase, base)], idx_v
        )

        k = 16
        def body(r0, _):
            for j in range(k // 2):
                pltpu.async_copy(
                    ones_v, hist_s.at[idx_v.at[0, r0 * (k // 2) + j]], sem_s, add=True
                )
                pltpu.async_copy(
                    ones_v, hist_d.at[idx_v.at[1, r0 * (k // 2) + j]], sem_s, add=True
                )
            for j in range(k):
                pltpu.make_async_copy(ones_v, hist_s.at[idx_v.at[0, 0]], sem_s).wait()
            return 0

        lax.fori_loop(0, base // (k // 2), body, 0)
        plsc.subcore_barrier()

        @pl.when(s == 0)
        def _():
            pltpu.sync_copy(hist_s, out_hbm.at[c, 0])

        @pl.when(s == 1)
        def _():
            pltpu.sync_copy(hist_d, out_hbm.at[c, 1])

    return deg_k


def _prep_kernel(n, np_, d):

    def body(deg_ref, x_ref, xin_ref, xout_ref, opow_ref, ipow_ref):
        out_deg = deg_ref[0, 0] + deg_ref[1, 0]
        in_deg = deg_ref[0, 1] + deg_ref[1, 1]
        opow = jnp.where(out_deg > 0, lax.rsqrt(lax.sqrt(out_deg)), 0.0)
        ipow = jnp.where(in_deg > 0, lax.rsqrt(lax.sqrt(in_deg)), 0.0)
        opow_ref[...] = opow
        ipow_ref[...] = ipow
        x = x_ref[...]
        xin_ref[...] = ipow * x
        xout_ref[...] = opow * x

    nblk = 5
    gb = n // nblk
    assert n % nblk == 0 and gb % 8 == 0
    return pl.pallas_call(
        body,
        grid=(nblk,),
        in_specs=[
            pl.BlockSpec((2, 2, gb, 1), lambda i: (0, 0, i, 0)),
            pl.BlockSpec((gb, d), lambda i: (i, 0)),
        ],
        out_specs=[
            pl.BlockSpec((gb, d), lambda i: (i, 0)),
            pl.BlockSpec((gb, d), lambda i: (i, 0)),
            pl.BlockSpec((gb, 1), lambda i: (i, 0)),
            pl.BlockSpec((gb, 1), lambda i: (i, 0)),
        ],
        out_shape=[
            jax.ShapeDtypeStruct((np_, d), jnp.float32),
            jax.ShapeDtypeStruct((np_, d), jnp.float32),
            jax.ShapeDtypeStruct((np_, 1), jnp.float32),
            jax.ShapeDtypeStruct((np_, 1), jnp.float32),
        ],
    )


def _spmm_kernel(np_, rows):
    mesh = plsc.VectorSubcoreMesh(core_axis_name="c", subcore_axis_name="s")
    base = rows // 16
    zchunk = np_ // 16

    @functools.partial(
        pl.kernel,
        out_type=[
            jax.ShapeDtypeStruct((np_, _W), jnp.float32),
            jax.ShapeDtypeStruct((np_, _W), jnp.float32),
        ],
        mesh=mesh,
        scratch_types=[
            pltpu.VMEM((2, 2, _BLK, _W), jnp.int32),
            pltpu.VMEM((2, _W, _W), jnp.float32),
            pltpu.VMEM_SHARED((np_, _W), jnp.float32),
            pltpu.SemaphoreType.DMA,
            pltpu.SemaphoreType.DMA,
            pltpu.SemaphoreType.DMA,
        ],
    )
    def spmm_k(xin_hbm, xout_hbm, ei_hbm, y_hbm, yt_hbm, ibuf, rbuf, acc, sem_a, sem_b, sem_i):
        c = lax.axis_index("c")
        s = lax.axis_index("s")

        def fz(i, _):
            for j in range(_W // _LANES):
                rbuf[0, i, pl.ds(j * _LANES, _LANES)] = jnp.zeros(
                    (_LANES,), jnp.float32
                )
            return 0

        lax.fori_loop(0, _W, fz, 0)
        for j in range(zchunk // _W):
            pltpu.sync_copy(rbuf.at[0], acc.at[pl.ds(s * zchunk + j * _W, _W)])
        plsc.subcore_barrier()

        def run(table_hbm, gd, sd):
            rowbase = s * base
            nb = base // _BLK

            def idx_copy(b, slot):
                return pltpu.make_async_copy(
                    ei_hbm.at[pl.ds(0, 2), pl.ds(rowbase + b * _BLK, _BLK)],
                    ibuf.at[slot],
                    sem_i,
                )

            def g_start(bslot, wi, p, sem):
                pltpu.async_copy(
                    table_hbm.at[ibuf.at[bslot, gd, wi]], rbuf.at[p], sem
                )

            def g_wait(p, sem):
                pltpu.make_async_copy(
                    table_hbm.at[ibuf.at[0, gd, 0]], rbuf.at[p], sem
                ).wait()

            idx_copy(0, 0).start()
            idx_copy(0, 0).wait()
            g_start(0, 0, 0, sem_a)
            g_start(0, 1, 1, sem_b)

            def block(b, _):
                cur = lax.rem(b, 2)
                nxt = 1 - cur

                @pl.when(b + 1 < nb)
                def _():
                    idx_copy(b + 1, nxt).start()

                for wi in range(_BLK):
                    p = wi % 2
                    sem = sem_a if p == 0 else sem_b
                    g_wait(p, sem)
                    pltpu.sync_copy(rbuf.at[p], acc.at[ibuf.at[cur, sd, wi]], add=True)
                    if wi < _BLK - 2:
                        g_start(cur, wi + 2, p, sem)
                    else:

                        @pl.when(b + 1 < nb)
                        def _(wi=wi, p=p, sem=sem):
                            if wi == _BLK - 2:
                                idx_copy(0, nxt).wait()
                            g_start(nxt, wi - (_BLK - 2), p, sem)

                return 0

            lax.fori_loop(0, nb, block, 0)

        @pl.when(c == 0)
        def _():
            run(xin_hbm, 1, 0)

        @pl.when(c == 1)
        def _():
            run(xout_hbm, 0, 1)

        plsc.subcore_barrier()

        def copy_out(out_hbm):
            pltpu.sync_copy(
                acc.at[pl.ds(s * zchunk, zchunk)],
                out_hbm.at[pl.ds(s * zchunk, zchunk)],
            )

        @pl.when(c == 0)
        def _():
            copy_out(y_hbm)

        @pl.when(c == 1)
        def _():
            copy_out(yt_hbm)

    return spmm_k


def _out_kernel(n, np_, d):

    def body(y_ref, yt_ref, op_ref, ip_ref, ws_ref, wd_ref, b_ref, out_ref):
        yp = op_ref[...] * y_ref[...]
        ytp = ip_ref[...] * yt_ref[...]
        dn = (((1,), (1,)), ((), ()))
        a = lax.dot_general(yp, ws_ref[...], dn, preferred_element_type=jnp.float32)
        bt = lax.dot_general(ytp, wd_ref[...], dn, preferred_element_type=jnp.float32)
        bias = _ALPHA * b_ref[0:1, :] + (1.0 - _ALPHA) * b_ref[1:2, :]
        out_ref[...] = _ALPHA * a + (1.0 - _ALPHA) * bt + bias

    nblk = 5
    gb = n // nblk
    assert n % nblk == 0 and gb % 8 == 0
    return pl.pallas_call(
        body,
        grid=(nblk,),
        in_specs=[
            pl.BlockSpec((gb, d), lambda i: (i, 0)),
            pl.BlockSpec((gb, d), lambda i: (i, 0)),
            pl.BlockSpec((gb, 1), lambda i: (i, 0)),
            pl.BlockSpec((gb, 1), lambda i: (i, 0)),
            pl.BlockSpec((d, d), lambda i: (0, 0)),
            pl.BlockSpec((d, d), lambda i: (0, 0)),
            pl.BlockSpec((2, d), lambda i: (0, 0)),
        ],
        out_specs=pl.BlockSpec((gb, d), lambda i: (i, 0)),
        out_shape=jax.ShapeDtypeStruct((n, d), jnp.float32),
    )


def kernel(x, edge_index, W_s2d, b_s2d, W_d2s, b_d2s):
    n, d = x.shape
    e = edge_index.shape[1]
    assert d == _W and e % _W == 0
    np_ = -(-(n + 1) // 2048) * 2048
    npad = np_ - n
    erows = -(-e // (256 * _W)) * 256
    epad = erows * _W - e

    padvals = n + (jnp.arange(epad, dtype=jnp.int32) % npad)
    ei3 = jnp.concatenate(
        [edge_index, jnp.stack([padvals, padvals])], axis=1
    ).reshape(2, erows, _W)
    deg = _degree_kernel(np_, erows)(ei3)
    x_in, x_out, opow, ipow = _prep_kernel(n, np_, d)(deg.reshape(2, 2, np_, 1), x)
    yy, yt = _spmm_kernel(np_, erows)(x_in, x_out, ei3)
    b2 = jnp.stack([b_s2d, b_d2s])
    return _out_kernel(n, np_, d)(yy, yt, opow, ipow, W_s2d, W_d2s, b2)

# --- scband reference (transcript-rebuilt; emitter-appended) ---
"""Pipeline reference for scband-faber-conv-62723702391592 (READ-ONLY COPY).

The authoritative reference and input builder live on the scoring server;
editing this copy changes nothing except your own understanding.
"""

import jax, jax.numpy as jnp
import numpy as np

N = 10000
E = 320000
D = 128
EXPONENT = -0.25
ALPHA = 0.5


def setup_inputs(seed: int = 0) -> dict:
    key = jax.random.key(seed)
    k1, k2, k3, k4, k5, k6 = jax.random.split(key, 6)
    x = jax.random.normal(k1, (N, D), dtype=jnp.float32)
    edge_index = jax.random.randint(k2, (2, E), 0, N, dtype=jnp.int32)
    scale = 1.0 / np.sqrt(D)
    W_s2d = jax.random.uniform(k3, (D, D), minval=-scale, maxval=scale, dtype=jnp.float32)
    b_s2d = jax.random.uniform(k4, (D,), minval=-scale, maxval=scale, dtype=jnp.float32)
    W_d2s = jax.random.uniform(k5, (D, D), minval=-scale, maxval=scale, dtype=jnp.float32)
    b_d2s = jax.random.uniform(k6, (D,), minval=-scale, maxval=scale, dtype=jnp.float32)
    return {"x": x, "edge_index": edge_index, "W_s2d": W_s2d, "b_s2d": b_s2d, "W_d2s": W_d2s, "b_d2s": b_d2s}


def _edge_norm_weights(src, dst):
    # Directional (dir) adjacency normalization: D_out^exp A D_in^exp
    ones = jnp.ones(src.shape[0], dtype=jnp.float32)
    out_deg = jax.ops.segment_sum(ones, src, num_segments=N)
    in_deg = jax.ops.segment_sum(ones, dst, num_segments=N)
    out_pow = jnp.where(out_deg > 0, out_deg ** EXPONENT, 0.0)
    in_pow = jnp.where(in_deg > 0, in_deg ** EXPONENT, 0.0)
    # Note: transposed adjacency A^T has row-degrees = in_deg and col-degrees = out_deg,
    # so the per-edge normalized weight is identical for A and A^T.
    return out_pow[src] * in_pow[dst]


def reference(x, edge_index, W_s2d, b_s2d, W_d2s, b_d2s):
    src = edge_index[0]
    dst = edge_index[1]
    w = _edge_norm_weights(src, dst)
    # y = adj_norm @ x : y[src] += w * x[dst]
    y = jax.ops.segment_sum(w[:, None] * x[dst], src, num_segments=N)
    # y_t = adj_t_norm @ x : y_t[dst] += w * x[src]
    y_t = jax.ops.segment_sum(w[:, None] * x[src], dst, num_segments=N)
    # K_plus = 1, zero_order = False -> single linear on each direction
    sum_src_to_dst = y @ W_s2d.T + b_s2d
    sum_dst_to_src = y_t @ W_d2s.T + b_d2s
    total = ALPHA * sum_src_to_dst + (1.0 - ALPHA) * sum_dst_to_src
    return total

if __name__ == "__main__":
    import jax
    _d = setup_inputs()
    print(jax.jit(kernel)(*tuple(_d.values())))

</pallas_src>

<mosaic_0001>
#map = affine_map<(d0, d1) -> (0, 0)>
#map1 = affine_map<(d0, d1) -> (0, 0, 0)>
module attributes {stable_mosaic.version = 14 : i64} {
  func.func @spmm_k(%arg0: i32, %arg1: i32, %arg2: memref<10240x128xf32, #tpu.memory_space<hbm>>, %arg3: memref<10240x128xf32, #tpu.memory_space<hbm>>, %arg4: memref<2x2560x128xi32, #tpu.memory_space<hbm>>, %arg5: memref<10240x128xf32, #tpu.memory_space<hbm>>, %arg6: memref<10240x128xf32, #tpu.memory_space<hbm>>, %arg7: memref<2x2x16x128xi32, #tpu.memory_space<vmem>>, %arg8: memref<2x128x128xf32, #tpu.memory_space<vmem>>, %arg9: memref<10240x128xf32, #tpu.memory_space<vmem_shared>>, %arg10: memref<!tpu.dma_semaphore, #tpu.memory_space<semaphore_mem>>, %arg11: memref<!tpu.dma_semaphore, #tpu.memory_space<semaphore_mem>>, %arg12: memref<!tpu.dma_semaphore, #tpu.memory_space<semaphore_mem>>) attributes {dimension_semantics = [#tpu.dimension_semantics<core_parallel>, #tpu.dimension_semantics<subcore_parallel>], iteration_bounds = array<i64: 2, 16>, scalar_prefetch = 0 : i64, scratch_operands = 6 : i64, tpu.core_type = #tpu.core_type<sc_vector_subcore>, window_params = [{transform_indices = #map}, {transform_indices = #map}, {transform_indices = #map1}, {transform_indices = #map}, {transform_indices = #map}]} {
    %scan3A = arith.constant 0 : i32
    %scan3A_0 = arith.constant 0 : i32
    %scan3A_1 = arith.constant 128 : i32
    %scan3A_2 = arith.addi %scan3A_0, %scan3A_1 : i32
    %scan3A_3 = arith.constant 1 : i32
    %scan3A_4 = scf.for %scan3A_46 = %scan3A_0 to %scan3A_2 step %scan3A_3 iter_args(%scan3A_47 = %scan3A) -> (i32)  : i32 {
      %broadcast_in_dim3A = arith.constant 0.000000e+00 : f32
      %broadcast_in_dim3A_48 = vector.broadcast %broadcast_in_dim3A : f32 to vector<16xf32>
      %swap3A = arith.constant 0 : i32
      %swap3A_49 = arith.index_cast %swap3A : i32 to index
      %swap3A_50 = arith.index_cast %scan3A_46 : i32 to index
      %swap3A_51 = arith.constant 0 : index
      %swap3A_52 = tpu.vector_load %arg8[%swap3A_49, %swap3A_50, %swap3A_51] {strides = array<i32>} : memref<2x128x128xf32, #tpu.memory_space<vmem>>, vector<1x1x16xf32>,
      %swap3A_53 = vector.shape_cast %swap3A_52 : vector<1x1x16xf32> to vector<16xf32>
      %swap3A_54 = vector.shape_cast %broadcast_in_dim3A_48 : vector<16xf32> to vector<1x1x16xf32>
      tpu.vector_store %arg8[%swap3A_49, %swap3A_50, %swap3A_51], %swap3A_54 {strides = array<i32>} : memref<2x128x128xf32, #tpu.memory_space<vmem>>, vector<1x1x16xf32>,
      %broadcast_in_dim3A_55 = arith.constant 0.000000e+00 : f32
      %broadcast_in_dim3A_56 = vector.broadcast %broadcast_in_dim3A_55 : f32 to vector<16xf32>
      %swap3A_57 = arith.constant 0 : i32
      %swap3A_58 = arith.index_cast %swap3A_57 : i32 to index
      %swap3A_59 = arith.index_cast %scan3A_46 : i32 to index
      %swap3A_60 = arith.constant 16 : index
      %swap3A_61 = tpu.vector_load %arg8[%swap3A_58, %swap3A_59, %swap3A_60] {strides = array<i32>} : memref<2x128x128xf32, #tpu.memory_space<vmem>>, vector<1x1x16xf32>,
      %swap3A_62 = vector.shape_cast %swap3A_61 : vector<1x1x16xf32> to vector<16xf32>
      %swap3A_63 = vector.shape_cast %broadcast_in_dim3A_56 : vector<16xf32> to vector<1x1x16xf32>
      tpu.vector_store %arg8[%swap3A_58, %swap3A_59, %swap3A_60], %swap3A_63 {strides = array<i32>} : memref<2x128x128xf32, #tpu.memory_space<vmem>>, vector<1x1x16xf32>,
      %broadcast_in_dim3A_64 = arith.constant 0.000000e+00 : f32
      %broadcast_in_dim3A_65 = vector.broadcast %broadcast_in_dim3A_64 : f32 to vector<16xf32>
      %swap3A_66 = arith.constant 0 : i32
      %swap3A_67 = arith.index_cast %swap3A_66 : i32 to index
      %swap3A_68 = arith.index_cast %scan3A_46 : i32 to index
      %swap3A_69 = arith.constant 32 : index
      %swap3A_70 = tpu.vector_load %arg8[%swap3A_67, %swap3A_68, %swap3A_69] {strides = array<i32>} : memref<2x128x128xf32, #tpu.memory_space<vmem>>, vector<1x1x16xf32>,
      %swap3A_71 = vector.shape_cast %swap3A_70 : vector<1x1x16xf32> to vector<16xf32>
      %swap3A_72 = vector.shape_cast %broadcast_in_dim3A_65 : vector<16xf32> to vector<1x1x16xf32>
      tpu.vector_store %arg8[%swap3A_67, %swap3A_68, %swap3A_69], %swap3A_72 {strides = array<i32>} : memref<2x128x128xf32, #tpu.memory_space<vmem>>, vector<1x1x16xf32>,
      %broadcast_in_dim3A_73 = arith.constant 0.000000e+00 : f32
      %broadcast_in_dim3A_74 = vector.broadcast %broadcast_in_dim3A_73 : f32 to vector<16xf32>
      %swap3A_75 = arith.constant 0 : i32
      %swap3A_76 = arith.index_cast %swap3A_75 : i32 to index
      %swap3A_77 = arith.index_cast %scan3A_46 : i32 to index
      %swap3A_78 = arith.constant 48 : index
      %swap3A_79 = tpu.vector_load %arg8[%swap3A_76, %swap3A_77, %swap3A_78] {strides = array<i32>} : memref<2x128x128xf32, #tpu.memory_space<vmem>>, vector<1x1x16xf32>,
      %swap3A_80 = vector.shape_cast %swap3A_79 : vector<1x1x16xf32> to vector<16xf32>
      %swap3A_81 = vector.shape_cast %broadcast_in_dim3A_74 : vector<16xf32> to vector<1x1x16xf32>
      tpu.vector_store %arg8[%swap3A_76, %swap3A_77, %swap3A_78], %swap3A_81 {strides = array<i32>} : memref<2x128x128xf32, #tpu.memory_space<vmem>>, vector<1x1x16xf32>,
      %broadcast_in_dim3A_82 = arith.constant 0.000000e+00 : f32
      %broadcast_in_dim3A_83 = vector.broadcast %broadcast_in_dim3A_82 : f32 to vector<16xf32>
      %swap3A_84 = arith.constant 0 : i32
      %swap3A_85 = arith.index_cast %swap3A_84 : i32 to index
      %swap3A_86 = arith.index_cast %scan3A_46 : i32 to index
      %swap3A_87 = arith.constant 64 : index
      %swap3A_88 = tpu.vector_load %arg8[%swap3A_85, %swap3A_86, %swap3A_87] {strides = array<i32>} : memref<2x128x128xf32, #tpu.memory_space<vmem>>, vector<1x1x16xf32>,
      %swap3A_89 = vector.shape_cast %swap3A_88 : vector<1x1x16xf32> to vector<16xf32>
      %swap3A_90 = vector.shape_cast %broadcast_in_dim3A_83 : vector<16xf32> to vector<1x1x16xf32>
      tpu.vector_store %arg8[%swap3A_85, %swap3A_86, %swap3A_87], %swap3A_90 {strides = array<i32>} : memref<2x128x128xf32, #tpu.memory_space<vmem>>, vector<1x1x16xf32>,
      %broadcast_in_dim3A_91 = arith.constant 0.000000e+00 : f32
      %broadcast_in_dim3A_92 = vector.broadcast %broadcast_in_dim3A_91 : f32 to vector<16xf32>
      %swap3A_93 = arith.constant 0 : i32
      %swap3A_94 = arith.index_cast %swap3A_93 : i32 to index
      %swap3A_95 = arith.index_cast %scan3A_46 : i32 to index
      %swap3A_96 = arith.constant 80 : index
      %swap3A_97 = tpu.vector_load %arg8[%swap3A_94, %swap3A_95, %swap3A_96] {strides = array<i32>} : memref<2x128x128xf32, #tpu.memory_space<vmem>>, vector<1x1x16xf32>,
      %swap3A_98 = vector.shape_cast %swap3A_97 : vector<1x1x16xf32> to vector<16xf32>
      %swap3A_99 = vector.shape_cast %broadcast_in_dim3A_92 : vector<16xf32> to vector<1x1x16xf32>
      tpu.vector_store %arg8[%swap3A_94, %swap3A_95, %swap3A_96], %swap3A_99 {strides = array<i32>} : memref<2x128x128xf32, #tpu.memory_space<vmem>>, vector<1x1x16xf32>,
      %broadcast_in_dim3A_100 = arith.constant 0.000000e+00 : f32
      %broadcast_in_dim3A_101 = vector.broadcast %broadcast_in_dim3A_100 : f32 to vector<16xf32>
      %swap3A_102 = arith.constant 0 : i32
      %swap3A_103 = arith.index_cast %swap3A_102 : i32 to index
      %swap3A_104 = arith.index_cast %scan3A_46 : i32 to index
      %swap3A_105 = arith.constant 96 : index
      %swap3A_106 = tpu.vector_load %arg8[%swap3A_103, %swap3A_104, %swap3A_105] {strides = array<i32>} : memref<2x128x128xf32, #tpu.memory_space<vmem>>, vector<1x1x16xf32>,
      %swap3A_107 = vector.shape_cast %swap3A_106 : vector<1x1x16xf32> to vector<16xf32>
      %swap3A_108 = vector.shape_cast %broadcast_in_dim3A_101 : vector<16xf32> to vector<1x1x16xf32>
      tpu.vector_store %arg8[%swap3A_103, %swap3A_104, %swap3A_105], %swap3A_108 {strides = array<i32>} : memref<2x128x128xf32, #tpu.memory_space<vmem>>, vector<1x1x16xf32>,
      %broadcast_in_dim3A_109 = arith.constant 0.000000e+00 : f32
      %broadcast_in_dim3A_110 = vector.broadcast %broadcast_in_dim3A_109 : f32 to vector<16xf32>
      %swap3A_111 = arith.constant 0 : i32
      %swap3A_112 = arith.index_cast %swap3A_111 : i32 to index
      %swap3A_113 = arith.index_cast %scan3A_46 : i32 to index
      %swap3A_114 = arith.constant 112 : index
      %swap3A_115 = tpu.vector_load %arg8[%swap3A_112, %swap3A_113, %swap3A_114] {strides = array<i32>} : memref<2x128x128xf32, #tpu.memory_space<vmem>>, vector<1x1x16xf32>,
      %swap3A_116 = vector.shape_cast %swap3A_115 : vector<1x1x16xf32> to vector<16xf32>
      %swap3A_117 = vector.shape_cast %broadcast_in_dim3A_110 : vector<16xf32> to vector<1x1x16xf32>
      tpu.vector_store %arg8[%swap3A_112, %swap3A_113, %swap3A_114], %swap3A_117 {strides = array<i32>} : memref<2x128x128xf32, #tpu.memory_space<vmem>>, vector<1x1x16xf32>,
      %scan3A_118 = arith.constant 0 : i32
      scf.yield %scan3A_118 : i32
    }
    %scan3A_5 = arith.constant 128 : i32
    %mul3A = arith.constant 640 : i32
    %mul3A_6 = arith.muli %arg1, %mul3A : i32
    %add3A = arith.constant 0 : i32
    %add3A_7 = arith.addi %mul3A_6, %add3A : i32
    %run_scoped3A = arith.constant 0 : i32
    "tpu.region"() ({
      %run_scoped3A_46 = tpu.sem_alloc : memref<!tpu.dma_semaphore, #tpu.memory_space<semaphore_mem>>
      %dma_start3A = arith.constant 0 : i32
      %dma_start3A_47 = arith.constant 0 : i32
      %dma_start3A_48 = tpu.memref_slice %arg8[%run_scoped3A, %dma_start3A, %dma_start3A_47] : memref<2x128x128xf32, #tpu.memory_space<vmem>> -> memref<1x128x128xf32, #tpu.memory_space<vmem>>
      %dma_start3A_49 = tpu.memref_squeeze %dma_start3A_48 : memref<1x128x128xf32, #tpu.memory_space<vmem>> -> memref<128x128xf32, #tpu.memory_space<vmem>>
      %dma_start3A_50 = arith.constant 0 : i32
      %dma_start3A_51 = tpu.memref_slice %arg9[%add3A_7, %dma_start3A_50] : memref<10240x128xf32, #tpu.memory_space<vmem_shared>> -> memref<128x128xf32, #tpu.memory_space<vmem_shared>>
      %dma_start3A_52 = arith.constant 0 : i32
      %dma_start3A_53 = tpu.memref_slice %arg9[%add3A_7, %dma_start3A_52] : memref<10240x128xf32, #tpu.memory_space<vmem_shared>> -> memref<128x128xf32, #tpu.memory_space<vmem_shared>>
      %dma_start3A_54 = arith.constant 0 : i32
      %dma_start3A_55 = arith.constant 0 : i32
      %dma_start3A_56 = tpu.memref_slice %arg8[%run_scoped3A, %dma_start3A_54, %dma_start3A_55] : memref<2x128x128xf32, #tpu.memory_space<vmem>> -> memref<1x128x128xf32, #tpu.memory_space<vmem>>
      %dma_start3A_57 = tpu.memref_squeeze %dma_start3A_56 : memref<1x128x128xf32, #tpu.memory_space<vmem>> -> memref<128x128xf32, #tpu.memory_space<vmem>>
      tpu.enqueue_dma source(%dma_start3A_57 : memref<128x128xf32, #tpu.memory_space<vmem>>) target(%dma_start3A_53 : memref<128x128xf32, #tpu.memory_space<vmem_shared>>) target_semaphore(%run_scoped3A_46 : memref<!tpu.dma_semaphore, #tpu.memory_space<semaphore_mem>>)
      %dma_wait3A = arith.constant 0 : i32
      %dma_wait3A_58 = arith.constant 0 : i32
      %dma_wait3A_59 = tpu.memref_slice %arg8[%run_scoped3A, %dma_wait3A, %dma_wait3A_58] : memref<2x128x128xf32, #tpu.memory_space<vmem>> -> memref<1x128x128xf32, #tpu.memory_space<vmem>>
      %dma_wait3A_60 = tpu.memref_squeeze %dma_wait3A_59 : memref<1x128x128xf32, #tpu.memory_space<vmem>> -> memref<128x128xf32, #tpu.memory_space<vmem>>
      %dma_wait3A_61 = arith.constant 0 : i32
      %dma_wait3A_62 = tpu.memref_slice %arg9[%add3A_7, %dma_wait3A_61] : memref<10240x128xf32, #tpu.memory_space<vmem_shared>> -> memref<128x128xf32, #tpu.memory_space<vmem_shared>>
      %dma_wait3A_63 = arith.constant 0 : i32
      %dma_wait3A_64 = tpu.memref_slice %arg9[%add3A_7, %dma_wait3A_63] : memref<10240x128xf32, #tpu.memory_space<vmem_shared>> -> memref<128x128xf32, #tpu.memory_space<vmem_shared>>
      %dma_wait3A_65 = arith.constant 0 : i32
      %dma_wait3A_66 = arith.constant 0 : i32
      %dma_wait3A_67 = tpu.memref_slice %arg8[%run_scoped3A, %dma_wait3A_65, %dma_wait3A_66] : memref<2x128x128xf32, #tpu.memory_space<vmem>> -> memref<1x128x128xf32, #tpu.memory_space<vmem>>
      %dma_wait3A_68 = tpu.memref_squeeze %dma_wait3A_67 : memref<1x128x128xf32, #tpu.memory_space<vmem>> -> memref<128x128xf32, #tpu.memory_space<vmem>>
      tpu.wait_dma2 semaphore(%run_scoped3A_46 : memref<!tpu.dma_semaphore, #tpu.memory_space<semaphore_mem>>) src(%dma_wait3A_68 : memref<128x128xf32, #tpu.memory_space<vmem>>) dst(%dma_wait3A_64 : memref<128x128xf32, #tpu.memory_space<vmem_shared>>)
      tpu.yield
    }) : () -> ()
    %mul3A_8 = arith.constant 640 : i32
    %mul3A_9 = arith.muli %arg1, %mul3A_8 : i32
    %add3A_10 = arith.constant 128 : i32
    %add3A_11 = arith.addi %mul3A_9, %add3A_10 : i32
    %run_scoped3A_12 = arith.constant 0 : i32
    "tpu.region"() ({
      %run_scoped3A_46 = tpu.sem_alloc : memref<!tpu.dma_semaphore, #tpu.memory_space<semaphore_mem>>
      %dma_start3A = arith.constant 0 : i32
      %dma_start3A_47 = arith.constant 0 : i32
      %dma_start3A_48 = tpu.memref_slice %arg8[%run_scoped3A_12, %dma_start3A, %dma_start3A_47] : memref<2x128x128xf32, #tpu.memory_space<vmem>> -> memref<1x128x128xf32, #tpu.memory_space<vmem>>
      %dma_start3A_49 = tpu.memref_squeeze %dma_start3A_48 : memref<1x128x128xf32, #tpu.memory_space<vmem>> -> memref<128x128xf32, #tpu.memory_space<vmem>>
      %dma_start3A_50 = arith.constant 0 : i32
      %dma_start3A_51 = tpu.memref_slice %arg9[%add3A_11, %dma_start3A_50] : memref<10240x128xf32, #tpu.memory_space<vmem_shared>> -> memref<128x128xf32, #tpu.memory_space<vmem_shared>>
      %dma_start3A_52 = arith.constant 0 : i32
      %dma_start3A_53 = tpu.memref_slice %arg9[%add3A_11, %dma_start3A_52] : memref<10240x128xf32, #tpu.memory_space<vmem_shared>> -> memref<128x128xf32, #tpu.memory_space<vmem_shared>>
      %dma_start3A_54 = arith.constant 0 : i32
      %dma_start3A_55 = arith.constant 0 : i32
      %dma_start3A_56 = tpu.memref_slice %arg8[%run_scoped3A_12, %dma_start3A_54, %dma_start3A_55] : memref<2x128x128xf32, #tpu.memory_space<vmem>> -> memref<1x128x128xf32, #tpu.memory_space<vmem>>
      %dma_start3A_57 = tpu.memref_squeeze %dma_start3A_56 : memref<1x128x128xf32, #tpu.memory_space<vmem>> -> memref<128x128xf32, #tpu.memory_space<vmem>>
      tpu.enqueue_dma source(%dma_start3A_57 : memref<128x128xf32, #tpu.memory_space<vmem>>) target(%dma_start3A_53 : memref<128x128xf32, #tpu.memory_space<vmem_shared>>) target_semaphore(%run_scoped3A_46 : memref<!tpu.dma_semaphore, #tpu.memory_space<semaphore_mem>>)
      %dma_wait3A = arith.constant 0 : i32
      %dma_wait3A_58 = arith.constant 0 : i32
      %dma_wait3A_59 = tpu.memref_slice %arg8[%run_scoped3A_12, %dma_wait3A, %dma_wait3A_58] : memref<2x128x128xf32, #tpu.memory_space<vmem>> -> memref<1x128x128xf32, #tpu.memory_space<vmem>>
      %dma_wait3A_60 = tpu.memref_squeeze %dma_wait3A_59 : memref<1x128x128xf32, #tpu.memory_space<vmem>> -> memref<128x128xf32, #tpu.memory_space<vmem>>
      %dma_wait3A_61 = arith.constant 0 : i32
      %dma_wait3A_62 = tpu.memref_slice %arg9[%add3A_11, %dma_wait3A_61] : memref<10240x128xf32, #tpu.memory_space<vmem_shared>> -> memref<128x128xf32, #tpu.memory_space<vmem_shared>>
      %dma_wait3A_63 = arith.constant 0 : i32
      %dma_wait3A_64 = tpu.memref_slice %arg9[%add3A_11, %dma_wait3A_63] : memref<10240x128xf32, #tpu.memory_space<vmem_shared>> -> memref<128x128xf32, #tpu.memory_space<vmem_shared>>
      %dma_wait3A_65 = arith.constant 0 : i32
      %dma_wait3A_66 = arith.constant 0 : i32
      %dma_wait3A_67 = tpu.memref_slice %arg8[%run_scoped3A_12, %dma_wait3A_65, %dma_wait3A_66] : memref<2x128x128xf32, #tpu.memory_space<vmem>> -> memref<1x128x128xf32, #tpu.memory_space<vmem>>
      %dma_wait3A_68 = tpu.memref_squeeze %dma_wait3A_67 : memref<1x128x128xf32, #tpu.memory_space<vmem>> -> memref<128x128xf32, #tpu.memory_space<vmem>>
      tpu.wait_dma2 semaphore(%run_scoped3A_46 : memref<!tpu.dma_semaphore, #tpu.memory_space<semaphore_mem>>) src(%dma_wait3A_68 : memref<128x128xf32, #tpu.memory_space<vmem>>) dst(%dma_wait3A_64 : memref<128x128xf32, #tpu.memory_space<vmem_shared>>)
      tpu.yield
    }) : () -> ()
    %mul3A_13 = arith.constant 640 : i32
    %mul3A_14 = arith.muli %arg1, %mul3A_13 : i32
    %add3A_15 = arith.constant 256 : i32
    %add3A_16 = arith.addi %mul3A_14, %add3A_15 : i32
    %run_scoped3A_17 = arith.constant 0 : i32
    "tpu.region"() ({
      %run_scoped3A_46 = tpu.sem_alloc : memref<!tpu.dma_semaphore, #tpu.memory_space<semaphore_mem>>
      %dma_start3A = arith.constant 0 : i32
      %dma_start3A_47 = arith.constant 0 : i32
      %dma_start3A_48 = tpu.memref_slice %arg8[%run_scoped3A_17, %dma_start3A, %dma_start3A_47] : memref<2x128x128xf32, #tpu.memory_space<vmem>> -> memref<1x128x128xf32, #tpu.memory_space<vmem>>
      %dma_start3A_49 = tpu.memref_squeeze %dma_start3A_48 : memref<1x128x128xf32, #tpu.memory_space<vmem>> -> memref<128x128xf32, #tpu.memory_space<vmem>>
      %dma_start3A_50 = arith.constant 0 : i32
      %dma_start3A_51 = tpu.memref_slice %arg9[%add3A_16, %dma_start3A_50] : memref<10240x128xf32, #tpu.memory_space<vmem_shared>> -> memref<128x128xf32, #tpu.memory_space<vmem_shared>>
      %dma_start3A_52 = arith.constant 0 : i32
      %dma_start3A_53 = tpu.memref_slice %arg9[%add3A_16, %dma_start3A_52] : memref<10240x128xf32, #tpu.memory_space<vmem_shared>> -> memref<128x128xf32, #tpu.memory_space<vmem_shared>>
      %dma_start3A_54 = arith.constant 0 : i32
      %dma_start3A_55 = arith.constant 0 : i32
      %dma_start3A_56 = tpu.memref_slice %arg8[%run_scoped3A_17, %dma_start3A_54, %dma_start3A_55] : memref<2x128x128xf32, #tpu.memory_space<vmem>> -> memref<1x128x128xf32, #tpu.memory_space<vmem>>
      %dma_start3A_57 = tpu.memref_squeeze %dma_start3A_56 : memref<1x128x128xf32, #tpu.memory_space<vmem>> -> memref<128x128xf32, #tpu.memory_space<vmem>>
      tpu.enqueue_dma source(%dma_start3A_57 : memref<128x128xf32, #tpu.memory_space<vmem>>) target(%dma_start3A_53 : memref<128x128xf32, #tpu.memory_space<vmem_shared>>) target_semaphore(%run_scoped3A_46 : memref<!tpu.dma_semaphore, #tpu.memory_space<semaphore_mem>>)
      %dma_wait3A = arith.constant 0 : i32
      %dma_wait3A_58 = arith.constant 0 : i32
      %dma_wait3A_59 = tpu.memref_slice %arg8[%run_scoped3A_17, %dma_wait3A, %dma_wait3A_58] : memref<2x128x128xf32, #tpu.memory_space<vmem>> -> memref<1x128x128xf32, #tpu.memory_space<vmem>>
      %dma_wait3A_60 = tpu.memref_squeeze %dma_wait3A_59 : memref<1x128x128xf32, #tpu.memory_space<vmem>> -> memref<128x128xf32, #tpu.memory_space<vmem>>
      %dma_wait3A_61 = arith.constant 0 : i32
      %dma_wait3A_62 = tpu.memref_slice %arg9[%add3A_16, %dma_wait3A_61] : memref<10240x128xf32, #tpu.memory_space<vmem_shared>> -> memref<128x128xf32, #tpu.memory_space<vmem_shared>>
      %dma_wait3A_63 = arith.constant 0 : i32
      %dma_wait3A_64 = tpu.memref_slice %arg9[%add3A_16, %dma_wait3A_63] : memref<10240x128xf32, #tpu.memory_space<vmem_shared>> -> memref<128x128xf32, #tpu.memory_space<vmem_shared>>
      %dma_wait3A_65 = arith.constant 0 : i32
      %dma_wait3A_66 = arith.constant 0 : i32
      %dma_wait3A_67 = tpu.memref_slice %arg8[%run_scoped3A_17, %dma_wait3A_65, %dma_wait3A_66] : memref<2x128x128xf32, #tpu.memory_space<vmem>> -> memref<1x128x128xf32, #tpu.memory_space<vmem>>
      %dma_wait3A_68 = tpu.memref_squeeze %dma_wait3A_67 : memref<1x128x128xf32, #tpu.memory_space<vmem>> -> memref<128x128xf32, #tpu.memory_space<vmem>>
      tpu.wait_dma2 semaphore(%run_scoped3A_46 : memref<!tpu.dma_semaphore, #tpu.memory_space<semaphore_mem>>) src(%dma_wait3A_68 : memref<128x128xf32, #tpu.memory_space<vmem>>) dst(%dma_wait3A_64 : memref<128x128xf32, #tpu.memory_space<vmem_shared>>)
      tpu.yield
    }) : () -> ()
    %mul3A_18 = arith.constant 640 : i32
    %mul3A_19 = arith.muli %arg1, %mul3A_18 : i32
    %add3A_20 = arith.constant 384 : i32
    %add3A_21 = arith.addi %mul3A_19, %add3A_20 : i32
    %run_scoped3A_22 = arith.constant 0 : i32
    "tpu.region"() ({
      %run_scoped3A_46 = tpu.sem_alloc : memref<!tpu.dma_semaphore, #tpu.memory_space<semaphore_mem>>
      %dma_start3A = arith.constant 0 : i32
      %dma_start3A_47 = arith.constant 0 : i32
      %dma_start3A_48 = tpu.memref_slice %arg8[%run_scoped3A_22, %dma_start3A, %dma_start3A_47] : memref<2x128x128xf32, #tpu.memory_space<vmem>> -> memref<1x128x128xf32, #tpu.memory_space<vmem>>
      %dma_start3A_49 = tpu.memref_squeeze %dma_start3A_48 : memref<1x128x128xf32, #tpu.memory_space<vmem>> -> memref<128x128xf32, #tpu.memory_space<vmem>>
      %dma_start3A_50 = arith.constant 0 : i32
      %dma_start3A_51 = tpu.memref_slice %arg9[%add3A_21, %dma_start3A_50] : memref<10240x128xf32, #tpu.memory_space<vmem_shared>> -> memref<128x128xf32, #tpu.memory_space<vmem_shared>>
      %dma_start3A_52 = arith.constant 0 : i32
      %dma_start3A_53 = tpu.memref_slice %arg9[%add3A_21, %dma_start3A_52] : memref<10240x128xf32, #tpu.memory_space<vmem_shared>> -> memref<128x128xf32, #tpu.memory_space<vmem_shared>>
      %dma_start3A_54 = arith.constant 0 : i32
      %dma_start3A_55 = arith.constant 0 : i32
      %dma_start3A_56 = tpu.memref_slice %arg8[%run_scoped3A_22, %dma_start3A_54, %dma_start3A_55] : memref<2x128x128xf32, #tpu.memory_space<vmem>> -> memref<1x128x128xf32, #tpu.memory_space<vmem>>
      %dma_start3A_57 = tpu.memref_squeeze %dma_start3A_56 : memref<1x128x128xf32, #tpu.memory_space<vmem>> -> memref<128x128xf32, #tpu.memory_space<vmem>>
      tpu.enqueue_dma source(%dma_start3A_57 : memref<128x128xf32, #tpu.memory_space<vmem>>) target(%dma_start3A_53 : memref<128x128xf32, #tpu.memory_space<vmem_shared>>) target_semaphore(%run_scoped3A_46 : memref<!tpu.dma_semaphore, #tpu.memory_space<semaphore_mem>>)
      %dma_wait3A = arith.constant 0 : i32
      %dma_wait3A_58 = arith.constant 0 : i32
      %dma_wait3A_59 = tpu.memref_slice %arg8[%run_scoped3A_22, %dma_wait3A, %dma_wait3A_58] : memref<2x128x128xf32, #tpu.memory_space<vmem>> -> memref<1x128x128xf32, #tpu.memory_space<vmem>>
      %dma_wait3A_60 = tpu.memref_squeeze %dma_wait3A_59 : memref<1x128x128xf32, #tpu.memory_space<vmem>> -> memref<128x128xf32, #tpu.memory_space<vmem>>
      %dma_wait3A_61 = arith.constant 0 : i32
      %dma_wait3A_62 = tpu.memref_slice %arg9[%add3A_21, %dma_wait3A_61] : memref<10240x128xf32, #tpu.memory_space<vmem_shared>> -> memref<128x128xf32, #tpu.memory_space<vmem_shared>>
      %dma_wait3A_63 = arith.constant 0 : i32
      %dma_wait3A_64 = tpu.memref_slice %arg9[%add3A_21, %dma_wait3A_63] : memref<10240x128xf32, #tpu.memory_space<vmem_shared>> -> memref<128x128xf32, #tpu.memory_space<vmem_shared>>
      %dma_wait3A_65 = arith.constant 0 : i32
      %dma_wait3A_66 = arith.constant 0 : i32
      %dma_wait3A_67 = tpu.memref_slice %arg8[%run_scoped3A_22, %dma_wait3A_65, %dma_wait3A_66] : memref<2x128x128xf32, #tpu.memory_space<vmem>> -> memref<1x128x128xf32, #tpu.memory_space<vmem>>
      %dma_wait3A_68 = tpu.memref_squeeze %dma_wait3A_67 : memref<1x128x128xf32, #tpu.memory_space<vmem>> -> memref<128x128xf32, #tpu.memory_space<vmem>>
      tpu.wait_dma2 semaphore(%run_scoped3A_46 : memref<!tpu.dma_semaphore, #tpu.memory_space<semaphore_mem>>) src(%dma_wait3A_68 : memref<128x128xf32, #tpu.memory_space<vmem>>) dst(%dma_wait3A_64 : memref<128x128xf32, #tpu.memory_space<vmem_shared>>)
      tpu.yield
    }) : () -> ()
    %mul3A_23 = arith.constant 640 : i32
    %mul3A_24 = arith.muli %arg1, %mul3A_23 : i32
    %add3A_25 = arith.constant 512 : i32
    %add3A_26 = arith.addi %mul3A_24, %add3A_25 : i32
    %run_scoped3A_27 = arith.constant 0 : i32
    "tpu.region"() ({
      %run_scoped3A_46 = tpu.sem_alloc : memref<!tpu.dma_semaphore, #tpu.memory_space<semaphore_mem>>
      %dma_start3A = arith.constant 0 : i32
      %dma_start3A_47 = arith.constant 0 : i32
      %dma_start3A_48 = tpu.memref_slice %arg8[%run_scoped3A_27, %dma_start3A, %dma_start3A_47] : memref<2x128x128xf32, #tpu.memory_space<vmem>> -> memref<1x128x128xf32, #tpu.memory_space<vmem>>
      %dma_start3A_49 = tpu.memref_squeeze %dma_start3A_48 : memref<1x128x128xf32, #tpu.memory_space<vmem>> -> memref<128x128xf32, #tpu.memory_space<vmem>>
      %dma_start3A_50 = arith.constant 0 : i32
      %dma_start3A_51 = tpu.memref_slice %arg9[%add3A_26, %dma_start3A_50] : memref<10240x128xf32, #tpu.memory_space<vmem_shared>> -> memref<128x128xf32, #tpu.memory_space<vmem_shared>>
      %dma_start3A_52 = arith.constant 0 : i32
      %dma_start3A_53 = tpu.memref_slice %arg9[%add3A_26, %dma_start3A_52] : memref<10240x128xf32, #tpu.memory_space<vmem_shared>> -> memref<128x128xf32, #tpu.memory_space<vmem_shared>>
      %dma_start3A_54 = arith.constant 0 : i32
      %dma_start3A_55 = arith.constant 0 : i32
      %dma_start3A_56 = tpu.memref_slice %arg8[%run_scoped3A_27, %dma_start3A_54, %dma_start3A_55] : memref<2x128x128xf32, #tpu.memory_space<vmem>> -> memref<1x128x128xf32, #tpu.memory_space<vmem>>
      %dma_start3A_57 = tpu.memref_squeeze %dma_start3A_56 : memref<1x128x128xf32, #tpu.memory_space<vmem>> -> memref<128x128xf32, #tpu.memory_space<vmem>>
      tpu.enqueue_dma source(%dma_start3A_57 : memref<128x128xf32, #tpu.memory_space<vmem>>) target(%dma_start3A_53 : memref<128x128xf32, #tpu.memory_space<vmem_shared>>) target_semaphore(%run_scoped3A_46 : memref<!tpu.dma_semaphore, #tpu.memory_space<semaphore_mem>>)
      %dma_wait3A = arith.constant 0 : i32
      %dma_wait3A_58 = arith.constant 0 : i32
      %dma_wait3A_59 = tpu.memref_slice %arg8[%run_scoped3A_27, %dma_wait3A, %dma_wait3A_58] : memref<2x128x128xf32, #tpu.memory_space<vmem>> -> memref<1x128x128xf32, #tpu.memory_space<vmem>>
      %dma_wait3A_60 = tpu.memref_squeeze %dma_wait3A_59 : memref<1x128x128xf32, #tpu.memory_space<vmem>> -> memref<128x128xf32, #tpu.memory_space<vmem>>
      %dma_wait3A_61 = arith.constant 0 : i32
      %dma_wait3A_62 = tpu.memref_slice %arg9[%add3A_26, %dma_wait3A_61] : memref<10240x128xf32, #tpu.memory_space<vmem_shared>> -> memref<128x128xf32, #tpu.memory_space<vmem_shared>>
      %dma_wait3A_63 = arith.constant 0 : i32
      %dma_wait3A_64 = tpu.memref_slice %arg9[%add3A_26, %dma_wait3A_63] : memref<10240x128xf32, #tpu.memory_space<vmem_shared>> -> memref<128x128xf32, #tpu.memory_space<vmem_shared>>
      %dma_wait3A_65 = arith.constant 0 : i32
      %dma_wait3A_66 = arith.constant 0 : i32
      %dma_wait3A_67 = tpu.memref_slice %arg8[%run_scoped3A_27, %dma_wait3A_65, %dma_wait3A_66] : memref<2x128x128xf32, #tpu.memory_space<vmem>> -> memref<1x128x128xf32, #tpu.memory_space<vmem>>
      %dma_wait3A_68 = tpu.memref_squeeze %dma_wait3A_67 : memref<1x128x128xf32, #tpu.memory_space<vmem>> -> memref<128x128xf32, #tpu.memory_space<vmem>>
      tpu.wait_dma2 semaphore(%run_scoped3A_46 : memref<!tpu.dma_semaphore, #tpu.memory_space<semaphore_mem>>) src(%dma_wait3A_68 : memref<128x128xf32, #tpu.memory_space<vmem>>) dst(%dma_wait3A_64 : memref<128x128xf32, #tpu.memory_space<vmem_shared>>)
      tpu.yield
    }) : () -> ()
    %barrier3A = arith.constant 0 : index
    tpu.barrier barrier_id(%barrier3A)
    %eq3A = arith.constant 0 : i32
    %eq3A_28 = arith.cmpi eq, %arg0, %eq3A : i32
    %convert_element_type3A = arith.extui %eq3A_28 : i1 to i32
    %cond3A = arith.constant 0 : i32
    %cond3A_29 = arith.cmpi ne, %convert_element_type3A, %cond3A : i32
    scf.if %cond3A_29 {
      %mul3A_46 = arith.constant 160 : i32
      %mul3A_47 = arith.muli %arg1, %mul3A_46 : i32
      %add3A_48 = arith.constant 0 : i32
      %add3A_49 = arith.addi %mul3A_47, %add3A_48 : i32
      %dma_start3A = arith.constant 0 : i32
      %dma_start3A_50 = arith.constant 0 : i32
      %dma_start3A_51 = arith.constant 0 : i32
      %dma_start3A_52 = arith.constant 0 : i32
      %dma_start3A_53 = tpu.memref_slice %arg7[%dma_start3A, %dma_start3A_50, %dma_start3A_51, %dma_start3A_52] : memref<2x2x16x128xi32, #tpu.memory_space<vmem>> -> memref<1x2x16x128xi32, #tpu.memory_space<vmem>>
      %dma_start3A_54 = tpu.memref_squeeze %dma_start3A_53 : memref<1x2x16x128xi32, #tpu.memory_space<vmem>> -> memref<2x16x128xi32, #tpu.memory_space<vmem>>
      %dma_start3A_55 = arith.constant 0 : i32
      %dma_start3A_56 = arith.constant 0 : i32
      %dma_start3A_57 = tpu.memref_slice %arg4[%dma_start3A_55, %add3A_49, %dma_start3A_56] : memref<2x2560x128xi32, #tpu.memory_space<hbm>> -> memref<2x16x128xi32, #tpu.memory_space<hbm>>
      %dma_start3A_58 = arith.constant 0 : i32
      %dma_start3A_59 = arith.constant 0 : i32
      %dma_start3A_60 = arith.constant 0 : i32
      %dma_start3A_61 = tpu.memref_slice %arg7[%dma_start3A, %dma_start3A_58, %dma_start3A_59, %dma_start3A_60] : memref<2x2x16x128xi32, #tpu.memory_space<vmem>> -> memref<1x2x16x128xi32, #tpu.memory_space<vmem>>
      %dma_start3A_62 = tpu.memref_squeeze %dma_start3A_61 : memref<1x2x16x128xi32, #tpu.memory_space<vmem>> -> memref<2x16x128xi32, #tpu.memory_space<vmem>>
      %dma_start3A_63 = arith.constant 0 : i32
      %dma_start3A_64 = arith.constant 0 : i32
      %dma_start3A_65 = tpu.memref_slice %arg4[%dma_start3A_63, %add3A_49, %dma_start3A_64] : memref<2x2560x128xi32, #tpu.memory_space<hbm>> -> memref<2x16x128xi32, #tpu.memory_space<hbm>>
      tpu.enqueue_dma source(%dma_start3A_65 : memref<2x16x128xi32, #tpu.memory_space<hbm>>) target(%dma_start3A_62 : memref<2x16x128xi32, #tpu.memory_space<vmem>>) target_semaphore(%arg12 : memref<!tpu.dma_semaphore, #tpu.memory_space<semaphore_mem>>)
      %add3A_66 = arith.constant 0 : i32
      %add3A_67 = arith.addi %mul3A_47, %add3A_66 : i32
      %dma_wait3A = arith.constant 0 : i32
      %dma_wait3A_68 = arith.constant 0 : i32
      %dma_wait3A_69 = arith.constant 0 : i32
      %dma_wait3A_70 = arith.constant 0 : i32
      %dma_wait3A_71 = tpu.memref_slice %arg7[%dma_wait3A, %dma_wait3A_68, %dma_wait3A_69, %dma_wait3A_70] : memref<2x2x16x128xi32, #tpu.memory_space<vmem>> -> memref<1x2x16x128xi32, #tpu.memory_space<vmem>>
      %dma_wait3A_72 = tpu.memref_squeeze %dma_wait3A_71 : memref<1x2x16x128xi32, #tpu.memory_space<vmem>> -> memref<2x16x128xi32, #tpu.memory_space<vmem>>
      %dma_wait3A_73 = arith.constant 0 : i32
      %dma_wait3A_74 = arith.constant 0 : i32
      %dma_wait3A_75 = tpu.memref_slice %arg4[%dma_wait3A_73, %add3A_67, %dma_wait3A_74] : memref<2x2560x128xi32, #tpu.memory_space<hbm>> -> memref<2x16x128xi32, #tpu.memory_space<hbm>>
      %dma_wait3A_76 = arith.constant 0 : i32
      %dma_wait3A_77 = arith.constant 0 : i32
      %dma_wait3A_78 = arith.constant 0 : i32
      %dma_wait3A_79 = tpu.memref_slice %arg7[%dma_wait3A, %dma_wait3A_76, %dma_wait3A_77, %dma_wait3A_78] : memref<2x2x16x128xi32, #tpu.memory_space<vmem>> -> memref<1x2x16x128xi32, #tpu.memory_space<vmem>>
      %dma_wait3A_80 = tpu.memref_squeeze %dma_wait3A_79 : memref<1x2x16x128xi32, #tpu.memory_space<vmem>> -> memref<2x16x128xi32, #tpu.memory_space<vmem>>
      %dma_wait3A_81 = arith.constant 0 : i32
      %dma_wait3A_82 = arith.constant 0 : i32
      %dma_wait3A_83 = tpu.memref_slice %arg4[%dma_wait3A_81, %add3A_67, %dma_wait3A_82] : memref<2x2560x128xi32, #tpu.memory_space<hbm>> -> memref<2x16x128xi32, #tpu.memory_space<hbm>>
      tpu.wait_dma2 semaphore(%arg12 : memref<!tpu.dma_semaphore, #tpu.memory_space<semaphore_mem>>) src(%dma_wait3A_83 : memref<2x16x128xi32, #tpu.memory_space<hbm>>) dst(%dma_wait3A_80 : memref<2x16x128xi32, #tpu.memory_space<vmem>>)
      %dma_start3A_84 = arith.constant 0 : i32
      %dma_start3A_85 = arith.constant 1 : i32
      %dma_start3A_86 = arith.constant 0 : i32
      %dma_start3A_87 = arith.constant 0 : i32
      %dma_start3A_88 = arith.constant 0 : i32
      %dma_start3A_89 = arith.constant 0 : i32
      %dma_start3A_90 = tpu.memref_slice %arg8[%dma_start3A_87, %dma_start3A_88, %dma_start3A_89] : memref<2x128x128xf32, #tpu.memory_space<vmem>> -> memref<1x128x128xf32, #tpu.memory_space<vmem>>
      %dma_start3A_91 = tpu.memref_squeeze %dma_start3A_90 : memref<1x128x128xf32, #tpu.memory_space<vmem>> -> memref<128x128xf32, #tpu.memory_space<vmem>>
      %dma_start3A_92 = arith.constant 0 : i32
      %dma_start3A_93 = tpu.memref_slice %arg7[%dma_start3A_84, %dma_start3A_85, %dma_start3A_86, %dma_start3A_92] : memref<2x2x16x128xi32, #tpu.memory_space<vmem>> -> memref<1x1x1x128xi32, #tpu.memory_space<vmem>>
      %dma_start3A_94 = tpu.memref_squeeze %dma_start3A_93 : memref<1x1x1x128xi32, #tpu.memory_space<vmem>> -> memref<128xi32, #tpu.memory_space<vmem>>
      %dma_start3A_95 = arith.constant 0 : i32
      %dma_start3A_96 = arith.constant 0 : i32
      %dma_start3A_97 = tpu.memref_slice %arg2[%dma_start3A_95, %dma_start3A_96] : memref<10240x128xf32, #tpu.memory_space<hbm>> -> memref<10240x128xf32, #tpu.memory_space<hbm>>
      tpu.enqueue_indirect_dma source(%dma_start3A_97 : memref<10240x128xf32, #tpu.memory_space<hbm>>) target(%dma_start3A_91 : memref<128x128xf32, #tpu.memory_space<vmem>>) offsets(%dma_start3A_94 : memref<128xi32, #tpu.memory_space<vmem>>) semaphore(%arg10 : memref<!tpu.dma_semaphore, #tpu.memory_space<semaphore_mem>>)
      %dma_start3A_98 = arith.constant 0 : i32
      %dma_start3A_99 = arith.constant 1 : i32
      %dma_start3A_100 = arith.constant 1 : i32
      %dma_start3A_101 = arith.constant 1 : i32
      %dma_start3A_102 = arith.constant 0 : i32
      %dma_start3A_103 = arith.constant 0 : i32
      %dma_start3A_104 = tpu.memref_slice %arg8[%dma_start3A_101, %dma_start3A_102, %dma_start3A_103] : memref<2x128x128xf32, #tpu.memory_space<vmem>> -> memref<1x128x128xf32, #tpu.memory_space<vmem>>
      %dma_start3A_105 = tpu.memref_squeeze %dma_start3A_104 : memref<1x128x128xf32, #tpu.memory_space<vmem>> -> memref<128x128xf32, #tpu.memory_space<vmem>>
      %dma_start3A_106 = arith.constant 0 : i32
      %dma_start3A_107 = tpu.memref_slice %arg7[%dma_start3A_98, %dma_start3A_99, %dma_start3A_100, %dma_start3A_106] : memref<2x2x16x128xi32, #tpu.memory_space<vmem>> -> memref<1x1x1x128xi32, #tpu.memory_space<vmem>>
      %dma_start3A_108 = tpu.memref_squeeze %dma_start3A_107 : memref<1x1x1x128xi32, #tpu.memory_space<vmem>> -> memref<128xi32, #tpu.memory_space<vmem>>
      %dma_start3A_109 = arith.constant 0 : i32
      %dma_start3A_110 = arith.constant 0 : i32
      %dma_start3A_111 = tpu.memref_slice %arg2[%dma_start3A_109, %dma_start3A_110] : memref<10240x128xf32, #tpu.memory_space<hbm>> -> memref<10240x128xf32, #tpu.memory_space<hbm>>
      tpu.enqueue_indirect_dma source(%dma_start3A_111 : memref<10240x128xf32, #tpu.memory_space<hbm>>) target(%dma_start3A_105 : memref<128x128xf32, #tpu.memory_space<vmem>>) offsets(%dma_start3A_108 : memref<128xi32, #tpu.memory_space<vmem>>) semaphore(%arg11 : memref<!tpu.dma_semaphore, #tpu.memory_space<semaphore_mem>>)
      %scan3A_112 = arith.constant 0 : i32
      %scan3A_113 = arith.constant 0 : i32
      %scan3A_114 = arith.constant 10 : i32
      %scan3A_115 = arith.addi %scan3A_113, %scan3A_114 : i32
      %scan3A_116 = arith.constant 1 : i32
      %scan3A_117 = scf.for %scan3A_119 = %scan3A_113 to %scan3A_115 step %scan3A_116 iter_args(%scan3A_120 = %scan3A_112) -> (i32)  : i32 {
        %rem3A = arith.constant 2 : i32
        %rem3A_121 = arith.remsi %scan3A_119, %rem3A : i32
        %sub3A = arith.constant 1 : i32
        %sub3A_122 = arith.subi %sub3A, %rem3A_121 : i32
        %add3A_123 = arith.constant 1 : i32
        %add3A_124 = arith.addi %scan3A_119, %add3A_123 : i32
        %lt3A = arith.constant 10 : i32
        %lt3A_125 = arith.cmpi slt, %add3A_124, %lt3A : i32
        %convert_element_type3A_126 = arith.extui %lt3A_125 : i1 to i32
        %cond3A_127 = arith.constant 0 : i32
        %cond3A_128 = arith.cmpi ne, %convert_element_type3A_126, %cond3A_127 : i32
        scf.if %cond3A_128 {
          %add3A_598 = arith.constant 1 : i32
          %add3A_599 = arith.addi %scan3A_119, %add3A_598 : i32
          %mul3A_600 = arith.constant 16 : i32
          %mul3A_601 = arith.muli %add3A_599, %mul3A_600 : i32
          %add3A_602 = arith.addi %mul3A_47, %mul3A_601 : i32
          %dma_start3A_603 = arith.constant 0 : i32
          %dma_start3A_604 = arith.constant 0 : i32
          %dma_start3A_605 = arith.constant 0 : i32
          %dma_start3A_606 = tpu.memref_slice %arg7[%sub3A_122, %dma_start3A_603, %dma_start3A_604, %dma_start3A_605] : memref<2x2x16x128xi32, #tpu.memory_space<vmem>> -> memref<1x2x16x128xi32, #tpu.memory_space<vmem>>
          %dma_start3A_607 = tpu.memref_squeeze %dma_start3A_606 : memref<1x2x16x128xi32, #tpu.memory_space<vmem>> -> memref<2x16x128xi32, #tpu.memory_space<vmem>>
          %dma_start3A_608 = arith.constant 0 : i32
          %dma_start3A_609 = arith.constant 0 : i32
          %dma_start3A_610 = tpu.memref_slice %arg4[%dma_start3A_608, %add3A_602, %dma_start3A_609] : memref<2x2560x128xi32, #tpu.memory_space<hbm>> -> memref<2x16x128xi32, #tpu.memory_space<hbm>>
          %dma_start3A_611 = arith.constant 0 : i32
          %dma_start3A_612 = arith.constant 0 : i32
          %dma_start3A_613 = arith.constant 0 : i32
          %dma_start3A_614 = tpu.memref_slice %arg7[%sub3A_122, %dma_start3A_611, %dma_start3A_612, %dma_start3A_613] : memref<2x2x16x128xi32, #tpu.memory_space<vmem>> -> memref<1x2x16x128xi32, #tpu.memory_space<vmem>>
          %dma_start3A_615 = tpu.memref_squeeze %dma_start3A_614 : memref<1x2x16x128xi32, #tpu.memory_space<vmem>> -> memref<2x16x128xi32, #tpu.memory_space<vmem>>
          %dma_start3A_616 = arith.constant 0 : i32
          %dma_start3A_617 = arith.constant 0 : i32
          %dma_start3A_618 = tpu.memref_slice %arg4[%dma_start3A_616, %add3A_602, %dma_start3A_617] : memref<2x2560x128xi32, #tpu.memory_space<hbm>> -> memref<2x16x128xi32, #tpu.memory_space<hbm>>
          tpu.enqueue_dma source(%dma_start3A_618 : memref<2x16x128xi32, #tpu.memory_space<hbm>>) target(%dma_start3A_615 : memref<2x16x128xi32, #tpu.memory_space<vmem>>) target_semaphore(%arg12 : memref<!tpu.dma_semaphore, #tpu.memory_space<semaphore_mem>>)
        } else {
        }
        %dma_wait3A_129 = arith.constant 0 : i32
        %dma_wait3A_130 = arith.constant 1 : i32
        %dma_wait3A_131 = arith.constant 0 : i32
        %dma_wait3A_132 = arith.constant 0 : i32
        %dma_wait3A_133 = arith.constant 0 : i32
        %dma_wait3A_134 = arith.constant 0 : i32
        %dma_wait3A_135 = tpu.memref_slice %arg8[%dma_wait3A_132, %dma_wait3A_133, %dma_wait3A_134] : memref<2x128x128xf32, #tpu.memory_space<vmem>> -> memref<1x128x128xf32, #tpu.memory_space<vmem>>
        %dma_wait3A_136 = tpu.memref_squeeze %dma_wait3A_135 : memref<1x128x128xf32, #tpu.memory_space<vmem>> -> memref<128x128xf32, #tpu.memory_space<vmem>>
        %dma_wait3A_137 = arith.constant 0 : i32
        %dma_wait3A_138 = tpu.memref_slice %arg7[%dma_wait3A_129, %dma_wait3A_130, %dma_wait3A_131, %dma_wait3A_137] : memref<2x2x16x128xi32, #tpu.memory_space<vmem>> -> memref<1x1x1x128xi32, #tpu.memory_space<vmem>>
        %dma_wait3A_139 = tpu.memref_squeeze %dma_wait3A_138 : memref<1x1x1x128xi32, #tpu.memory_space<vmem>> -> memref<128xi32, #tpu.memory_space<vmem>>
        %dma_wait3A_140 = arith.constant 0 : i32
        %dma_wait3A_141 = arith.constant 0 : i32
        %dma_wait3A_142 = tpu.memref_slice %arg2[%dma_wait3A_140, %dma_wait3A_141] : memref<10240x128xf32, #tpu.memory_space<hbm>> -> memref<10240x128xf32, #tpu.memory_space<hbm>>
        tpu.wait_indirect_dma semaphore(%arg10 : memref<!tpu.dma_semaphore, #tpu.memory_space<semaphore_mem>>) src(%dma_wait3A_142 : memref<10240x128xf32, #tpu.memory_space<hbm>>) dst(%dma_wait3A_136 : memref<128x128xf32, #tpu.memory_space<vmem>>)
        %run_scoped3A_143 = arith.constant 0 : i32
        %run_scoped3A_144 = arith.constant 0 : i32
        %run_scoped3A_145 = arith.constant 0 : i32
        "tpu.region"() ({
          %run_scoped3A_598 = tpu.sem_alloc : memref<!tpu.dma_semaphore, #tpu.memory_space<semaphore_mem>>
          %dma_start3A_599 = arith.constant 0 : i32
          %dma_start3A_600 = arith.constant 0 : i32
          %dma_start3A_601 = tpu.memref_slice %arg8[%run_scoped3A_143, %dma_start3A_599, %dma_start3A_600] : memref<2x128x128xf32, #tpu.memory_space<vmem>> -> memref<1x128x128xf32, #tpu.memory_space<vmem>>
          %dma_start3A_602 = tpu.memref_squeeze %dma_start3A_601 : memref<1x128x128xf32, #tpu.memory_space<vmem>> -> memref<128x128xf32, #tpu.memory_space<vmem>>
          %dma_start3A_603 = arith.constant 0 : i32
          %dma_start3A_604 = tpu.memref_slice %arg7[%rem3A_121, %run_scoped3A_144, %run_scoped3A_145, %dma_start3A_603] : memref<2x2x16x128xi32, #tpu.memory_space<vmem>> -> memref<1x1x1x128xi32, #tpu.memory_space<vmem>>
          %dma_start3A_605 = tpu.memref_squeeze %dma_start3A_604 : memref<1x1x1x128xi32, #tpu.memory_space<vmem>> -> memref<128xi32, #tpu.memory_space<vmem>>
          %dma_start3A_606 = arith.constant 0 : i32
          %dma_start3A_607 = arith.constant 0 : i32
          %dma_start3A_608 = tpu.memref_slice %arg9[%dma_start3A_606, %dma_start3A_607] : memref<10240x128xf32, #tpu.memory_space<vmem_shared>> -> memref<10240x128xf32, #tpu.memory_space<vmem_shared>>
          tpu.enqueue_indirect_dma source(%dma_start3A_602 : memref<128x128xf32, #tpu.memory_space<vmem>>) target(%dma_start3A_608 : memref<10240x128xf32, #tpu.memory_space<vmem_shared>>) offsets(%dma_start3A_605 : memref<128xi32, #tpu.memory_space<vmem>>) semaphore(%run_scoped3A_598 : memref<!tpu.dma_semaphore, #tpu.memory_space<semaphore_mem>>) {add = true}
          %dma_wait3A_609 = arith.constant 0 : i32
          %dma_wait3A_610 = arith.constant 0 : i32
          %dma_wait3A_611 = tpu.memref_slice %arg8[%run_scoped3A_143, %dma_wait3A_609, %dma_wait3A_610] : memref<2x128x128xf32, #tpu.memory_space<vmem>> -> memref<1x128x128xf32, #tpu.memory_space<vmem>>
          %dma_wait3A_612 = tpu.memref_squeeze %dma_wait3A_611 : memref<1x128x128xf32, #tpu.memory_space<vmem>> -> memref<128x128xf32, #tpu.memory_space<vmem>>
          %dma_wait3A_613 = arith.constant 0 : i32
          %dma_wait3A_614 = tpu.memref_slice %arg7[%rem3A_121, %run_scoped3A_144, %run_scoped3A_145, %dma_wait3A_613] : memref<2x2x16x128xi32, #tpu.memory_space<vmem>> -> memref<1x1x1x128xi32, #tpu.memory_space<vmem>>
          %dma_wait3A_615 = tpu.memref_squeeze %dma_wait3A_614 : memref<1x1x1x128xi32, #tpu.memory_space<vmem>> -> memref<128xi32, #tpu.memory_space<vmem>>
          %dma_wait3A_616 = arith.constant 0 : i32
          %dma_wait3A_617 = arith.constant 0 : i32
          %dma_wait3A_618 = tpu.memref_slice %arg9[%dma_wait3A_616, %dma_wait3A_617] : memref<10240x128xf32, #tpu.memory_space<vmem_shared>> -> memref<10240x128xf32, #tpu.memory_space<vmem_shared>>
          tpu.wait_indirect_dma semaphore(%run_scoped3A_598 : memref<!tpu.dma_semaphore, #tpu.memory_space<semaphore_mem>>) src(%dma_wait3A_612 : memref<128x128xf32, #tpu.memory_space<vmem>>) dst(%dma_wait3A_618 : memref<10240x128xf32, #tpu.memory_space<vmem_shared>>)
          tpu.yield
        }) : () -> ()
        %dma_start3A_146 = arith.constant 1 : i32
        %dma_start3A_147 = arith.constant 2 : i32
        %dma_start3A_148 = arith.constant 0 : i32
        %dma_start3A_149 = arith.constant 0 : i32
        %dma_start3A_150 = arith.constant 0 : i32
        %dma_start3A_151 = tpu.memref_slice %arg8[%dma_start3A_148, %dma_start3A_149, %dma_start3A_150] : memref<2x128x128xf32, #tpu.memory_space<vmem>> -> memref<1x128x128xf32, #tpu.memory_space<vmem>>
        %dma_start3A_152 = tpu.memref_squeeze %dma_start3A_151 : memref<1x128x128xf32, #tpu.memory_space<vmem>> -> memref<128x128xf32, #tpu.memory_space<vmem>>
        %dma_start3A_153 = arith.constant 0 : i32
        %dma_start3A_154 = tpu.memref_slice %arg7[%rem3A_121, %dma_start3A_146, %dma_start3A_147, %dma_start3A_153] : memref<2x2x16x128xi32, #tpu.memory_space<vmem>> -> memref<1x1x1x128xi32, #tpu.memory_space<vmem>>
        %dma_start3A_155 = tpu.memref_squeeze %dma_start3A_154 : memref<1x1x1x128xi32, #tpu.memory_space<vmem>> -> memref<128xi32, #tpu.memory_space<vmem>>
        %dma_start3A_156 = arith.constant 0 : i32
        %dma_start3A_157 = arith.constant 0 : i32
        %dma_start3A_158 = tpu.memref_slice %arg2[%dma_start3A_156, %dma_start3A_157] : memref<10240x128xf32, #tpu.memory_space<hbm>> -> memref<10240x128xf32, #tpu.memory_space<hbm>>
        tpu.enqueue_indirect_dma source(%dma_start3A_158 : memref<10240x128xf32, #tpu.memory_space<hbm>>) target(%dma_start3A_152 : memref<128x128xf32, #tpu.memory_space<vmem>>) offsets(%dma_start3A_155 : memref<128xi32, #tpu.memory_space<vmem>>) semaphore(%arg10 : memref<!tpu.dma_semaphore, #tpu.memory_space<semaphore_mem>>)
        %dma_wait3A_159 = arith.constant 0 : i32
        %dma_wait3A_160 = arith.constant 1 : i32
        %dma_wait3A_161 = arith.constant 0 : i32
        %dma_wait3A_162 = arith.constant 1 : i32
        %dma_wait3A_163 = arith.constant 0 : i32
        %dma_wait3A_164 = arith.constant 0 : i32
        %dma_wait3A_165 = tpu.memref_slice %arg8[%dma_wait3A_162, %dma_wait3A_163, %dma_wait3A_164] : memref<2x128x128xf32, #tpu.memory_space<vmem>> -> memref<1x128x128xf32, #tpu.memory_space<vmem>>
        %dma_wait3A_166 = tpu.memref_squeeze %dma_wait3A_165 : memref<1x128x128xf32, #tpu.memory_space<vmem>> -> memref<128x128xf32, #tpu.memory_space<vmem>>
        %dma_wait3A_167 = arith.constant 0 : i32
        %dma_wait3A_168 = tpu.memref_slice %arg7[%dma_wait3A_159, %dma_wait3A_160, %dma_wait3A_161, %dma_wait3A_167] : memref<2x2x16x128xi32, #tpu.memory_space<vmem>> -> memref<1x1x1x128xi32, #tpu.memory_space<vmem>>
        %dma_wait3A_169 = tpu.memref_squeeze %dma_wait3A_168 : memref<1x1x1x128xi32, #tpu.memory_space<vmem>> -> memref<128xi32, #tpu.memory_space<vmem>>
        %dma_wait3A_170 = arith.constant 0 : i32
        %dma_wait3A_171 = arith.constant 0 : i32
        %dma_wait3A_172 = tpu.memref_slice %arg2[%dma_wait3A_170, %dma_wait3A_171] : memref<10240x128xf32, #tpu.memory_space<hbm>> -> memref<10240x128xf32, #tpu.memory_space<hbm>>
        tpu.wait_indirect_dma semaphore(%arg11 : memref<!tpu.dma_semaphore, #tpu.memory_space<semaphore_mem>>) src(%dma_wait3A_172 : memref<10240x128xf32, #tpu.memory_space<hbm>>) dst(%dma_wait3A_166 : memref<128x128xf32, #tpu.memory_space<vmem>>)
        %run_scoped3A_173 = arith.constant 1 : i32
        %run_scoped3A_174 = arith.constant 0 : i32
        %run_scoped3A_175 = arith.constant 1 : i32
        "tpu.region"() ({
          %run_scoped3A_598 = tpu.sem_alloc : memref<!tpu.dma_semaphore, #tpu.memory_space<semaphore_mem>>
          %dma_start3A_599 = arith.constant 0 : i32
          %dma_start3A_600 = arith.constant 0 : i32
          %dma_start3A_601 = tpu.memref_slice %arg8[%run_scoped3A_173, %dma_start3A_599, %dma_start3A_600] : memref<2x128x128xf32, #tpu.memory_space<vmem>> -> memref<1x128x128xf32, #tpu.memory_space<vmem>>
          %dma_start3A_602 = tpu.memref_squeeze %dma_start3A_601 : memref<1x128x128xf32, #tpu.memory_space<vmem>> -> memref<128x128xf32, #tpu.memory_space<vmem>>
          %dma_start3A_603 = arith.constant 0 : i32
          %dma_start3A_604 = tpu.memref_slice %arg7[%rem3A_121, %run_scoped3A_174, %run_scoped3A_175, %dma_start3A_603] : memref<2x2x16x128xi32, #tpu.memory_space<vmem>> -> memref<1x1x1x128xi32, #tpu.memory_space<vmem>>
          %dma_start3A_605 = tpu.memref_squeeze %dma_start3A_604 : memref<1x1x1x128xi32, #tpu.memory_space<vmem>> -> memref<128xi32, #tpu.memory_space<vmem>>
          %dma_start3A_606 = arith.constant 0 : i32
          %dma_start3A_607 = arith.constant 0 : i32
          %dma_start3A_608 = tpu.memref_slice %arg9[%dma_start3A_606, %dma_start3A_607] : memref<10240x128xf32, #tpu.memory_space<vmem_shared>> -> memref<10240x128xf32, #tpu.memory_space<vmem_shared>>
          tpu.enqueue_indirect_dma source(%dma_start3A_602 : memref<128x128xf32, #tpu.memory_space<vmem>>) target(%dma_start3A_608 : memref<10240x128xf32, #tpu.memory_space<vmem_shared>>) offsets(%dma_start3A_605 : memref<128xi32, #tpu.memory_space<vmem>>) semaphore(%run_scoped3A_598 : memref<!tpu.dma_semaphore, #tpu.memory_space<semaphore_mem>>) {add = true}
          %dma_wait3A_609 = arith.constant 0 : i32
          %dma_wait3A_610 = arith.constant 0 : i32
          %dma_wait3A_611 = tpu.memref_slice %arg8[%run_scoped3A_173, %dma_wait3A_609, %dma_wait3A_610] : memref<2x128x128xf32, #tpu.memory_space<vmem>> -> memref<1x128x128xf32, #tpu.memory_space<vmem>>
          %dma_wait3A_612 = tpu.memref_squeeze %dma_wait3A_611 : memref<1x128x128xf32, #tpu.memory_space<vmem>> -> memref<128x128xf32, #tpu.memory_space<vmem>>
          %dma_wait3A_613 = arith.constant 0 : i32
          %dma_wait3A_614 = tpu.memref_slice %arg7[%rem3A_121, %run_scoped3A_174, %run_scoped3A_175, %dma_wait3A_613] : memref<2x2x16x128xi32, #tpu.memory_space<vmem>> -> memref<1x1x1x128xi32, #tpu.memory_space<vmem>>
          %dma_wait3A_615 = tpu.memref_squeeze %dma_wait3A_614 : memref<1x1x1x128xi32, #tpu.memory_space<vmem>> -> memref<128xi32, #tpu.memory_space<vmem>>
          %dma_wait3A_616 = arith.constant 0 : i32
          %dma_wait3A_617 = arith.constant 0 : i32
          %dma_wait3A_618 = tpu.memref_slice %arg9[%dma_wait3A_616, %dma_wait3A_617] : memref<10240x128xf32, #tpu.memory_space<vmem_shared>> -> memref<10240x128xf32, #tpu.memory_space<vmem_shared>>
          tpu.wait_indirect_dma semaphore(%run_scoped3A_598 : memref<!tpu.dma_semaphore, #tpu.memory_space<semaphore_mem>>) src(%dma_wait3A_612 : memref<128x128xf32, #tpu.memory_space<vmem>>) dst(%dma_wait3A_618 : memref<10240x128xf32, #tpu.memory_space<vmem_shared>>)
          tpu.yield
        }) : () -> ()
        %dma_start3A_176 = arith.constant 1 : i32
        %dma_start3A_177 = arith.constant 3 : i32
        %dma_start3A_178 = arith.constant 1 : i32
        %dma_start3A_179 = arith.constant 0 : i32
        %dma_start3A_180 = arith.constant 0 : i32
        %dma_start3A_181 = tpu.memref_slice %arg8[%dma_start3A_178, %dma_start3A_179, %dma_start3A_180] : memref<2x128x128xf32, #tpu.memory_space<vmem>> -> memref<1x128x128xf32, #tpu.memory_space<vmem>>
        %dma_start3A_182 = tpu.memref_squeeze %dma_start3A_181 : memref<1x128x128xf32, #tpu.memory_space<vmem>> -> memref<128x128xf32, #tpu.memory_space<vmem>>
        %dma_start3A_183 = arith.constant 0 : i32
        %dma_start3A_184 = tpu.memref_slice %arg7[%rem3A_121, %dma_start3A_176, %dma_start3A_177, %dma_start3A_183] : memref<2x2x16x128xi32, #tpu.memory_space<vmem>> -> memref<1x1x1x128xi32, #tpu.memory_space<vmem>>
        %dma_start3A_185 = tpu.memref_squeeze %dma_start3A_184 : memref<1x1x1x128xi32, #tpu.memory_space<vmem>> -> memref<128xi32, #tpu.memory_space<vmem>>
        %dma_start3A_186 = arith.constant 0 : i32
        %dma_start3A_187 = arith.constant 0 : i32
        %dma_start3A_188 = tpu.memref_slice %arg2[%dma_start3A_186, %dma_start3A_187] : memref<10240x128xf32, #tpu.memory_space<hbm>> -> memref<10240x128xf32, #tpu.memory_space<hbm>>
        tpu.enqueue_indirect_dma source(%dma_start3A_188 : memref<10240x128xf32, #tpu.memory_space<hbm>>) target(%dma_start3A_182 : memref<128x128xf32, #tpu.memory_space<vmem>>) offsets(%dma_start3A_185 : memref<128xi32, #tpu.memory_space<vmem>>) semaphore(%arg11 : memref<!tpu.dma_semaphore, #tpu.memory_space<semaphore_mem>>)
        %dma_wait3A_189 = arith.constant 0 : i32
        %dma_wait3A_190 = arith.constant 1 : i32
        %dma_wait3A_191 = arith.constant 0 : i32
        %dma_wait3A_192 = arith.constant 0 : i32
        %dma_wait3A_193 = arith.constant 0 : i32
        %dma_wait3A_194 = arith.constant 0 : i32
        %dma_wait3A_195 = tpu.memref_slice %arg8[%dma_wait3A_192, %dma_wait3A_193, %dma_wait3A_194] : memref<2x128x128xf32, #tpu.memory_space<vmem>> -> memref<1x128x128xf32, #tpu.memory_space<vmem>>
        %dma_wait3A_196 = tpu.memref_squeeze %dma_wait3A_195 : memref<1x128x128xf32, #tpu.memory_space<vmem>> -> memref<128x128xf32, #tpu.memory_space<vmem>>
        %dma_wait3A_197 = arith.constant 0 : i32
        %dma_wait3A_198 = tpu.memref_slice %arg7[%dma_wait3A_189, %dma_wait3A_190, %dma_wait3A_191, %dma_wait3A_197] : memref<2x2x16x128xi32, #tpu.memory_space<vmem>> -> memref<1x1x1x128xi32, #tpu.memory_space<vmem>>
        %dma_wait3A_199 = tpu.memref_squeeze %dma_wait3A_198 : memref<1x1x1x128xi32, #tpu.memory_space<vmem>> -> memref<128xi32, #tpu.memory_space<vmem>>
        %dma_wait3A_200 = arith.constant 0 : i32
        %dma_wait3A_201 = arith.constant 0 : i32
        %dma_wait3A_202 = tpu.memref_slice %arg2[%dma_wait3A_200, %dma_wait3A_201] : memref<10240x128xf32, #tpu.memory_space<hbm>> -> memref<10240x128xf32, #tpu.memory_space<hbm>>
        tpu.wait_indirect_dma semaphore(%arg10 : memref<!tpu.dma_semaphore, #tpu.memory_space<semaphore_mem>>) src(%dma_wait3A_202 : memref<10240x128xf32, #tpu.memory_space<hbm>>) dst(%dma_wait3A_196 : memref<128x128xf32, #tpu.memory_space<vmem>>)
        %run_scoped3A_203 = arith.constant 0 : i32
        %run_scoped3A_204 = arith.constant 0 : i32
        %run_scoped3A_205 = arith.constant 2 : i32
        "tpu.region"() ({
          %run_scoped3A_598 = tpu.sem_alloc : memref<!tpu.dma_semaphore, #tpu.memory_space<semaphore_mem>>
          %dma_start3A_599 = arith.constant 0 : i32
          %dma_start3A_600 = arith.constant 0 : i32
          %dma_start3A_601 = tpu.memref_slice %arg8[%run_scoped3A_203, %dma_start3A_599, %dma_start3A_600] : memref<2x128x128xf32, #tpu.memory_space<vmem>> -> memref<1x128x128xf32, #tpu.memory_space<vmem>>
          %dma_start3A_602 = tpu.memref_squeeze %dma_start3A_601 : memref<1x128x128xf32, #tpu.memory_space<vmem>> -> memref<128x128xf32, #tpu.memory_space<vmem>>
          %dma_start3A_603 = arith.constant 0 : i32
          %dma_start3A_604 = tpu.memref_slice %arg7[%rem3A_121, %run_scoped3A_204, %run_scoped3A_205, %dma_start3A_603] : memref<2x2x16x128xi32, #tpu.memory_space<vmem>> -> memref<1x1x1x128xi32, #tpu.memory_space<vmem>>
          %dma_start3A_605 = tpu.memref_squeeze %dma_start3A_604 : memref<1x1x1x128xi32, #tpu.memory_space<vmem>> -> memref<128xi32, #tpu.memory_space<vmem>>
          %dma_start3A_606 = arith.constant 0 : i32
          %dma_start3A_607 = arith.constant 0 : i32
          %dma_start3A_608 = tpu.memref_slice %arg9[%dma_start3A_606, %dma_start3A_607] : memref<10240x128xf32, #tpu.memory_space<vmem_shared>> -> memref<10240x128xf32, #tpu.memory_space<vmem_shared>>
          tpu.enqueue_indirect_dma source(%dma_start3A_602 : memref<128x128xf32, #tpu.memory_space<vmem>>) target(%dma_start3A_608 : memref<10240x128xf32, #tpu.memory_space<vmem_shared>>) offsets(%dma_start3A_605 : memref<128xi32, #tpu.memory_space<vmem>>) semaphore(%run_scoped3A_598 : memref<!tpu.dma_semaphore, #tpu.memory_space<semaphore_mem>>) {add = true}
          %dma_wait3A_609 = arith.constant 0 : i32
          %dma_wait3A_610 = arith.constant 0 : i32
          %dma_wait3A_611 = tpu.memref_slice %arg8[%run_scoped3A_203, %dma_wait3A_609, %dma_wait3A_610] : memref<2x128x128xf32, #tpu.memory_space<vmem>> -> memref<1x128x128xf32, #tpu.memory_space<vmem>>
          %dma_wait3A_612 = tpu.memref_squeeze %dma_wait3A_611 : memref<1x128x128xf32, #tpu.memory_space<vmem>> -> memref<128x128xf32, #tpu.memory_space<vmem>>
          %dma_wait3A_613 = arith.constant 0 : i32
          %dma_wait3A_614 = tpu.memref_slice %arg7[%rem3A_121, %run_scoped3A_204, %run_scoped3A_205, %dma_wait3A_613] : memref<2x2x16x128xi32, #tpu.memory_space<vmem>> -> memref<1x1x1x128xi32, #tpu.memory_space<vmem>>
          %dma_wait3A_615 = tpu.memref_squeeze %dma_wait3A_614 : memref<1x1x1x128xi32, #tpu.memory_space<vmem>> -> memref<128xi32, #tpu.memory_space<vmem>>
          %dma_wait3A_616 = arith.constant 0 : i32
          %dma_wait3A_617 = arith.constant 0 : i32
          %dma_wait3A_618 = tpu.memref_slice %arg9[%dma_wait3A_616, %dma_wait3A_617] : memref<10240x128xf32, #tpu.memory_space<vmem_shared>> -> memref<10240x128xf32, #tpu.memory_space<vmem_shared>>
          tpu.wait_indirect_dma semaphore(%run_scoped3A_598 : memref<!tpu.dma_semaphore, #tpu.memory_space<semaphore_mem>>) src(%dma_wait3A_612 : memref<128x128xf32, #tpu.memory_space<vmem>>) dst(%dma_wait3A_618 : memref<10240x128xf32, #tpu.memory_space<vmem_shared>>)
          tpu.yield
        }) : () -> ()
        %dma_start3A_206 = arith.constant 1 : i32
        %dma_start3A_207 = arith.constant 4 : i32
        %dma_start3A_208 = arith.constant 0 : i32
        %dma_start3A_209 = arith.constant 0 : i32
        %dma_start3A_210 = arith.constant 0 : i32
        %dma_start3A_211 = tpu.memref_slice %arg8[%dma_start3A_208, %dma_start3A_209, %dma_start3A_210] : memref<2x128x128xf32, #tpu.memory_space<vmem>> -> memref<1x128x128xf32, #tpu.memory_space<vmem>>
        %dma_start3A_212 = tpu.memref_squeeze %dma_start3A_211 : memref<1x128x128xf32, #tpu.memory_space<vmem>> -> memref<128x128xf32, #tpu.memory_space<vmem>>
        %dma_start3A_213 = arith.constant 0 : i32
        %dma_start3A_214 = tpu.memref_slice %arg7[%rem3A_121, %dma_start3A_206, %dma_start3A_207, %dma_start3A_213] : memref<2x2x16x128xi32, #tpu.memory_space<vmem>> -> memref<1x1x1x128xi32, #tpu.memory_space<vmem>>
        %dma_start3A_215 = tpu.memref_squeeze %dma_start3A_214 : memref<1x1x1x128xi32, #tpu.memory_space<vmem>> -> memref<128xi32, #tpu.memory_space<vmem>>
        %dma_start3A_216 = arith.constant 0 : i32
        %dma_start3A_217 = arith.constant 0 : i32
        %dma_start3A_218 = tpu.memref_slice %arg2[%dma_start3A_216, %dma_start3A_217] : memref<10240x128xf32, #tpu.memory_space<hbm>> -> memref<10240x128xf32, #tpu.memory_space<hbm>>
        tpu.enqueue_indirect_dma source(%dma_start3A_218 : memref<10240x128xf32, #tpu.memory_space<hbm>>) target(%dma_start3A_212 : memref<128x128xf32, #tpu.memory_space<vmem>>) offsets(%dma_start3A_215 : memref<128xi32, #tpu.memory_space<vmem>>) semaphore(%arg10 : memref<!tpu.dma_semaphore, #tpu.memory_space<semaphore_mem>>)
        %dma_wait3A_219 = arith.constant 0 : i32
        %dma_wait3A_220 = arith.constant 1 : i32
        %dma_wait3A_221 = arith.constant 0 : i32
        %dma_wait3A_222 = arith.constant 1 : i32
        %dma_wait3A_223 = arith.constant 0 : i32
        %dma_wait3A_224 = arith.constant 0 : i32
        %dma_wait3A_225 = tpu.memref_slice %arg8[%dma_wait3A_222, %dma_wait3A_223, %dma_wait3A_224] : memref<2x128x128xf32, #tpu.memory_space<vmem>> -> memref<1x128x128xf32, #tpu.memory_space<vmem>>
        %dma_wait3A_226 = tpu.memref_squeeze %dma_wait3A_225 : memref<1x128x128xf32, #tpu.memory_space<vmem>> -> memref<128x128xf32, #tpu.memory_space<vmem>>
        %dma_wait3A_227 = arith.constant 0 : i32
        %dma_wait3A_228 = tpu.memref_slice %arg7[%dma_wait3A_219, %dma_wait3A_220, %dma_wait3A_221, %dma_wait3A_227] : memref<2x2x16x128xi32, #tpu.memory_space<vmem>> -> memref<1x1x1x128xi32, #tpu.memory_space<vmem>>
        %dma_wait3A_229 = tpu.memref_squeeze %dma_wait3A_228 : memref<1x1x1x128xi32, #tpu.memory_space<vmem>> -> memref<128xi32, #tpu.memory_space<vmem>>
        %dma_wait3A_230 = arith.constant 0 : i32
        %dma_wait3A_231 = arith.constant 0 : i32
        %dma_wait3A_232 = tpu.memref_slice %arg2[%dma_wait3A_230, %dma_wait3A_231] : memref<10240x128xf32, #tpu.memory_space<hbm>> -> memref<10240x128xf32, #tpu.memory_space<hbm>>
        tpu.wait_indirect_dma semaphore(%arg11 : memref<!tpu.dma_semaphore, #tpu.memory_space<semaphore_mem>>) src(%dma_wait3A_232 : memref<10240x128xf32, #tpu.memory_space<hbm>>) dst(%dma_wait3A_226 : memref<128x128xf32, #tpu.memory_space<vmem>>)
        %run_scoped3A_233 = arith.constant 1 : i32
        %run_scoped3A_234 = arith.constant 0 : i32
        %run_scoped3A_235 = arith.constant 3 : i32
        "tpu.region"() ({
          %run_scoped3A_598 = tpu.sem_alloc : memref<!tpu.dma_semaphore, #tpu.memory_space<semaphore_mem>>
          %dma_start3A_599 = arith.constant 0 : i32
          %dma_start3A_600 = arith.constant 0 : i32
          %dma_start3A_601 = tpu.memref_slice %arg8[%run_scoped3A_233, %dma_start3A_599, %dma_start3A_600] : memref<2x128x128xf32, #tpu.memory_space<vmem>> -> memref<1x128x128xf32, #tpu.memory_space<vmem>>
          %dma_start3A_602 = tpu.memref_squeeze %dma_start3A_601 : memref<1x128x128xf32, #tpu.memory_space<vmem>> -> memref<128x128xf32, #tpu.memory_space<vmem>>
          %dma_start3A_603 = arith.constant 0 : i32
          %dma_start3A_604 = tpu.memref_slice %arg7[%rem3A_121, %run_scoped3A_234, %run_scoped3A_235, %dma_start3A_603] : memref<2x2x16x128xi32, #tpu.memory_space<vmem>> -> memref<1x1x1x128xi32, #tpu.memory_space<vmem>>
          %dma_start3A_605 = tpu.memref_squeeze %dma_start3A_604 : memref<1x1x1x128xi32, #tpu.memory_space<vmem>> -> memref<128xi32, #tpu.memory_space<vmem>>
          %dma_start3A_606 = arith.constant 0 : i32
          %dma_start3A_607 = arith.constant 0 : i32
          %dma_start3A_608 = tpu.memref_slice %arg9[%dma_start3A_606, %dma_start3A_607] : memref<10240x128xf32, #tpu.memory_space<vmem_shared>> -> memref<10240x128xf32, #tpu.memory_space<vmem_shared>>
          tpu.enqueue_indirect_dma source(%dma_start3A_602 : memref<128x128xf32, #tpu.memory_space<vmem>>) target(%dma_start3A_608 : memref<10240x128xf32, #tpu.memory_space<vmem_shared>>) offsets(%dma_start3A_605 : memref<128xi32, #tpu.memory_space<vmem>>) semaphore(%run_scoped3A_598 : memref<!tpu.dma_semaphore, #tpu.memory_space<semaphore_mem>>) {add = true}
          %dma_wait3A_609 = arith.constant 0 : i32
          %dma_wait3A_610 = arith.constant 0 : i32
          %dma_wait3A_611 = tpu.memref_slice %arg8[%run_scoped3A_233, %dma_wait3A_609, %dma_wait3A_610] : memref<2x128x128xf32, #tpu.memory_space<vmem>> -> memref<1x128x128xf32, #tpu.memory_space<vmem>>
          %dma_wait3A_612 = tpu.memref_squeeze %dma_wait3A_611 : memref<1x128x128xf32, #tpu.memory_space<vmem>> -> memref<128x128xf32, #tpu.memory_space<vmem>>
          %dma_wait3A_613 = arith.constant 0 : i32
          %dma_wait3A_614 = tpu.memref_slice %arg7[%rem3A_121, %run_scoped3A_234, %run_scoped3A_235, %dma_wait3A_613] : memref<2x2x16x128xi32, #tpu.memory_space<vmem>> -> memref<1x1x1x128xi32, #tpu.memory_space<vmem>>
          %dma_wait3A_615 = tpu.memref_squeeze %dma_wait3A_614 : memref<1x1x1x128xi32, #tpu.memory_space<vmem>> -> memref<128xi32, #tpu.memory_space<vmem>>
          %dma_wait3A_616 = arith.constant 0 : i32
          %dma_wait3A_617 = arith.constant 0 : i32
          %dma_wait3A_618 = tpu.memref_slice %arg9[%dma_wait3A_616, %dma_wait3A_617] : memref<10240x128xf32, #tpu.memory_space<vmem_shared>> -> memref<10240x128xf32, #tpu.memory_space<vmem_shared>>
          tpu.wait_indirect_dma semaphore(%run_scoped3A_598 : memref<!tpu.dma_semaphore, #tpu.memory_space<semaphore_mem>>) src(%dma_wait3A_612 : memref<128x128xf32, #tpu.memory_space<vmem>>) dst(%dma_wait3A_618 : memref<10240x128xf32, #tpu.memory_space<vmem_shared>>)
          tpu.yield
        }) : () -> ()
        %dma_start3A_236 = arith.constant 1 : i32
        %dma_start3A_237 = arith.constant 5 : i32
        %dma_start3A_238 = arith.constant 1 : i32
        %dma_start3A_239 = arith.constant 0 : i32
        %dma_start3A_240 = arith.constant 0 : i32
        %dma_start3A_241 = tpu.memref_slice %arg8[%dma_start3A_238, %dma_start3A_239, %dma_start3A_240] : memref<2x128x128xf32, #tpu.memory_space<vmem>> -> memref<1x128x128xf32, #tpu.memory_space<vmem>>
        %dma_start3A_242 = tpu.memref_squeeze %dma_start3A_241 : memref<1x128x128xf32, #tpu.memory_space<vmem>> -> memref<128x128xf32, #tpu.memory_space<vmem>>
        %dma_start3A_243 = arith.constant 0 : i32
        %dma_start3A_244 = tpu.memref_slice %arg7[%rem3A_121, %dma_start3A_236, %dma_start3A_237, %dma_start3A_243] : memref<2x2x16x128xi32, #tpu.memory_space<vmem>> -> memref<1x1x1x128xi32, #tpu.memory_space<vmem>>
        %dma_start3A_245 = tpu.memref_squeeze %dma_start3A_244 : memref<1x1x1x128xi32, #tpu.memory_space<vmem>> -> memref<128xi32, #tpu.memory_space<vmem>>
        %dma_start3A_246 = arith.constant 0 : i32
        %dma_start3A_247 = arith.constant 0 : i32
        %dma_start3A_248 = tpu.memref_slice %arg2[%dma_start3A_246, %dma_start3A_247] : memref<10240x128xf32, #tpu.memory_space<hbm>> -> memref<10240x128xf32, #tpu.memory_space<hbm>>
        tpu.enqueue_indirect_dma source(%dma_start3A_248 : memref<10240x128xf32, #tpu.memory_space<hbm>>) target(%dma_start3A_242 : memref<128x128xf32, #tpu.memory_space<vmem>>) offsets(%dma_start3A_245 : memref<128xi32, #tpu.memory_space<vmem>>) semaphore(%arg11 : memref<!tpu.dma_semaphore, #tpu.memory_space<semaphore_mem>>)
        %dma_wait3A_249 = arith.constant 0 : i32
        %dma_wait3A_250 = arith.constant 1 : i32
        %dma_wait3A_251 = arith.constant 0 : i32
        %dma_wait3A_252 = arith.constant 0 : i32
        %dma_wait3A_253 = arith.constant 0 : i32
        %dma_wait3A_254 = arith.constant 0 : i32
        %dma_wait3A_255 = tpu.memref_slice %arg8[%dma_wait3A_252, %dma_wait3A_253, %dma_wait3A_254] : memref<2x128x128xf32, #tpu.memory_space<vmem>> -> memref<1x128x128xf32, #tpu.memory_space<vmem>>
        %dma_wait3A_256 = tpu.memref_squeeze %dma_wait3A_255 : memref<1x128x128xf32, #tpu.memory_space<vmem>> -> memref<128x128xf32, #tpu.memory_space<vmem>>
        %dma_wait3A_257 = arith.constant 0 : i32
        %dma_wait3A_258 = tpu.memref_slice %arg7[%dma_wait3A_249, %dma_wait3A_250, %dma_wait3A_251, %dma_wait3A_257] : memref<2x2x16x128xi32, #tpu.memory_space<vmem>> -> memref<1x1x1x128xi32, #tpu.memory_space<vmem>>
        %dma_wait3A_259 = tpu.memref_squeeze %dma_wait3A_258 : memref<1x1x1x128xi32, #tpu.memory_space<vmem>> -> memref<128xi32, #tpu.memory_space<vmem>>
        %dma_wait3A_260 = arith.constant 0 : i32
        %dma_wait3A_261 = arith.constant 0 : i32
        %dma_wait3A_262 = tpu.memref_slice %arg2[%dma_wait3A_260, %dma_wait3A_261] : memref<10240x128xf32, #tpu.memory_space<hbm>> -> memref<10240x128xf32, #tpu.memory_space<hbm>>
        tpu.wait_indirect_dma semaphore(%arg10 : memref<!tpu.dma_semaphore, #tpu.memory_space<semaphore_mem>>) src(%dma_wait3A_262 : memref<10240x128xf32, #tpu.memory_space<hbm>>) dst(%dma_wait3A_256 : memref<128x128xf32, #tpu.memory_space<vmem>>)
        %run_scoped3A_263 = arith.constant 0 : i32
        %run_scoped3A_264 = arith.constant 0 : i32
        %run_scoped3A_265 = arith.constant 4 : i32
        "tpu.region"() ({
          %run_scoped3A_598 = tpu.sem_alloc : memref<!tpu.dma_semaphore, #tpu.memory_space<semaphore_mem>>
          %dma_start3A_599 = arith.constant 0 : i32
          %dma_start3A_600 = arith.constant 0 : i32
          %dma_start3A_601 = tpu.memref_slice %arg8[%run_scoped3A_263, %dma_start3A_599, %dma_start3A_600] : memref<2x128x128xf32, #tpu.memory_space<vmem>> -> memref<1x128x128xf32, #tpu.memory_space<vmem>>
          %dma_start3A_602 = tpu.memref_squeeze %dma_start3A_601 : memref<1x128x128xf32, #tpu.memory_space<vmem>> -> memref<128x128xf32, #tpu.memory_space<vmem>>
          %dma_start3A_603 = arith.constant 0 : i32
          %dma_start3A_604 = tpu.memref_slice %arg7[%rem3A_121, %run_scoped3A_264, %run_scoped3A_265, %dma_start3A_603] : memref<2x2x16x128xi32, #tpu.memory_space<vmem>> -> memref<1x1x1x128xi32, #tpu.memory_space<vmem>>
          %dma_start3A_605 = tpu.memref_squeeze %dma_start3A_604 : memref<1x1x1x128xi32, #tpu.memory_space<vmem>> -> memref<128xi32, #tpu.memory_space<vmem>>
          %dma_start3A_606 = arith.constant 0 : i32
          %dma_start3A_607 = arith.constant 0 : i32
          %dma_start3A_608 = tpu.memref_slice %arg9[%dma_start3A_606, %dma_start3A_607] : memref<10240x128xf32, #tpu.memory_space<vmem_shared>> -> memref<10240x128xf32, #tpu.memory_space<vmem_shared>>
          tpu.enqueue_indirect_dma source(%dma_start3A_602 : memref<128x128xf32, #tpu.memory_space<vmem>>) target(%dma_start3A_608 : memref<10240x128xf32, #tpu.memory_space<vmem_shared>>) offsets(%dma_start3A_605 : memref<128xi32, #tpu.memory_space<vmem>>) semaphore(%run_scoped3A_598 : memref<!tpu.dma_semaphore, #tpu.memory_space<semaphore_mem>>) {add = true}
          %dma_wait3A_609 = arith.constant 0 : i32
          %dma_wait3A_610 = arith.constant 0 : i32
          %dma_wait3A_611 = tpu.memref_slice %arg8[%run_scoped3A_263, %dma_wait3A_609, %dma_wait3A_610] : memref<2x128x128xf32, #tpu.memory_space<vmem>> -> memref<1x128x128xf32, #tpu.memory_space<vmem>>
          %dma_wait3A_612 = tpu.memref_squeeze %dma_wait3A_611 : memref<1x128x128xf32, #tpu.memory_space<vmem>> -> memref<128x128xf32, #tpu.memory_space<vmem>>
          %dma_wait3A_613 = arith.constant 0 : i32
          %dma_wait3A_614 = tpu.memref_slice %arg7[%rem3A_121, %run_scoped3A_264, %run_scoped3A_265, %dma_wait3A_613] : memref<2x2x16x128xi32, #tpu.memory_space<vmem>> -> memref<1x1x1x128xi32, #tpu.memory_space<vmem>>
          %dma_wait3A_615 = tpu.memref_squeeze %dma_wait3A_614 : memref<1x1x1x128xi32, #tpu.memory_space<vmem>> -> memref<128xi32, #tpu.memory_space<vmem>>
          %dma_wait3A_616 = arith.constant 0 : i32
          %dma_wait3A_617 = arith.constant 0 : i32
          %dma_wait3A_618 = tpu.memref_slice %arg9[%dma_wait3A_616, %dma_wait3A_617] : memref<10240x128xf32, #tpu.memory_space<vmem_shared>> -> memref<10240x128xf32, #tpu.memory_space<vmem_shared>>
          tpu.wait_indirect_dma semaphore(%run_scoped3A_598 : memref<!tpu.dma_semaphore, #tpu.memory_space<semaphore_mem>>) src(%dma_wait3A_612 : memref<128x128xf32, #tpu.memory_space<vmem>>) dst(%dma_wait3A_618 : memref<10240x128xf32, #tpu.memory_space<vmem_shared>>)
          tpu.yield
        }) : () -> ()
        %dma_start3A_266 = arith.constant 1 : i32
        %dma_start3A_267 = arith.constant 6 : i32
        %dma_start3A_268 = arith.constant 0 : i32
        %dma_start3A_269 = arith.constant 0 : i32
        %dma_start3A_270 = arith.constant 0 : i32
        %dma_start3A_271 = tpu.memref_slice %arg8[%dma_start3A_268, %dma_start3A_269, %dma_start3A_270] : memref<2x128x128xf32, #tpu.memory_space<vmem>> -> memref<1x128x128xf32, #tpu.memory_space<vmem>>
        %dma_start3A_272 = tpu.memref_squeeze %dma_start3A_271 : memref<1x128x128xf32, #tpu.memory_space<vmem>> -> memref<128x128xf32, #tpu.memory_space<vmem>>
        %dma_start3A_273 = arith.constant 0 : i32
        %dma_start3A_274 = tpu.memref_slice %arg7[%rem3A_121, %dma_start3A_266, %dma_start3A_267, %dma_start3A_273] : memref<2x2x16x128xi32, #tpu.memory_space<vmem>> -> memref<1x1x1x128xi32, #tpu.memory_space<vmem>>
        %dma_start3A_275 = tpu.memref_squeeze %dma_start3A_274 : memref<1x1x1x128xi32, #tpu.memory_space<vmem>> -> memref<128xi32, #tpu.memory_space<vmem>>
        %dma_start3A_276 = arith.constant 0 : i32
        %dma_start3A_277 = arith.constant 0 : i32
        %dma_start3A_278 = tpu.memref_slice %arg2[%dma_start3A_276, %dma_start3A_277] : memref<10240x128xf32, #tpu.memory_space<hbm>> -> memref<10240x128xf32, #tpu.memory_space<hbm>>
        tpu.enqueue_indirect_dma source(%dma_start3A_278 : memref<10240x128xf32, #tpu.memory_space<hbm>>) target(%dma_start3A_272 : memref<128x128xf32, #tpu.memory_space<vmem>>) offsets(%dma_start3A_275 : memref<128xi32, #tpu.memory_space<vmem>>) semaphore(%arg10 : memref<!tpu.dma_semaphore, #tpu.memory_space<semaphore_mem>>)
        %dma_wait3A_279 = arith.constant 0 : i32
        %dma_wait3A_280 = arith.constant 1 : i32
        %dma_wait3A_281 = arith.constant 0 : i32
        %dma_wait3A_282 = arith.constant 1 : i32
        %dma_wait3A_283 = arith.constant 0 : i32
        %dma_wait3A_284 = arith.constant 0 : i32
        %dma_wait3A_285 = tpu.memref_slice %arg8[%dma_wait3A_282, %dma_wait3A_283, %dma_wait3A_284] : memref<2x128x128xf32, #tpu.memory_space<vmem>> -> memref<1x128x128xf32, #tpu.memory_space<vmem>>
        %dma_wait3A_286 = tpu.memref_squeeze %dma_wait3A_285 : memref<1x128x128xf32, #tpu.memory_space<vmem>> -> memref<128x128xf32, #tpu.memory_space<vmem>>
        %dma_wait3A_287 = arith.constant 0 : i32
        %dma_wait3A_288 = tpu.memref_slice %arg7[%dma_wait3A_279, %dma_wait3A_280, %dma_wait3A_281, %dma_wait3A_287] : memref<2x2x16x128xi32, #tpu.memory_space<vmem>> -> memref<1x1x1x128xi32, #tpu.memory_space<vmem>>
        %dma_wait3A_289 = tpu.memref_squeeze %dma_wait3A_288 : memref<1x1x1x128xi32, #tpu.memory_space<vmem>> -> memref<128xi32, #tpu.memory_space<vmem>>
        %dma_wait3A_290 = arith.constant 0 : i32
        %dma_wait3A_291 = arith.constant 0 : i32
        %dma_wait3A_292 = tpu.memref_slice %arg2[%dma_wait3A_290, %dma_wait3A_291] : memref<10240x128xf32, #tpu.memory_space<hbm>> -> memref<10240x128xf32, #tpu.memory_space<hbm>>
        tpu.wait_indirect_dma semaphore(%arg11 : memref<!tpu.dma_semaphore, #tpu.memory_space<semaphore_mem>>) src(%dma_wait3A_292 : memref<10240x128xf32, #tpu.memory_space<hbm>>) dst(%dma_wait3A_286 : memref<128x128xf32, #tpu.memory_space<vmem>>)
        %run_scoped3A_293 = arith.constant 1 : i32
        %run_scoped3A_294 = arith.constant 0 : i32
        %run_scoped3A_295 = arith.constant 5 : i32
        "tpu.region"() ({
          %run_scoped3A_598 = tpu.sem_alloc : memref<!tpu.dma_semaphore, #tpu.memory_space<semaphore_mem>>
          %dma_start3A_599 = arith.constant 0 : i32
          %dma_start3A_600 = arith.constant 0 : i32
          %dma_start3A_601 = tpu.memref_slice %arg8[%run_scoped3A_293, %dma_start3A_599, %dma_start3A_600] : memref<2x128x128xf32, #tpu.memory_space<vmem>> -> memref<1x128x128xf32, #tpu.memory_space<vmem>>
          %dma_start3A_602 = tpu.memref_squeeze %dma_start3A_601 : memref<1x128x128xf32, #tpu.memory_space<vmem>> -> memref<128x128xf32, #tpu.memory_space<vmem>>
          %dma_start3A_603 = arith.constant 0 : i32
          %dma_start3A_604 = tpu.memref_slice %arg7[%rem3A_121, %run_scoped3A_294, %run_scoped3A_295, %dma_start3A_603] : memref<2x2x16x128xi32, #tpu.memory_space<vmem>> -> memref<1x1x1x128xi32, #tpu.memory_space<vmem>>
          %dma_start3A_605 = tpu.memref_squeeze %dma_start3A_604 : memref<1x1x1x128xi32, #tpu.memory_space<vmem>> -> memref<128xi32, #tpu.memory_space<vmem>>
          %dma_start3A_606 = arith.constant 0 : i32
          %dma_start3A_607 = arith.constant 0 : i32
          %dma_start3A_608 = tpu.memref_slice %arg9[%dma_start3A_606, %dma_start3A_607] : memref<10240x128xf32, #tpu.memory_space<vmem_shared>> -> memref<10240x128xf32, #tpu.memory_space<vmem_shared>>
          tpu.enqueue_indirect_dma source(%dma_start3A_602 : memref<128x128xf32, #tpu.memory_space<vmem>>) target(%dma_start3A_608 : memref<10240x128xf32, #tpu.memory_space<vmem_shared>>) offsets(%dma_start3A_605 : memref<128xi32, #tpu.memory_space<vmem>>) semaphore(%run_scoped3A_598 : memref<!tpu.dma_semaphore, #tpu.memory_space<semaphore_mem>>) {add = true}
          %dma_wait3A_609 = arith.constant 0 : i32
          %dma_wait3A_610 = arith.constant 0 : i32
          %dma_wait3A_611 = tpu.memref_slice %arg8[%run_scoped3A_293, %dma_wait3A_609, %dma_wait3A_610] : memref<2x128x128xf32, #tpu.memory_space<vmem>> -> memref<1x128x128xf32, #tpu.memory_space<vmem>>
          %dma_wait3A_612 = tpu.memref_squeeze %dma_wait3A_611 : memref<1x128x128xf32, #tpu.memory_space<vmem>> -> memref<128x128xf32, #tpu.memory_space<vmem>>
          %dma_wait3A_613 = arith.constant 0 : i32
          %dma_wait3A_614 = tpu.memref_slice %arg7[%rem3A_121, %run_scoped3A_294, %run_scoped3A_295, %dma_wait3A_613] : memref<2x2x16x128xi32, #tpu.memory_space<vmem>> -> memref<1x1x1x128xi32, #tpu.memory_space<vmem>>
          %dma_wait3A_615 = tpu.memref_squeeze %dma_wait3A_614 : memref<1x1x1x128xi32, #tpu.memory_space<vmem>> -> memref<128xi32, #tpu.memory_space<vmem>>
          %dma_wait3A_616 = arith.constant 0 : i32
          %dma_wait3A_617 = arith.constant 0 : i32
          %dma_wait3A_618 = tpu.memref_slice %arg9[%dma_wait3A_616, %dma_wait3A_617] : memref<10240x128xf32, #tpu.memory_space<vmem_shared>> -> memref<10240x128xf32, #tpu.memory_space<vmem_shared>>
          tpu.wait_indirect_dma semaphore(%run_scoped3A_598 : memref<!tpu.dma_semaphore, #tpu.memory_space<semaphore_mem>>) src(%dma_wait3A_612 : memref<128x128xf32, #tpu.memory_space<vmem>>) dst(%dma_wait3A_618 : memref<10240x128xf32, #tpu.memory_space<vmem_shared>>)
          tpu.yield
        }) : () -> ()
        %dma_start3A_296 = arith.constant 1 : i32
        %dma_start3A_297 = arith.constant 7 : i32
        %dma_start3A_298 = arith.constant 1 : i32
        %dma_start3A_299 = arith.constant 0 : i32
        %dma_start3A_300 = arith.constant 0 : i32
        %dma_start3A_301 = tpu.memref_slice %arg8[%dma_start3A_298, %dma_start3A_299, %dma_start3A_300] : memref<2x128x128xf32, #tpu.memory_space<vmem>> -> memref<1x128x128xf32, #tpu.memory_space<vmem>>
        %dma_start3A_302 = tpu.memref_squeeze %dma_start3A_301 : memref<1x128x128xf32, #tpu.memory_space<vmem>> -> memref<128x128xf32, #tpu.memory_space<vmem>>
        %dma_start3A_303 = arith.constant 0 : i32
        %dma_start3A_304 = tpu.memref_slice %arg7[%rem3A_121, %dma_start3A_296, %dma_start3A_297, %dma_start3A_303] : memref<2x2x16x128xi32, #tpu.memory_space<vmem>> -> memref<1x1x1x128xi32, #tpu.memory_space<vmem>>
        %dma_start3A_305 = tpu.memref_squeeze %dma_start3A_304 : memref<1x1x1x128xi32, #tpu.memory_space<vmem>> -> memref<128xi32, #tpu.memory_space<vmem>>
        %dma_start3A_306 = arith.constant 0 : i32
        %dma_start3A_307 = arith.constant 0 : i32
        %dma_start3A_308 = tpu.memref_slice %arg2[%dma_start3A_306, %dma_start3A_307] : memref<10240x128xf32, #tpu.memory_space<hbm>> -> memref<10240x128xf32, #tpu.memory_space<hbm>>
        tpu.enqueue_indirect_dma source(%dma_start3A_308 : memref<10240x128xf32, #tpu.memory_space<hbm>>) target(%dma_start3A_302 : memref<128x128xf32, #tpu.memory_space<vmem>>) offsets(%dma_start3A_305 : memref<128xi32, #tpu.memory_space<vmem>>) semaphore(%arg11 : memref<!tpu.dma_semaphore, #tpu.memory_space<semaphore_mem>>)
        %dma_wait3A_309 = arith.constant 0 : i32
        %dma_wait3A_310 = arith.constant 1 : i32
        %dma_wait3A_311 = arith.constant 0 : i32
        %dma_wait3A_312 = arith.constant 0 : i32
        %dma_wait3A_313 = arith.constant 0 : i32
        %dma_wait3A_314 = arith.constant 0 : i32
        %dma_wait3A_315 = tpu.memref_slice %arg8[%dma_wait3A_312, %dma_wait3A_313, %dma_wait3A_314] : memref<2x128x128xf32, #tpu.memory_space<vmem>> -> memref<1x128x128xf32, #tpu.memory_space<vmem>>
        %dma_wait3A_316 = tpu.memref_squeeze %dma_wait3A_315 : memref<1x128x128xf32, #tpu.memory_space<vmem>> -> memref<128x128xf32, #tpu.memory_space<vmem>>
        %dma_wait3A_317 = arith.constant 0 : i32
        %dma_wait3A_318 = tpu.memref_slice %arg7[%dma_wait3A_309, %dma_wait3A_310, %dma_wait3A_311, %dma_wait3A_317] : memref<2x2x16x128xi32, #tpu.memory_space<vmem>> -> memref<1x1x1x128xi32, #tpu.memory_space<vmem>>
        %dma_wait3A_319 = tpu.memref_squeeze %dma_wait3A_318 : memref<1x1x1x128xi32, #tpu.memory_space<vmem>> -> memref<128xi32, #tpu.memory_space<vmem>>
        %dma_wait3A_320 = arith.constant 0 : i32
        %dma_wait3A_321 = arith.constant 0 : i32
        %dma_wait3A_322 = tpu.memref_slice %arg2[%dma_wait3A_320, %dma_wait3A_321] : memref<10240x128xf32, #tpu.memory_space<hbm>> -> memref<10240x128xf32, #tpu.memory_space<hbm>>
        tpu.wait_indirect_dma semaphore(%arg10 : memref<!tpu.dma_semaphore, #tpu.memory_space<semaphore_mem>>) src(%dma_wait3A_322 : memref<10240x128xf32, #tpu.memory_space<hbm>>) dst(%dma_wait3A_316 : memref<128x128xf32, #tpu.memory_space<vmem>>)
        %run_scoped3A_323 = arith.constant 0 : i32
        %run_scoped3A_324 = arith.constant 0 : i32
        %run_scoped3A_325 = arith.constant 6 : i32
        "tpu.region"() ({
          %run_scoped3A_598 = tpu.sem_alloc : memref<!tpu.dma_semaphore, #tpu.memory_space<semaphore_mem>>
          %dma_start3A_599 = arith.constant 0 : i32
          %dma_start3A_600 = arith.constant 0 : i32
          %dma_start3A_601 = tpu.memref_slice %arg8[%run_scoped3A_323, %dma_start3A_599, %dma_start3A_600] : memref<2x128x128xf32, #tpu.memory_space<vmem>> -> memref<1x128x128xf32, #tpu.memory_space<vmem>>
          %dma_start3A_602 = tpu.memref_squeeze %dma_start3A_601 : memref<1x128x128xf32, #tpu.memory_space<vmem>> -> memref<128x128xf32, #tpu.memory_space<vmem>>
          %dma_start3A_603 = arith.constant 0 : i32
          %dma_start3A_604 = tpu.memref_slice %arg7[%rem3A_121, %run_scoped3A_324, %run_scoped3A_325, %dma_start3A_603] : memref<2x2x16x128xi32, #tpu.memory_space<vmem>> -> memref<1x1x1x128xi32, #tpu.memory_space<vmem>>
          %dma_start3A_605 = tpu.memref_squeeze %dma_start3A_604 : memref<1x1x1x128xi32, #tpu.memory_space<vmem>> -> memref<128xi32, #tpu.memory_space<vmem>>
          %dma_start3A_606 = arith.constant 0 : i32
          %dma_start3A_607 = arith.constant 0 : i32
          %dma_start3A_608 = tpu.memref_slice %arg9[%dma_start3A_606, %dma_start3A_607] : memref<10240x128xf32, #tpu.memory_space<vmem_shared>> -> memref<10240x128xf32, #tpu.memory_space<vmem_shared>>
          tpu.enqueue_indirect_dma source(%dma_start3A_602 : memref<128x128xf32, #tpu.memory_space<vmem>>) target(%dma_start3A_608 : memref<10240x128xf32, #tpu.memory_space<vmem_shared>>) offsets(%dma_start3A_605 : memref<128xi32, #tpu.memory_space<vmem>>) semaphore(%run_scoped3A_598 : memref<!tpu.dma_semaphore, #tpu.memory_space<semaphore_mem>>) {add = true}
          %dma_wait3A_609 = arith.constant 0 : i32
          %dma_wait3A_610 = arith.constant 0 : i32
          %dma_wait3A_611 = tpu.memref_slice %arg8[%run_scoped3A_323, %dma_wait3A_609, %dma_wait3A_610] : memref<2x128x128xf32, #tpu.memory_space<vmem>> -> memref<1x128x128xf32, #tpu.memory_space<vmem>>
          %dma_wait3A_612 = tpu.memref_squeeze %dma_wait3A_611 : memref<1x128x128xf32, #tpu.memory_space<vmem>> -> memref<128x128xf32, #tpu.memory_space<vmem>>
          %dma_wait3A_613 = arith.constant 0 : i32
          %dma_wait3A_614 = tpu.memref_slice %arg7[%rem3A_121, %run_scoped3A_324, %run_scoped3A_325, %dma_wait3A_613] : memref<2x2x16x128xi32, #tpu.memory_space<vmem>> -> memref<1x1x1x128xi32, #tpu.memory_space<vmem>>
          %dma_wait3A_615 = tpu.memref_squeeze %dma_wait3A_614 : memref<1x1x1x128xi32, #tpu.memory_space<vmem>> -> memref<128xi32, #tpu.memory_space<vmem>>
          %dma_wait3A_616 = arith.constant 0 : i32
          %dma_wait3A_617 = arith.constant 0 : i32
          %dma_wait3A_618 = tpu.memref_slice %arg9[%dma_wait3A_616, %dma_wait3A_617] : memref<10240x128xf32, #tpu.memory_space<vmem_shared>> -> memref<10240x128xf32, #tpu.memory_space<vmem_shared>>
          tpu.wait_indirect_dma semaphore(%run_scoped3A_598 : memref<!tpu.dma_semaphore, #tpu.memory_space<semaphore_mem>>) src(%dma_wait3A_612 : memref<128x128xf32, #tpu.memory_space<vmem>>) dst(%dma_wait3A_618 : memref<10240x128xf32, #tpu.memory_space<vmem_shared>>)
          tpu.yield
        }) : () -> ()
        %dma_start3A_326 = arith.constant 1 : i32
        %dma_start3A_327 = arith.constant 8 : i32
        %dma_start3A_328 = arith.constant 0 : i32
        %dma_start3A_329 = arith.constant 0 : i32
        %dma_start3A_330 = arith.constant 0 : i32
        %dma_start3A_331 = tpu.memref_slice %arg8[%dma_start3A_328, %dma_start3A_329, %dma_start3A_330] : memref<2x128x128xf32, #tpu.memory_space<vmem>> -> memref<1x128x128xf32, #tpu.memory_space<vmem>>
        %dma_start3A_332 = tpu.memref_squeeze %dma_start3A_331 : memref<1x128x128xf32, #tpu.memory_space<vmem>> -> memref<128x128xf32, #tpu.memory_space<vmem>>
        %dma_start3A_333 = arith.constant 0 : i32
        %dma_start3A_334 = tpu.memref_slice %arg7[%rem3A_121, %dma_start3A_326, %dma_start3A_327, %dma_start3A_333] : memref<2x2x16x128xi32, #tpu.memory_space<vmem>> -> memref<1x1x1x128xi32, #tpu.memory_space<vmem>>
        %dma_start3A_335 = tpu.memref_squeeze %dma_start3A_334 : memref<1x1x1x128xi32, #tpu.memory_space<vmem>> -> memref<128xi32, #tpu.memory_space<vmem>>
        %dma_start3A_336 = arith.constant 0 : i32
        %dma_start3A_337 = arith.constant 0 : i32
        %dma_start3A_338 = tpu.memref_slice %arg2[%dma_start3A_336, %dma_start3A_337] : memref<10240x128xf32, #tpu.memory_space<hbm>> -> memref<10240x128xf32, #tpu.memory_space<hbm>>
        tpu.enqueue_indirect_dma source(%dma_start3A_338 : memref<10240x128xf32, #tpu.memory_space<hbm>>) target(%dma_start3A_332 : memref<128x128xf32, #tpu.memory_space<vmem>>) offsets(%dma_start3A_335 : memref<128xi32, #tpu.memory_space<vmem>>) semaphore(%arg10 : memref<!tpu.dma_semaphore, #tpu.memory_space<semaphore_mem>>)
        %dma_wait3A_339 = arith.constant 0 : i32
        %dma_wait3A_340 = arith.constant 1 : i32
        %dma_wait3A_341 = arith.constant 0 : i32
        %dma_wait3A_342 = arith.constant 1 : i32
        %dma_wait3A_343 = arith.constant 0 : i32
        %dma_wait3A_344 = arith.constant 0 : i32
        %dma_wait3A_345 = tpu.memref_slice %arg8[%dma_wait3A_342, %dma_wait3A_343, %dma_wait3A_344] : memref<2x128x128xf32, #tpu.memory_space<vmem>> -> memref<1x128x128xf32, #tpu.memory_space<vmem>>
        %dma_wait3A_346 = tpu.memref_squeeze %dma_wait3A_345 : memref<1x128x128xf32, #tpu.memory_space<vmem>> -> memref<128x128xf32, #tpu.memory_space<vmem>>
        %dma_wait3A_347 = arith.constant 0 : i32
        %dma_wait3A_348 = tpu.memref_slice %arg7[%dma_wait3A_339, %dma_wait3A_340, %dma_wait3A_341, %dma_wait3A_347] : memref<2x2x16x128xi32, #tpu.memory_space<vmem>> -> memref<1x1x1x128xi32, #tpu.memory_space<vmem>>
        %dma_wait3A_349 = tpu.memref_squeeze %dma_wait3A_348 : memref<1x1x1x128xi32, #tpu.memory_space<vmem>> -> memref<128xi32, #tpu.memory_space<vmem>>
        %dma_wait3A_350 = arith.constant 0 : i32
        %dma_wait3A_351 = arith.constant 0 : i32
        %dma_wait3A_352 = tpu.memref_slice %arg2[%dma_wait3A_350, %dma_wait3A_351] : memref<10240x128xf32, #tpu.memory_space<hbm>> -> memref<10240x128xf32, #tpu.memory_space<hbm>>
        tpu.wait_indirect_dma semaphore(%arg11 : memref<!tpu.dma_semaphore, #tpu.memory_space<semaphore_mem>>) src(%dma_wait3A_352 : memref<10240x128xf32, #tpu.memory_space<hbm>>) dst(%dma_wait3A_346 : memref<128x128xf32, #tpu.memory_space<vmem>>)
        %run_scoped3A_353 = arith.constant 1 : i32
        %run_scoped3A_354 = arith.constant 0 : i32
        %run_scoped3A_355 = arith.constant 7 : i32
        "tpu.region"() ({
          %run_scoped3A_598 = tpu.sem_alloc : memref<!tpu.dma_semaphore, #tpu.memory_space<semaphore_mem>>
          %dma_start3A_599 = arith.constant 0 : i32
          %dma_start3A_600 = arith.constant 0 : i32
          %dma_start3A_601 = tpu.memref_slice %arg8[%run_scoped3A_353, %dma_start3A_599, %dma_start3A_600] : memref<2x128x128xf32, #tpu.memory_space<vmem>> -> memref<1x128x128xf32, #tpu.memory_space<vmem>>
          %dma_start3A_602 = tpu.memref_squeeze %dma_start3A_601 : memref<1x128x128xf32, #tpu.memory_space<vmem>> -> memref<128x128xf32, #tpu.memory_space<vmem>>
          %dma_start3A_603 = arith.constant 0 : i32
          %dma_start3A_604 = tpu.memref_slice %arg7[%rem3A_121, %run_scoped3A_354, %run_scoped3A_355, %dma_start3A_603] : memref<2x2x16x128xi32, #tpu.memory_space<vmem>> -> memref<1x1x1x128xi32, #tpu.memory_space<vmem>>
          %dma_start3A_605 = tpu.memref_squeeze %dma_start3A_604 : memref<1x1x1x128xi32, #tpu.memory_space<vmem>> -> memref<128xi32, #tpu.memory_space<vmem>>
          %dma_start3A_606 = arith.constant 0 : i32
          %dma_start3A_607 = arith.constant 0 : i32
          %dma_start3A_608 = tpu.memref_slice %arg9[%dma_start3A_606, %dma_start3A_607] : memref<10240x128xf32, #tpu.memory_space<vmem_shared>> -> memref<10240x128xf32, #tpu.memory_space<vmem_shared>>
          tpu.enqueue_indirect_dma source(%dma_start3A_602 : memref<128x128xf32, #tpu.memory_space<vmem>>) target(%dma_start3A_608 : memref<10240x128xf32, #tpu.memory_space<vmem_shared>>) offsets(%dma_start3A_605 : memref<128xi32, #tpu.memory_space<vmem>>) semaphore(%run_scoped3A_598 : memref<!tpu.dma_semaphore, #tpu.memory_space<semaphore_mem>>) {add = true}
          %dma_wait3A_609 = arith.constant 0 : i32
          %dma_wait3A_610 = arith.constant 0 : i32
          %dma_wait3A_611 = tpu.memref_slice %arg8[%run_scoped3A_353, %dma_wait3A_609, %dma_wait3A_610] : memref<2x128x128xf32, #tpu.memory_space<vmem>> -> memref<1x128x128xf32, #tpu.memory_space<vmem>>
          %dma_wait3A_612 = tpu.memref_squeeze %dma_wait3A_611 : memref<1x128x128xf32, #tpu.memory_space<vmem>> -> memref<128x128xf32, #tpu.memory_space<vmem>>
          %dma_wait3A_613 = arith.constant 0 : i32
          %dma_wait3A_614 = tpu.memref_slice %arg7[%rem3A_121, %run_scoped3A_354, %run_scoped3A_355, %dma_wait3A_613] : memref<2x2x16x128xi32, #tpu.memory_space<vmem>> -> memref<1x1x1x128xi32, #tpu.memory_space<vmem>>
          %dma_wait3A_615 = tpu.memref_squeeze %dma_wait3A_614 : memref<1x1x1x128xi32, #tpu.memory_space<vmem>> -> memref<128xi32, #tpu.memory_space<vmem>>
          %dma_wait3A_616 = arith.constant 0 : i32
          %dma_wait3A_617 = arith.constant 0 : i32
          %dma_wait3A_618 = tpu.memref_slice %arg9[%dma_wait3A_616, %dma_wait3A_617] : memref<10240x128xf32, #tpu.memory_space<vmem_shared>> -> memref<10240x128xf32, #tpu.memory_space<vmem_shared>>
          tpu.wait_indirect_dma semaphore(%run_scoped3A_598 : memref<!tpu.dma_semaphore, #tpu.memory_space<semaphore_mem>>) src(%dma_wait3A_612 : memref<128x128xf32, #tpu.memory_space<vmem>>) dst(%dma_wait3A_618 : memref<10240x128xf32, #tpu.memory_space<vmem_shared>>)
          tpu.yield
        }) : () -> ()
        %dma_start3A_356 = arith.constant 1 : i32
        %dma_start3A_357 = arith.constant 9 : i32
        %dma_start3A_358 = arith.constant 1 : i32
        %dma_start3A_359 = arith.constant 0 : i32
        %dma_start3A_360 = arith.constant 0 : i32
        %dma_start3A_361 = tpu.memref_slice %arg8[%dma_start3A_358, %dma_start3A_359, %dma_start3A_360] : memref<2x128x128xf32, #tpu.memory_space<vmem>> -> memref<1x128x128xf32, #tpu.memory_space<vmem>>
        %dma_start3A_362 = tpu.memref_squeeze %dma_start3A_361 : memref<1x128x128xf32, #tpu.memory_space<vmem>> -> memref<128x128xf32, #tpu.memory_space<vmem>>
        %dma_start3A_363 = arith.constant 0 : i32
        %dma_start3A_364 = tpu.memref_slice %arg7[%rem3A_121, %dma_start3A_356, %dma_start3A_357, %dma_start3A_363] : memref<2x2x16x128xi32, #tpu.memory_space<vmem>> -> memref<1x1x1x128xi32, #tpu.memory_space<vmem>>
        %dma_start3A_365 = tpu.memref_squeeze %dma_start3A_364 : memref<1x1x1x128xi32, #tpu.memory_space<vmem>> -> memref<128xi32, #tpu.memory_space<vmem>>
        %dma_start3A_366 = arith.constant 0 : i32
        %dma_start3A_367 = arith.constant 0 : i32
        %dma_start3A_368 = tpu.memref_slice %arg2[%dma_start3A_366, %dma_start3A_367] : memref<10240x128xf32, #tpu.memory_space<hbm>> -> memref<10240x128xf32, #tpu.memory_space<hbm>>
        tpu.enqueue_indirect_dma source(%dma_start3A_368 : memref<10240x128xf32, #tpu.memory_space<hbm>>) target(%dma_start3A_362 : memref<128x128xf32, #tpu.memory_space<vmem>>) offsets(%dma_start3A_365 : memref<128xi32, #tpu.memory_space<vmem>>) semaphore(%arg11 : memref<!tpu.dma_semaphore, #tpu.memory_space<semaphore_mem>>)
        %dma_wait3A_369 = arith.constant 0 : i32
        %dma_wait3A_370 = arith.constant 1 : i32
        %dma_wait3A_371 = arith.constant 0 : i32
        %dma_wait3A_372 = arith.constant 0 : i32
        %dma_wait3A_373 = arith.constant 0 : i32
        %dma_wait3A_374 = arith.constant 0 : i32
        %dma_wait3A_375 = tpu.memref_slice %arg8[%dma_wait3A_372, %dma_wait3A_373, %dma_wait3A_374] : memref<2x128x128xf32, #tpu.memory_space<vmem>> -> memref<1x128x128xf32, #tpu.memory_space<vmem>>
        %dma_wait3A_376 = tpu.memref_squeeze %dma_wait3A_375 : memref<1x128x128xf32, #tpu.memory_space<vmem>> -> memref<128x128xf32, #tpu.memory_space<vmem>>
        %dma_wait3A_377 = arith.constant 0 : i32
        %dma_wait3A_378 = tpu.memref_slice %arg7[%dma_wait3A_369, %dma_wait3A_370, %dma_wait3A_371, %dma_wait3A_377] : memref<2x2x16x128xi32, #tpu.memory_space<vmem>> -> memref<1x1x1x128xi32, #tpu.memory_space<vmem>>
        %dma_wait3A_379 = tpu.memref_squeeze %dma_wait3A_378 : memref<1x1x1x128xi32, #tpu.memory_space<vmem>> -> memref<128xi32, #tpu.memory_space<vmem>>
        %dma_wait3A_380 = arith.constant 0 : i32
        %dma_wait3A_381 = arith.constant 0 : i32
        %dma_wait3A_382 = tpu.memref_slice %arg2[%dma_wait3A_380, %dma_wait3A_381] : memref<10240x128xf32, #tpu.memory_space<hbm>> -> memref<10240x128xf32, #tpu.memory_space<hbm>>
        tpu.wait_indirect_dma semaphore(%arg10 : memref<!tpu.dma_semaphore, #tpu.memory_space<semaphore_mem>>) src(%dma_wait3A_382 : memref<10240x128xf32, #tpu.memory_space<hbm>>) dst(%dma_wait3A_376 : memref<128x128xf32, #tpu.memory_space<vmem>>)
        %run_scoped3A_383 = arith.constant 0 : i32
        %run_scoped3A_384 = arith.constant 0 : i32
        %run_scoped3A_385 = arith.constant 8 : i32
        "tpu.region"() ({
          %run_scoped3A_598 = tpu.sem_alloc : memref<!tpu.dma_semaphore, #tpu.memory_space<semaphore_mem>>
          %dma_start3A_599 = arith.constant 0 : i32
          %dma_start3A_600 = arith.constant 0 : i32
          %dma_start3A_601 = tpu.memref_slice %arg8[%run_scoped3A_383, %dma_start3A_599, %dma_start3A_600] : memref<2x128x128xf32, #tpu.memory_space<vmem>> -> memref<1x128x128xf32, #tpu.memory_space<vmem>>
          %dma_start3A_602 = tpu.memref_squeeze %dma_start3A_601 : memref<1x128x128xf32, #tpu.memory_space<vmem>> -> memref<128x128xf32, #tpu.memory_space<vmem>>
          %dma_start3A_603 = arith.constant 0 : i32
          %dma_start3A_604 = tpu.memref_slice %arg7[%rem3A_121, %run_scoped3A_384, %run_scoped3A_385, %dma_start3A_603] : memref<2x2x16x128xi32, #tpu.memory_space<vmem>> -> memref<1x1x1x128xi32, #tpu.memory_space<vmem>>
          %dma_start3A_605 = tpu.memref_squeeze %dma_start3A_604 : memref<1x1x1x128xi32, #tpu.memory_space<vmem>> -> memref<128xi32, #tpu.memory_space<vmem>>
          %dma_start3A_606 = arith.constant 0 : i32
          %dma_start3A_607 = arith.constant 0 : i32
          %dma_start3A_608 = tpu.memref_slice %arg9[%dma_start3A_606, %dma_start3A_607] : memref<10240x128xf32, #tpu.memory_space<vmem_shared>> -> memref<10240x128xf32, #tpu.memory_space<vmem_shared>>
          tpu.enqueue_indirect_dma source(%dma_start3A_602 : memref<128x128xf32, #tpu.memory_space<vmem>>) target(%dma_start3A_608 : memref<10240x128xf32, #tpu.memory_space<vmem_shared>>) offsets(%dma_start3A_605 : memref<128xi32, #tpu.memory_space<vmem>>) semaphore(%run_scoped3A_598 : memref<!tpu.dma_semaphore, #tpu.memory_space<semaphore_mem>>) {add = true}
          %dma_wait3A_609 = arith.constant 0 : i32
          %dma_wait3A_610 = arith.constant 0 : i32
          %dma_wait3A_611 = tpu.memref_slice %arg8[%run_scoped3A_383, %dma_wait3A_609, %dma_wait3A_610] : memref<2x128x128xf32, #tpu.memory_space<vmem>> -> memref<1x128x128xf32, #tpu.memory_space<vmem>>
          %dma_wait3A_612 = tpu.memref_squeeze %dma_wait3A_611 : memref<1x128x128xf32, #tpu.memory_space<vmem>> -> memref<128x128xf32, #tpu.memory_space<vmem>>
          %dma_wait3A_613 = arith.constant 0 : i32
          %dma_wait3A_614 = tpu.memref_slice %arg7[%rem3A_121, %run_scoped3A_384, %run_scoped3A_385, %dma_wait3A_613] : memref<2x2x16x128xi32, #tpu.memory_space<vmem>> -> memref<1x1x1x128xi32, #tpu.memory_space<vmem>>
          %dma_wait3A_615 = tpu.memref_squeeze %dma_wait3A_614 : memref<1x1x1x128xi32, #tpu.memory_space<vmem>> -> memref<128xi32, #tpu.memory_space<vmem>>
          %dma_wait3A_616 = arith.constant 0 : i32
          %dma_wait3A_617 = arith.constant 0 : i32
          %dma_wait3A_618 = tpu.memref_slice %arg9[%dma_wait3A_616, %dma_wait3A_617] : memref<10240x128xf32, #tpu.memory_space<vmem_shared>> -> memref<10240x128xf32, #tpu.memory_space<vmem_shared>>
          tpu.wait_indirect_dma semaphore(%run_scoped3A_598 : memref<!tpu.dma_semaphore, #tpu.memory_space<semaphore_mem>>) src(%dma_wait3A_612 : memref<128x128xf32, #tpu.memory_space<vmem>>) dst(%dma_wait3A_618 : memref<10240x128xf32, #tpu.memory_space<vmem_shared>>)
          tpu.yield
        }) : () -> ()
        %dma_start3A_386 = arith.constant 1 : i32
        %dma_start3A_387 = arith.constant 10 : i32
        %dma_start3A_388 = arith.constant 0 : i32
        %dma_start3A_389 = arith.constant 0 : i32
        %dma_start3A_390 = arith.constant 0 : i32
        %dma_start3A_391 = tpu.memref_slice %arg8[%dma_start3A_388, %dma_start3A_389, %dma_start3A_390] : memref<2x128x128xf32, #tpu.memory_space<vmem>> -> memref<1x128x128xf32, #tpu.memory_space<vmem>>
        %dma_start3A_392 = tpu.memref_squeeze %dma_start3A_391 : memref<1x128x128xf32, #tpu.memory_space<vmem>> -> memref<128x128xf32, #tpu.memory_space<vmem>>
        %dma_start3A_393 = arith.constant 0 : i32
        %dma_start3A_394 = tpu.memref_slice %arg7[%rem3A_121, %dma_start3A_386, %dma_start3A_387, %dma_start3A_393] : memref<2x2x16x128xi32, #tpu.memory_space<vmem>> -> memref<1x1x1x128xi32, #tpu.memory_space<vmem>>
        %dma_start3A_395 = tpu.memref_squeeze %dma_start3A_394 : memref<1x1x1x128xi32, #tpu.memory_space<vmem>> -> memref<128xi32, #tpu.memory_space<vmem>>
        %dma_start3A_396 = arith.constant 0 : i32
        %dma_start3A_397 = arith.constant 0 : i32
        %dma_start3A_398 = tpu.memref_slice %arg2[%dma_start3A_396, %dma_start3A_397] : memref<10240x128xf32, #tpu.memory_space<hbm>> -> memref<10240x128xf32, #tpu.memory_space<hbm>>
        tpu.enqueue_indirect_dma source(%dma_start3A_398 : memref<10240x128xf32, #tpu.memory_space<hbm>>) target(%dma_start3A_392 : memref<128x128xf32, #tpu.memory_space<vmem>>) offsets(%dma_start3A_395 : memref<128xi32, #tpu.memory_space<vmem>>) semaphore(%arg10 : memref<!tpu.dma_semaphore, #tpu.memory_space<semaphore_mem>>)
        %dma_wait3A_399 = arith.constant 0 : i32
        %dma_wait3A_400 = arith.constant 1 : i32
        %dma_wait3A_401 = arith.constant 0 : i32
        %dma_wait3A_402 = arith.constant 1 : i32
        %dma_wait3A_403 = arith.constant 0 : i32
        %dma_wait3A_404 = arith.constant 0 : i32
        %dma_wait3A_405 = tpu.memref_slice %arg8[%dma_wait3A_402, %dma_wait3A_403, %dma_wait3A_404] : memref<2x128x128xf32, #tpu.memory_space<vmem>> -> memref<1x128x128xf32, #tpu.memory_space<vmem>>
        %dma_wait3A_406 = tpu.memref_squeeze %dma_wait3A_405 : memref<1x128x128xf32, #tpu.memory_space<vmem>> -> memref<128x128xf32, #tpu.memory_space<vmem>>
        %dma_wait3A_407 = arith.constant 0 : i32
        %dma_wait3A_408 = tpu.memref_slice %arg7[%dma_wait3A_399, %dma_wait3A_400, %dma_wait3A_401, %dma_wait3A_407] : memref<2x2x16x128xi32, #tpu.memory_space<vmem>> -> memref<1x1x1x128xi32, #tpu.memory_space<vmem>>
        %dma_wait3A_409 = tpu.memref_squeeze %dma_wait3A_408 : memref<1x1x1x128xi32, #tpu.memory_space<vmem>> -> memref<128xi32, #tpu.memory_space<vmem>>
        %dma_wait3A_410 = arith.constant 0 : i32
        %dma_wait3A_411 = arith.constant 0 : i32
        %dma_wait3A_412 = tpu.memref_slice %arg2[%dma_wait3A_410, %dma_wait3A_411] : memref<10240x128xf32, #tpu.memory_space<hbm>> -> memref<10240x128xf32, #tpu.memory_space<hbm>>
        tpu.wait_indirect_dma semaphore(%arg11 : memref<!tpu.dma_semaphore, #tpu.memory_space<semaphore_mem>>) src(%dma_wait3A_412 : memref<10240x128xf32, #tpu.memory_space<hbm>>) dst(%dma_wait3A_406 : memref<128x128xf32, #tpu.memory_space<vmem>>)
        %run_scoped3A_413 = arith.constant 1 : i32
        %run_scoped3A_414 = arith.constant 0 : i32
        %run_scoped3A_415 = arith.constant 9 : i32
        "tpu.region"() ({
          %run_scoped3A_598 = tpu.sem_alloc : memref<!tpu.dma_semaphore, #tpu.memory_space<semaphore_mem>>
          %dma_start3A_599 = arith.constant 0 : i32
          %dma_start3A_600 = arith.constant 0 : i32
          %dma_start3A_601 = tpu.memref_slice %arg8[%run_scoped3A_413, %dma_start3A_599, %dma_start3A_600] : memref<2x128x128xf32, #tpu.memory_space<vmem>> -> memref<1x128x128xf32, #tpu.memory_space<vmem>>
          %dma_start3A_602 = tpu.memref_squeeze %dma_start3A_601 : memref<1x128x128xf32, #tpu.memory_space<vmem>> -> memref<128x128xf32, #tpu.memory_space<vmem>>
          %dma_start3A_603 = arith.constant 0 : i32
          %dma_start3A_604 = tpu.memref_slice %arg7[%rem3A_121, %run_scoped3A_414, %run_scoped3A_415, %dma_start3A_603] : memref<2x2x16x128xi32, #tpu.memory_space<vmem>> -> memref<1x1x1x128xi32, #tpu.memory_space<vmem>>
          %dma_start3A_605 = tpu.memref_squeeze %dma_start3A_604 : memref<1x1x1x128xi32, #tpu.memory_space<vmem>> -> memref<128xi32, #tpu.memory_space<vmem>>
          %dma_start3A_606 = arith.constant 0 : i32
          %dma_start3A_607 = arith.constant 0 : i32
          %dma_start3A_608 = tpu.memref_slice %arg9[%dma_start3A_606, %dma_start3A_607] : memref<10240x128xf32, #tpu.memory_space<vmem_shared>> -> memref<10240x128xf32, #tpu.memory_space<vmem_shared>>
          tpu.enqueue_indirect_dma source(%dma_start3A_602 : memref<128x128xf32, #tpu.memory_space<vmem>>) target(%dma_start3A_608 : memref<10240x128xf32, #tpu.memory_space<vmem_shared>>) offsets(%dma_start3A_605 : memref<128xi32, #tpu.memory_space<vmem>>) semaphore(%run_scoped3A_598 : memref<!tpu.dma_semaphore, #tpu.memory_space<semaphore_mem>>) {add = true}
          %dma_wait3A_609 = arith.constant 0 : i32
          %dma_wait3A_610 = arith.constant 0 : i32
          %dma_wait3A_611 = tpu.memref_slice %arg8[%run_scoped3A_413, %dma_wait3A_609, %dma_wait3A_610] : memref<2x128x128xf32, #tpu.memory_space<vmem>> -> memref<1x128x128xf32, #tpu.memory_space<vmem>>
          %dma_wait3A_612 = tpu.memref_squeeze %dma_wait3A_611 : memref<1x128x128xf32, #tpu.memory_space<vmem>> -> memref<128x128xf32, #tpu.memory_space<vmem>>
          %dma_wait3A_613 = arith.constant 0 : i32
          %dma_wait3A_614 = tpu.memref_slice %arg7[%rem3A_121, %run_scoped3A_414, %run_scoped3A_415, %dma_wait3A_613] : memref<2x2x16x128xi32, #tpu.memory_space<vmem>> -> memref<1x1x1x128xi32, #tpu.memory_space<vmem>>
          %dma_wait3A_615 = tpu.memref_squeeze %dma_wait3A_614 : memref<1x1x1x128xi32, #tpu.memory_space<vmem>> -> memref<128xi32, #tpu.memory_space<vmem>>
          %dma_wait3A_616 = arith.constant 0 : i32
          %dma_wait3A_617 = arith.constant 0 : i32
          %dma_wait3A_618 = tpu.memref_slice %arg9[%dma_wait3A_616, %dma_wait3A_617] : memref<10240x128xf32, #tpu.memory_space<vmem_shared>> -> memref<10240x128xf32, #tpu.memory_space<vmem_shared>>
          tpu.wait_indirect_dma semaphore(%run_scoped3A_598 : memref<!tpu.dma_semaphore, #tpu.memory_space<semaphore_mem>>) src(%dma_wait3A_612 : memref<128x128xf32, #tpu.memory_space<vmem>>) dst(%dma_wait3A_618 : memref<10240x128xf32, #tpu.memory_space<vmem_shared>>)
          tpu.yield
        }) : () -> ()
        %dma_start3A_416 = arith.constant 1 : i32
        %dma_start3A_417 = arith.constant 11 : i32
        %dma_start3A_418 = arith.constant 1 : i32
        %dma_start3A_419 = arith.constant 0 : i32
        %dma_start3A_420 = arith.constant 0 : i32
        %dma_start3A_421 = tpu.memref_slice %arg8[%dma_start3A_418, %dma_start3A_419, %dma_start3A_420] : memref<2x128x128xf32, #tpu.memory_space<vmem>> -> memref<1x128x128xf32, #tpu.memory_space<vmem>>
        %dma_start3A_422 = tpu.memref_squeeze %dma_start3A_421 : memref<1x128x128xf32, #tpu.memory_space<vmem>> -> memref<128x128xf32, #tpu.memory_space<vmem>>
        %dma_start3A_423 = arith.constant 0 : i32
        %dma_start3A_424 = tpu.memref_slice %arg7[%rem3A_121, %dma_start3A_416, %dma_start3A_417, %dma_start3A_423] : memref<2x2x16x128xi32, #tpu.memory_space<vmem>> -> memref<1x1x1x128xi32, #tpu.memory_space<vmem>>
        %dma_start3A_425 = tpu.memref_squeeze %dma_start3A_424 : memref<1x1x1x128xi32, #tpu.memory_space<vmem>> -> memref<128xi32, #tpu.memory_space<vmem>>
        %dma_start3A_426 = arith.constant 0 : i32
        %dma_start3A_427 = arith.constant 0 : i32
        %dma_start3A_428 = tpu.memref_slice %arg2[%dma_start3A_426, %dma_start3A_427] : memref<10240x128xf32, #tpu.memory_space<hbm>> -> memref<10240x128xf32, #tpu.memory_space<hbm>>
        tpu.enqueue_indirect_dma source(%dma_start3A_428 : memref<10240x128xf32, #tpu.memory_space<hbm>>) target(%dma_start3A_422 : memref<128x128xf32, #tpu.memory_space<vmem>>) offsets(%dma_start3A_425 : memref<128xi32, #tpu.memory_space<vmem>>) semaphore(%arg11 : memref<!tpu.dma_semaphore, #tpu.memory_space<semaphore_mem>>)
        %dma_wait3A_429 = arith.constant 0 : i32
        %dma_wait3A_430 = arith.constant 1 : i32
        %dma_wait3A_431 = arith.constant 0 : i32
        %dma_wait3A_432 = arith.constant 0 : i32
        %dma_wait3A_433 = arith.constant 0 : i32
        %dma_wait3A_434 = arith.constant 0 : i32
        %dma_wait3A_435 = tpu.memref_slice %arg8[%dma_wait3A_432, %dma_wait3A_433, %dma_wait3A_434] : memref<2x128x128xf32, #tpu.memory_space<vmem>> -> memref<1x128x128xf32, #tpu.memory_space<vmem>>
        %dma_wait3A_436 = tpu.memref_squeeze %dma_wait3A_435 : memref<1x128x128xf32, #tpu.memory_space<vmem>> -> memref<128x128xf32, #tpu.memory_space<vmem>>
        %dma_wait3A_437 = arith.constant 0 : i32
        %dma_wait3A_438 = tpu.memref_slice %arg7[%dma_wait3A_429, %dma_wait3A_430, %dma_wait3A_431, %dma_wait3A_437] : memref<2x2x16x128xi32, #tpu.memory_space<vmem>> -> memref<1x1x1x128xi32, #tpu.memory_space<vmem>>
        %dma_wait3A_439 = tpu.memref_squeeze %dma_wait3A_438 : memref<1x1x1x128xi32, #tpu.memory_space<vmem>> -> memref<128xi32, #tpu.memory_space<vmem>>
        %dma_wait3A_440 = arith.constant 0 : i32
        %dma_wait3A_441 = arith.constant 0 : i32
        %dma_wait3A_442 = tpu.memref_slice %arg2[%dma_wait3A_440, %dma_wait3A_441] : memref<10240x128xf32, #tpu.memory_space<hbm>> -> memref<10240x128xf32, #tpu.memory_space<hbm>>
        tpu.wait_indirect_dma semaphore(%arg10 : memref<!tpu.dma_semaphore, #tpu.memory_space<semaphore_mem>>) src(%dma_wait3A_442 : memref<10240x128xf32, #tpu.memory_space<hbm>>) dst(%dma_wait3A_436 : memref<128x128xf32, #tpu.memory_space<vmem>>)
        %run_scoped3A_443 = arith.constant 0 : i32
        %run_scoped3A_444 = arith.constant 0 : i32
        %run_scoped3A_445 = arith.constant 10 : i32
        "tpu.region"() ({
          %run_scoped3A_598 = tpu.sem_alloc : memref<!tpu.dma_semaphore, #tpu.memory_space<semaphore_mem>>
          %dma_start3A_599 = arith.constant 0 : i32
          %dma_start3A_600 = arith.constant 0 : i32
          %dma_start3A_601 = tpu.memref_slice %arg8[%run_scoped3A_443, %dma_start3A_599, %dma_start3A_600] : memref<2x128x128xf32, #tpu.memory_space<vmem>> -> memref<1x128x128xf32, #tpu.memory_space<vmem>>
          %dma_start3A_602 = tpu.memref_squeeze %dma_start3A_601 : memref<1x128x128xf32, #tpu.memory_space<vmem>> -> memref<128x128xf32, #tpu.memory_space<vmem>>
          %dma_start3A_603 = arith.constant 0 : i32
          %dma_start3A_604 = tpu.memref_slice %arg7[%rem3A_121, %run_scoped3A_444, %run_scoped3A_445, %dma_start3A_603] : memref<2x2x16x128xi32, #tpu.memory_space<vmem>> -> memref<1x1x1x128xi32, #tpu.memory_space<vmem>>
          %dma_start3A_605 = tpu.memref_squeeze %dma_start3A_604 : memref<1x1x1x128xi32, #tpu.memory_space<vmem>> -> memref<128xi32, #tpu.memory_space<vmem>>
          %dma_start3A_606 = arith.constant 0 : i32
          %dma_start3A_607 = arith.constant 0 : i32
          %dma_start3A_608 = tpu.memref_slice %arg9[%dma_start3A_606, %dma_start3A_607] : memref<10240x128xf32, #tpu.memory_space<vmem_shared>> -> memref<10240x128xf32, #tpu.memory_space<vmem_shared>>
          tpu.enqueue_indirect_dma source(%dma_start3A_602 : memref<128x128xf32, #tpu.memory_space<vmem>>) target(%dma_start3A_608 : memref<10240x128xf32, #tpu.memory_space<vmem_shared>>) offsets(%dma_start3A_605 : memref<128xi32, #tpu.memory_space<vmem>>) semaphore(%run_scoped3A_598 : memref<!tpu.dma_semaphore, #tpu.memory_space<semaphore_mem>>) {add = true}
          %dma_wait3A_609 = arith.constant 0 : i32
          %dma_wait3A_610 = arith.constant 0 : i32
          %dma_wait3A_611 = tpu.memref_slice %arg8[%run_scoped3A_443, %dma_wait3A_609, %dma_wait3A_610] : memref<2x128x128xf32, #tpu.memory_space<vmem>> -> memref<1x128x128xf32, #tpu.memory_space<vmem>>
          %dma_wait3A_612 = tpu.memref_squeeze %dma_wait3A_611 : memref<1x128x128xf32, #tpu.memory_space<vmem>> -> memref<128x128xf32, #tpu.memory_space<vmem>>
          %dma_wait3A_613 = arith.constant 0 : i32
          %dma_wait3A_614 = tpu.memref_slice %arg7[%rem3A_121, %run_scoped3A_444, %run_scoped3A_445, %dma_wait3A_613] : memref<2x2x16x128xi32, #tpu.memory_space<vmem>> -> memref<1x1x1x128xi32, #tpu.memory_space<vmem>>
          %dma_wait3A_615 = tpu.memref_squeeze %dma_wait3A_614 : memref<1x1x1x128xi32, #tpu.memory_space<vmem>> -> memref<128xi32, #tpu.memory_space<vmem>>
          %dma_wait3A_616 = arith.constant 0 : i32
          %dma_wait3A_617 = arith.constant 0 : i32
          %dma_wait3A_618 = tpu.memref_slice %arg9[%dma_wait3A_616, %dma_wait3A_617] : memref<10240x128xf32, #tpu.memory_space<vmem_shared>> -> memref<10240x128xf32, #tpu.memory_space<vmem_shared>>
          tpu.wait_indirect_dma semaphore(%run_scoped3A_598 : memref<!tpu.dma_semaphore, #tpu.memory_space<semaphore_mem>>) src(%dma_wait3A_612 : memref<128x128xf32, #tpu.memory_space<vmem>>) dst(%dma_wait3A_618 : memref<10240x128xf32, #tpu.memory_space<vmem_shared>>)
          tpu.yield
        }) : () -> ()
        %dma_start3A_446 = arith.constant 1 : i32
        %dma_start3A_447 = arith.constant 12 : i32
        %dma_start3A_448 = arith.constant 0 : i32
        %dma_start3A_449 = arith.constant 0 : i32
        %dma_start3A_450 = arith.constant 0 : i32
        %dma_start3A_451 = tpu.memref_slice %arg8[%dma_start3A_448, %dma_start3A_449, %dma_start3A_450] : memref<2x128x128xf32, #tpu.memory_space<vmem>> -> memref<1x128x128xf32, #tpu.memory_space<vmem>>
        %dma_start3A_452 = tpu.memref_squeeze %dma_start3A_451 : memref<1x128x128xf32, #tpu.memory_space<vmem>> -> memref<128x128xf32, #tpu.memory_space<vmem>>
        %dma_start3A_453 = arith.constant 0 : i32
        %dma_start3A_454 = tpu.memref_slice %arg7[%rem3A_121, %dma_start3A_446, %dma_start3A_447, %dma_start3A_453] : memref<2x2x16x128xi32, #tpu.memory_space<vmem>> -> memref<1x1x1x128xi32, #tpu.memory_space<vmem>>
        %dma_start3A_455 = tpu.memref_squeeze %dma_start3A_454 : memref<1x1x1x128xi32, #tpu.memory_space<vmem>> -> memref<128xi32, #tpu.memory_space<vmem>>
        %dma_start3A_456 = arith.constant 0 : i32
        %dma_start3A_457 = arith.constant 0 : i32
        %dma_start3A_458 = tpu.memref_slice %arg2[%dma_start3A_456, %dma_start3A_457] : memref<10240x128xf32, #tpu.memory_space<hbm>> -> memref<10240x128xf32, #tpu.memory_space<hbm>>
        tpu.enqueue_indirect_dma source(%dma_start3A_458 : memref<10240x128xf32, #tpu.memory_space<hbm>>) target(%dma_start3A_452 : memref<128x128xf32, #tpu.memory_space<vmem>>) offsets(%dma_start3A_455 : memref<128xi32, #tpu.memory_space<vmem>>) semaphore(%arg10 : memref<!tpu.dma_semaphore, #tpu.memory_space<semaphore_mem>>)
        %dma_wait3A_459 = arith.constant 0 : i32
        %dma_wait3A_460 = arith.constant 1 : i32
        %dma_wait3A_461 = arith.constant 0 : i32
        %dma_wait3A_462 = arith.constant 1 : i32
        %dma_wait3A_463 = arith.constant 0 : i32
        %dma_wait3A_464 = arith.constant 0 : i32
        %dma_wait3A_465 = tpu.memref_slice %arg8[%dma_wait3A_462, %dma_wait3A_463, %dma_wait3A_464] : memref<2x128x128xf32, #tpu.memory_space<vmem>> -> memref<1x128x128xf32, #tpu.memory_space<vmem>>
        %dma_wait3A_466 = tpu.memref_squeeze %dma_wait3A_465 : memref<1x128x128xf32, #tpu.memory_space<vmem>> -> memref<128x128xf32, #tpu.memory_space<vmem>>
        %dma_wait3A_467 = arith.constant 0 : i32
        %dma_wait3A_468 = tpu.memref_slice %arg7[%dma_wait3A_459, %dma_wait3A_460, %dma_wait3A_461, %dma_wait3A_467] : memref<2x2x16x128xi32, #tpu.memory_space<vmem>> -> memref<1x1x1x128xi32, #tpu.memory_space<vmem>>
        %dma_wait3A_469 = tpu.memref_squeeze %dma_wait3A_468 : memref<1x1x1x128xi32, #tpu.memory_space<vmem>> -> memref<128xi32, #tpu.memory_space<vmem>>
        %dma_wait3A_470 = arith.constant 0 : i32
        %dma_wait3A_471 = arith.constant 0 : i32
        %dma_wait3A_472 = tpu.memref_slice %arg2[%dma_wait3A_470, %dma_wait3A_471] : memref<10240x128xf32, #tpu.memory_space<hbm>> -> memref<10240x128xf32, #tpu.memory_space<hbm>>
        tpu.wait_indirect_dma semaphore(%arg11 : memref<!tpu.dma_semaphore, #tpu.memory_space<semaphore_mem>>) src(%dma_wait3A_472 : memref<10240x128xf32, #tpu.memory_space<hbm>>) dst(%dma_wait3A_466 : memref<128x128xf32, #tpu.memory_space<vmem>>)
        %run_scoped3A_473 = arith.constant 1 : i32
        %run_scoped3A_474 = arith.constant 0 : i32
        %run_scoped3A_475 = arith.constant 11 : i32
        "tpu.region"() ({
          %run_scoped3A_598 = tpu.sem_alloc : memref<!tpu.dma_semaphore, #tpu.memory_space<semaphore_mem>>
          %dma_start3A_599 = arith.constant 0 : i32
          %dma_start3A_600 = arith.constant 0 : i32
          %dma_start3A_601 = tpu.memref_slice %arg8[%run_scoped3A_473, %dma_start3A_599, %dma_start3A_600] : memref<2x128x128xf32, #tpu.memory_space<vmem>> -> memref<1x128x128xf32, #tpu.memory_space<vmem>>
          %dma_start3A_602 = tpu.memref_squeeze %dma_start3A_601 : memref<1x128x128xf32, #tpu.memory_space<vmem>> -> memref<128x128xf32, #tpu.memory_space<vmem>>
          %dma_start3A_603 = arith.constant 0 : i32
          %dma_start3A_604 = tpu.memref_slice %arg7[%rem3A_121, %run_scoped3A_474, %run_scoped3A_475, %dma_start3A_603] : memref<2x2x16x128xi32, #tpu.memory_space<vmem>> -> memref<1x1x1x128xi32, #tpu.memory_space<vmem>>
          %dma_start3A_605 = tpu.memref_squeeze %dma_start3A_604 : memref<1x1x1x128xi32, #tpu.memory_space<vmem>> -> memref<128xi32, #tpu.memory_space<vmem>>
          %dma_start3A_606 = arith.constant 0 : i32
          %dma_start3A_607 = arith.constant 0 : i32
          %dma_start3A_608 = tpu.memref_slice %arg9[%dma_start3A_606, %dma_start3A_607] : memref<10240x128xf32, #tpu.memory_space<vmem_shared>> -> memref<10240x128xf32, #tpu.memory_space<vmem_shared>>
          tpu.enqueue_indirect_dma source(%dma_start3A_602 : memref<128x128xf32, #tpu.memory_space<vmem>>) target(%dma_start3A_608 : memref<10240x128xf32, #tpu.memory_space<vmem_shared>>) offsets(%dma_start3A_605 : memref<128xi32, #tpu.memory_space<vmem>>) semaphore(%run_scoped3A_598 : memref<!tpu.dma_semaphore, #tpu.memory_space<semaphore_mem>>) {add = true}
          %dma_wait3A_609 = arith.constant 0 : i32
          %dma_wait3A_610 = arith.constant 0 : i32
          %dma_wait3A_611 = tpu.memref_slice %arg8[%run_scoped3A_473, %dma_wait3A_609, %dma_wait3A_610] : memref<2x128x128xf32, #tpu.memory_space<vmem>> -> memref<1x128x128xf32, #tpu.memory_space<vmem>>
          %dma_wait3A_612 = tpu.memref_squeeze %dma_wait3A_611 : memref<1x128x128xf32, #tpu.memory_space<vmem>> -> memref<128x128xf32, #tpu.memory_space<vmem>>
          %dma_wait3A_613 = arith.constant 0 : i32
          %dma_wait3A_614 = tpu.memref_slice %arg7[%rem3A_121, %run_scoped3A_474, %run_scoped3A_475, %dma_wait3A_613] : memref<2x2x16x128xi32, #tpu.memory_space<vmem>> -> memref<1x1x1x128xi32, #tpu.memory_space<vmem>>
          %dma_wait3A_615 = tpu.memref_squeeze %dma_wait3A_614 : memref<1x1x1x128xi32, #tpu.memory_space<vmem>> -> memref<128xi32, #tpu.memory_space<vmem>>
          %dma_wait3A_616 = arith.constant 0 : i32
          %dma_wait3A_617 = arith.constant 0 : i32
          %dma_wait3A_618 = tpu.memref_slice %arg9[%dma_wait3A_616, %dma_wait3A_617] : memref<10240x128xf32, #tpu.memory_space<vmem_shared>> -> memref<10240x128xf32, #tpu.memory_space<vmem_shared>>
          tpu.wait_indirect_dma semaphore(%run_scoped3A_598 : memref<!tpu.dma_semaphore, #tpu.memory_space<semaphore_mem>>) src(%dma_wait3A_612 : memref<128x128xf32, #tpu.memory_space<vmem>>) dst(%dma_wait3A_618 : memref<10240x128xf32, #tpu.memory_space<vmem_shared>>)
          tpu.yield
        }) : () -> ()
        %dma_start3A_476 = arith.constant 1 : i32
        %dma_start3A_477 = arith.constant 13 : i32
        %dma_start3A_478 = arith.constant 1 : i32
        %dma_start3A_479 = arith.constant 0 : i32
        %dma_start3A_480 = arith.constant 0 : i32
        %dma_start3A_481 = tpu.memref_slice %arg8[%dma_start3A_478, %dma_start3A_479, %dma_start3A_480] : memref<2x128x128xf32, #tpu.memory_space<vmem>> -> memref<1x128x128xf32, #tpu.memory_space<vmem>>
        %dma_start3A_482 = tpu.memref_squeeze %dma_start3A_481 : memref<1x128x128xf32, #tpu.memory_space<vmem>> -> memref<128x128xf32, #tpu.memory_space<vmem>>
        %dma_start3A_483 = arith.constant 0 : i32
        %dma_start3A_484 = tpu.memref_slice %arg7[%rem3A_121, %dma_start3A_476, %dma_start3A_477, %dma_start3A_483] : memref<2x2x16x128xi32, #tpu.memory_space<vmem>> -> memref<1x1x1x128xi32, #tpu.memory_space<vmem>>
        %dma_start3A_485 = tpu.memref_squeeze %dma_start3A_484 : memref<1x1x1x128xi32, #tpu.memory_space<vmem>> -> memref<128xi32, #tpu.memory_space<vmem>>
        %dma_start3A_486 = arith.constant 0 : i32
        %dma_start3A_487 = arith.constant 0 : i32
        %dma_start3A_488 = tpu.memref_slice %arg2[%dma_start3A_486, %dma_start3A_487] : memref<10240x128xf32, #tpu.memory_space<hbm>> -> memref<10240x128xf32, #tpu.memory_space<hbm>>
        tpu.enqueue_indirect_dma source(%dma_start3A_488 : memref<10240x128xf32, #tpu.memory_space<hbm>>) target(%dma_start3A_482 : memref<128x128xf32, #tpu.memory_space<vmem>>) offsets(%dma_start3A_485 : memref<128xi32, #tpu.memory_space<vmem>>) semaphore(%arg11 : memref<!tpu.dma_semaphore, #tpu.memory_space<semaphore_mem>>)
        %dma_wait3A_489 = arith.constant 0 : i32
        %dma_wait3A_490 = arith.constant 1 : i32
        %dma_wait3A_491 = arith.constant 0 : i32
        %dma_wait3A_492 = arith.constant 0 : i32
        %dma_wait3A_493 = arith.constant 0 : i32
        %dma_wait3A_494 = arith.constant 0 : i32
        %dma_wait3A_495 = tpu.memref_slice %arg8[%dma_wait3A_492, %dma_wait3A_493, %dma_wait3A_494] : memref<2x128x128xf32, #tpu.memory_space<vmem>> -> memref<1x128x128xf32, #tpu.memory_space<vmem>>
        %dma_wait3A_496 = tpu.memref_squeeze %dma_wait3A_495 : memref<1x128x128xf32, #tpu.memory_space<vmem>> -> memref<128x128xf32, #tpu.memory_space<vmem>>
        %dma_wait3A_497 = arith.constant 0 : i32
        %dma_wait3A_498 = tpu.memref_slice %arg7[%dma_wait3A_489, %dma_wait3A_490, %dma_wait3A_491, %dma_wait3A_497] : memref<2x2x16x128xi32, #tpu.memory_space<vmem>> -> memref<1x1x1x128xi32, #tpu.memory_space<vmem>>
        %dma_wait3A_499 = tpu.memref_squeeze %dma_wait3A_498 : memref<1x1x1x128xi32, #tpu.memory_space<vmem>> -> memref<128xi32, #tpu.memory_space<vmem>>
        %dma_wait3A_500 = arith.constant 0 : i32
        %dma_wait3A_501 = arith.constant 0 : i32
        %dma_wait3A_502 = tpu.memref_slice %arg2[%dma_wait3A_500, %dma_wait3A_501] : memref<10240x128xf32, #tpu.memory_space<hbm>> -> memref<10240x128xf32, #tpu.memory_space<hbm>>
        tpu.wait_indirect_dma semaphore(%arg10 : memref<!tpu.dma_semaphore, #tpu.memory_space<semaphore_mem>>) src(%dma_wait3A_502 : memref<10240x128xf32, #tpu.memory_space<hbm>>) dst(%dma_wait3A_496 : memref<128x128xf32, #tpu.memory_space<vmem>>)
        %run_scoped3A_503 = arith.constant 0 : i32
        %run_scoped3A_504 = arith.constant 0 : i32
        %run_scoped3A_505 = arith.constant 12 : i32
        "tpu.region"() ({
          %run_scoped3A_598 = tpu.sem_alloc : memref<!tpu.dma_semaphore, #tpu.memory_space<semaphore_mem>>
          %dma_start3A_599 = arith.constant 0 : i32
          %dma_start3A_600 = arith.constant 0 : i32
          %dma_start3A_601 = tpu.memref_slice %arg8[%run_scoped3A_503, %dma_start3A_599, %dma_start3A_600] : memref<2x128x128xf32, #tpu.memory_space<vmem>> -> memref<1x128x128xf32, #tpu.memory_space<vmem>>
          %dma_start3A_602 = tpu.memref_squeeze %dma_start3A_601 : memref<1x128x128xf32, #tpu.memory_space<vmem>> -> memref<128x128xf32, #tpu.memory_space<vmem>>
          %dma_start3A_603 = arith.constant 0 : i32
          %dma_start3A_604 = tpu.memref_slice %arg7[%rem3A_121, %run_scoped3A_504, %run_scoped3A_505, %dma_start3A_603] : memref<2x2x16x128xi32, #tpu.memory_space<vmem>> -> memref<1x1x1x128xi32, #tpu.memory_space<vmem>>
          %dma_start3A_605 = tpu.memref_squeeze %dma_start3A_604 : memref<1x1x1x128xi32, #tpu.memory_space<vmem>> -> memref<128xi32, #tpu.memory_space<vmem>>
          %dma_start3A_606 = arith.constant 0 : i32
          %dma_start3A_607 = arith.constant 0 : i32
          %dma_start3A_608 = tpu.memref_slice %arg9[%dma_start3A_606, %dma_start3A_607] : memref<10240x128xf32, #tpu.memory_space<vmem_shared>> -> memref<10240x128xf32, #tpu.memory_space<vmem_shared>>
          tpu.enqueue_indirect_dma source(%dma_start3A_602 : memref<128x128xf32, #tpu.memory_space<vmem>>) target(%dma_start3A_608 : memref<10240x128xf32, #tpu.memory_space<vmem_shared>>) offsets(%dma_start3A_605 : memref<128xi32, #tpu.memory_space<vmem>>) semaphore(%run_scoped3A_598 : memref<!tpu.dma_semaphore, #tpu.memory_space<semaphore_mem>>) {add = true}
          %dma_wait3A_609 = arith.constant 0 : i32
          %dma_wait3A_610 = arith.constant 0 : i32
          %dma_wait3A_611 = tpu.memref_slice %arg8[%run_scoped3A_503, %dma_wait3A_609, %dma_wait3A_610] : memref<2x128x128xf32, #tpu.memory_space<vmem>> -> memref<1x128x128xf32, #tpu.memory_space<vmem>>
          %dma_wait3A_612 = tpu.memref_squeeze %dma_wait3A_611 : memref<1x128x128xf32, #tpu.memory_space<vmem>> -> memref<128x128xf32, #tpu.memory_space<vmem>>
          %dma_wait3A_613 = arith.constant 0 : i32
          %dma_wait3A_614 = tpu.memref_slice %arg7[%rem3A_121, %run_scoped3A_504, %run_scoped3A_505, %dma_wait3A_613] : memref<2x2x16x128xi32, #tpu.memory_space<vmem>> -> memref<1x1x1x128xi32, #tpu.memory_space<vmem>>
          %dma_wait3A_615 = tpu.memref_squeeze %dma_wait3A_614 : memref<1x1x1x128xi32, #tpu.memory_space<vmem>> -> memref<128xi32, #tpu.memory_space<vmem>>
          %dma_wait3A_616 = arith.constant 0 : i32
          %dma_wait3A_617 = arith.constant 0 : i32
          %dma_wait3A_618 = tpu.memref_slice %arg9[%dma_wait3A_616, %dma_wait3A_617] : memref<10240x128xf32, #tpu.memory_space<vmem_shared>> -> memref<10240x128xf32, #tpu.memory_space<vmem_shared>>
          tpu.wait_indirect_dma semaphore(%run_scoped3A_598 : memref<!tpu.dma_semaphore, #tpu.memory_space<semaphore_mem>>) src(%dma_wait3A_612 : memref<128x128xf32, #tpu.memory_space<vmem>>) dst(%dma_wait3A_618 : memref<10240x128xf32, #tpu.memory_space<vmem_shared>>)
          tpu.yield
        }) : () -> ()
        %dma_start3A_506 = arith.constant 1 : i32
        %dma_start3A_507 = arith.constant 14 : i32
        %dma_start3A_508 = arith.constant 0 : i32
        %dma_start3A_509 = arith.constant 0 : i32
        %dma_start3A_510 = arith.constant 0 : i32
        %dma_start3A_511 = tpu.memref_slice %arg8[%dma_start3A_508, %dma_start3A_509, %dma_start3A_510] : memref<2x128x128xf32, #tpu.memory_space<vmem>> -> memref<1x128x128xf32, #tpu.memory_space<vmem>>
        %dma_start3A_512 = tpu.memref_squeeze %dma_start3A_511 : memref<1x128x128xf32, #tpu.memory_space<vmem>> -> memref<128x128xf32, #tpu.memory_space<vmem>>
        %dma_start3A_513 = arith.constant 0 : i32
        %dma_start3A_514 = tpu.memref_slice %arg7[%rem3A_121, %dma_start3A_506, %dma_start3A_507, %dma_start3A_513] : memref<2x2x16x128xi32, #tpu.memory_space<vmem>> -> memref<1x1x1x128xi32, #tpu.memory_space<vmem>>
        %dma_start3A_515 = tpu.memref_squeeze %dma_start3A_514 : memref<1x1x1x128xi32, #tpu.memory_space<vmem>> -> memref<128xi32, #tpu.memory_space<vmem>>
        %dma_start3A_516 = arith.constant 0 : i32
        %dma_start3A_517 = arith.constant 0 : i32
        %dma_start3A_518 = tpu.memref_slice %arg2[%dma_start3A_516, %dma_start3A_517] : memref<10240x128xf32, #tpu.memory_space<hbm>> -> memref<10240x128xf32, #tpu.memory_space<hbm>>
        tpu.enqueue_indirect_dma source(%dma_start3A_518 : memref<10240x128xf32, #tpu.memory_space<hbm>>) target(%dma_start3A_512 : memref<128x128xf32, #tpu.memory_space<vmem>>) offsets(%dma_start3A_515 : memref<128xi32, #tpu.memory_space<vmem>>) semaphore(%arg10 : memref<!tpu.dma_semaphore, #tpu.memory_space<semaphore_mem>>)
        %dma_wait3A_519 = arith.constant 0 : i32
        %dma_wait3A_520 = arith.constant 1 : i32
        %dma_wait3A_521 = arith.constant 0 : i32
        %dma_wait3A_522 = arith.constant 1 : i32
        %dma_wait3A_523 = arith.constant 0 : i32
        %dma_wait3A_524 = arith.constant 0 : i32
        %dma_wait3A_525 = tpu.memref_slice %arg8[%dma_wait3A_522, %dma_wait3A_523, %dma_wait3A_524] : memref<2x128x128xf32, #tpu.memory_space<vmem>> -> memref<1x128x128xf32, #tpu.memory_space<vmem>>
        %dma_wait3A_526 = tpu.memref_squeeze %dma_wait3A_525 : memref<1x128x128xf32, #tpu.memory_space<vmem>> -> memref<128x128xf32, #tpu.memory_space<vmem>>
        %dma_wait3A_527 = arith.constant 0 : i32
        %dma_wait3A_528 = tpu.memref_slice %arg7[%dma_wait3A_519, %dma_wait3A_520, %dma_wait3A_521, %dma_wait3A_527] : memref<2x2x16x128xi32, #tpu.memory_space<vmem>> -> memref<1x1x1x128xi32, #tpu.memory_space<vmem>>
        %dma_wait3A_529 = tpu.memref_squeeze %dma_wait3A_528 : memref<1x1x1x128xi32, #tpu.memory_space<vmem>> -> memref<128xi32, #tpu.memory_space<vmem>>
        %dma_wait3A_530 = arith.constant 0 : i32
        %dma_wait3A_531 = arith.constant 0 : i32
        %dma_wait3A_532 = tpu.memref_slice %arg2[%dma_wait3A_530, %dma_wait3A_531] : memref<10240x128xf32, #tpu.memory_space<hbm>> -> memref<10240x128xf32, #tpu.memory_space<hbm>>
        tpu.wait_indirect_dma semaphore(%arg11 : memref<!tpu.dma_semaphore, #tpu.memory_space<semaphore_mem>>) src(%dma_wait3A_532 : memref<10240x128xf32, #tpu.memory_space<hbm>>) dst(%dma_wait3A_526 : memref<128x128xf32, #tpu.memory_space<vmem>>)
        %run_scoped3A_533 = arith.constant 1 : i32
        %run_scoped3A_534 = arith.constant 0 : i32
        %run_scoped3A_535 = arith.constant 13 : i32
        "tpu.region"() ({
          %run_scoped3A_598 = tpu.sem_alloc : memref<!tpu.dma_semaphore, #tpu.memory_space<semaphore_mem>>
          %dma_start3A_599 = arith.constant 0 : i32
          %dma_start3A_600 = arith.constant 0 : i32
          %dma_start3A_601 = tpu.memref_slice %arg8[%run_scoped3A_533, %dma_start3A_599, %dma_start3A_600] : memref<2x128x128xf32, #tpu.memory_space<vmem>> -> memref<1x128x128xf32, #tpu.memory_space<vmem>>
          %dma_start3A_602 = tpu.memref_squeeze %dma_start3A_601 : memref<1x128x128xf32, #tpu.memory_space<vmem>> -> memref<128x128xf32, #tpu.memory_space<vmem>>
          %dma_start3A_603 = arith.constant 0 : i32
          %dma_start3A_604 = tpu.memref_slice %arg7[%rem3A_121, %run_scoped3A_534, %run_scoped3A_535, %dma_start3A_603] : memref<2x2x16x128xi32, #tpu.memory_space<vmem>> -> memref<1x1x1x128xi32, #tpu.memory_space<vmem>>
          %dma_start3A_605 = tpu.memref_squeeze %dma_start3A_604 : memref<1x1x1x128xi32, #tpu.memory_space<vmem>> -> memref<128xi32, #tpu.memory_space<vmem>>
          %dma_start3A_606 = arith.constant 0 : i32
          %dma_start3A_607 = arith.constant 0 : i32
          %dma_start3A_608 = tpu.memref_slice %arg9[%dma_start3A_606, %dma_start3A_607] : memref<10240x128xf32, #tpu.memory_space<vmem_shared>> -> memref<10240x128xf32, #tpu.memory_space<vmem_shared>>
          tpu.enqueue_indirect_dma source(%dma_start3A_602 : memref<128x128xf32, #tpu.memory_space<vmem>>) target(%dma_start3A_608 : memref<10240x128xf32, #tpu.memory_space<vmem_shared>>) offsets(%dma_start3A_605 : memref<128xi32, #tpu.memory_space<vmem>>) semaphore(%run_scoped3A_598 : memref<!tpu.dma_semaphore, #tpu.memory_space<semaphore_mem>>) {add = true}
          %dma_wait3A_609 = arith.constant 0 : i32
          %dma_wait3A_610 = arith.constant 0 : i32
          %dma_wait3A_611 = tpu.memref_slice %arg8[%run_scoped3A_533, %dma_wait3A_609, %dma_wait3A_610] : memref<2x128x128xf32, #tpu.memory_space<vmem>> -> memref<1x128x128xf32, #tpu.memory_space<vmem>>
          %dma_wait3A_612 = tpu.memref_squeeze %dma_wait3A_611 : memref<1x128x128xf32, #tpu.memory_space<vmem>> -> memref<128x128xf32, #tpu.memory_space<vmem>>
          %dma_wait3A_613 = arith.constant 0 : i32
          %dma_wait3A_614 = tpu.memref_slice %arg7[%rem3A_121, %run_scoped3A_534, %run_scoped3A_535, %dma_wait3A_613] : memref<2x2x16x128xi32, #tpu.memory_space<vmem>> -> memref<1x1x1x128xi32, #tpu.memory_space<vmem>>
          %dma_wait3A_615 = tpu.memref_squeeze %dma_wait3A_614 : memref<1x1x1x128xi32, #tpu.memory_space<vmem>> -> memref<128xi32, #tpu.memory_space<vmem>>
          %dma_wait3A_616 = arith.constant 0 : i32
          %dma_wait3A_617 = arith.constant 0 : i32
          %dma_wait3A_618 = tpu.memref_slice %arg9[%dma_wait3A_616, %dma_wait3A_617] : memref<10240x128xf32, #tpu.memory_space<vmem_shared>> -> memref<10240x128xf32, #tpu.memory_space<vmem_shared>>
          tpu.wait_indirect_dma semaphore(%run_scoped3A_598 : memref<!tpu.dma_semaphore, #tpu.memory_space<semaphore_mem>>) src(%dma_wait3A_612 : memref<128x128xf32, #tpu.memory_space<vmem>>) dst(%dma_wait3A_618 : memref<10240x128xf32, #tpu.memory_space<vmem_shared>>)
          tpu.yield
        }) : () -> ()
        %dma_start3A_536 = arith.constant 1 : i32
        %dma_start3A_537 = arith.constant 15 : i32
        %dma_start3A_538 = arith.constant 1 : i32
        %dma_start3A_539 = arith.constant 0 : i32
        %dma_start3A_540 = arith.constant 0 : i32
        %dma_start3A_541 = tpu.memref_slice %arg8[%dma_start3A_538, %dma_start3A_539, %dma_start3A_540] : memref<2x128x128xf32, #tpu.memory_space<vmem>> -> memref<1x128x128xf32, #tpu.memory_space<vmem>>
        %dma_start3A_542 = tpu.memref_squeeze %dma_start3A_541 : memref<1x128x128xf32, #tpu.memory_space<vmem>> -> memref<128x128xf32, #tpu.memory_space<vmem>>
        %dma_start3A_543 = arith.constant 0 : i32
        %dma_start3A_544 = tpu.memref_slice %arg7[%rem3A_121, %dma_start3A_536, %dma_start3A_537, %dma_start3A_543] : memref<2x2x16x128xi32, #tpu.memory_space<vmem>> -> memref<1x1x1x128xi32, #tpu.memory_space<vmem>>
        %dma_start3A_545 = tpu.memref_squeeze %dma_start3A_544 : memref<1x1x1x128xi32, #tpu.memory_space<vmem>> -> memref<128xi32, #tpu.memory_space<vmem>>
        %dma_start3A_546 = arith.constant 0 : i32
        %dma_start3A_547 = arith.constant 0 : i32
        %dma_start3A_548 = tpu.memref_slice %arg2[%dma_start3A_546, %dma_start3A_547] : memref<10240x128xf32, #tpu.memory_space<hbm>> -> memref<10240x128xf32, #tpu.memory_space<hbm>>
        tpu.enqueue_indirect_dma source(%dma_start3A_548 : memref<10240x128xf32, #tpu.memory_space<hbm>>) target(%dma_start3A_542 : memref<128x128xf32, #tpu.memory_space<vmem>>) offsets(%dma_start3A_545 : memref<128xi32, #tpu.memory_space<vmem>>) semaphore(%arg11 : memref<!tpu.dma_semaphore, #tpu.memory_space<semaphore_mem>>)
        %dma_wait3A_549 = arith.constant 0 : i32
        %dma_wait3A_550 = arith.constant 1 : i32
        %dma_wait3A_551 = arith.constant 0 : i32
        %dma_wait3A_552 = arith.constant 0 : i32
        %dma_wait3A_553 = arith.constant 0 : i32
        %dma_wait3A_554 = arith.constant 0 : i32
        %dma_wait3A_555 = tpu.memref_slice %arg8[%dma_wait3A_552, %dma_wait3A_553, %dma_wait3A_554] : memref<2x128x128xf32, #tpu.memory_space<vmem>> -> memref<1x128x128xf32, #tpu.memory_space<vmem>>
        %dma_wait3A_556 = tpu.memref_squeeze %dma_wait3A_555 : memref<1x128x128xf32, #tpu.memory_space<vmem>> -> memref<128x128xf32, #tpu.memory_space<vmem>>
        %dma_wait3A_557 = arith.constant 0 : i32
        %dma_wait3A_558 = tpu.memref_slice %arg7[%dma_wait3A_549, %dma_wait3A_550, %dma_wait3A_551, %dma_wait3A_557] : memref<2x2x16x128xi32, #tpu.memory_space<vmem>> -> memref<1x1x1x128xi32, #tpu.memory_space<vmem>>
        %dma_wait3A_559 = tpu.memref_squeeze %dma_wait3A_558 : memref<1x1x1x128xi32, #tpu.memory_space<vmem>> -> memref<128xi32, #tpu.memory_space<vmem>>
        %dma_wait3A_560 = arith.constant 0 : i32
        %dma_wait3A_561 = arith.constant 0 : i32
        %dma_wait3A_562 = tpu.memref_slice %arg2[%dma_wait3A_560, %dma_wait3A_561] : memref<10240x128xf32, #tpu.memory_space<hbm>> -> memref<10240x128xf32, #tpu.memory_space<hbm>>
        tpu.wait_indirect_dma semaphore(%arg10 : memref<!tpu.dma_semaphore, #tpu.memory_space<semaphore_mem>>) src(%dma_wait3A_562 : memref<10240x128xf32, #tpu.memory_space<hbm>>) dst(%dma_wait3A_556 : memref<128x128xf32, #tpu.memory_space<vmem>>)
        %run_scoped3A_563 = arith.constant 0 : i32
        %run_scoped3A_564 = arith.constant 0 : i32
        %run_scoped3A_565 = arith.constant 14 : i32
        "tpu.region"() ({
          %run_scoped3A_598 = tpu.sem_alloc : memref<!tpu.dma_semaphore, #tpu.memory_space<semaphore_mem>>
          %dma_start3A_599 = arith.constant 0 : i32
          %dma_start3A_600 = arith.constant 0 : i32
          %dma_start3A_601 = tpu.memref_slice %arg8[%run_scoped3A_563, %dma_start3A_599, %dma_start3A_600] : memref<2x128x128xf32, #tpu.memory_space<vmem>> -> memref<1x128x128xf32, #tpu.memory_space<vmem>>
          %dma_start3A_602 = tpu.memref_squeeze %dma_start3A_601 : memref<1x128x128xf32, #tpu.memory_space<vmem>> -> memref<128x128xf32, #tpu.memory_space<vmem>>
          %dma_start3A_603 = arith.constant 0 : i32
          %dma_start3A_604 = tpu.memref_slice %arg7[%rem3A_121, %run_scoped3A_564, %run_scoped3A_565, %dma_start3A_603] : memref<2x2x16x128xi32, #tpu.memory_space<vmem>> -> memref<1x1x1x128xi32, #tpu.memory_space<vmem>>
          %dma_start3A_605 = tpu.memref_squeeze %dma_start3A_604 : memref<1x1x1x128xi32, #tpu.memory_space<vmem>> -> memref<128xi32, #tpu.memory_space<vmem>>
          %dma_start3A_606 = arith.constant 0 : i32
          %dma_start3A_607 = arith.constant 0 : i32
          %dma_start3A_608 = tpu.memref_slice %arg9[%dma_start3A_606, %dma_start3A_607] : memref<10240x128xf32, #tpu.memory_space<vmem_shared>> -> memref<10240x128xf32, #tpu.memory_space<vmem_shared>>
          tpu.enqueue_indirect_dma source(%dma_start3A_602 : memref<128x128xf32, #tpu.memory_space<vmem>>) target(%dma_start3A_608 : memref<10240x128xf32, #tpu.memory_space<vmem_shared>>) offsets(%dma_start3A_605 : memref<128xi32, #tpu.memory_space<vmem>>) semaphore(%run_scoped3A_598 : memref<!tpu.dma_semaphore, #tpu.memory_space<semaphore_mem>>) {add = true}
          %dma_wait3A_609 = arith.constant 0 : i32
          %dma_wait3A_610 = arith.constant 0 : i32
          %dma_wait3A_611 = tpu.memref_slice %arg8[%run_scoped3A_563, %dma_wait3A_609, %dma_wait3A_610] : memref<2x128x128xf32, #tpu.memory_space<vmem>> -> memref<1x128x128xf32, #tpu.memory_space<vmem>>
          %dma_wait3A_612 = tpu.memref_squeeze %dma_wait3A_611 : memref<1x128x128xf32, #tpu.memory_space<vmem>> -> memref<128x128xf32, #tpu.memory_space<vmem>>
          %dma_wait3A_613 = arith.constant 0 : i32
          %dma_wait3A_614 = tpu.memref_slice %arg7[%rem3A_121, %run_scoped3A_564, %run_scoped3A_565, %dma_wait3A_613] : memref<2x2x16x128xi32, #tpu.memory_space<vmem>> -> memref<1x1x1x128xi32, #tpu.memory_space<vmem>>
          %dma_wait3A_615 = tpu.memref_squeeze %dma_wait3A_614 : memref<1x1x1x128xi32, #tpu.memory_space<vmem>> -> memref<128xi32, #tpu.memory_space<vmem>>
          %dma_wait3A_616 = arith.constant 0 : i32
          %dma_wait3A_617 = arith.constant 0 : i32
          %dma_wait3A_618 = tpu.memref_slice %arg9[%dma_wait3A_616, %dma_wait3A_617] : memref<10240x128xf32, #tpu.memory_space<vmem_shared>> -> memref<10240x128xf32, #tpu.memory_space<vmem_shared>>
          tpu.wait_indirect_dma semaphore(%run_scoped3A_598 : memref<!tpu.dma_semaphore, #tpu.memory_space<semaphore_mem>>) src(%dma_wait3A_612 : memref<128x128xf32, #tpu.memory_space<vmem>>) dst(%dma_wait3A_618 : memref<10240x128xf32, #tpu.memory_space<vmem_shared>>)
          tpu.yield
        }) : () -> ()
        %add3A_566 = arith.constant 1 : i32
        %add3A_567 = arith.addi %scan3A_119, %add3A_566 : i32
        %lt3A_568 = arith.constant 10 : i32
        %lt3A_569 = arith.cmpi slt, %add3A_567, %lt3A_568 : i32
        %convert_element_type3A_570 = arith.extui %lt3A_569 : i1 to i32
        %cond3A_571 = arith.constant 0 : i32
        %cond3A_572 = arith.cmpi ne, %convert_element_type3A_570, %cond3A_571 : i32
        scf.if %cond3A_572 {
          %add3A_598 = arith.constant 0 : i32
          %add3A_599 = arith.addi %mul3A_47, %add3A_598 : i32
          %dma_wait3A_600 = arith.constant 0 : i32
          %dma_wait3A_601 = arith.constant 0 : i32
          %dma_wait3A_602 = arith.constant 0 : i32
          %dma_wait3A_603 = tpu.memref_slice %arg7[%sub3A_122, %dma_wait3A_600, %dma_wait3A_601, %dma_wait3A_602] : memref<2x2x16x128xi32, #tpu.memory_space<vmem>> -> memref<1x2x16x128xi32, #tpu.memory_space<vmem>>
          %dma_wait3A_604 = tpu.memref_squeeze %dma_wait3A_603 : memref<1x2x16x128xi32, #tpu.memory_space<vmem>> -> memref<2x16x128xi32, #tpu.memory_space<vmem>>
          %dma_wait3A_605 = arith.constant 0 : i32
          %dma_wait3A_606 = arith.constant 0 : i32
          %dma_wait3A_607 = tpu.memref_slice %arg4[%dma_wait3A_605, %add3A_599, %dma_wait3A_606] : memref<2x2560x128xi32, #tpu.memory_space<hbm>> -> memref<2x16x128xi32, #tpu.memory_space<hbm>>
          %dma_wait3A_608 = arith.constant 0 : i32
          %dma_wait3A_609 = arith.constant 0 : i32
          %dma_wait3A_610 = arith.constant 0 : i32
          %dma_wait3A_611 = tpu.memref_slice %arg7[%sub3A_122, %dma_wait3A_608, %dma_wait3A_609, %dma_wait3A_610] : memref<2x2x16x128xi32, #tpu.memory_space<vmem>> -> memref<1x2x16x128xi32, #tpu.memory_space<vmem>>
          %dma_wait3A_612 = tpu.memref_squeeze %dma_wait3A_611 : memref<1x2x16x128xi32, #tpu.memory_space<vmem>> -> memref<2x16x128xi32, #tpu.memory_space<vmem>>
          %dma_wait3A_613 = arith.constant 0 : i32
          %dma_wait3A_614 = arith.constant 0 : i32
          %dma_wait3A_615 = tpu.memref_slice %arg4[%dma_wait3A_613, %add3A_599, %dma_wait3A_614] : memref<2x2560x128xi32, #tpu.memory_space<hbm>> -> memref<2x16x128xi32, #tpu.memory_space<hbm>>
          tpu.wait_dma2 semaphore(%arg12 : memref<!tpu.dma_semaphore, #tpu.memory_space<semaphore_mem>>) src(%dma_wait3A_615 : memref<2x16x128xi32, #tpu.memory_space<hbm>>) dst(%dma_wait3A_612 : memref<2x16x128xi32, #tpu.memory_space<vmem>>)
          %dma_start3A_616 = arith.constant 1 : i32
          %dma_start3A_617 = arith.constant 0 : i32
          %dma_start3A_618 = arith.constant 0 : i32
          %dma_start3A_619 = arith.constant 0 : i32
          %dma_start3A_620 = arith.constant 0 : i32
          %dma_start3A_621 = tpu.memref_slice %arg8[%dma_start3A_618, %dma_start3A_619, %dma_start3A_620] : memref<2x128x128xf32, #tpu.memory_space<vmem>> -> memref<1x128x128xf32, #tpu.memory_space<vmem>>
          %dma_start3A_622 = tpu.memref_squeeze %dma_start3A_621 : memref<1x128x128xf32, #tpu.memory_space<vmem>> -> memref<128x128xf32, #tpu.memory_space<vmem>>
          %dma_start3A_623 = arith.constant 0 : i32
          %dma_start3A_624 = tpu.memref_slice %arg7[%sub3A_122, %dma_start3A_616, %dma_start3A_617, %dma_start3A_623] : memref<2x2x16x128xi32, #tpu.memory_space<vmem>> -> memref<1x1x1x128xi32, #tpu.memory_space<vmem>>
          %dma_start3A_625 = tpu.memref_squeeze %dma_start3A_624 : memref<1x1x1x128xi32, #tpu.memory_space<vmem>> -> memref<128xi32, #tpu.memory_space<vmem>>
          %dma_start3A_626 = arith.constant 0 : i32
          %dma_start3A_627 = arith.constant 0 : i32
          %dma_start3A_628 = tpu.memref_slice %arg2[%dma_start3A_626, %dma_start3A_627] : memref<10240x128xf32, #tpu.memory_space<hbm>> -> memref<10240x128xf32, #tpu.memory_space<hbm>>
          tpu.enqueue_indirect_dma source(%dma_start3A_628 : memref<10240x128xf32, #tpu.memory_space<hbm>>) target(%dma_start3A_622 : memref<128x128xf32, #tpu.memory_space<vmem>>) offsets(%dma_start3A_625 : memref<128xi32, #tpu.memory_space<vmem>>) semaphore(%arg10 : memref<!tpu.dma_semaphore, #tpu.memory_space<semaphore_mem>>)
        } else {
        }
        %dma_wait3A_573 = arith.constant 0 : i32
        %dma_wait3A_574 = arith.constant 1 : i32
        %dma_wait3A_575 = arith.constant 0 : i32
        %dma_wait3A_576 = arith.constant 1 : i32
        %dma_wait3A_577 = arith.constant 0 : i32
        %dma_wait3A_578 = arith.constant 0 : i32
        %dma_wait3A_579 = tpu.memref_slice %arg8[%dma_wait3A_576, %dma_wait3A_577, %dma_wait3A_578] : memref<2x128x128xf32, #tpu.memory_space<vmem>> -> memref<1x128x128xf32, #tpu.memory_space<vmem>>
        %dma_wait3A_580 = tpu.memref_squeeze %dma_wait3A_579 : memref<1x128x128xf32, #tpu.memory_space<vmem>> -> memref<128x128xf32, #tpu.memory_space<vmem>>
        %dma_wait3A_581 = arith.constant 0 : i32
        %dma_wait3A_582 = tpu.memref_slice %arg7[%dma_wait3A_573, %dma_wait3A_574, %dma_wait3A_575, %dma_wait3A_581] : memref<2x2x16x128xi32, #tpu.memory_space<vmem>> -> memref<1x1x1x128xi32, #tpu.memory_space<vmem>>
        %dma_wait3A_583 = tpu.memref_squeeze %dma_wait3A_582 : memref<1x1x1x128xi32, #tpu.memory_space<vmem>> -> memref<128xi32, #tpu.memory_space<vmem>>
        %dma_wait3A_584 = arith.constant 0 : i32
        %dma_wait3A_585 = arith.constant 0 : i32
        %dma_wait3A_586 = tpu.memref_slice %arg2[%dma_wait3A_584, %dma_wait3A_585] : memref<10240x128xf32, #tpu.memory_space<hbm>> -> memref<10240x128xf32, #tpu.memory_space<hbm>>
        tpu.wait_indirect_dma semaphore(%arg11 : memref<!tpu.dma_semaphore, #tpu.memory_space<semaphore_mem>>) src(%dma_wait3A_586 : memref<10240x128xf32, #tpu.memory_space<hbm>>) dst(%dma_wait3A_580 : memref<128x128xf32, #tpu.memory_space<vmem>>)
        %run_scoped3A_587 = arith.constant 1 : i32
        %run_scoped3A_588 = arith.constant 0 : i32
        %run_scoped3A_589 = arith.constant 15 : i32
        "tpu.region"() ({
          %run_scoped3A_598 = tpu.sem_alloc : memref<!tpu.dma_semaphore, #tpu.memory_space<semaphore_mem>>
          %dma_start3A_599 = arith.constant 0 : i32
          %dma_start3A_600 = arith.constant 0 : i32
          %dma_start3A_601 = tpu.memref_slice %arg8[%run_scoped3A_587, %dma_start3A_599, %dma_start3A_600] : memref<2x128x128xf32, #tpu.memory_space<vmem>> -> memref<1x128x128xf32, #tpu.memory_space<vmem>>
          %dma_start3A_602 = tpu.memref_squeeze %dma_start3A_601 : memref<1x128x128xf32, #tpu.memory_space<vmem>> -> memref<128x128xf32, #tpu.memory_space<vmem>>
          %dma_start3A_603 = arith.constant 0 : i32
          %dma_start3A_604 = tpu.memref_slice %arg7[%rem3A_121, %run_scoped3A_588, %run_scoped3A_589, %dma_start3A_603] : memref<2x2x16x128xi32, #tpu.memory_space<vmem>> -> memref<1x1x1x128xi32, #tpu.memory_space<vmem>>
          %dma_start3A_605 = tpu.memref_squeeze %dma_start3A_604 : memref<1x1x1x128xi32, #tpu.memory_space<vmem>> -> memref<128xi32, #tpu.memory_space<vmem>>
          %dma_start3A_606 = arith.constant 0 : i32
          %dma_start3A_607 = arith.constant 0 : i32
          %dma_start3A_608 = tpu.memref_slice %arg9[%dma_start3A_606, %dma_start3A_607] : memref<10240x128xf32, #tpu.memory_space<vmem_shared>> -> memref<10240x128xf32, #tpu.memory_space<vmem_shared>>
          tpu.enqueue_indirect_dma source(%dma_start3A_602 : memref<128x128xf32, #tpu.memory_space<vmem>>) target(%dma_start3A_608 : memref<10240x128xf32, #tpu.memory_space<vmem_shared>>) offsets(%dma_start3A_605 : memref<128xi32, #tpu.memory_space<vmem>>) semaphore(%run_scoped3A_598 : memref<!tpu.dma_semaphore, #tpu.memory_space<semaphore_mem>>) {add = true}
          %dma_wait3A_609 = arith.constant 0 : i32
          %dma_wait3A_610 = arith.constant 0 : i32
          %dma_wait3A_611 = tpu.memref_slice %arg8[%run_scoped3A_587, %dma_wait3A_609, %dma_wait3A_610] : memref<2x128x128xf32, #tpu.memory_space<vmem>> -> memref<1x128x128xf32, #tpu.memory_space<vmem>>
          %dma_wait3A_612 = tpu.memref_squeeze %dma_wait3A_611 : memref<1x128x128xf32, #tpu.memory_space<vmem>> -> memref<128x128xf32, #tpu.memory_space<vmem>>
          %dma_wait3A_613 = arith.constant 0 : i32
          %dma_wait3A_614 = tpu.memref_slice %arg7[%rem3A_121, %run_scoped3A_588, %run_scoped3A_589, %dma_wait3A_613] : memref<2x2x16x128xi32, #tpu.memory_space<vmem>> -> memref<1x1x1x128xi32, #tpu.memory_space<vmem>>
          %dma_wait3A_615 = tpu.memref_squeeze %dma_wait3A_614 : memref<1x1x1x128xi32, #tpu.memory_space<vmem>> -> memref<128xi32, #tpu.memory_space<vmem>>
          %dma_wait3A_616 = arith.constant 0 : i32
          %dma_wait3A_617 = arith.constant 0 : i32
          %dma_wait3A_618 = tpu.memref_slice %arg9[%dma_wait3A_616, %dma_wait3A_617] : memref<10240x128xf32, #tpu.memory_space<vmem_shared>> -> memref<10240x128xf32, #tpu.memory_space<vmem_shared>>
          tpu.wait_indirect_dma semaphore(%run_scoped3A_598 : memref<!tpu.dma_semaphore, #tpu.memory_space<semaphore_mem>>) src(%dma_wait3A_612 : memref<128x128xf32, #tpu.memory_space<vmem>>) dst(%dma_wait3A_618 : memref<10240x128xf32, #tpu.memory_space<vmem_shared>>)
          tpu.yield
        }) : () -> ()
        %add3A_590 = arith.constant 1 : i32
        %add3A_591 = arith.addi %scan3A_119, %add3A_590 : i32
        %lt3A_592 = arith.constant 10 : i32
        %lt3A_593 = arith.cmpi slt, %add3A_591, %lt3A_592 : i32
        %convert_element_type3A_594 = arith.extui %lt3A_593 : i1 to i32
        %cond3A_595 = arith.constant 0 : i32
        %cond3A_596 = arith.cmpi ne, %convert_element_type3A_594, %cond3A_595 : i32
        scf.if %cond3A_596 {
          %dma_start3A_598 = arith.constant 1 : i32
          %dma_start3A_599 = arith.constant 1 : i32
          %dma_start3A_600 = arith.constant 1 : i32
          %dma_start3A_601 = arith.constant 0 : i32
          %dma_start3A_602 = arith.constant 0 : i32
          %dma_start3A_603 = tpu.memref_slice %arg8[%dma_start3A_600, %dma_start3A_601, %dma_start3A_602] : memref<2x128x128xf32, #tpu.memory_space<vmem>> -> memref<1x128x128xf32, #tpu.memory_space<vmem>>
          %dma_start3A_604 = tpu.memref_squeeze %dma_start3A_603 : memref<1x128x128xf32, #tpu.memory_space<vmem>> -> memref<128x128xf32, #tpu.memory_space<vmem>>
          %dma_start3A_605 = arith.constant 0 : i32
          %dma_start3A_606 = tpu.memref_slice %arg7[%sub3A_122, %dma_start3A_598, %dma_start3A_599, %dma_start3A_605] : memref<2x2x16x128xi32, #tpu.memory_space<vmem>> -> memref<1x1x1x128xi32, #tpu.memory_space<vmem>>
          %dma_start3A_607 = tpu.memref_squeeze %dma_start3A_606 : memref<1x1x1x128xi32, #tpu.memory_space<vmem>> -> memref<128xi32, #tpu.memory_space<vmem>>
          %dma_start3A_608 = arith.constant 0 : i32
          %dma_start3A_609 = arith.constant 0 : i32
          %dma_start3A_610 = tpu.memref_slice %arg2[%dma_start3A_608, %dma_start3A_609] : memref<10240x128xf32, #tpu.memory_space<hbm>> -> memref<10240x128xf32, #tpu.memory_space<hbm>>
          tpu.enqueue_indirect_dma source(%dma_start3A_610 : memref<10240x128xf32, #tpu.memory_space<hbm>>) target(%dma_start3A_604 : memref<128x128xf32, #tpu.memory_space<vmem>>) offsets(%dma_start3A_607 : memref<128xi32, #tpu.memory_space<vmem>>) semaphore(%arg11 : memref<!tpu.dma_semaphore, #tpu.memory_space<semaphore_mem>>)
        } else {
        }
        %scan3A_597 = arith.constant 0 : i32
        scf.yield %scan3A_597 : i32
      }
      %scan3A_118 = arith.constant 10 : i32
    } else {
    }
    %eq3A_30 = arith.constant 1 : i32
    %eq3A_31 = arith.cmpi eq, %arg0, %eq3A_30 : i32
    %convert_element_type3A_32 = arith.extui %eq3A_31 : i1 to i32
    %cond3A_33 = arith.constant 0 : i32
    %cond3A_34 = arith.cmpi ne, %convert_element_type3A_32, %cond3A_33 : i32
    scf.if %cond3A_34 {
      %mul3A_46 = arith.constant 160 : i32
      %mul3A_47 = arith.muli %arg1, %mul3A_46 : i32
      %add3A_48 = arith.constant 0 : i32
      %add3A_49 = arith.addi %mul3A_47, %add3A_48 : i32
      %dma_start3A = arith.constant 0 : i32
      %dma_start3A_50 = arith.constant 0 : i32
      %dma_start3A_51 = arith.constant 0 : i32
      %dma_start3A_52 = arith.constant 0 : i32
      %dma_start3A_53 = tpu.memref_slice %arg7[%dma_start3A, %dma_start3A_50, %dma_start3A_51, %dma_start3A_52] : memref<2x2x16x128xi32, #tpu.memory_space<vmem>> -> memref<1x2x16x128xi32, #tpu.memory_space<vmem>>
      %dma_start3A_54 = tpu.memref_squeeze %dma_start3A_53 : memref<1x2x16x128xi32, #tpu.memory_space<vmem>> -> memref<2x16x128xi32, #tpu.memory_space<vmem>>
      %dma_start3A_55 = arith.constant 0 : i32
      %dma_start3A_56 = arith.constant 0 : i32
      %dma_start3A_57 = tpu.memref_slice %arg4[%dma_start3A_55, %add3A_49, %dma_start3A_56] : memref<2x2560x128xi32, #tpu.memory_space<hbm>> -> memref<2x16x128xi32, #tpu.memory_space<hbm>>
      %dma_start3A_58 = arith.constant 0 : i32
      %dma_start3A_59 = arith.constant 0 : i32
      %dma_start3A_60 = arith.constant 0 : i32
      %dma_start3A_61 = tpu.memref_slice %arg7[%dma_start3A, %dma_start3A_58, %dma_start3A_59, %dma_start3A_60] : memref<2x2x16x128xi32, #tpu.memory_space<vmem>> -> memref<1x2x16x128xi32, #tpu.memory_space<vmem>>
      %dma_start3A_62 = tpu.memref_squeeze %dma_start3A_61 : memref<1x2x16x128xi32, #tpu.memory_space<vmem>> -> memref<2x16x128xi32, #tpu.memory_space<vmem>>
      %dma_start3A_63 = arith.constant 0 : i32
      %dma_start3A_64 = arith.constant 0 : i32
      %dma_start3A_65 = tpu.memref_slice %arg4[%dma_start3A_63, %add3A_49, %dma_start3A_64] : memref<2x2560x128xi32, #tpu.memory_space<hbm>> -> memref<2x16x128xi32, #tpu.memory_space<hbm>>
      tpu.enqueue_dma source(%dma_start3A_65 : memref<2x16x128xi32, #tpu.memory_space<hbm>>) target(%dma_start3A_62 : memref<2x16x128xi32, #tpu.memory_space<vmem>>) target_semaphore(%arg12 : memref<!tpu.dma_semaphore, #tpu.memory_space<semaphore_mem>>)
      %add3A_66 = arith.constant 0 : i32
      %add3A_67 = arith.addi %mul3A_47, %add3A_66 : i32
      %dma_wait3A = arith.constant 0 : i32
      %dma_wait3A_68 = arith.constant 0 : i32
      %dma_wait3A_69 = arith.constant 0 : i32
      %dma_wait3A_70 = arith.constant 0 : i32
      %dma_wait3A_71 = tpu.memref_slice %arg7[%dma_wait3A, %dma_wait3A_68, %dma_wait3A_69, %dma_wait3A_70] : memref<2x2x16x128xi32, #tpu.memory_space<vmem>> -> memref<1x2x16x128xi32, #tpu.memory_space<vmem>>
      %dma_wait3A_72 = tpu.memref_squeeze %dma_wait3A_71 : memref<1x2x16x128xi32, #tpu.memory_space<vmem>> -> memref<2x16x128xi32, #tpu.memory_space<vmem>>
      %dma_wait3A_73 = arith.constant 0 : i32
      %dma_wait3A_74 = arith.constant 0 : i32
      %dma_wait3A_75 = tpu.memref_slice %arg4[%dma_wait3A_73, %add3A_67, %dma_wait3A_74] : memref<2x2560x128xi32, #tpu.memory_space<hbm>> -> memref<2x16x128xi32, #tpu.memory_space<hbm>>
      %dma_wait3A_76 = arith.constant 0 : i32
      %dma_wait3A_77 = arith.constant 0 : i32
      %dma_wait3A_78 = arith.constant 0 : i32
      %dma_wait3A_79 = tpu.memref_slice %arg7[%dma_wait3A, %dma_wait3A_76, %dma_wait3A_77, %dma_wait3A_78] : memref<2x2x16x128xi32, #tpu.memory_space<vmem>> -> memref<1x2x16x128xi32, #tpu.memory_space<vmem>>
      %dma_wait3A_80 = tpu.memref_squeeze %dma_wait3A_79 : memref<1x2x16x128xi32, #tpu.memory_space<vmem>> -> memref<2x16x128xi32, #tpu.memory_space<vmem>>
      %dma_wait3A_81 = arith.constant 0 : i32
      %dma_wait3A_82 = arith.constant 0 : i32
      %dma_wait3A_83 = tpu.memref_slice %arg4[%dma_wait3A_81, %add3A_67, %dma_wait3A_82] : memref<2x2560x128xi32, #tpu.memory_space<hbm>> -> memref<2x16x128xi32, #tpu.memory_space<hbm>>
      tpu.wait_dma2 semaphore(%arg12 : memref<!tpu.dma_semaphore, #tpu.memory_space<semaphore_mem>>) src(%dma_wait3A_83 : memref<2x16x128xi32, #tpu.memory_space<hbm>>) dst(%dma_wait3A_80 : memref<2x16x128xi32, #tpu.memory_space<vmem>>)
      %dma_start3A_84 = arith.constant 0 : i32
      %dma_start3A_85 = arith.constant 0 : i32
      %dma_start3A_86 = arith.constant 0 : i32
      %dma_start3A_87 = arith.constant 0 : i32
      %dma_start3A_88 = arith.constant 0 : i32
      %dma_start3A_89 = arith.constant 0 : i32
      %dma_start3A_90 = tpu.memref_slice %arg8[%dma_start3A_87, %dma_start3A_88, %dma_start3A_89] : memref<2x128x128xf32, #tpu.memory_space<vmem>> -> memref<1x128x128xf32, #tpu.memory_space<vmem>>
      %dma_start3A_91 = tpu.memref_squeeze %dma_start3A_90 : memref<1x128x128xf32, #tpu.memory_space<vmem>> -> memref<128x128xf32, #tpu.memory_space<vmem>>
      %dma_start3A_92 = arith.constant 0 : i32
      %dma_start3A_93 = tpu.memref_slice %arg7[%dma_start3A_84, %dma_start3A_85, %dma_start3A_86, %dma_start3A_92] : memref<2x2x16x128xi32, #tpu.memory_space<vmem>> -> memref<1x1x1x128xi32, #tpu.memory_space<vmem>>
      %dma_start3A_94 = tpu.memref_squeeze %dma_start3A_93 : memref<1x1x1x128xi32, #tpu.memory_space<vmem>> -> memref<128xi32, #tpu.memory_space<vmem>>
      %dma_start3A_95 = arith.constant 0 : i32
      %dma_start3A_96 = arith.constant 0 : i32
      %dma_start3A_97 = tpu.memref_slice %arg3[%dma_start3A_95, %dma_start3A_96] : memref<10240x128xf32, #tpu.memory_space<hbm>> -> memref<10240x128xf32, #tpu.memory_space<hbm>>
      tpu.enqueue_indirect_dma source(%dma_start3A_97 : memref<10240x128xf32, #tpu.memory_space<hbm>>) target(%dma_start3A_91 : memref<128x128xf32, #tpu.memory_space<vmem>>) offsets(%dma_start3A_94 : memref<128xi32, #tpu.memory_space<vmem>>) semaphore(%arg10 : memref<!tpu.dma_semaphore, #tpu.memory_space<semaphore_mem>>)
      %dma_start3A_98 = arith.constant 0 : i32
      %dma_start3A_99 = arith.constant 0 : i32
      %dma_start3A_100 = arith.constant 1 : i32
      %dma_start3A_101 = arith.constant 1 : i32
      %dma_start3A_102 = arith.constant 0 : i32
      %dma_start3A_103 = arith.constant 0 : i32
      %dma_start3A_104 = tpu.memref_slice %arg8[%dma_start3A_101, %dma_start3A_102, %dma_start3A_103] : memref<2x128x128xf32, #tpu.memory_space<vmem>> -> memref<1x128x128xf32, #tpu.memory_space<vmem>>
      %dma_start3A_105 = tpu.memref_squeeze %dma_start3A_104 : memref<1x128x128xf32, #tpu.memory_space<vmem>> -> memref<128x128xf32, #tpu.memory_space<vmem>>
      %dma_start3A_106 = arith.constant 0 : i32
      %dma_start3A_107 = tpu.memref_slice %arg7[%dma_start3A_98, %dma_start3A_99, %dma_start3A_100, %dma_start3A_106] : memref<2x2x16x128xi32, #tpu.memory_space<vmem>> -> memref<1x1x1x128xi32, #tpu.memory_space<vmem>>
      %dma_start3A_108 = tpu.memref_squeeze %dma_start3A_107 : memref<1x1x1x128xi32, #tpu.memory_space<vmem>> -> memref<128xi32, #tpu.memory_space<vmem>>
      %dma_start3A_109 = arith.constant 0 : i32
      %dma_start3A_110 = arith.constant 0 : i32
      %dma_start3A_111 = tpu.memref_slice %arg3[%dma_start3A_109, %dma_start3A_110] : memref<10240x128xf32, #tpu.memory_space<hbm>> -> memref<10240x128xf32, #tpu.memory_space<hbm>>
      tpu.enqueue_indirect_dma source(%dma_start3A_111 : memref<10240x128xf32, #tpu.memory_space<hbm>>) target(%dma_start3A_105 : memref<128x128xf32, #tpu.memory_space<vmem>>) offsets(%dma_start3A_108 : memref<128xi32, #tpu.memory_space<vmem>>) semaphore(%arg11 : memref<!tpu.dma_semaphore, #tpu.memory_space<semaphore_mem>>)
      %scan3A_112 = arith.constant 0 : i32
      %scan3A_113 = arith.constant 0 : i32
      %scan3A_114 = arith.constant 10 : i32
      %scan3A_115 = arith.addi %scan3A_113, %scan3A_114 : i32
      %scan3A_116 = arith.constant 1 : i32
      %scan3A_117 = scf.for %scan3A_119 = %scan3A_113 to %scan3A_115 step %scan3A_116 iter_args(%scan3A_120 = %scan3A_112) -> (i32)  : i32 {
        %rem3A = arith.constant 2 : i32
        %rem3A_121 = arith.remsi %scan3A_119, %rem3A : i32
        %sub3A = arith.constant 1 : i32
        %sub3A_122 = arith.subi %sub3A, %rem3A_121 : i32
        %add3A_123 = arith.constant 1 : i32
        %add3A_124 = arith.addi %scan3A_119, %add3A_123 : i32
        %lt3A = arith.constant 10 : i32
        %lt3A_125 = arith.cmpi slt, %add3A_124, %lt3A : i32
        %convert_element_type3A_126 = arith.extui %lt3A_125 : i1 to i32
        %cond3A_127 = arith.constant 0 : i32
        %cond3A_128 = arith.cmpi ne, %convert_element_type3A_126, %cond3A_127 : i32
        scf.if %cond3A_128 {
          %add3A_598 = arith.constant 1 : i32
          %add3A_599 = arith.addi %scan3A_119, %add3A_598 : i32
          %mul3A_600 = arith.constant 16 : i32
          %mul3A_601 = arith.muli %add3A_599, %mul3A_600 : i32
          %add3A_602 = arith.addi %mul3A_47, %mul3A_601 : i32
          %dma_start3A_603 = arith.constant 0 : i32
          %dma_start3A_604 = arith.constant 0 : i32
          %dma_start3A_605 = arith.constant 0 : i32
          %dma_start3A_606 = tpu.memref_slice %arg7[%sub3A_122, %dma_start3A_603, %dma_start3A_604, %dma_start3A_605] : memref<2x2x16x128xi32, #tpu.memory_space<vmem>> -> memref<1x2x16x128xi32, #tpu.memory_space<vmem>>
          %dma_start3A_607 = tpu.memref_squeeze %dma_start3A_606 : memref<1x2x16x128xi32, #tpu.memory_space<vmem>> -> memref<2x16x128xi32, #tpu.memory_space<vmem>>
          %dma_start3A_608 = arith.constant 0 : i32
          %dma_start3A_609 = arith.constant 0 : i32
          %dma_start3A_610 = tpu.memref_slice %arg4[%dma_start3A_608, %add3A_602, %dma_start3A_609] : memref<2x2560x128xi32, #tpu.memory_space<hbm>> -> memref<2x16x128xi32, #tpu.memory_space<hbm>>
          %dma_start3A_611 = arith.constant 0 : i32
          %dma_start3A_612 = arith.constant 0 : i32
          %dma_start3A_613 = arith.constant 0 : i32
          %dma_start3A_614 = tpu.memref_slice %arg7[%sub3A_122, %dma_start3A_611, %dma_start3A_612, %dma_start3A_613] : memref<2x2x16x128xi32, #tpu.memory_space<vmem>> -> memref<1x2x16x128xi32, #tpu.memory_space<vmem>>
          %dma_start3A_615 = tpu.memref_squeeze %dma_start3A_614 : memref<1x2x16x128xi32, #tpu.memory_space<vmem>> -> memref<2x16x128xi32, #tpu.memory_space<vmem>>
          %dma_start3A_616 = arith.constant 0 : i32
          %dma_start3A_617 = arith.constant 0 : i32
          %dma_start3A_618 = tpu.memref_slice %arg4[%dma_start3A_616, %add3A_602, %dma_start3A_617] : memref<2x2560x128xi32, #tpu.memory_space<hbm>> -> memref<2x16x128xi32, #tpu.memory_space<hbm>>
          tpu.enqueue_dma source(%dma_start3A_618 : memref<2x16x128xi32, #tpu.memory_space<hbm>>) target(%dma_start3A_615 : memref<2x16x128xi32, #tpu.memory_space<vmem>>) target_semaphore(%arg12 : memref<!tpu.dma_semaphore, #tpu.memory_space<semaphore_mem>>)
        } else {
        }
        %dma_wait3A_129 = arith.constant 0 : i32
        %dma_wait3A_130 = arith.constant 0 : i32
        %dma_wait3A_131 = arith.constant 0 : i32
        %dma_wait3A_132 = arith.constant 0 : i32
        %dma_wait3A_133 = arith.constant 0 : i32
        %dma_wait3A_134 = arith.constant 0 : i32
        %dma_wait3A_135 = tpu.memref_slice %arg8[%dma_wait3A_132, %dma_wait3A_133, %dma_wait3A_134] : memref<2x128x128xf32, #tpu.memory_space<vmem>> -> memref<1x128x128xf32, #tpu.memory_space<vmem>>
        %dma_wait3A_136 = tpu.memref_squeeze %dma_wait3A_135 : memref<1x128x128xf32, #tpu.memory_space<vmem>> -> memref<128x128xf32, #tpu.memory_space<vmem>>
        %dma_wait3A_137 = arith.constant 0 : i32
        %dma_wait3A_138 = tpu.memref_slice %arg7[%dma_wait3A_129, %dma_wait3A_130, %dma_wait3A_131, %dma_wait3A_137] : memref<2x2x16x128xi32, #tpu.memory_space<vmem>> -> memref<1x1x1x128xi32, #tpu.memory_space<vmem>>
        %dma_wait3A_139 = tpu.memref_squeeze %dma_wait3A_138 : memref<1x1x1x128xi32, #tpu.memory_space<vmem>> -> memref<128xi32, #tpu.memory_space<vmem>>
        %dma_wait3A_140 = arith.constant 0 : i32
        %dma_wait3A_141 = arith.constant 0 : i32
        %dma_wait3A_142 = tpu.memref_slice %arg3[%dma_wait3A_140, %dma_wait3A_141] : memref<10240x128xf32, #tpu.memory_space<hbm>> -> memref<10240x128xf32, #tpu.memory_space<hbm>>
        tpu.wait_indirect_dma semaphore(%arg10 : memref<!tpu.dma_semaphore, #tpu.memory_space<semaphore_mem>>) src(%dma_wait3A_142 : memref<10240x128xf32, #tpu.memory_space<hbm>>) dst(%dma_wait3A_136 : memref<128x128xf32, #tpu.memory_space<vmem>>)
        %run_scoped3A_143 = arith.constant 0 : i32
        %run_scoped3A_144 = arith.constant 1 : i32
        %run_scoped3A_145 = arith.constant 0 : i32
        "tpu.region"() ({
          %run_scoped3A_598 = tpu.sem_alloc : memref<!tpu.dma_semaphore, #tpu.memory_space<semaphore_mem>>
          %dma_start3A_599 = arith.constant 0 : i32
          %dma_start3A_600 = arith.constant 0 : i32
          %dma_start3A_601 = tpu.memref_slice %arg8[%run_scoped3A_143, %dma_start3A_599, %dma_start3A_600] : memref<2x128x128xf32, #tpu.memory_space<vmem>> -> memref<1x128x128xf32, #tpu.memory_space<vmem>>
          %dma_start3A_602 = tpu.memref_squeeze %dma_start3A_601 : memref<1x128x128xf32, #tpu.memory_space<vmem>> -> memref<128x128xf32, #tpu.memory_space<vmem>>
          %dma_start3A_603 = arith.constant 0 : i32
          %dma_start3A_604 = tpu.memref_slice %arg7[%rem3A_121, %run_scoped3A_144, %run_scoped3A_145, %dma_start3A_603] : memref<2x2x16x128xi32, #tpu.memory_space<vmem>> -> memref<1x1x1x128xi32, #tpu.memory_space<vmem>>
          %dma_start3A_605 = tpu.memref_squeeze %dma_start3A_604 : memref<1x1x1x128xi32, #tpu.memory_space<vmem>> -> memref<128xi32, #tpu.memory_space<vmem>>
          %dma_start3A_606 = arith.constant 0 : i32
          %dma_start3A_607 = arith.constant 0 : i32
          %dma_start3A_608 = tpu.memref_slice %arg9[%dma_start3A_606, %dma_start3A_607] : memref<10240x128xf32, #tpu.memory_space<vmem_shared>> -> memref<10240x128xf32, #tpu.memory_space<vmem_shared>>
          tpu.enqueue_indirect_dma source(%dma_start3A_602 : memref<128x128xf32, #tpu.memory_space<vmem>>) target(%dma_start3A_608 : memref<10240x128xf32, #tpu.memory_space<vmem_shared>>) offsets(%dma_start3A_605 : memref<128xi32, #tpu.memory_space<vmem>>) semaphore(%run_scoped3A_598 : memref<!tpu.dma_semaphore, #tpu.memory_space<semaphore_mem>>) {add = true}
          %dma_wait3A_609 = arith.constant 0 : i32
          %dma_wait3A_610 = arith.constant 0 : i32
          %dma_wait3A_611 = tpu.memref_slice %arg8[%run_scoped3A_143, %dma_wait3A_609, %dma_wait3A_610] : memref<2x128x128xf32, #tpu.memory_space<vmem>> -> memref<1x128x128xf32, #tpu.memory_space<vmem>>
          %dma_wait3A_612 = tpu.memref_squeeze %dma_wait3A_611 : memref<1x128x128xf32, #tpu.memory_space<vmem>> -> memref<128x128xf32, #tpu.memory_space<vmem>>
          %dma_wait3A_613 = arith.constant 0 : i32
          %dma_wait3A_614 = tpu.memref_slice %arg7[%rem3A_121, %run_scoped3A_144, %run_scoped3A_145, %dma_wait3A_613] : memref<2x2x16x128xi32, #tpu.memory_space<vmem>> -> memref<1x1x1x128xi32, #tpu.memory_space<vmem>>
          %dma_wait3A_615 = tpu.memref_squeeze %dma_wait3A_614 : memref<1x1x1x128xi32, #tpu.memory_space<vmem>> -> memref<128xi32, #tpu.memory_space<vmem>>
          %dma_wait3A_616 = arith.constant 0 : i32
          %dma_wait3A_617 = arith.constant 0 : i32
          %dma_wait3A_618 = tpu.memref_slice %arg9[%dma_wait3A_616, %dma_wait3A_617] : memref<10240x128xf32, #tpu.memory_space<vmem_shared>> -> memref<10240x128xf32, #tpu.memory_space<vmem_shared>>
          tpu.wait_indirect_dma semaphore(%run_scoped3A_598 : memref<!tpu.dma_semaphore, #tpu.memory_space<semaphore_mem>>) src(%dma_wait3A_612 : memref<128x128xf32, #tpu.memory_space<vmem>>) dst(%dma_wait3A_618 : memref<10240x128xf32, #tpu.memory_space<vmem_shared>>)
          tpu.yield
        }) : () -> ()
        %dma_start3A_146 = arith.constant 0 : i32
        %dma_start3A_147 = arith.constant 2 : i32
        %dma_start3A_148 = arith.constant 0 : i32
        %dma_start3A_149 = arith.constant 0 : i32
        %dma_start3A_150 = arith.constant 0 : i32
        %dma_start3A_151 = tpu.memref_slice %arg8[%dma_start3A_148, %dma_start3A_149, %dma_start3A_150] : memref<2x128x128xf32, #tpu.memory_space<vmem>> -> memref<1x128x128xf32, #tpu.memory_space<vmem>>
        %dma_start3A_152 = tpu.memref_squeeze %dma_start3A_151 : memref<1x128x128xf32, #tpu.memory_space<vmem>> -> memref<128x128xf32, #tpu.memory_space<vmem>>
        %dma_start3A_153 = arith.constant 0 : i32
        %dma_start3A_154 = tpu.memref_slice %arg7[%rem3A_121, %dma_start3A_146, %dma_start3A_147, %dma_start3A_153] : memref<2x2x16x128xi32, #tpu.memory_space<vmem>> -> memref<1x1x1x128xi32, #tpu.memory_space<vmem>>
        %dma_start3A_155 = tpu.memref_squeeze %dma_start3A_154 : memref<1x1x1x128xi32, #tpu.memory_space<vmem>> -> memref<128xi32, #tpu.memory_space<vmem>>
        %dma_start3A_156 = arith.constant 0 : i32
        %dma_start3A_157 = arith.constant 0 : i32
        %dma_start3A_158 = tpu.memref_slice %arg3[%dma_start3A_156, %dma_start3A_157] : memref<10240x128xf32, #tpu.memory_space<hbm>> -> memref<10240x128xf32, #tpu.memory_space<hbm>>
        tpu.enqueue_indirect_dma source(%dma_start3A_158 : memref<10240x128xf32, #tpu.memory_space<hbm>>) target(%dma_start3A_152 : memref<128x128xf32, #tpu.memory_space<vmem>>) offsets(%dma_start3A_155 : memref<128xi32, #tpu.memory_space<vmem>>) semaphore(%arg10 : memref<!tpu.dma_semaphore, #tpu.memory_space<semaphore_mem>>)
        %dma_wait3A_159 = arith.constant 0 : i32
        %dma_wait3A_160 = arith.constant 0 : i32
        %dma_wait3A_161 = arith.constant 0 : i32
        %dma_wait3A_162 = arith.constant 1 : i32
        %dma_wait3A_163 = arith.constant 0 : i32
        %dma_wait3A_164 = arith.constant 0 : i32
        %dma_wait3A_165 = tpu.memref_slice %arg8[%dma_wait3A_162, %dma_wait3A_163, %dma_wait3A_164] : memref<2x128x128xf32, #tpu.memory_space<vmem>> -> memref<1x128x128xf32, #tpu.memory_space<vmem>>
        %dma_wait3A_166 = tpu.memref_squeeze %dma_wait3A_165 : memref<1x128x128xf32, #tpu.memory_space<vmem>> -> memref<128x128xf32, #tpu.memory_space<vmem>>
        %dma_wait3A_167 = arith.constant 0 : i32
        %dma_wait3A_168 = tpu.memref_slice %arg7[%dma_wait3A_159, %dma_wait3A_160, %dma_wait3A_161, %dma_wait3A_167] : memref<2x2x16x128xi32, #tpu.memory_space<vmem>> -> memref<1x1x1x128xi32, #tpu.memory_space<vmem>>
        %dma_wait3A_169 = tpu.memref_squeeze %dma_wait3A_168 : memref<1x1x1x128xi32, #tpu.memory_space<vmem>> -> memref<128xi32, #tpu.memory_space<vmem>>
        %dma_wait3A_170 = arith.constant 0 : i32
        %dma_wait3A_171 = arith.constant 0 : i32
        %dma_wait3A_172 = tpu.memref_slice %arg3[%dma_wait3A_170, %dma_wait3A_171] : memref<10240x128xf32, #tpu.memory_space<hbm>> -> memref<10240x128xf32, #tpu.memory_space<hbm>>
        tpu.wait_indirect_dma semaphore(%arg11 : memref<!tpu.dma_semaphore, #tpu.memory_space<semaphore_mem>>) src(%dma_wait3A_172 : memref<10240x128xf32, #tpu.memory_space<hbm>>) dst(%dma_wait3A_166 : memref<128x128xf32, #tpu.memory_space<vmem>>)
        %run_scoped3A_173 = arith.constant 1 : i32
        %run_scoped3A_174 = arith.constant 1 : i32
        %run_scoped3A_175 = arith.constant 1 : i32
        "tpu.region"() ({
          %run_scoped3A_598 = tpu.sem_alloc : memref<!tpu.dma_semaphore, #tpu.memory_space<semaphore_mem>>
          %dma_start3A_599 = arith.constant 0 : i32
          %dma_start3A_600 = arith.constant 0 : i32
          %dma_start3A_601 = tpu.memref_slice %arg8[%run_scoped3A_173, %dma_start3A_599, %dma_start3A_600] : memref<2x128x128xf32, #tpu.memory_space<vmem>> -> memref<1x128x128xf32, #tpu.memory_space<vmem>>
          %dma_start3A_602 = tpu.memref_squeeze %dma_start3A_601 : memref<1x128x128xf32, #tpu.memory_space<vmem>> -> memref<128x128xf32, #tpu.memory_space<vmem>>
          %dma_start3A_603 = arith.constant 0 : i32
          %dma_start3A_604 = tpu.memref_slice %arg7[%rem3A_121, %run_scoped3A_174, %run_scoped3A_175, %dma_start3A_603] : memref<2x2x16x128xi32, #tpu.memory_space<vmem>> -> memref<1x1x1x128xi32, #tpu.memory_space<vmem>>
          %dma_start3A_605 = tpu.memref_squeeze %dma_start3A_604 : memref<1x1x1x128xi32, #tpu.memory_space<vmem>> -> memref<128xi32, #tpu.memory_space<vmem>>
          %dma_start3A_606 = arith.constant 0 : i32
          %dma_start3A_607 = arith.constant 0 : i32
          %dma_start3A_608 = tpu.memref_slice %arg9[%dma_start3A_606, %dma_start3A_607] : memref<10240x128xf32, #tpu.memory_space<vmem_shared>> -> memref<10240x128xf32, #tpu.memory_space<vmem_shared>>
          tpu.enqueue_indirect_dma source(%dma_start3A_602 : memref<128x128xf32, #tpu.memory_space<vmem>>) target(%dma_start3A_608 : memref<10240x128xf32, #tpu.memory_space<vmem_shared>>) offsets(%dma_start3A_605 : memref<128xi32, #tpu.memory_space<vmem>>) semaphore(%run_scoped3A_598 : memref<!tpu.dma_semaphore, #tpu.memory_space<semaphore_mem>>) {add = true}
          %dma_wait3A_609 = arith.constant 0 : i32
          %dma_wait3A_610 = arith.constant 0 : i32
          %dma_wait3A_611 = tpu.memref_slice %arg8[%run_scoped3A_173, %dma_wait3A_609, %dma_wait3A_610] : memref<2x128x128xf32, #tpu.memory_space<vmem>> -> memref<1x128x128xf32, #tpu.memory_space<vmem>>
          %dma_wait3A_612 = tpu.memref_squeeze %dma_wait3A_611 : memref<1x128x128xf32, #tpu.memory_space<vmem>> -> memref<128x128xf32, #tpu.memory_space<vmem>>
          %dma_wait3A_613 = arith.constant 0 : i32
          %dma_wait3A_614 = tpu.memref_slice %arg7[%rem3A_121, %run_scoped3A_174, %run_scoped3A_175, %dma_wait3A_613] : memref<2x2x16x128xi32, #tpu.memory_space<vmem>> -> memref<1x1x1x128xi32, #tpu.memory_space<vmem>>
          %dma_wait3A_615 = tpu.memref_squeeze %dma_wait3A_614 : memref<1x1x1x128xi32, #tpu.memory_space<vmem>> -> memref<128xi32, #tpu.memory_space<vmem>>
          %dma_wait3A_616 = arith.constant 0 : i32
          %dma_wait3A_617 = arith.constant 0 : i32
          %dma_wait3A_618 = tpu.memref_slice %arg9[%dma_wait3A_616, %dma_wait3A_617] : memref<10240x128xf32, #tpu.memory_space<vmem_shared>> -> memref<10240x128xf32, #tpu.memory_space<vmem_shared>>
          tpu.wait_indirect_dma semaphore(%run_scoped3A_598 : memref<!tpu.dma_semaphore, #tpu.memory_space<semaphore_mem>>) src(%dma_wait3A_612 : memref<128x128xf32, #tpu.memory_space<vmem>>) dst(%dma_wait3A_618 : memref<10240x128xf32, #tpu.memory_space<vmem_shared>>)
          tpu.yield
        }) : () -> ()
        %dma_start3A_176 = arith.constant 0 : i32
        %dma_start3A_177 = arith.constant 3 : i32
        %dma_start3A_178 = arith.constant 1 : i32
        %dma_start3A_179 = arith.constant 0 : i32
        %dma_start3A_180 = arith.constant 0 : i32
        %dma_start3A_181 = tpu.memref_slice %arg8[%dma_start3A_178, %dma_start3A_179, %dma_start3A_180] : memref<2x128x128xf32, #tpu.memory_space<vmem>> -> memref<1x128x128xf32, #tpu.memory_space<vmem>>
        %dma_start3A_182 = tpu.memref_squeeze %dma_start3A_181 : memref<1x128x128xf32, #tpu.memory_space<vmem>> -> memref<128x128xf32, #tpu.memory_space<vmem>>
        %dma_start3A_183 = arith.constant 0 : i32
        %dma_start3A_184 = tpu.memref_slice %arg7[%rem3A_121, %dma_start3A_176, %dma_start3A_177, %dma_start3A_183] : memref<2x2x16x128xi32, #tpu.memory_space<vmem>> -> memref<1x1x1x128xi32, #tpu.memory_space<vmem>>
        %dma_start3A_185 = tpu.memref_squeeze %dma_start3A_184 : memref<1x1x1x128xi32, #tpu.memory_space<vmem>> -> memref<128xi32, #tpu.memory_space<vmem>>
        %dma_start3A_186 = arith.constant 0 : i32
        %dma_start3A_187 = arith.constant 0 : i32
        %dma_start3A_188 = tpu.memref_slice %arg3[%dma_start3A_186, %dma_start3A_187] : memref<10240x128xf32, #tpu.memory_space<hbm>> -> memref<10240x128xf32, #tpu.memory_space<hbm>>
        tpu.enqueue_indirect_dma source(%dma_start3A_188 : memref<10240x128xf32, #tpu.memory_space<hbm>>) target(%dma_start3A_182 : memref<128x128xf32, #tpu.memory_space<vmem>>) offsets(%dma_start3A_185 : memref<128xi32, #tpu.memory_space<vmem>>) semaphore(%arg11 : memref<!tpu.dma_semaphore, #tpu.memory_space<semaphore_mem>>)
        %dma_wait3A_189 = arith.constant 0 : i32
        %dma_wait3A_190 = arith.constant 0 : i32
        %dma_wait3A_191 = arith.constant 0 : i32
        %dma_wait3A_192 = arith.constant 0 : i32
        %dma_wait3A_193 = arith.constant 0 : i32
        %dma_wait3A_194 = arith.constant 0 : i32
        %dma_wait3A_195 = tpu.memref_slice %arg8[%dma_wait3A_192, %dma_wait3A_193, %dma_wait3A_194] : memref<2x128x128xf32, #tpu.memory_space<vmem>> -> memref<1x128x128xf32, #tpu.memory_space<vmem>>
        %dma_wait3A_196 = tpu.memref_squeeze %dma_wait3A_195 : memref<1x128x128xf32, #tpu.memory_space<vmem>> -> memref<128x128xf32, #tpu.memory_space<vmem>>
        %dma_wait3A_197 = arith.constant 0 : i32
        %dma_wait3A_198 = tpu.memref_slice %arg7[%dma_wait3A_189, %dma_wait3A_190, %dma_wait3A_191, %dma_wait3A_197] : memref<2x2x16x128xi32, #tpu.memory_space<vmem>> -> memref<1x1x1x128xi32, #tpu.memory_space<vmem>>
        %dma_wait3A_199 = tpu.memref_squeeze %dma_wait3A_198 : memref<1x1x1x128xi32, #tpu.memory_space<vmem>> -> memref<128xi32, #tpu.memory_space<vmem>>
        %dma_wait3A_200 = arith.constant 0 : i32
        %dma_wait3A_201 = arith.constant 0 : i32
        %dma_wait3A_202 = tpu.memref_slice %arg3[%dma_wait3A_200, %dma_wait3A_201] : memref<10240x128xf32, #tpu.memory_space<hbm>> -> memref<10240x128xf32, #tpu.memory_space<hbm>>
        tpu.wait_indirect_dma semaphore(%arg10 : memref<!tpu.dma_semaphore, #tpu.memory_space<semaphore_mem>>) src(%dma_wait3A_202 : memref<10240x128xf32, #tpu.memory_space<hbm>>) dst(%dma_wait3A_196 : memref<128x128xf32, #tpu.memory_space<vmem>>)
        %run_scoped3A_203 = arith.constant 0 : i32
        %run_scoped3A_204 = arith.constant 1 : i32
        %run_scoped3A_205 = arith.constant 2 : i32
        "tpu.region"() ({
          %run_scoped3A_598 = tpu.sem_alloc : memref<!tpu.dma_semaphore, #tpu.memory_space<semaphore_mem>>
          %dma_start3A_599 = arith.constant 0 : i32
          %dma_start3A_600 = arith.constant 0 : i32
          %dma_start3A_601 = tpu.memref_slice %arg8[%run_scoped3A_203, %dma_start3A_599, %dma_start3A_600] : memref<2x128x128xf32, #tpu.memory_space<vmem>> -> memref<1x128x128xf32, #tpu.memory_space<vmem>>
          %dma_start3A_602 = tpu.memref_squeeze %dma_start3A_601 : memref<1x128x128xf32, #tpu.memory_space<vmem>> -> memref<128x128xf32, #tpu.memory_space<vmem>>
          %dma_start3A_603 = arith.constant 0 : i32
          %dma_start3A_604 = tpu.memref_slice %arg7[%rem3A_121, %run_scoped3A_204, %run_scoped3A_205, %dma_start3A_603] : memref<2x2x16x128xi32, #tpu.memory_space<vmem>> -> memref<1x1x1x128xi32, #tpu.memory_space<vmem>>
          %dma_start3A_605 = tpu.memref_squeeze %dma_start3A_604 : memref<1x1x1x128xi32, #tpu.memory_space<vmem>> -> memref<128xi32, #tpu.memory_space<vmem>>
          %dma_start3A_606 = arith.constant 0 : i32
          %dma_start3A_607 = arith.constant 0 : i32
          %dma_start3A_608 = tpu.memref_slice %arg9[%dma_start3A_606, %dma_start3A_607] : memref<10240x128xf32, #tpu.memory_space<vmem_shared>> -> memref<10240x128xf32, #tpu.memory_space<vmem_shared>>
          tpu.enqueue_indirect_dma source(%dma_start3A_602 : memref<128x128xf32, #tpu.memory_space<vmem>>) target(%dma_start3A_608 : memref<10240x128xf32, #tpu.memory_space<vmem_shared>>) offsets(%dma_start3A_605 : memref<128xi32, #tpu.memory_space<vmem>>) semaphore(%run_scoped3A_598 : memref<!tpu.dma_semaphore, #tpu.memory_space<semaphore_mem>>) {add = true}
          %dma_wait3A_609 = arith.constant 0 : i32
          %dma_wait3A_610 = arith.constant 0 : i32
          %dma_wait3A_611 = tpu.memref_slice %arg8[%run_scoped3A_203, %dma_wait3A_609, %dma_wait3A_610] : memref<2x128x128xf32, #tpu.memory_space<vmem>> -> memref<1x128x128xf32, #tpu.memory_space<vmem>>
          %dma_wait3A_612 = tpu.memref_squeeze %dma_wait3A_611 : memref<1x128x128xf32, #tpu.memory_space<vmem>> -> memref<128x128xf32, #tpu.memory_space<vmem>>
          %dma_wait3A_613 = arith.constant 0 : i32
          %dma_wait3A_614 = tpu.memref_slice %arg7[%rem3A_121, %run_scoped3A_204, %run_scoped3A_205, %dma_wait3A_613] : memref<2x2x16x128xi32, #tpu.memory_space<vmem>> -> memref<1x1x1x128xi32, #tpu.memory_space<vmem>>
          %dma_wait3A_615 = tpu.memref_squeeze %dma_wait3A_614 : memref<1x1x1x128xi32, #tpu.memory_space<vmem>> -> memref<128xi32, #tpu.memory_space<vmem>>
          %dma_wait3A_616 = arith.constant 0 : i32
          %dma_wait3A_617 = arith.constant 0 : i32
          %dma_wait3A_618 = tpu.memref_slice %arg9[%dma_wait3A_616, %dma_wait3A_617] : memref<10240x128xf32, #tpu.memory_space<vmem_shared>> -> memref<10240x128xf32, #tpu.memory_space<vmem_shared>>
          tpu.wait_indirect_dma semaphore(%run_scoped3A_598 : memref<!tpu.dma_semaphore, #tpu.memory_space<semaphore_mem>>) src(%dma_wait3A_612 : memref<128x128xf32, #tpu.memory_space<vmem>>) dst(%dma_wait3A_618 : memref<10240x128xf32, #tpu.memory_space<vmem_shared>>)
          tpu.yield
        }) : () -> ()
        %dma_start3A_206 = arith.constant 0 : i32
        %dma_start3A_207 = arith.constant 4 : i32
        %dma_start3A_208 = arith.constant 0 : i32
        %dma_start3A_209 = arith.constant 0 : i32
        %dma_start3A_210 = arith.constant 0 : i32
        %dma_start3A_211 = tpu.memref_slice %arg8[%dma_start3A_208, %dma_start3A_209, %dma_start3A_210] : memref<2x128x128xf32, #tpu.memory_space<vmem>> -> memref<1x128x128xf32, #tpu.memory_space<vmem>>
        %dma_start3A_212 = tpu.memref_squeeze %dma_start3A_211 : memref<1x128x128xf32, #tpu.memory_space<vmem>> -> memref<128x128xf32, #tpu.memory_space<vmem>>
        %dma_start3A_213 = arith.constant 0 : i32
        %dma_start3A_214 = tpu.memref_slice %arg7[%rem3A_121, %dma_start3A_206, %dma_start3A_207, %dma_start3A_213] : memref<2x2x16x128xi32, #tpu.memory_space<vmem>> -> memref<1x1x1x128xi32, #tpu.memory_space<vmem>>
        %dma_start3A_215 = tpu.memref_squeeze %dma_start3A_214 : memref<1x1x1x128xi32, #tpu.memory_space<vmem>> -> memref<128xi32, #tpu.memory_space<vmem>>
        %dma_start3A_216 = arith.constant 0 : i32
        %dma_start3A_217 = arith.constant 0 : i32
        %dma_start3A_218 = tpu.memref_slice %arg3[%dma_start3A_216, %dma_start3A_217] : memref<10240x128xf32, #tpu.memory_space<hbm>> -> memref<10240x128xf32, #tpu.memory_space<hbm>>
        tpu.enqueue_indirect_dma source(%dma_start3A_218 : memref<10240x128xf32, #tpu.memory_space<hbm>>) target(%dma_start3A_212 : memref<128x128xf32, #tpu.memory_space<vmem>>) offsets(%dma_start3A_215 : memref<128xi32, #tpu.memory_space<vmem>>) semaphore(%arg10 : memref<!tpu.dma_semaphore, #tpu.memory_space<semaphore_mem>>)
        %dma_wait3A_219 = arith.constant 0 : i32
        %dma_wait3A_220 = arith.constant 0 : i32
        %dma_wait3A_221 = arith.constant 0 : i32
        %dma_wait3A_222 = arith.constant 1 : i32
        %dma_wait3A_223 = arith.constant 0 : i32
        %dma_wait3A_224 = arith.constant 0 : i32
        %dma_wait3A_225 = tpu.memref_slice %arg8[%dma_wait3A_222, %dma_wait3A_223, %dma_wait3A_224] : memref<2x128x128xf32, #tpu.memory_space<vmem>> -> memref<1x128x128xf32, #tpu.memory_space<vmem>>
        %dma_wait3A_226 = tpu.memref_squeeze %dma_wait3A_225 : memref<1x128x128xf32, #tpu.memory_space<vmem>> -> memref<128x128xf32, #tpu.memory_space<vmem>>
        %dma_wait3A_227 = arith.constant 0 : i32
        %dma_wait3A_228 = tpu.memref_slice %arg7[%dma_wait3A_219, %dma_wait3A_220, %dma_wait3A_221, %dma_wait3A_227] : memref<2x2x16x128xi32, #tpu.memory_space<vmem>> -> memref<1x1x1x128xi32, #tpu.memory_space<vmem>>
        %dma_wait3A_229 = tpu.memref_squeeze %dma_wait3A_228 : memref<1x1x1x128xi32, #tpu.memory_space<vmem>> -> memref<128xi32, #tpu.memory_space<vmem>>
        %dma_wait3A_230 = arith.constant 0 : i32
        %dma_wait3A_231 = arith.constant 0 : i32
        %dma_wait3A_232 = tpu.memref_slice %arg3[%dma_wait3A_230, %dma_wait3A_231] : memref<10240x128xf32, #tpu.memory_space<hbm>> -> memref<10240x128xf32, #tpu.memory_space<hbm>>
        tpu.wait_indirect_dma semaphore(%arg11 : memref<!tpu.dma_semaphore, #tpu.memory_space<semaphore_mem>>) src(%dma_wait3A_232 : memref<10240x128xf32, #tpu.memory_space<hbm>>) dst(%dma_wait3A_226 : memref<128x128xf32, #tpu.memory_space<vmem>>)
        %run_scoped3A_233 = arith.constant 1 : i32
        %run_scoped3A_234 = arith.constant 1 : i32
        %run_scoped3A_235 = arith.constant 3 : i32
        "tpu.region"() ({
          %run_scoped3A_598 = tpu.sem_alloc : memref<!tpu.dma_semaphore, #tpu.memory_space<semaphore_mem>>
          %dma_start3A_599 = arith.constant 0 : i32
          %dma_start3A_600 = arith.constant 0 : i32
          %dma_start3A_601 = tpu.memref_slice %arg8[%run_scoped3A_233, %dma_start3A_599, %dma_start3A_600] : memref<2x128x128xf32, #tpu.memory_space<vmem>> -> memref<1x128x128xf32, #tpu.memory_space<vmem>>
          %dma_start3A_602 = tpu.memref_squeeze %dma_start3A_601 : memref<1x128x128xf32, #tpu.memory_space<vmem>> -> memref<128x128xf32, #tpu.memory_space<vmem>>
          %dma_start3A_603 = arith.constant 0 : i32
          %dma_start3A_604 = tpu.memref_slice %arg7[%rem3A_121, %run_scoped3A_234, %run_scoped3A_235, %dma_start3A_603] : memref<2x2x16x128xi32, #tpu.memory_space<vmem>> -> memref<1x1x1x128xi32, #tpu.memory_space<vmem>>
          %dma_start3A_605 = tpu.memref_squeeze %dma_start3A_604 : memref<1x1x1x128xi32, #tpu.memory_space<vmem>> -> memref<128xi32, #tpu.memory_space<vmem>>
          %dma_start3A_606 = arith.constant 0 : i32
          %dma_start3A_607 = arith.constant 0 : i32
          %dma_start3A_608 = tpu.memref_slice %arg9[%dma_start3A_606, %dma_start3A_607] : memref<10240x128xf32, #tpu.memory_space<vmem_shared>> -> memref<10240x128xf32, #tpu.memory_space<vmem_shared>>
          tpu.enqueue_indirect_dma source(%dma_start3A_602 : memref<128x128xf32, #tpu.memory_space<vmem>>) target(%dma_start3A_608 : memref<10240x128xf32, #tpu.memory_space<vmem_shared>>) offsets(%dma_start3A_605 : memref<128xi32, #tpu.memory_space<vmem>>) semaphore(%run_scoped3A_598 : memref<!tpu.dma_semaphore, #tpu.memory_space<semaphore_mem>>) {add = true}
          %dma_wait3A_609 = arith.constant 0 : i32
          %dma_wait3A_610 = arith.constant 0 : i32
          %dma_wait3A_611 = tpu.memref_slice %arg8[%run_scoped3A_233, %dma_wait3A_609, %dma_wait3A_610] : memref<2x128x128xf32, #tpu.memory_space<vmem>> -> memref<1x128x128xf32, #tpu.memory_space<vmem>>
          %dma_wait3A_612 = tpu.memref_squeeze %dma_wait3A_611 : memref<1x128x128xf32, #tpu.memory_space<vmem>> -> memref<128x128xf32, #tpu.memory_space<vmem>>
          %dma_wait3A_613 = arith.constant 0 : i32
          %dma_wait3A_614 = tpu.memref_slice %arg7[%rem3A_121, %run_scoped3A_234, %run_scoped3A_235, %dma_wait3A_613] : memref<2x2x16x128xi32, #tpu.memory_space<vmem>> -> memref<1x1x1x128xi32, #tpu.memory_space<vmem>>
          %dma_wait3A_615 = tpu.memref_squeeze %dma_wait3A_614 : memref<1x1x1x128xi32, #tpu.memory_space<vmem>> -> memref<128xi32, #tpu.memory_space<vmem>>
          %dma_wait3A_616 = arith.constant 0 : i32
          %dma_wait3A_617 = arith.constant 0 : i32
          %dma_wait3A_618 = tpu.memref_slice %arg9[%dma_wait3A_616, %dma_wait3A_617] : memref<10240x128xf32, #tpu.memory_space<vmem_shared>> -> memref<10240x128xf32, #tpu.memory_space<vmem_shared>>
          tpu.wait_indirect_dma semaphore(%run_scoped3A_598 : memref<!tpu.dma_semaphore, #tpu.memory_space<semaphore_mem>>) src(%dma_wait3A_612 : memref<128x128xf32, #tpu.memory_space<vmem>>) dst(%dma_wait3A_618 : memref<10240x128xf32, #tpu.memory_space<vmem_shared>>)
          tpu.yield
        }) : () -> ()
        %dma_start3A_236 = arith.constant 0 : i32
        %dma_start3A_237 = arith.constant 5 : i32
        %dma_start3A_238 = arith.constant 1 : i32
        %dma_start3A_239 = arith.constant 0 : i32
        %dma_start3A_240 = arith.constant 0 : i32
        %dma_start3A_241 = tpu.memref_slice %arg8[%dma_start3A_238, %dma_start3A_239, %dma_start3A_240] : memref<2x128x128xf32, #tpu.memory_space<vmem>> -> memref<1x128x128xf32, #tpu.memory_space<vmem>>
        %dma_start3A_242 = tpu.memref_squeeze %dma_start3A_241 : memref<1x128x128xf32, #tpu.memory_space<vmem>> -> memref<128x128xf32, #tpu.memory_space<vmem>>
        %dma_start3A_243 = arith.constant 0 : i32
        %dma_start3A_244 = tpu.memref_slice %arg7[%rem3A_121, %dma_start3A_236, %dma_start3A_237, %dma_start3A_243] : memref<2x2x16x128xi32, #tpu.memory_space<vmem>> -> memref<1x1x1x128xi32, #tpu.memory_space<vmem>>
        %dma_start3A_245 = tpu.memref_squeeze %dma_start3A_244 : memref<1x1x1x128xi32, #tpu.memory_space<vmem>> -> memref<128xi32, #tpu.memory_space<vmem>>
        %dma_start3A_246 = arith.constant 0 : i32
        %dma_start3A_247 = arith.constant 0 : i32
        %dma_start3A_248 = tpu.memref_slice %arg3[%dma_start3A_246, %dma_start3A_247] : memref<10240x128xf32, #tpu.memory_space<hbm>> -> memref<10240x128xf32, #tpu.memory_space<hbm>>
        tpu.enqueue_indirect_dma source(%dma_start3A_248 : memref<10240x128xf32, #tpu.memory_space<hbm>>) target(%dma_start3A_242 : memref<128x128xf32, #tpu.memory_space<vmem>>) offsets(%dma_start3A_245 : memref<128xi32, #tpu.memory_space<vmem>>) semaphore(%arg11 : memref<!tpu.dma_semaphore, #tpu.memory_space<semaphore_mem>>)
        %dma_wait3A_249 = arith.constant 0 : i32
        %dma_wait3A_250 = arith.constant 0 : i32
        %dma_wait3A_251 = arith.constant 0 : i32
        %dma_wait3A_252 = arith.constant 0 : i32
        %dma_wait3A_253 = arith.constant 0 : i32
        %dma_wait3A_254 = arith.constant 0 : i32
        %dma_wait3A_255 = tpu.memref_slice %arg8[%dma_wait3A_252, %dma_wait3A_253, %dma_wait3A_254] : memref<2x128x128xf32, #tpu.memory_space<vmem>> -> memref<1x128x128xf32, #tpu.memory_space<vmem>>
        %dma_wait3A_256 = tpu.memref_squeeze %dma_wait3A_255 : memref<1x128x128xf32, #tpu.memory_space<vmem>> -> memref<128x128xf32, #tpu.memory_space<vmem>>
        %dma_wait3A_257 = arith.constant 0 : i32
        %dma_wait3A_258 = tpu.memref_slice %arg7[%dma_wait3A_249, %dma_wait3A_250, %dma_wait3A_251, %dma_wait3A_257] : memref<2x2x16x128xi32, #tpu.memory_space<vmem>> -> memref<1x1x1x128xi32, #tpu.memory_space<vmem>>
        %dma_wait3A_259 = tpu.memref_squeeze %dma_wait3A_258 : memref<1x1x1x128xi32, #tpu.memory_space<vmem>> -> memref<128xi32, #tpu.memory_space<vmem>>
        %dma_wait3A_260 = arith.constant 0 : i32
        %dma_wait3A_261 = arith.constant 0 : i32
        %dma_wait3A_262 = tpu.memref_slice %arg3[%dma_wait3A_260, %dma_wait3A_261] : memref<10240x128xf32, #tpu.memory_space<hbm>> -> memref<10240x128xf32, #tpu.memory_space<hbm>>
        tpu.wait_indirect_dma semaphore(%arg10 : memref<!tpu.dma_semaphore, #tpu.memory_space<semaphore_mem>>) src(%dma_wait3A_262 : memref<10240x128xf32, #tpu.memory_space<hbm>>) dst(%dma_wait3A_256 : memref<128x128xf32, #tpu.memory_space<vmem>>)
        %run_scoped3A_263 = arith.constant 0 : i32
        %run_scoped3A_264 = arith.constant 1 : i32
        %run_scoped3A_265 = arith.constant 4 : i32
        "tpu.region"() ({
          %run_scoped3A_598 = tpu.sem_alloc : memref<!tpu.dma_semaphore, #tpu.memory_space<semaphore_mem>>
          %dma_start3A_599 = arith.constant 0 : i32
          %dma_start3A_600 = arith.constant 0 : i32
          %dma_start3A_601 = tpu.memref_slice %arg8[%run_scoped3A_263, %dma_start3A_599, %dma_start3A_600] : memref<2x128x128xf32, #tpu.memory_space<vmem>> -> memref<1x128x128xf32, #tpu.memory_space<vmem>>
          %dma_start3A_602 = tpu.memref_squeeze %dma_start3A_601 : memref<1x128x128xf32, #tpu.memory_space<vmem>> -> memref<128x128xf32, #tpu.memory_space<vmem>>
          %dma_start3A_603 = arith.constant 0 : i32
          %dma_start3A_604 = tpu.memref_slice %arg7[%rem3A_121, %run_scoped3A_264, %run_scoped3A_265, %dma_start3A_603] : memref<2x2x16x128xi32, #tpu.memory_space<vmem>> -> memref<1x1x1x128xi32, #tpu.memory_space<vmem>>
          %dma_start3A_605 = tpu.memref_squeeze %dma_start3A_604 : memref<1x1x1x128xi32, #tpu.memory_space<vmem>> -> memref<128xi32, #tpu.memory_space<vmem>>
          %dma_start3A_606 = arith.constant 0 : i32
          %dma_start3A_607 = arith.constant 0 : i32
          %dma_start3A_608 = tpu.memref_slice %arg9[%dma_start3A_606, %dma_start3A_607] : memref<10240x128xf32, #tpu.memory_space<vmem_shared>> -> memref<10240x128xf32, #tpu.memory_space<vmem_shared>>
          tpu.enqueue_indirect_dma source(%dma_start3A_602 : memref<128x128xf32, #tpu.memory_space<vmem>>) target(%dma_start3A_608 : memref<10240x128xf32, #tpu.memory_space<vmem_shared>>) offsets(%dma_start3A_605 : memref<128xi32, #tpu.memory_space<vmem>>) semaphore(%run_scoped3A_598 : memref<!tpu.dma_semaphore, #tpu.memory_space<semaphore_mem>>) {add = true}
          %dma_wait3A_609 = arith.constant 0 : i32
          %dma_wait3A_610 = arith.constant 0 : i32
          %dma_wait3A_611 = tpu.memref_slice %arg8[%run_scoped3A_263, %dma_wait3A_609, %dma_wait3A_610] : memref<2x128x128xf32, #tpu.memory_space<vmem>> -> memref<1x128x128xf32, #tpu.memory_space<vmem>>
          %dma_wait3A_612 = tpu.memref_squeeze %dma_wait3A_611 : memref<1x128x128xf32, #tpu.memory_space<vmem>> -> memref<128x128xf32, #tpu.memory_space<vmem>>
          %dma_wait3A_613 = arith.constant 0 : i32
          %dma_wait3A_614 = tpu.memref_slice %arg7[%rem3A_121, %run_scoped3A_264, %run_scoped3A_265, %dma_wait3A_613] : memref<2x2x16x128xi32, #tpu.memory_space<vmem>> -> memref<1x1x1x128xi32, #tpu.memory_space<vmem>>
          %dma_wait3A_615 = tpu.memref_squeeze %dma_wait3A_614 : memref<1x1x1x128xi32, #tpu.memory_space<vmem>> -> memref<128xi32, #tpu.memory_space<vmem>>
          %dma_wait3A_616 = arith.constant 0 : i32
          %dma_wait3A_617 = arith.constant 0 : i32
          %dma_wait3A_618 = tpu.memref_slice %arg9[%dma_wait3A_616, %dma_wait3A_617] : memref<10240x128xf32, #tpu.memory_space<vmem_shared>> -> memref<10240x128xf32, #tpu.memory_space<vmem_shared>>
          tpu.wait_indirect_dma semaphore(%run_scoped3A_598 : memref<!tpu.dma_semaphore, #tpu.memory_space<semaphore_mem>>) src(%dma_wait3A_612 : memref<128x128xf32, #tpu.memory_space<vmem>>) dst(%dma_wait3A_618 : memref<10240x128xf32, #tpu.memory_space<vmem_shared>>)
          tpu.yield
        }) : () -> ()
        %dma_start3A_266 = arith.constant 0 : i32
        %dma_start3A_267 = arith.constant 6 : i32
        %dma_start3A_268 = arith.constant 0 : i32
        %dma_start3A_269 = arith.constant 0 : i32
        %dma_start3A_270 = arith.constant 0 : i32
        %dma_start3A_271 = tpu.memref_slice %arg8[%dma_start3A_268, %dma_start3A_269, %dma_start3A_270] : memref<2x128x128xf32, #tpu.memory_space<vmem>> -> memref<1x128x128xf32, #tpu.memory_space<vmem>>
        %dma_start3A_272 = tpu.memref_squeeze %dma_start3A_271 : memref<1x128x128xf32, #tpu.memory_space<vmem>> -> memref<128x128xf32, #tpu.memory_space<vmem>>
        %dma_start3A_273 = arith.constant 0 : i32
        %dma_start3A_274 = tpu.memref_slice %arg7[%rem3A_121, %dma_start3A_266, %dma_start3A_267, %dma_start3A_273] : memref<2x2x16x128xi32, #tpu.memory_space<vmem>> -> memref<1x1x1x128xi32, #tpu.memory_space<vmem>>
        %dma_start3A_275 = tpu.memref_squeeze %dma_start3A_274 : memref<1x1x1x128xi32, #tpu.memory_space<vmem>> -> memref<128xi32, #tpu.memory_space<vmem>>
        %dma_start3A_276 = arith.constant 0 : i32
        %dma_start3A_277 = arith.constant 0 : i32
        %dma_start3A_278 = tpu.memref_slice %arg3[%dma_start3A_276, %dma_start3A_277] : memref<10240x128xf32, #tpu.memory_space<hbm>> -> memref<10240x128xf32, #tpu.memory_space<hbm>>
        tpu.enqueue_indirect_dma source(%dma_start3A_278 : memref<10240x128xf32, #tpu.memory_space<hbm>>) target(%dma_start3A_272 : memref<128x128xf32, #tpu.memory_space<vmem>>) offsets(%dma_start3A_275 : memref<128xi32, #tpu.memory_space<vmem>>) semaphore(%arg10 : memref<!tpu.dma_semaphore, #tpu.memory_space<semaphore_mem>>)
        %dma_wait3A_279 = arith.constant 0 : i32
        %dma_wait3A_280 = arith.constant 0 : i32
        %dma_wait3A_281 = arith.constant 0 : i32
        %dma_wait3A_282 = arith.constant 1 : i32
        %dma_wait3A_283 = arith.constant 0 : i32
        %dma_wait3A_284 = arith.constant 0 : i32
        %dma_wait3A_285 = tpu.memref_slice %arg8[%dma_wait3A_282, %dma_wait3A_283, %dma_wait3A_284] : memref<2x128x128xf32, #tpu.memory_space<vmem>> -> memref<1x128x128xf32, #tpu.memory_space<vmem>>
        %dma_wait3A_286 = tpu.memref_squeeze %dma_wait3A_285 : memref<1x128x128xf32, #tpu.memory_space<vmem>> -> memref<128x128xf32, #tpu.memory_space<vmem>>
        %dma_wait3A_287 = arith.constant 0 : i32
        %dma_wait3A_288 = tpu.memref_slice %arg7[%dma_wait3A_279, %dma_wait3A_280, %dma_wait3A_281, %dma_wait3A_287] : memref<2x2x16x128xi32, #tpu.memory_space<vmem>> -> memref<1x1x1x128xi32, #tpu.memory_space<vmem>>
        %dma_wait3A_289 = tpu.memref_squeeze %dma_wait3A_288 : memref<1x1x1x128xi32, #tpu.memory_space<vmem>> -> memref<128xi32, #tpu.memory_space<vmem>>
        %dma_wait3A_290 = arith.constant 0 : i32
        %dma_wait3A_291 = arith.constant 0 : i32
        %dma_wait3A_292 = tpu.memref_slice %arg3[%dma_wait3A_290, %dma_wait3A_291] : memref<10240x128xf32, #tpu.memory_space<hbm>> -> memref<10240x128xf32, #tpu.memory_space<hbm>>
        tpu.wait_indirect_dma semaphore(%arg11 : memref<!tpu.dma_semaphore, #tpu.memory_space<semaphore_mem>>) src(%dma_wait3A_292 : memref<10240x128xf32, #tpu.memory_space<hbm>>) dst(%dma_wait3A_286 : memref<128x128xf32, #tpu.memory_space<vmem>>)
        %run_scoped3A_293 = arith.constant 1 : i32
        %run_scoped3A_294 = arith.constant 1 : i32
        %run_scoped3A_295 = arith.constant 5 : i32
        "tpu.region"() ({
          %run_scoped3A_598 = tpu.sem_alloc : memref<!tpu.dma_semaphore, #tpu.memory_space<semaphore_mem>>
          %dma_start3A_599 = arith.constant 0 : i32
          %dma_start3A_600 = arith.constant 0 : i32
          %dma_start3A_601 = tpu.memref_slice %arg8[%run_scoped3A_293, %dma_start3A_599, %dma_start3A_600] : memref<2x128x128xf32, #tpu.memory_space<vmem>> -> memref<1x128x128xf32, #tpu.memory_space<vmem>>
          %dma_start3A_602 = tpu.memref_squeeze %dma_start3A_601 : memref<1x128x128xf32, #tpu.memory_space<vmem>> -> memref<128x128xf32, #tpu.memory_space<vmem>>
          %dma_start3A_603 = arith.constant 0 : i32
          %dma_start3A_604 = tpu.memref_slice %arg7[%rem3A_121, %run_scoped3A_294, %run_scoped3A_295, %dma_start3A_603] : memref<2x2x16x128xi32, #tpu.memory_space<vmem>> -> memref<1x1x1x128xi32, #tpu.memory_space<vmem>>
          %dma_start3A_605 = tpu.memref_squeeze %dma_start3A_604 : memref<1x1x1x128xi32, #tpu.memory_space<vmem>> -> memref<128xi32, #tpu.memory_space<vmem>>
          %dma_start3A_606 = arith.constant 0 : i32
          %dma_start3A_607 = arith.constant 0 : i32
          %dma_start3A_608 = tpu.memref_slice %arg9[%dma_start3A_606, %dma_start3A_607] : memref<10240x128xf32, #tpu.memory_space<vmem_shared>> -> memref<10240x128xf32, #tpu.memory_space<vmem_shared>>
          tpu.enqueue_indirect_dma source(%dma_start3A_602 : memref<128x128xf32, #tpu.memory_space<vmem>>) target(%dma_start3A_608 : memref<10240x128xf32, #tpu.memory_space<vmem_shared>>) offsets(%dma_start3A_605 : memref<128xi32, #tpu.memory_space<vmem>>) semaphore(%run_scoped3A_598 : memref<!tpu.dma_semaphore, #tpu.memory_space<semaphore_mem>>) {add = true}
          %dma_wait3A_609 = arith.constant 0 : i32
          %dma_wait3A_610 = arith.constant 0 : i32
          %dma_wait3A_611 = tpu.memref_slice %arg8[%run_scoped3A_293, %dma_wait3A_609, %dma_wait3A_610] : memref<2x128x128xf32, #tpu.memory_space<vmem>> -> memref<1x128x128xf32, #tpu.memory_space<vmem>>
          %dma_wait3A_612 = tpu.memref_squeeze %dma_wait3A_611 : memref<1x128x128xf32, #tpu.memory_space<vmem>> -> memref<128x128xf32, #tpu.memory_space<vmem>>
          %dma_wait3A_613 = arith.constant 0 : i32
          %dma_wait3A_614 = tpu.memref_slice %arg7[%rem3A_121, %run_scoped3A_294, %run_scoped3A_295, %dma_wait3A_613] : memref<2x2x16x128xi32, #tpu.memory_space<vmem>> -> memref<1x1x1x128xi32, #tpu.memory_space<vmem>>
          %dma_wait3A_615 = tpu.memref_squeeze %dma_wait3A_614 : memref<1x1x1x128xi32, #tpu.memory_space<vmem>> -> memref<128xi32, #tpu.memory_space<vmem>>
          %dma_wait3A_616 = arith.constant 0 : i32
          %dma_wait3A_617 = arith.constant 0 : i32
          %dma_wait3A_618 = tpu.memref_slice %arg9[%dma_wait3A_616, %dma_wait3A_617] : memref<10240x128xf32, #tpu.memory_space<vmem_shared>> -> memref<10240x128xf32, #tpu.memory_space<vmem_shared>>
          tpu.wait_indirect_dma semaphore(%run_scoped3A_598 : memref<!tpu.dma_semaphore, #tpu.memory_space<semaphore_mem>>) src(%dma_wait3A_612 : memref<128x128xf32, #tpu.memory_space<vmem>>) dst(%dma_wait3A_618 : memref<10240x128xf32, #tpu.memory_space<vmem_shared>>)
          tpu.yield
        }) : () -> ()
        %dma_start3A_296 = arith.constant 0 : i32
        %dma_start3A_297 = arith.constant 7 : i32
        %dma_start3A_298 = arith.constant 1 : i32
        %dma_start3A_299 = arith.constant 0 : i32
        %dma_start3A_300 = arith.constant 0 : i32
        %dma_start3A_301 = tpu.memref_slice %arg8[%dma_start3A_298, %dma_start3A_299, %dma_start3A_300] : memref<2x128x128xf32, #tpu.memory_space<vmem>> -> memref<1x128x128xf32, #tpu.memory_space<vmem>>
        %dma_start3A_302 = tpu.memref_squeeze %dma_start3A_301 : memref<1x128x128xf32, #tpu.memory_space<vmem>> -> memref<128x128xf32, #tpu.memory_space<vmem>>
        %dma_start3A_303 = arith.constant 0 : i32
        %dma_start3A_304 = tpu.memref_slice %arg7[%rem3A_121, %dma_start3A_296, %dma_start3A_297, %dma_start3A_303] : memref<2x2x16x128xi32, #tpu.memory_space<vmem>> -> memref<1x1x1x128xi32, #tpu.memory_space<vmem>>
        %dma_start3A_305 = tpu.memref_squeeze %dma_start3A_304 : memref<1x1x1x128xi32, #tpu.memory_space<vmem>> -> memref<128xi32, #tpu.memory_space<vmem>>
        %dma_start3A_306 = arith.constant 0 : i32
        %dma_start3A_307 = arith.constant 0 : i32
        %dma_start3A_308 = tpu.memref_slice %arg3[%dma_start3A_306, %dma_start3A_307] : memref<10240x128xf32, #tpu.memory_space<hbm>> -> memref<10240x128xf32, #tpu.memory_space<hbm>>
        tpu.enqueue_indirect_dma source(%dma_start3A_308 : memref<10240x128xf32, #tpu.memory_space<hbm>>) target(%dma_start3A_302 : memref<128x128xf32, #tpu.memory_space<vmem>>) offsets(%dma_start3A_305 : memref<128xi32, #tpu.memory_space<vmem>>) semaphore(%arg11 : memref<!tpu.dma_semaphore, #tpu.memory_space<semaphore_mem>>)
        %dma_wait3A_309 = arith.constant 0 : i32
        %dma_wait3A_310 = arith.constant 0 : i32
        %dma_wait3A_311 = arith.constant 0 : i32
        %dma_wait3A_312 = arith.constant 0 : i32
        %dma_wait3A_313 = arith.constant 0 : i32
        %dma_wait3A_314 = arith.constant 0 : i32
        %dma_wait3A_315 = tpu.memref_slice %arg8[%dma_wait3A_312, %dma_wait3A_313, %dma_wait3A_314] : memref<2x128x128xf32, #tpu.memory_space<vmem>> -> memref<1x128x128xf32, #tpu.memory_space<vmem>>
        %dma_wait3A_316 = tpu.memref_squeeze %dma_wait3A_315 : memref<1x128x128xf32, #tpu.memory_space<vmem>> -> memref<128x128xf32, #tpu.memory_space<vmem>>
        %dma_wait3A_317 = arith.constant 0 : i32
        %dma_wait3A_318 = tpu.memref_slice %arg7[%dma_wait3A_309, %dma_wait3A_310, %dma_wait3A_311, %dma_wait3A_317] : memref<2x2x16x128xi32, #tpu.memory_space<vmem>> -> memref<1x1x1x128xi32, #tpu.memory_space<vmem>>
        %dma_wait3A_319 = tpu.memref_squeeze %dma_wait3A_318 : memref<1x1x1x128xi32, #tpu.memory_space<vmem>> -> memref<128xi32, #tpu.memory_space<vmem>>
        %dma_wait3A_320 = arith.constant 0 : i32
        %dma_wait3A_321 = arith.constant 0 : i32
        %dma_wait3A_322 = tpu.memref_slice %arg3[%dma_wait3A_320, %dma_wait3A_321] : memref<10240x128xf32, #tpu.memory_space<hbm>> -> memref<10240x128xf32, #tpu.memory_space<hbm>>
        tpu.wait_indirect_dma semaphore(%arg10 : memref<!tpu.dma_semaphore, #tpu.memory_space<semaphore_mem>>) src(%dma_wait3A_322 : memref<10240x128xf32, #tpu.memory_space<hbm>>) dst(%dma_wait3A_316 : memref<128x128xf32, #tpu.memory_space<vmem>>)
        %run_scoped3A_323 = arith.constant 0 : i32
        %run_scoped3A_324 = arith.constant 1 : i32
        %run_scoped3A_325 = arith.constant 6 : i32
        "tpu.region"() ({
          %run_scoped3A_598 = tpu.sem_alloc : memref<!tpu.dma_semaphore, #tpu.memory_space<semaphore_mem>>
          %dma_start3A_599 = arith.constant 0 : i32
          %dma_start3A_600 = arith.constant 0 : i32
          %dma_start3A_601 = tpu.memref_slice %arg8[%run_scoped3A_323, %dma_start3A_599, %dma_start3A_600] : memref<2x128x128xf32, #tpu.memory_space<vmem>> -> memref<1x128x128xf32, #tpu.memory_space<vmem>>
          %dma_start3A_602 = tpu.memref_squeeze %dma_start3A_601 : memref<1x128x128xf32, #tpu.memory_space<vmem>> -> memref<128x128xf32, #tpu.memory_space<vmem>>
          %dma_start3A_603 = arith.constant 0 : i32
          %dma_start3A_604 = tpu.memref_slice %arg7[%rem3A_121, %run_scoped3A_324, %run_scoped3A_325, %dma_start3A_603] : memref<2x2x16x128xi32, #tpu.memory_space<vmem>> -> memref<1x1x1x128xi32, #tpu.memory_space<vmem>>
          %dma_start3A_605 = tpu.memref_squeeze %dma_start3A_604 : memref<1x1x1x128xi32, #tpu.memory_space<vmem>> -> memref<128xi32, #tpu.memory_space<vmem>>
          %dma_start3A_606 = arith.constant 0 : i32
          %dma_start3A_607 = arith.constant 0 : i32
          %dma_start3A_608 = tpu.memref_slice %arg9[%dma_start3A_606, %dma_start3A_607] : memref<10240x128xf32, #tpu.memory_space<vmem_shared>> -> memref<10240x128xf32, #tpu.memory_space<vmem_shared>>
          tpu.enqueue_indirect_dma source(%dma_start3A_602 : memref<128x128xf32, #tpu.memory_space<vmem>>) target(%dma_start3A_608 : memref<10240x128xf32, #tpu.memory_space<vmem_shared>>) offsets(%dma_start3A_605 : memref<128xi32, #tpu.memory_space<vmem>>) semaphore(%run_scoped3A_598 : memref<!tpu.dma_semaphore, #tpu.memory_space<semaphore_mem>>) {add = true}
          %dma_wait3A_609 = arith.constant 0 : i32
          %dma_wait3A_610 = arith.constant 0 : i32
          %dma_wait3A_611 = tpu.memref_slice %arg8[%run_scoped3A_323, %dma_wait3A_609, %dma_wait3A_610] : memref<2x128x128xf32, #tpu.memory_space<vmem>> -> memref<1x128x128xf32, #tpu.memory_space<vmem>>
          %dma_wait3A_612 = tpu.memref_squeeze %dma_wait3A_611 : memref<1x128x128xf32, #tpu.memory_space<vmem>> -> memref<128x128xf32, #tpu.memory_space<vmem>>
          %dma_wait3A_613 = arith.constant 0 : i32
          %dma_wait3A_614 = tpu.memref_slice %arg7[%rem3A_121, %run_scoped3A_324, %run_scoped3A_325, %dma_wait3A_613] : memref<2x2x16x128xi32, #tpu.memory_space<vmem>> -> memref<1x1x1x128xi32, #tpu.memory_space<vmem>>
          %dma_wait3A_615 = tpu.memref_squeeze %dma_wait3A_614 : memref<1x1x1x128xi32, #tpu.memory_space<vmem>> -> memref<128xi32, #tpu.memory_space<vmem>>
          %dma_wait3A_616 = arith.constant 0 : i32
          %dma_wait3A_617 = arith.constant 0 : i32
          %dma_wait3A_618 = tpu.memref_slice %arg9[%dma_wait3A_616, %dma_wait3A_617] : memref<10240x128xf32, #tpu.memory_space<vmem_shared>> -> memref<10240x128xf32, #tpu.memory_space<vmem_shared>>
          tpu.wait_indirect_dma semaphore(%run_scoped3A_598 : memref<!tpu.dma_semaphore, #tpu.memory_space<semaphore_mem>>) src(%dma_wait3A_612 : memref<128x128xf32, #tpu.memory_space<vmem>>) dst(%dma_wait3A_618 : memref<10240x128xf32, #tpu.memory_space<vmem_shared>>)
          tpu.yield
        }) : () -> ()
        %dma_start3A_326 = arith.constant 0 : i32
        %dma_start3A_327 = arith.constant 8 : i32
        %dma_start3A_328 = arith.constant 0 : i32
        %dma_start3A_329 = arith.constant 0 : i32
        %dma_start3A_330 = arith.constant 0 : i32
        %dma_start3A_331 = tpu.memref_slice %arg8[%dma_start3A_328, %dma_start3A_329, %dma_start3A_330] : memref<2x128x128xf32, #tpu.memory_space<vmem>> -> memref<1x128x128xf32, #tpu.memory_space<vmem>>
        %dma_start3A_332 = tpu.memref_squeeze %dma_start3A_331 : memref<1x128x128xf32, #tpu.memory_space<vmem>> -> memref<128x128xf32, #tpu.memory_space<vmem>>
        %dma_start3A_333 = arith.constant 0 : i32
        %dma_start3A_334 = tpu.memref_slice %arg7[%rem3A_121, %dma_start3A_326, %dma_start3A_327, %dma_start3A_333] : memref<2x2x16x128xi32, #tpu.memory_space<vmem>> -> memref<1x1x1x128xi32, #tpu.memory_space<vmem>>
        %dma_start3A_335 = tpu.memref_squeeze %dma_start3A_334 : memref<1x1x1x128xi32, #tpu.memory_space<vmem>> -> memref<128xi32, #tpu.memory_space<vmem>>
        %dma_start3A_336 = arith.constant 0 : i32
        %dma_start3A_337 = arith.constant 0 : i32
        %dma_start3A_338 = tpu.memref_slice %arg3[%dma_start3A_336, %dma_start3A_337] : memref<10240x128xf32, #tpu.memory_space<hbm>> -> memref<10240x128xf32, #tpu.memory_space<hbm>>
        tpu.enqueue_indirect_dma source(%dma_start3A_338 : memref<10240x128xf32, #tpu.memory_space<hbm>>) target(%dma_start3A_332 : memref<128x128xf32, #tpu.memory_space<vmem>>) offsets(%dma_start3A_335 : memref<128xi32, #tpu.memory_space<vmem>>) semaphore(%arg10 : memref<!tpu.dma_semaphore, #tpu.memory_space<semaphore_mem>>)
        %dma_wait3A_339 = arith.constant 0 : i32
        %dma_wait3A_340 = arith.constant 0 : i32
        %dma_wait3A_341 = arith.constant 0 : i32
        %dma_wait3A_342 = arith.constant 1 : i32
        %dma_wait3A_343 = arith.constant 0 : i32
        %dma_wait3A_344 = arith.constant 0 : i32
        %dma_wait3A_345 = tpu.memref_slice %arg8[%dma_wait3A_342, %dma_wait3A_343, %dma_wait3A_344] : memref<2x128x128xf32, #tpu.memory_space<vmem>> -> memref<1x128x128xf32, #tpu.memory_space<vmem>>
        %dma_wait3A_346 = tpu.memref_squeeze %dma_wait3A_345 : memref<1x128x128xf32, #tpu.memory_space<vmem>> -> memref<128x128xf32, #tpu.memory_space<vmem>>
        %dma_wait3A_347 = arith.constant 0 : i32
        %dma_wait3A_348 = tpu.memref_slice %arg7[%dma_wait3A_339, %dma_wait3A_340, %dma_wait3A_341, %dma_wait3A_347] : memref<2x2x16x128xi32, #tpu.memory_space<vmem>> -> memref<1x1x1x128xi32, #tpu.memory_space<vmem>>
        %dma_wait3A_349 = tpu.memref_squeeze %dma_wait3A_348 : memref<1x1x1x128xi32, #tpu.memory_space<vmem>> -> memref<128xi32, #tpu.memory_space<vmem>>
        %dma_wait3A_350 = arith.constant 0 : i32
        %dma_wait3A_351 = arith.constant 0 : i32
        %dma_wait3A_352 = tpu.memref_slice %arg3[%dma_wait3A_350, %dma_wait3A_351] : memref<10240x128xf32, #tpu.memory_space<hbm>> -> memref<10240x128xf32, #tpu.memory_space<hbm>>
        tpu.wait_indirect_dma semaphore(%arg11 : memref<!tpu.dma_semaphore, #tpu.memory_space<semaphore_mem>>) src(%dma_wait3A_352 : memref<10240x128xf32, #tpu.memory_space<hbm>>) dst(%dma_wait3A_346 : memref<128x128xf32, #tpu.memory_space<vmem>>)
        %run_scoped3A_353 = arith.constant 1 : i32
        %run_scoped3A_354 = arith.constant 1 : i32
        %run_scoped3A_355 = arith.constant 7 : i32
        "tpu.region"() ({
          %run_scoped3A_598 = tpu.sem_alloc : memref<!tpu.dma_semaphore, #tpu.memory_space<semaphore_mem>>
          %dma_start3A_599 = arith.constant 0 : i32
          %dma_start3A_600 = arith.constant 0 : i32
          %dma_start3A_601 = tpu.memref_slice %arg8[%run_scoped3A_353, %dma_start3A_599, %dma_start3A_600] : memref<2x128x128xf32, #tpu.memory_space<vmem>> -> memref<1x128x128xf32, #tpu.memory_space<vmem>>
          %dma_start3A_602 = tpu.memref_squeeze %dma_start3A_601 : memref<1x128x128xf32, #tpu.memory_space<vmem>> -> memref<128x128xf32, #tpu.memory_space<vmem>>
          %dma_start3A_603 = arith.constant 0 : i32
          %dma_start3A_604 = tpu.memref_slice %arg7[%rem3A_121, %run_scoped3A_354, %run_scoped3A_355, %dma_start3A_603] : memref<2x2x16x128xi32, #tpu.memory_space<vmem>> -> memref<1x1x1x128xi32, #tpu.memory_space<vmem>>
          %dma_start3A_605 = tpu.memref_squeeze %dma_start3A_604 : memref<1x1x1x128xi32, #tpu.memory_space<vmem>> -> memref<128xi32, #tpu.memory_space<vmem>>
          %dma_start3A_606 = arith.constant 0 : i32
          %dma_start3A_607 = arith.constant 0 : i32
          %dma_start3A_608 = tpu.memref_slice %arg9[%dma_start3A_606, %dma_start3A_607] : memref<10240x128xf32, #tpu.memory_space<vmem_shared>> -> memref<10240x128xf32, #tpu.memory_space<vmem_shared>>
          tpu.enqueue_indirect_dma source(%dma_start3A_602 : memref<128x128xf32, #tpu.memory_space<vmem>>) target(%dma_start3A_608 : memref<10240x128xf32, #tpu.memory_space<vmem_shared>>) offsets(%dma_start3A_605 : memref<128xi32, #tpu.memory_space<vmem>>) semaphore(%run_scoped3A_598 : memref<!tpu.dma_semaphore, #tpu.memory_space<semaphore_mem>>) {add = true}
          %dma_wait3A_609 = arith.constant 0 : i32
          %dma_wait3A_610 = arith.constant 0 : i32
          %dma_wait3A_611 = tpu.memref_slice %arg8[%run_scoped3A_353, %dma_wait3A_609, %dma_wait3A_610] : memref<2x128x128xf32, #tpu.memory_space<vmem>> -> memref<1x128x128xf32, #tpu.memory_space<vmem>>
          %dma_wait3A_612 = tpu.memref_squeeze %dma_wait3A_611 : memref<1x128x128xf32, #tpu.memory_space<vmem>> -> memref<128x128xf32, #tpu.memory_space<vmem>>
          %dma_wait3A_613 = arith.constant 0 : i32
          %dma_wait3A_614 = tpu.memref_slice %arg7[%rem3A_121, %run_scoped3A_354, %run_scoped3A_355, %dma_wait3A_613] : memref<2x2x16x128xi32, #tpu.memory_space<vmem>> -> memref<1x1x1x128xi32, #tpu.memory_space<vmem>>
          %dma_wait3A_615 = tpu.memref_squeeze %dma_wait3A_614 : memref<1x1x1x128xi32, #tpu.memory_space<vmem>> -> memref<128xi32, #tpu.memory_space<vmem>>
          %dma_wait3A_616 = arith.constant 0 : i32
          %dma_wait3A_617 = arith.constant 0 : i32
          %dma_wait3A_618 = tpu.memref_slice %arg9[%dma_wait3A_616, %dma_wait3A_617] : memref<10240x128xf32, #tpu.memory_space<vmem_shared>> -> memref<10240x128xf32, #tpu.memory_space<vmem_shared>>
          tpu.wait_indirect_dma semaphore(%run_scoped3A_598 : memref<!tpu.dma_semaphore, #tpu.memory_space<semaphore_mem>>) src(%dma_wait3A_612 : memref<128x128xf32, #tpu.memory_space<vmem>>) dst(%dma_wait3A_618 : memref<10240x128xf32, #tpu.memory_space<vmem_shared>>)
          tpu.yield
        }) : () -> ()
        %dma_start3A_356 = arith.constant 0 : i32
        %dma_start3A_357 = arith.constant 9 : i32
        %dma_start3A_358 = arith.constant 1 : i32
        %dma_start3A_359 = arith.constant 0 : i32
        %dma_start3A_360 = arith.constant 0 : i32
        %dma_start3A_361 = tpu.memref_slice %arg8[%dma_start3A_358, %dma_start3A_359, %dma_start3A_360] : memref<2x128x128xf32, #tpu.memory_space<vmem>> -> memref<1x128x128xf32, #tpu.memory_space<vmem>>
        %dma_start3A_362 = tpu.memref_squeeze %dma_start3A_361 : memref<1x128x128xf32, #tpu.memory_space<vmem>> -> memref<128x128xf32, #tpu.memory_space<vmem>>
        %dma_start3A_363 = arith.constant 0 : i32
        %dma_start3A_364 = tpu.memref_slice %arg7[%rem3A_121, %dma_start3A_356, %dma_start3A_357, %dma_start3A_363] : memref<2x2x16x128xi32, #tpu.memory_space<vmem>> -> memref<1x1x1x128xi32, #tpu.memory_space<vmem>>
        %dma_start3A_365 = tpu.memref_squeeze %dma_start3A_364 : memref<1x1x1x128xi32, #tpu.memory_space<vmem>> -> memref<128xi32, #tpu.memory_space<vmem>>
        %dma_start3A_366 = arith.constant 0 : i32
        %dma_start3A_367 = arith.constant 0 : i32
        %dma_start3A_368 = tpu.memref_slice %arg3[%dma_start3A_366, %dma_start3A_367] : memref<10240x128xf32, #tpu.memory_space<hbm>> -> memref<10240x128xf32, #tpu.memory_space<hbm>>
        tpu.enqueue_indirect_dma source(%dma_start3A_368 : memref<10240x128xf32, #tpu.memory_space<hbm>>) target(%dma_start3A_362 : memref<128x128xf32, #tpu.memory_space<vmem>>) offsets(%dma_start3A_365 : memref<128xi32, #tpu.memory_space<vmem>>) semaphore(%arg11 : memref<!tpu.dma_semaphore, #tpu.memory_space<semaphore_mem>>)
        %dma_wait3A_369 = arith.constant 0 : i32
        %dma_wait3A_370 = arith.constant 0 : i32
        %dma_wait3A_371 = arith.constant 0 : i32
        %dma_wait3A_372 = arith.constant 0 : i32
        %dma_wait3A_373 = arith.constant 0 : i32
        %dma_wait3A_374 = arith.constant 0 : i32
        %dma_wait3A_375 = tpu.memref_slice %arg8[%dma_wait3A_372, %dma_wait3A_373, %dma_wait3A_374] : memref<2x128x128xf32, #tpu.memory_space<vmem>> -> memref<1x128x128xf32, #tpu.memory_space<vmem>>
        %dma_wait3A_376 = tpu.memref_squeeze %dma_wait3A_375 : memref<1x128x128xf32, #tpu.memory_space<vmem>> -> memref<128x128xf32, #tpu.memory_space<vmem>>
        %dma_wait3A_377 = arith.constant 0 : i32
        %dma_wait3A_378 = tpu.memref_slice %arg7[%dma_wait3A_369, %dma_wait3A_370, %dma_wait3A_371, %dma_wait3A_377] : memref<2x2x16x128xi32, #tpu.memory_space<vmem>> -> memref<1x1x1x128xi32, #tpu.memory_space<vmem>>
        %dma_wait3A_379 = tpu.memref_squeeze %dma_wait3A_378 : memref<1x1x1x128xi32, #tpu.memory_space<vmem>> -> memref<128xi32, #tpu.memory_space<vmem>>
        %dma_wait3A_380 = arith.constant 0 : i32
        %dma_wait3A_381 = arith.constant 0 : i32
        %dma_wait3A_382 = tpu.memref_slice %arg3[%dma_wait3A_380, %dma_wait3A_381] : memref<10240x128xf32, #tpu.memory_space<hbm>> -> memref<10240x128xf32, #tpu.memory_space<hbm>>
        tpu.wait_indirect_dma semaphore(%arg10 : memref<!tpu.dma_semaphore, #tpu.memory_space<semaphore_mem>>) src(%dma_wait3A_382 : memref<10240x128xf32, #tpu.memory_space<hbm>>) dst(%dma_wait3A_376 : memref<128x128xf32, #tpu.memory_space<vmem>>)
        %run_scoped3A_383 = arith.constant 0 : i32
        %run_scoped3A_384 = arith.constant 1 : i32
        %run_scoped3A_385 = arith.constant 8 : i32
        "tpu.region"() ({
          %run_scoped3A_598 = tpu.sem_alloc : memref<!tpu.dma_semaphore, #tpu.memory_space<semaphore_mem>>
          %dma_start3A_599 = arith.constant 0 : i32
          %dma_start3A_600 = arith.constant 0 : i32
          %dma_start3A_601 = tpu.memref_slice %arg8[%run_scoped3A_383, %dma_start3A_599, %dma_start3A_600] : memref<2x128x128xf32, #tpu.memory_space<vmem>> -> memref<1x128x128xf32, #tpu.memory_space<vmem>>
          %dma_start3A_602 = tpu.memref_squeeze %dma_start3A_601 : memref<1x128x128xf32, #tpu.memory_space<vmem>> -> memref<128x128xf32, #tpu.memory_space<vmem>>
          %dma_start3A_603 = arith.constant 0 : i32
          %dma_start3A_604 = tpu.memref_slice %arg7[%rem3A_121, %run_scoped3A_384, %run_scoped3A_385, %dma_start3A_603] : memref<2x2x16x128xi32, #tpu.memory_space<vmem>> -> memref<1x1x1x128xi32, #tpu.memory_space<vmem>>
          %dma_start3A_605 = tpu.memref_squeeze %dma_start3A_604 : memref<1x1x1x128xi32, #tpu.memory_space<vmem>> -> memref<128xi32, #tpu.memory_space<vmem>>
          %dma_start3A_606 = arith.constant 0 : i32
          %dma_start3A_607 = arith.constant 0 : i32
          %dma_start3A_608 = tpu.memref_slice %arg9[%dma_start3A_606, %dma_start3A_607] : memref<10240x128xf32, #tpu.memory_space<vmem_shared>> -> memref<10240x128xf32, #tpu.memory_space<vmem_shared>>
          tpu.enqueue_indirect_dma source(%dma_start3A_602 : memref<128x128xf32, #tpu.memory_space<vmem>>) target(%dma_start3A_608 : memref<10240x128xf32, #tpu.memory_space<vmem_shared>>) offsets(%dma_start3A_605 : memref<128xi32, #tpu.memory_space<vmem>>) semaphore(%run_scoped3A_598 : memref<!tpu.dma_semaphore, #tpu.memory_space<semaphore_mem>>) {add = true}
          %dma_wait3A_609 = arith.constant 0 : i32
          %dma_wait3A_610 = arith.constant 0 : i32
          %dma_wait3A_611 = tpu.memref_slice %arg8[%run_scoped3A_383, %dma_wait3A_609, %dma_wait3A_610] : memref<2x128x128xf32, #tpu.memory_space<vmem>> -> memref<1x128x128xf32, #tpu.memory_space<vmem>>
          %dma_wait3A_612 = tpu.memref_squeeze %dma_wait3A_611 : memref<1x128x128xf32, #tpu.memory_space<vmem>> -> memref<128x128xf32, #tpu.memory_space<vmem>>
          %dma_wait3A_613 = arith.constant 0 : i32
          %dma_wait3A_614 = tpu.memref_slice %arg7[%rem3A_121, %run_scoped3A_384, %run_scoped3A_385, %dma_wait3A_613] : memref<2x2x16x128xi32, #tpu.memory_space<vmem>> -> memref<1x1x1x128xi32, #tpu.memory_space<vmem>>
          %dma_wait3A_615 = tpu.memref_squeeze %dma_wait3A_614 : memref<1x1x1x128xi32, #tpu.memory_space<vmem>> -> memref<128xi32, #tpu.memory_space<vmem>>
          %dma_wait3A_616 = arith.constant 0 : i32
          %dma_wait3A_617 = arith.constant 0 : i32
          %dma_wait3A_618 = tpu.memref_slice %arg9[%dma_wait3A_616, %dma_wait3A_617] : memref<10240x128xf32, #tpu.memory_space<vmem_shared>> -> memref<10240x128xf32, #tpu.memory_space<vmem_shared>>
          tpu.wait_indirect_dma semaphore(%run_scoped3A_598 : memref<!tpu.dma_semaphore, #tpu.memory_space<semaphore_mem>>) src(%dma_wait3A_612 : memref<128x128xf32, #tpu.memory_space<vmem>>) dst(%dma_wait3A_618 : memref<10240x128xf32, #tpu.memory_space<vmem_shared>>)
          tpu.yield
        }) : () -> ()
        %dma_start3A_386 = arith.constant 0 : i32
        %dma_start3A_387 = arith.constant 10 : i32
        %dma_start3A_388 = arith.constant 0 : i32
        %dma_start3A_389 = arith.constant 0 : i32
        %dma_start3A_390 = arith.constant 0 : i32
        %dma_start3A_391 = tpu.memref_slice %arg8[%dma_start3A_388, %dma_start3A_389, %dma_start3A_390] : memref<2x128x128xf32, #tpu.memory_space<vmem>> -> memref<1x128x128xf32, #tpu.memory_space<vmem>>
        %dma_start3A_392 = tpu.memref_squeeze %dma_start3A_391 : memref<1x128x128xf32, #tpu.memory_space<vmem>> -> memref<128x128xf32, #tpu.memory_space<vmem>>
        %dma_start3A_393 = arith.constant 0 : i32
        %dma_start3A_394 = tpu.memref_slice %arg7[%rem3A_121, %dma_start3A_386, %dma_start3A_387, %dma_start3A_393] : memref<2x2x16x128xi32, #tpu.memory_space<vmem>> -> memref<1x1x1x128xi32, #tpu.memory_space<vmem>>
        %dma_start3A_395 = tpu.memref_squeeze %dma_start3A_394 : memref<1x1x1x128xi32, #tpu.memory_space<vmem>> -> memref<128xi32, #tpu.memory_space<vmem>>
        %dma_start3A_396 = arith.constant 0 : i32
        %dma_start3A_397 = arith.constant 0 : i32
        %dma_start3A_398 = tpu.memref_slice %arg3[%dma_start3A_396, %dma_start3A_397] : memref<10240x128xf32, #tpu.memory_space<hbm>> -> memref<10240x128xf32, #tpu.memory_space<hbm>>
        tpu.enqueue_indirect_dma source(%dma_start3A_398 : memref<10240x128xf32, #tpu.memory_space<hbm>>) target(%dma_start3A_392 : memref<128x128xf32, #tpu.memory_space<vmem>>) offsets(%dma_start3A_395 : memref<128xi32, #tpu.memory_space<vmem>>) semaphore(%arg10 : memref<!tpu.dma_semaphore, #tpu.memory_space<semaphore_mem>>)
        %dma_wait3A_399 = arith.constant 0 : i32
        %dma_wait3A_400 = arith.constant 0 : i32
        %dma_wait3A_401 = arith.constant 0 : i32
        %dma_wait3A_402 = arith.constant 1 : i32
        %dma_wait3A_403 = arith.constant 0 : i32
        %dma_wait3A_404 = arith.constant 0 : i32
        %dma_wait3A_405 = tpu.memref_slice %arg8[%dma_wait3A_402, %dma_wait3A_403, %dma_wait3A_404] : memref<2x128x128xf32, #tpu.memory_space<vmem>> -> memref<1x128x128xf32, #tpu.memory_space<vmem>>
        %dma_wait3A_406 = tpu.memref_squeeze %dma_wait3A_405 : memref<1x128x128xf32, #tpu.memory_space<vmem>> -> memref<128x128xf32, #tpu.memory_space<vmem>>
        %dma_wait3A_407 = arith.constant 0 : i32
        %dma_wait3A_408 = tpu.memref_slice %arg7[%dma_wait3A_399, %dma_wait3A_400, %dma_wait3A_401, %dma_wait3A_407] : memref<2x2x16x128xi32, #tpu.memory_space<vmem>> -> memref<1x1x1x128xi32, #tpu.memory_space<vmem>>
        %dma_wait3A_409 = tpu.memref_squeeze %dma_wait3A_408 : memref<1x1x1x128xi32, #tpu.memory_space<vmem>> -> memref<128xi32, #tpu.memory_space<vmem>>
        %dma_wait3A_410 = arith.constant 0 : i32
        %dma_wait3A_411 = arith.constant 0 : i32
        %dma_wait3A_412 = tpu.memref_slice %arg3[%dma_wait3A_410, %dma_wait3A_411] : memref<10240x128xf32, #tpu.memory_space<hbm>> -> memref<10240x128xf32, #tpu.memory_space<hbm>>
        tpu.wait_indirect_dma semaphore(%arg11 : memref<!tpu.dma_semaphore, #tpu.memory_space<semaphore_mem>>) src(%dma_wait3A_412 : memref<10240x128xf32, #tpu.memory_space<hbm>>) dst(%dma_wait3A_406 : memref<128x128xf32, #tpu.memory_space<vmem>>)
        %run_scoped3A_413 = arith.constant 1 : i32
        %run_scoped3A_414 = arith.constant 1 : i32
        %run_scoped3A_415 = arith.constant 9 : i32
        "tpu.region"() ({
          %run_scoped3A_598 = tpu.sem_alloc : memref<!tpu.dma_semaphore, #tpu.memory_space<semaphore_mem>>
          %dma_start3A_599 = arith.constant 0 : i32
          %dma_start3A_600 = arith.constant 0 : i32
          %dma_start3A_601 = tpu.memref_slice %arg8[%run_scoped3A_413, %dma_start3A_599, %dma_start3A_600] : memref<2x128x128xf32, #tpu.memory_space<vmem>> -> memref<1x128x128xf32, #tpu.memory_space<vmem>>
          %dma_start3A_602 = tpu.memref_squeeze %dma_start3A_601 : memref<1x128x128xf32, #tpu.memory_space<vmem>> -> memref<128x128xf32, #tpu.memory_space<vmem>>
          %dma_start3A_603 = arith.constant 0 : i32
          %dma_start3A_604 = tpu.memref_slice %arg7[%rem3A_121, %run_scoped3A_414, %run_scoped3A_415, %dma_start3A_603] : memref<2x2x16x128xi32, #tpu.memory_space<vmem>> -> memref<1x1x1x128xi32, #tpu.memory_space<vmem>>
          %dma_start3A_605 = tpu.memref_squeeze %dma_start3A_604 : memref<1x1x1x128xi32, #tpu.memory_space<vmem>> -> memref<128xi32, #tpu.memory_space<vmem>>
          %dma_start3A_606 = arith.constant 0 : i32
          %dma_start3A_607 = arith.constant 0 : i32
          %dma_start3A_608 = tpu.memref_slice %arg9[%dma_start3A_606, %dma_start3A_607] : memref<10240x128xf32, #tpu.memory_space<vmem_shared>> -> memref<10240x128xf32, #tpu.memory_space<vmem_shared>>
          tpu.enqueue_indirect_dma source(%dma_start3A_602 : memref<128x128xf32, #tpu.memory_space<vmem>>) target(%dma_start3A_608 : memref<10240x128xf32, #tpu.memory_space<vmem_shared>>) offsets(%dma_start3A_605 : memref<128xi32, #tpu.memory_space<vmem>>) semaphore(%run_scoped3A_598 : memref<!tpu.dma_semaphore, #tpu.memory_space<semaphore_mem>>) {add = true}
          %dma_wait3A_609 = arith.constant 0 : i32
          %dma_wait3A_610 = arith.constant 0 : i32
          %dma_wait3A_611 = tpu.memref_slice %arg8[%run_scoped3A_413, %dma_wait3A_609, %dma_wait3A_610] : memref<2x128x128xf32, #tpu.memory_space<vmem>> -> memref<1x128x128xf32, #tpu.memory_space<vmem>>
          %dma_wait3A_612 = tpu.memref_squeeze %dma_wait3A_611 : memref<1x128x128xf32, #tpu.memory_space<vmem>> -> memref<128x128xf32, #tpu.memory_space<vmem>>
          %dma_wait3A_613 = arith.constant 0 : i32
          %dma_wait3A_614 = tpu.memref_slice %arg7[%rem3A_121, %run_scoped3A_414, %run_scoped3A_415, %dma_wait3A_613] : memref<2x2x16x128xi32, #tpu.memory_space<vmem>> -> memref<1x1x1x128xi32, #tpu.memory_space<vmem>>
          %dma_wait3A_615 = tpu.memref_squeeze %dma_wait3A_614 : memref<1x1x1x128xi32, #tpu.memory_space<vmem>> -> memref<128xi32, #tpu.memory_space<vmem>>
          %dma_wait3A_616 = arith.constant 0 : i32
          %dma_wait3A_617 = arith.constant 0 : i32
          %dma_wait3A_618 = tpu.memref_slice %arg9[%dma_wait3A_616, %dma_wait3A_617] : memref<10240x128xf32, #tpu.memory_space<vmem_shared>> -> memref<10240x128xf32, #tpu.memory_space<vmem_shared>>
          tpu.wait_indirect_dma semaphore(%run_scoped3A_598 : memref<!tpu.dma_semaphore, #tpu.memory_space<semaphore_mem>>) src(%dma_wait3A_612 : memref<128x128xf32, #tpu.memory_space<vmem>>) dst(%dma_wait3A_618 : memref<10240x128xf32, #tpu.memory_space<vmem_shared>>)
          tpu.yield
        }) : () -> ()
        %dma_start3A_416 = arith.constant 0 : i32
        %dma_start3A_417 = arith.constant 11 : i32
        %dma_start3A_418 = arith.constant 1 : i32
        %dma_start3A_419 = arith.constant 0 : i32
        %dma_start3A_420 = arith.constant 0 : i32
        %dma_start3A_421 = tpu.memref_slice %arg8[%dma_start3A_418, %dma_start3A_419, %dma_start3A_420] : memref<2x128x128xf32, #tpu.memory_space<vmem>> -> memref<1x128x128xf32, #tpu.memory_space<vmem>>
        %dma_start3A_422 = tpu.memref_squeeze %dma_start3A_421 : memref<1x128x128xf32, #tpu.memory_space<vmem>> -> memref<128x128xf32, #tpu.memory_space<vmem>>
        %dma_start3A_423 = arith.constant 0 : i32
        %dma_start3A_424 = tpu.memref_slice %arg7[%rem3A_121, %dma_start3A_416, %dma_start3A_417, %dma_start3A_423] : memref<2x2x16x128xi32, #tpu.memory_space<vmem>> -> memref<1x1x1x128xi32, #tpu.memory_space<vmem>>
        %dma_start3A_425 = tpu.memref_squeeze %dma_start3A_424 : memref<1x1x1x128xi32, #tpu.memory_space<vmem>> -> memref<128xi32, #tpu.memory_space<vmem>>
        %dma_start3A_426 = arith.constant 0 : i32
        %dma_start3A_427 = arith.constant 0 : i32
        %dma_start3A_428 = tpu.memref_slice %arg3[%dma_start3A_426, %dma_start3A_427] : memref<10240x128xf32, #tpu.memory_space<hbm>> -> memref<10240x128xf32, #tpu.memory_space<hbm>>
        tpu.enqueue_indirect_dma source(%dma_start3A_428 : memref<10240x128xf32, #tpu.memory_space<hbm>>) target(%dma_start3A_422 : memref<128x128xf32, #tpu.memory_space<vmem>>) offsets(%dma_start3A_425 : memref<128xi32, #tpu.memory_space<vmem>>) semaphore(%arg11 : memref<!tpu.dma_semaphore, #tpu.memory_space<semaphore_mem>>)
        %dma_wait3A_429 = arith.constant 0 : i32
        %dma_wait3A_430 = arith.constant 0 : i32
        %dma_wait3A_431 = arith.constant 0 : i32
        %dma_wait3A_432 = arith.constant 0 : i32
        %dma_wait3A_433 = arith.constant 0 : i32
        %dma_wait3A_434 = arith.constant 0 : i32
        %dma_wait3A_435 = tpu.memref_slice %arg8[%dma_wait3A_432, %dma_wait3A_433, %dma_wait3A_434] : memref<2x128x128xf32, #tpu.memory_space<vmem>> -> memref<1x128x128xf32, #tpu.memory_space<vmem>>
        %dma_wait3A_436 = tpu.memref_squeeze %dma_wait3A_435 : memref<1x128x128xf32, #tpu.memory_space<vmem>> -> memref<128x128xf32, #tpu.memory_space<vmem>>
        %dma_wait3A_437 = arith.constant 0 : i32
        %dma_wait3A_438 = tpu.memref_slice %arg7[%dma_wait3A_429, %dma_wait3A_430, %dma_wait3A_431, %dma_wait3A_437] : memref<2x2x16x128xi32, #tpu.memory_space<vmem>> -> memref<1x1x1x128xi32, #tpu.memory_space<vmem>>
        %dma_wait3A_439 = tpu.memref_squeeze %dma_wait3A_438 : memref<1x1x1x128xi32, #tpu.memory_space<vmem>> -> memref<128xi32, #tpu.memory_space<vmem>>
        %dma_wait3A_440 = arith.constant 0 : i32
        %dma_wait3A_441 = arith.constant 0 : i32
        %dma_wait3A_442 = tpu.memref_slice %arg3[%dma_wait3A_440, %dma_wait3A_441] : memref<10240x128xf32, #tpu.memory_space<hbm>> -> memref<10240x128xf32, #tpu.memory_space<hbm>>
        tpu.wait_indirect_dma semaphore(%arg10 : memref<!tpu.dma_semaphore, #tpu.memory_space<semaphore_mem>>) src(%dma_wait3A_442 : memref<10240x128xf32, #tpu.memory_space<hbm>>) dst(%dma_wait3A_436 : memref<128x128xf32, #tpu.memory_space<vmem>>)
        %run_scoped3A_443 = arith.constant 0 : i32
        %run_scoped3A_444 = arith.constant 1 : i32
        %run_scoped3A_445 = arith.constant 10 : i32
        "tpu.region"() ({
          %run_scoped3A_598 = tpu.sem_alloc : memref<!tpu.dma_semaphore, #tpu.memory_space<semaphore_mem>>
          %dma_start3A_599 = arith.constant 0 : i32
          %dma_start3A_600 = arith.constant 0 : i32
          %dma_start3A_601 = tpu.memref_slice %arg8[%run_scoped3A_443, %dma_start3A_599, %dma_start3A_600] : memref<2x128x128xf32, #tpu.memory_space<vmem>> -> memref<1x128x128xf32, #tpu.memory_space<vmem>>
          %dma_start3A_602 = tpu.memref_squeeze %dma_start3A_601 : memref<1x128x128xf32, #tpu.memory_space<vmem>> -> memref<128x128xf32, #tpu.memory_space<vmem>>
          %dma_start3A_603 = arith.constant 0 : i32
          %dma_start3A_604 = tpu.memref_slice %arg7[%rem3A_121, %run_scoped3A_444, %run_scoped3A_445, %dma_start3A_603] : memref<2x2x16x128xi32, #tpu.memory_space<vmem>> -> memref<1x1x1x128xi32, #tpu.memory_space<vmem>>
          %dma_start3A_605 = tpu.memref_squeeze %dma_start3A_604 : memref<1x1x1x128xi32, #tpu.memory_space<vmem>> -> memref<128xi32, #tpu.memory_space<vmem>>
          %dma_start3A_606 = arith.constant 0 : i32
          %dma_start3A_607 = arith.constant 0 : i32
          %dma_start3A_608 = tpu.memref_slice %arg9[%dma_start3A_606, %dma_start3A_607] : memref<10240x128xf32, #tpu.memory_space<vmem_shared>> -> memref<10240x128xf32, #tpu.memory_space<vmem_shared>>
          tpu.enqueue_indirect_dma source(%dma_start3A_602 : memref<128x128xf32, #tpu.memory_space<vmem>>) target(%dma_start3A_608 : memref<10240x128xf32, #tpu.memory_space<vmem_shared>>) offsets(%dma_start3A_605 : memref<128xi32, #tpu.memory_space<vmem>>) semaphore(%run_scoped3A_598 : memref<!tpu.dma_semaphore, #tpu.memory_space<semaphore_mem>>) {add = true}
          %dma_wait3A_609 = arith.constant 0 : i32
          %dma_wait3A_610 = arith.constant 0 : i32
          %dma_wait3A_611 = tpu.memref_slice %arg8[%run_scoped3A_443, %dma_wait3A_609, %dma_wait3A_610] : memref<2x128x128xf32, #tpu.memory_space<vmem>> -> memref<1x128x128xf32, #tpu.memory_space<vmem>>
          %dma_wait3A_612 = tpu.memref_squeeze %dma_wait3A_611 : memref<1x128x128xf32, #tpu.memory_space<vmem>> -> memref<128x128xf32, #tpu.memory_space<vmem>>
          %dma_wait3A_613 = arith.constant 0 : i32
          %dma_wait3A_614 = tpu.memref_slice %arg7[%rem3A_121, %run_scoped3A_444, %run_scoped3A_445, %dma_wait3A_613] : memref<2x2x16x128xi32, #tpu.memory_space<vmem>> -> memref<1x1x1x128xi32, #tpu.memory_space<vmem>>
          %dma_wait3A_615 = tpu.memref_squeeze %dma_wait3A_614 : memref<1x1x1x128xi32, #tpu.memory_space<vmem>> -> memref<128xi32, #tpu.memory_space<vmem>>
          %dma_wait3A_616 = arith.constant 0 : i32
          %dma_wait3A_617 = arith.constant 0 : i32
          %dma_wait3A_618 = tpu.memref_slice %arg9[%dma_wait3A_616, %dma_wait3A_617] : memref<10240x128xf32, #tpu.memory_space<vmem_shared>> -> memref<10240x128xf32, #tpu.memory_space<vmem_shared>>
          tpu.wait_indirect_dma semaphore(%run_scoped3A_598 : memref<!tpu.dma_semaphore, #tpu.memory_space<semaphore_mem>>) src(%dma_wait3A_612 : memref<128x128xf32, #tpu.memory_space<vmem>>) dst(%dma_wait3A_618 : memref<10240x128xf32, #tpu.memory_space<vmem_shared>>)
          tpu.yield
        }) : () -> ()
        %dma_start3A_446 = arith.constant 0 : i32
        %dma_start3A_447 = arith.constant 12 : i32
        %dma_start3A_448 = arith.constant 0 : i32
        %dma_start3A_449 = arith.constant 0 : i32
        %dma_start3A_450 = arith.constant 0 : i32
        %dma_start3A_451 = tpu.memref_slice %arg8[%dma_start3A_448, %dma_start3A_449, %dma_start3A_450] : memref<2x128x128xf32, #tpu.memory_space<vmem>> -> memref<1x128x128xf32, #tpu.memory_space<vmem>>
        %dma_start3A_452 = tpu.memref_squeeze %dma_start3A_451 : memref<1x128x128xf32, #tpu.memory_space<vmem>> -> memref<128x128xf32, #tpu.memory_space<vmem>>
        %dma_start3A_453 = arith.constant 0 : i32
        %dma_start3A_454 = tpu.memref_slice %arg7[%rem3A_121, %dma_start3A_446, %dma_start3A_447, %dma_start3A_453] : memref<2x2x16x128xi32, #tpu.memory_space<vmem>> -> memref<1x1x1x128xi32, #tpu.memory_space<vmem>>
        %dma_start3A_455 = tpu.memref_squeeze %dma_start3A_454 : memref<1x1x1x128xi32, #tpu.memory_space<vmem>> -> memref<128xi32, #tpu.memory_space<vmem>>
        %dma_start3A_456 = arith.constant 0 : i32
        %dma_start3A_457 = arith.constant 0 : i32
        %dma_start3A_458 = tpu.memref_slice %arg3[%dma_start3A_456, %dma_start3A_457] : memref<10240x128xf32, #tpu.memory_space<hbm>> -> memref<10240x128xf32, #tpu.memory_space<hbm>>
        tpu.enqueue_indirect_dma source(%dma_start3A_458 : memref<10240x128xf32, #tpu.memory_space<hbm>>) target(%dma_start3A_452 : memref<128x128xf32, #tpu.memory_space<vmem>>) offsets(%dma_start3A_455 : memref<128xi32, #tpu.memory_space<vmem>>) semaphore(%arg10 : memref<!tpu.dma_semaphore, #tpu.memory_space<semaphore_mem>>)
        %dma_wait3A_459 = arith.constant 0 : i32
        %dma_wait3A_460 = arith.constant 0 : i32
        %dma_wait3A_461 = arith.constant 0 : i32
        %dma_wait3A_462 = arith.constant 1 : i32
        %dma_wait3A_463 = arith.constant 0 : i32
        %dma_wait3A_464 = arith.constant 0 : i32
        %dma_wait3A_465 = tpu.memref_slice %arg8[%dma_wait3A_462, %dma_wait3A_463, %dma_wait3A_464] : memref<2x128x128xf32, #tpu.memory_space<vmem>> -> memref<1x128x128xf32, #tpu.memory_space<vmem>>
        %dma_wait3A_466 = tpu.memref_squeeze %dma_wait3A_465 : memref<1x128x128xf32, #tpu.memory_space<vmem>> -> memref<128x128xf32, #tpu.memory_space<vmem>>
        %dma_wait3A_467 = arith.constant 0 : i32
        %dma_wait3A_468 = tpu.memref_slice %arg7[%dma_wait3A_459, %dma_wait3A_460, %dma_wait3A_461, %dma_wait3A_467] : memref<2x2x16x128xi32, #tpu.memory_space<vmem>> -> memref<1x1x1x128xi32, #tpu.memory_space<vmem>>
        %dma_wait3A_469 = tpu.memref_squeeze %dma_wait3A_468 : memref<1x1x1x128xi32, #tpu.memory_space<vmem>> -> memref<128xi32, #tpu.memory_space<vmem>>
        %dma_wait3A_470 = arith.constant 0 : i32
        %dma_wait3A_471 = arith.constant 0 : i32
        %dma_wait3A_472 = tpu.memref_slice %arg3[%dma_wait3A_470, %dma_wait3A_471] : memref<10240x128xf32, #tpu.memory_space<hbm>> -> memref<10240x128xf32, #tpu.memory_space<hbm>>
        tpu.wait_indirect_dma semaphore(%arg11 : memref<!tpu.dma_semaphore, #tpu.memory_space<semaphore_mem>>) src(%dma_wait3A_472 : memref<10240x128xf32, #tpu.memory_space<hbm>>) dst(%dma_wait3A_466 : memref<128x128xf32, #tpu.memory_space<vmem>>)
        %run_scoped3A_473 = arith.constant 1 : i32
        %run_scoped3A_474 = arith.constant 1 : i32
        %run_scoped3A_475 = arith.constant 11 : i32
        "tpu.region"() ({
          %run_scoped3A_598 = tpu.sem_alloc : memref<!tpu.dma_semaphore, #tpu.memory_space<semaphore_mem>>
          %dma_start3A_599 = arith.constant 0 : i32
          %dma_start3A_600 = arith.constant 0 : i32
          %dma_start3A_601 = tpu.memref_slice %arg8[%run_scoped3A_473, %dma_start3A_599, %dma_start3A_600] : memref<2x128x128xf32, #tpu.memory_space<vmem>> -> memref<1x128x128xf32, #tpu.memory_space<vmem>>
          %dma_start3A_602 = tpu.memref_squeeze %dma_start3A_601 : memref<1x128x128xf32, #tpu.memory_space<vmem>> -> memref<128x128xf32, #tpu.memory_space<vmem>>
          %dma_start3A_603 = arith.constant 0 : i32
          %dma_start3A_604 = tpu.memref_slice %arg7[%rem3A_121, %run_scoped3A_474, %run_scoped3A_475, %dma_start3A_603] : memref<2x2x16x128xi32, #tpu.memory_space<vmem>> -> memref<1x1x1x128xi32, #tpu.memory_space<vmem>>
          %dma_start3A_605 = tpu.memref_squeeze %dma_start3A_604 : memref<1x1x1x128xi32, #tpu.memory_space<vmem>> -> memref<128xi32, #tpu.memory_space<vmem>>
          %dma_start3A_606 = arith.constant 0 : i32
          %dma_start3A_607 = arith.constant 0 : i32
          %dma_start3A_608 = tpu.memref_slice %arg9[%dma_start3A_606, %dma_start3A_607] : memref<10240x128xf32, #tpu.memory_space<vmem_shared>> -> memref<10240x128xf32, #tpu.memory_space<vmem_shared>>
          tpu.enqueue_indirect_dma source(%dma_start3A_602 : memref<128x128xf32, #tpu.memory_space<vmem>>) target(%dma_start3A_608 : memref<10240x128xf32, #tpu.memory_space<vmem_shared>>) offsets(%dma_start3A_605 : memref<128xi32, #tpu.memory_space<vmem>>) semaphore(%run_scoped3A_598 : memref<!tpu.dma_semaphore, #tpu.memory_space<semaphore_mem>>) {add = true}
          %dma_wait3A_609 = arith.constant 0 : i32
          %dma_wait3A_610 = arith.constant 0 : i32
          %dma_wait3A_611 = tpu.memref_slice %arg8[%run_scoped3A_473, %dma_wait3A_609, %dma_wait3A_610] : memref<2x128x128xf32, #tpu.memory_space<vmem>> -> memref<1x128x128xf32, #tpu.memory_space<vmem>>
          %dma_wait3A_612 = tpu.memref_squeeze %dma_wait3A_611 : memref<1x128x128xf32, #tpu.memory_space<vmem>> -> memref<128x128xf32, #tpu.memory_space<vmem>>
          %dma_wait3A_613 = arith.constant 0 : i32
          %dma_wait3A_614 = tpu.memref_slice %arg7[%rem3A_121, %run_scoped3A_474, %run_scoped3A_475, %dma_wait3A_613] : memref<2x2x16x128xi32, #tpu.memory_space<vmem>> -> memref<1x1x1x128xi32, #tpu.memory_space<vmem>>
          %dma_wait3A_615 = tpu.memref_squeeze %dma_wait3A_614 : memref<1x1x1x128xi32, #tpu.memory_space<vmem>> -> memref<128xi32, #tpu.memory_space<vmem>>
          %dma_wait3A_616 = arith.constant 0 : i32
          %dma_wait3A_617 = arith.constant 0 : i32
          %dma_wait3A_618 = tpu.memref_slice %arg9[%dma_wait3A_616, %dma_wait3A_617] : memref<10240x128xf32, #tpu.memory_space<vmem_shared>> -> memref<10240x128xf32, #tpu.memory_space<vmem_shared>>
          tpu.wait_indirect_dma semaphore(%run_scoped3A_598 : memref<!tpu.dma_semaphore, #tpu.memory_space<semaphore_mem>>) src(%dma_wait3A_612 : memref<128x128xf32, #tpu.memory_space<vmem>>) dst(%dma_wait3A_618 : memref<10240x128xf32, #tpu.memory_space<vmem_shared>>)
          tpu.yield
        }) : () -> ()
        %dma_start3A_476 = arith.constant 0 : i32
        %dma_start3A_477 = arith.constant 13 : i32
        %dma_start3A_478 = arith.constant 1 : i32
        %dma_start3A_479 = arith.constant 0 : i32
        %dma_start3A_480 = arith.constant 0 : i32
        %dma_start3A_481 = tpu.memref_slice %arg8[%dma_start3A_478, %dma_start3A_479, %dma_start3A_480] : memref<2x128x128xf32, #tpu.memory_space<vmem>> -> memref<1x128x128xf32, #tpu.memory_space<vmem>>
        %dma_start3A_482 = tpu.memref_squeeze %dma_start3A_481 : memref<1x128x128xf32, #tpu.memory_space<vmem>> -> memref<128x128xf32, #tpu.memory_space<vmem>>
        %dma_start3A_483 = arith.constant 0 : i32
        %dma_start3A_484 = tpu.memref_slice %arg7[%rem3A_121, %dma_start3A_476, %dma_start3A_477, %dma_start3A_483] : memref<2x2x16x128xi32, #tpu.memory_space<vmem>> -> memref<1x1x1x128xi32, #tpu.memory_space<vmem>>
        %dma_start3A_485 = tpu.memref_squeeze %dma_start3A_484 : memref<1x1x1x128xi32, #tpu.memory_space<vmem>> -> memref<128xi32, #tpu.memory_space<vmem>>
        %dma_start3A_486 = arith.constant 0 : i32
        %dma_start3A_487 = arith.constant 0 : i32
        %dma_start3A_488 = tpu.memref_slice %arg3[%dma_start3A_486, %dma_start3A_487] : memref<10240x128xf32, #tpu.memory_space<hbm>> -> memref<10240x128xf32, #tpu.memory_space<hbm>>
        tpu.enqueue_indirect_dma source(%dma_start3A_488 : memref<10240x128xf32, #tpu.memory_space<hbm>>) target(%dma_start3A_482 : memref<128x128xf32, #tpu.memory_space<vmem>>) offsets(%dma_start3A_485 : memref<128xi32, #tpu.memory_space<vmem>>) semaphore(%arg11 : memref<!tpu.dma_semaphore, #tpu.memory_space<semaphore_mem>>)
        %dma_wait3A_489 = arith.constant 0 : i32
        %dma_wait3A_490 = arith.constant 0 : i32
        %dma_wait3A_491 = arith.constant 0 : i32
        %dma_wait3A_492 = arith.constant 0 : i32
        %dma_wait3A_493 = arith.constant 0 : i32
        %dma_wait3A_494 = arith.constant 0 : i32
        %dma_wait3A_495 = tpu.memref_slice %arg8[%dma_wait3A_492, %dma_wait3A_493, %dma_wait3A_494] : memref<2x128x128xf32, #tpu.memory_space<vmem>> -> memref<1x128x128xf32, #tpu.memory_space<vmem>>
        %dma_wait3A_496 = tpu.memref_squeeze %dma_wait3A_495 : memref<1x128x128xf32, #tpu.memory_space<vmem>> -> memref<128x128xf32, #tpu.memory_space<vmem>>
        %dma_wait3A_497 = arith.constant 0 : i32
        %dma_wait3A_498 = tpu.memref_slice %arg7[%dma_wait3A_489, %dma_wait3A_490, %dma_wait3A_491, %dma_wait3A_497] : memref<2x2x16x128xi32, #tpu.memory_space<vmem>> -> memref<1x1x1x128xi32, #tpu.memory_space<vmem>>
        %dma_wait3A_499 = tpu.memref_squeeze %dma_wait3A_498 : memref<1x1x1x128xi32, #tpu.memory_space<vmem>> -> memref<128xi32, #tpu.memory_space<vmem>>
        %dma_wait3A_500 = arith.constant 0 : i32
        %dma_wait3A_501 = arith.constant 0 : i32
        %dma_wait3A_502 = tpu.memref_slice %arg3[%dma_wait3A_500, %dma_wait3A_501] : memref<10240x128xf32, #tpu.memory_space<hbm>> -> memref<10240x128xf32, #tpu.memory_space<hbm>>
        tpu.wait_indirect_dma semaphore(%arg10 : memref<!tpu.dma_semaphore, #tpu.memory_space<semaphore_mem>>) src(%dma_wait3A_502 : memref<10240x128xf32, #tpu.memory_space<hbm>>) dst(%dma_wait3A_496 : memref<128x128xf32, #tpu.memory_space<vmem>>)
        %run_scoped3A_503 = arith.constant 0 : i32
        %run_scoped3A_504 = arith.constant 1 : i32
        %run_scoped3A_505 = arith.constant 12 : i32
        "tpu.region"() ({
          %run_scoped3A_598 = tpu.sem_alloc : memref<!tpu.dma_semaphore, #tpu.memory_space<semaphore_mem>>
          %dma_start3A_599 = arith.constant 0 : i32
          %dma_start3A_600 = arith.constant 0 : i32
          %dma_start3A_601 = tpu.memref_slice %arg8[%run_scoped3A_503, %dma_start3A_599, %dma_start3A_600] : memref<2x128x128xf32, #tpu.memory_space<vmem>> -> memref<1x128x128xf32, #tpu.memory_space<vmem>>
          %dma_start3A_602 = tpu.memref_squeeze %dma_start3A_601 : memref<1x128x128xf32, #tpu.memory_space<vmem>> -> memref<128x128xf32, #tpu.memory_space<vmem>>
          %dma_start3A_603 = arith.constant 0 : i32
          %dma_start3A_604 = tpu.memref_slice %arg7[%rem3A_121, %run_scoped3A_504, %run_scoped3A_505, %dma_start3A_603] : memref<2x2x16x128xi32, #tpu.memory_space<vmem>> -> memref<1x1x1x128xi32, #tpu.memory_space<vmem>>
          %dma_start3A_605 = tpu.memref_squeeze %dma_start3A_604 : memref<1x1x1x128xi32, #tpu.memory_space<vmem>> -> memref<128xi32, #tpu.memory_space<vmem>>
          %dma_start3A_606 = arith.constant 0 : i32
          %dma_start3A_607 = arith.constant 0 : i32
          %dma_start3A_608 = tpu.memref_slice %arg9[%dma_start3A_606, %dma_start3A_607] : memref<10240x128xf32, #tpu.memory_space<vmem_shared>> -> memref<10240x128xf32, #tpu.memory_space<vmem_shared>>
          tpu.enqueue_indirect_dma source(%dma_start3A_602 : memref<128x128xf32, #tpu.memory_space<vmem>>) target(%dma_start3A_608 : memref<10240x128xf32, #tpu.memory_space<vmem_shared>>) offsets(%dma_start3A_605 : memref<128xi32, #tpu.memory_space<vmem>>) semaphore(%run_scoped3A_598 : memref<!tpu.dma_semaphore, #tpu.memory_space<semaphore_mem>>) {add = true}
          %dma_wait3A_609 = arith.constant 0 : i32
          %dma_wait3A_610 = arith.constant 0 : i32
          %dma_wait3A_611 = tpu.memref_slice %arg8[%run_scoped3A_503, %dma_wait3A_609, %dma_wait3A_610] : memref<2x128x128xf32, #tpu.memory_space<vmem>> -> memref<1x128x128xf32, #tpu.memory_space<vmem>>
          %dma_wait3A_612 = tpu.memref_squeeze %dma_wait3A_611 : memref<1x128x128xf32, #tpu.memory_space<vmem>> -> memref<128x128xf32, #tpu.memory_space<vmem>>
          %dma_wait3A_613 = arith.constant 0 : i32
          %dma_wait3A_614 = tpu.memref_slice %arg7[%rem3A_121, %run_scoped3A_504, %run_scoped3A_505, %dma_wait3A_613] : memref<2x2x16x128xi32, #tpu.memory_space<vmem>> -> memref<1x1x1x128xi32, #tpu.memory_space<vmem>>
          %dma_wait3A_615 = tpu.memref_squeeze %dma_wait3A_614 : memref<1x1x1x128xi32, #tpu.memory_space<vmem>> -> memref<128xi32, #tpu.memory_space<vmem>>
          %dma_wait3A_616 = arith.constant 0 : i32
          %dma_wait3A_617 = arith.constant 0 : i32
          %dma_wait3A_618 = tpu.memref_slice %arg9[%dma_wait3A_616, %dma_wait3A_617] : memref<10240x128xf32, #tpu.memory_space<vmem_shared>> -> memref<10240x128xf32, #tpu.memory_space<vmem_shared>>
          tpu.wait_indirect_dma semaphore(%run_scoped3A_598 : memref<!tpu.dma_semaphore, #tpu.memory_space<semaphore_mem>>) src(%dma_wait3A_612 : memref<128x128xf32, #tpu.memory_space<vmem>>) dst(%dma_wait3A_618 : memref<10240x128xf32, #tpu.memory_space<vmem_shared>>)
          tpu.yield
        }) : () -> ()
        %dma_start3A_506 = arith.constant 0 : i32
        %dma_start3A_507 = arith.constant 14 : i32
        %dma_start3A_508 = arith.constant 0 : i32
        %dma_start3A_509 = arith.constant 0 : i32
        %dma_start3A_510 = arith.constant 0 : i32
        %dma_start3A_511 = tpu.memref_slice %arg8[%dma_start3A_508, %dma_start3A_509, %dma_start3A_510] : memref<2x128x128xf32, #tpu.memory_space<vmem>> -> memref<1x128x128xf32, #tpu.memory_space<vmem>>
        %dma_start3A_512 = tpu.memref_squeeze %dma_start3A_511 : memref<1x128x128xf32, #tpu.memory_space<vmem>> -> memref<128x128xf32, #tpu.memory_space<vmem>>
        %dma_start3A_513 = arith.constant 0 : i32
        %dma_start3A_514 = tpu.memref_slice %arg7[%rem3A_121, %dma_start3A_506, %dma_start3A_507, %dma_start3A_513] : memref<2x2x16x128xi32, #tpu.memory_space<vmem>> -> memref<1x1x1x128xi32, #tpu.memory_space<vmem>>
        %dma_start3A_515 = tpu.memref_squeeze %dma_start3A_514 : memref<1x1x1x128xi32, #tpu.memory_space<vmem>> -> memref<128xi32, #tpu.memory_space<vmem>>
        %dma_start3A_516 = arith.constant 0 : i32
        %dma_start3A_517 = arith.constant 0 : i32
        %dma_start3A_518 = tpu.memref_slice %arg3[%dma_start3A_516, %dma_start3A_517] : memref<10240x128xf32, #tpu.memory_space<hbm>> -> memref<10240x128xf32, #tpu.memory_space<hbm>>
        tpu.enqueue_indirect_dma source(%dma_start3A_518 : memref<10240x128xf32, #tpu.memory_space<hbm>>) target(%dma_start3A_512 : memref<128x128xf32, #tpu.memory_space<vmem>>) offsets(%dma_start3A_515 : memref<128xi32, #tpu.memory_space<vmem>>) semaphore(%arg10 : memref<!tpu.dma_semaphore, #tpu.memory_space<semaphore_mem>>)
        %dma_wait3A_519 = arith.constant 0 : i32
        %dma_wait3A_520 = arith.constant 0 : i32
        %dma_wait3A_521 = arith.constant 0 : i32
        %dma_wait3A_522 = arith.constant 1 : i32
        %dma_wait3A_523 = arith.constant 0 : i32
        %dma_wait3A_524 = arith.constant 0 : i32
        %dma_wait3A_525 = tpu.memref_slice %arg8[%dma_wait3A_522, %dma_wait3A_523, %dma_wait3A_524] : memref<2x128x128xf32, #tpu.memory_space<vmem>> -> memref<1x128x128xf32, #tpu.memory_space<vmem>>
        %dma_wait3A_526 = tpu.memref_squeeze %dma_wait3A_525 : memref<1x128x128xf32, #tpu.memory_space<vmem>> -> memref<128x128xf32, #tpu.memory_space<vmem>>
        %dma_wait3A_527 = arith.constant 0 : i32
        %dma_wait3A_528 = tpu.memref_slice %arg7[%dma_wait3A_519, %dma_wait3A_520, %dma_wait3A_521, %dma_wait3A_527] : memref<2x2x16x128xi32, #tpu.memory_space<vmem>> -> memref<1x1x1x128xi32, #tpu.memory_space<vmem>>
        %dma_wait3A_529 = tpu.memref_squeeze %dma_wait3A_528 : memref<1x1x1x128xi32, #tpu.memory_space<vmem>> -> memref<128xi32, #tpu.memory_space<vmem>>
        %dma_wait3A_530 = arith.constant 0 : i32
        %dma_wait3A_531 = arith.constant 0 : i32
        %dma_wait3A_532 = tpu.memref_slice %arg3[%dma_wait3A_530, %dma_wait3A_531] : memref<10240x128xf32, #tpu.memory_space<hbm>> -> memref<10240x128xf32, #tpu.memory_space<hbm>>
        tpu.wait_indirect_dma semaphore(%arg11 : memref<!tpu.dma_semaphore, #tpu.memory_space<semaphore_mem>>) src(%dma_wait3A_532 : memref<10240x128xf32, #tpu.memory_space<hbm>>) dst(%dma_wait3A_526 : memref<128x128xf32, #tpu.memory_space<vmem>>)
        %run_scoped3A_533 = arith.constant 1 : i32
        %run_scoped3A_534 = arith.constant 1 : i32
        %run_scoped3A_535 = arith.constant 13 : i32
        "tpu.region"() ({
          %run_scoped3A_598 = tpu.sem_alloc : memref<!tpu.dma_semaphore, #tpu.memory_space<semaphore_mem>>
          %dma_start3A_599 = arith.constant 0 : i32
          %dma_start3A_600 = arith.constant 0 : i32
          %dma_start3A_601 = tpu.memref_slice %arg8[%run_scoped3A_533, %dma_start3A_599, %dma_start3A_600] : memref<2x128x128xf32, #tpu.memory_space<vmem>> -> memref<1x128x128xf32, #tpu.memory_space<vmem>>
          %dma_start3A_602 = tpu.memref_squeeze %dma_start3A_601 : memref<1x128x128xf32, #tpu.memory_space<vmem>> -> memref<128x128xf32, #tpu.memory_space<vmem>>
          %dma_start3A_603 = arith.constant 0 : i32
          %dma_start3A_604 = tpu.memref_slice %arg7[%rem3A_121, %run_scoped3A_534, %run_scoped3A_535, %dma_start3A_603] : memref<2x2x16x128xi32, #tpu.memory_space<vmem>> -> memref<1x1x1x128xi32, #tpu.memory_space<vmem>>
          %dma_start3A_605 = tpu.memref_squeeze %dma_start3A_604 : memref<1x1x1x128xi32, #tpu.memory_space<vmem>> -> memref<128xi32, #tpu.memory_space<vmem>>
          %dma_start3A_606 = arith.constant 0 : i32
          %dma_start3A_607 = arith.constant 0 : i32
          %dma_start3A_608 = tpu.memref_slice %arg9[%dma_start3A_606, %dma_start3A_607] : memref<10240x128xf32, #tpu.memory_space<vmem_shared>> -> memref<10240x128xf32, #tpu.memory_space<vmem_shared>>
          tpu.enqueue_indirect_dma source(%dma_start3A_602 : memref<128x128xf32, #tpu.memory_space<vmem>>) target(%dma_start3A_608 : memref<10240x128xf32, #tpu.memory_space<vmem_shared>>) offsets(%dma_start3A_605 : memref<128xi32, #tpu.memory_space<vmem>>) semaphore(%run_scoped3A_598 : memref<!tpu.dma_semaphore, #tpu.memory_space<semaphore_mem>>) {add = true}
          %dma_wait3A_609 = arith.constant 0 : i32
          %dma_wait3A_610 = arith.constant 0 : i32
          %dma_wait3A_611 = tpu.memref_slice %arg8[%run_scoped3A_533, %dma_wait3A_609, %dma_wait3A_610] : memref<2x128x128xf32, #tpu.memory_space<vmem>> -> memref<1x128x128xf32, #tpu.memory_space<vmem>>
          %dma_wait3A_612 = tpu.memref_squeeze %dma_wait3A_611 : memref<1x128x128xf32, #tpu.memory_space<vmem>> -> memref<128x128xf32, #tpu.memory_space<vmem>>
          %dma_wait3A_613 = arith.constant 0 : i32
          %dma_wait3A_614 = tpu.memref_slice %arg7[%rem3A_121, %run_scoped3A_534, %run_scoped3A_535, %dma_wait3A_613] : memref<2x2x16x128xi32, #tpu.memory_space<vmem>> -> memref<1x1x1x128xi32, #tpu.memory_space<vmem>>
          %dma_wait3A_615 = tpu.memref_squeeze %dma_wait3A_614 : memref<1x1x1x128xi32, #tpu.memory_space<vmem>> -> memref<128xi32, #tpu.memory_space<vmem>>
          %dma_wait3A_616 = arith.constant 0 : i32
          %dma_wait3A_617 = arith.constant 0 : i32
          %dma_wait3A_618 = tpu.memref_slice %arg9[%dma_wait3A_616, %dma_wait3A_617] : memref<10240x128xf32, #tpu.memory_space<vmem_shared>> -> memref<10240x128xf32, #tpu.memory_space<vmem_shared>>
          tpu.wait_indirect_dma semaphore(%run_scoped3A_598 : memref<!tpu.dma_semaphore, #tpu.memory_space<semaphore_mem>>) src(%dma_wait3A_612 : memref<128x128xf32, #tpu.memory_space<vmem>>) dst(%dma_wait3A_618 : memref<10240x128xf32, #tpu.memory_space<vmem_shared>>)
          tpu.yield
        }) : () -> ()
        %dma_start3A_536 = arith.constant 0 : i32
        %dma_start3A_537 = arith.constant 15 : i32
        %dma_start3A_538 = arith.constant 1 : i32
        %dma_start3A_539 = arith.constant 0 : i32
        %dma_start3A_540 = arith.constant 0 : i32
        %dma_start3A_541 = tpu.memref_slice %arg8[%dma_start3A_538, %dma_start3A_539, %dma_start3A_540] : memref<2x128x128xf32, #tpu.memory_space<vmem>> -> memref<1x128x128xf32, #tpu.memory_space<vmem>>
        %dma_start3A_542 = tpu.memref_squeeze %dma_start3A_541 : memref<1x128x128xf32, #tpu.memory_space<vmem>> -> memref<128x128xf32, #tpu.memory_space<vmem>>
        %dma_start3A_543 = arith.constant 0 : i32
        %dma_start3A_544 = tpu.memref_slice %arg7[%rem3A_121, %dma_start3A_536, %dma_start3A_537, %dma_start3A_543] : memref<2x2x16x128xi32, #tpu.memory_space<vmem>> -> memref<1x1x1x128xi32, #tpu.memory_space<vmem>>
        %dma_start3A_545 = tpu.memref_squeeze %dma_start3A_544 : memref<1x1x1x128xi32, #tpu.memory_space<vmem>> -> memref<128xi32, #tpu.memory_space<vmem>>
        %dma_start3A_546 = arith.constant 0 : i32
        %dma_start3A_547 = arith.constant 0 : i32
        %dma_start3A_548 = tpu.memref_slice %arg3[%dma_start3A_546, %dma_start3A_547] : memref<10240x128xf32, #tpu.memory_space<hbm>> -> memref<10240x128xf32, #tpu.memory_space<hbm>>
        tpu.enqueue_indirect_dma source(%dma_start3A_548 : memref<10240x128xf32, #tpu.memory_space<hbm>>) target(%dma_start3A_542 : memref<128x128xf32, #tpu.memory_space<vmem>>) offsets(%dma_start3A_545 : memref<128xi32, #tpu.memory_space<vmem>>) semaphore(%arg11 : memref<!tpu.dma_semaphore, #tpu.memory_space<semaphore_mem>>)
        %dma_wait3A_549 = arith.constant 0 : i32
        %dma_wait3A_550 = arith.constant 0 : i32
        %dma_wait3A_551 = arith.constant 0 : i32
        %dma_wait3A_552 = arith.constant 0 : i32
        %dma_wait3A_553 = arith.constant 0 : i32
        %dma_wait3A_554 = arith.constant 0 : i32
        %dma_wait3A_555 = tpu.memref_slice %arg8[%dma_wait3A_552, %dma_wait3A_553, %dma_wait3A_554] : memref<2x128x128xf32, #tpu.memory_space<vmem>> -> memref<1x128x128xf32, #tpu.memory_space<vmem>>
        %dma_wait3A_556 = tpu.memref_squeeze %dma_wait3A_555 : memref<1x128x128xf32, #tpu.memory_space<vmem>> -> memref<128x128xf32, #tpu.memory_space<vmem>>
        %dma_wait3A_557 = arith.constant 0 : i32
        %dma_wait3A_558 = tpu.memref_slice %arg7[%dma_wait3A_549, %dma_wait3A_550, %dma_wait3A_551, %dma_wait3A_557] : memref<2x2x16x128xi32, #tpu.memory_space<vmem>> -> memref<1x1x1x128xi32, #tpu.memory_space<vmem>>
        %dma_wait3A_559 = tpu.memref_squeeze %dma_wait3A_558 : memref<1x1x1x128xi32, #tpu.memory_space<vmem>> -> memref<128xi32, #tpu.memory_space<vmem>>
        %dma_wait3A_560 = arith.constant 0 : i32
        %dma_wait3A_561 = arith.constant 0 : i32
        %dma_wait3A_562 = tpu.memref_slice %arg3[%dma_wait3A_560, %dma_wait3A_561] : memref<10240x128xf32, #tpu.memory_space<hbm>> -> memref<10240x128xf32, #tpu.memory_space<hbm>>
        tpu.wait_indirect_dma semaphore(%arg10 : memref<!tpu.dma_semaphore, #tpu.memory_space<semaphore_mem>>) src(%dma_wait3A_562 : memref<10240x128xf32, #tpu.memory_space<hbm>>) dst(%dma_wait3A_556 : memref<128x128xf32, #tpu.memory_space<vmem>>)
        %run_scoped3A_563 = arith.constant 0 : i32
        %run_scoped3A_564 = arith.constant 1 : i32
        %run_scoped3A_565 = arith.constant 14 : i32
        "tpu.region"() ({
          %run_scoped3A_598 = tpu.sem_alloc : memref<!tpu.dma_semaphore, #tpu.memory_space<semaphore_mem>>
          %dma_start3A_599 = arith.constant 0 : i32
          %dma_start3A_600 = arith.constant 0 : i32
          %dma_start3A_601 = tpu.memref_slice %arg8[%run_scoped3A_563, %dma_start3A_599, %dma_start3A_600] : memref<2x128x128xf32, #tpu.memory_space<vmem>> -> memref<1x128x128xf32, #tpu.memory_space<vmem>>
          %dma_start3A_602 = tpu.memref_squeeze %dma_start3A_601 : memref<1x128x128xf32, #tpu.memory_space<vmem>> -> memref<128x128xf32, #tpu.memory_space<vmem>>
          %dma_start3A_603 = arith.constant 0 : i32
          %dma_start3A_604 = tpu.memref_slice %arg7[%rem3A_121, %run_scoped3A_564, %run_scoped3A_565, %dma_start3A_603] : memref<2x2x16x128xi32, #tpu.memory_space<vmem>> -> memref<1x1x1x128xi32, #tpu.memory_space<vmem>>
          %dma_start3A_605 = tpu.memref_squeeze %dma_start3A_604 : memref<1x1x1x128xi32, #tpu.memory_space<vmem>> -> memref<128xi32, #tpu.memory_space<vmem>>
          %dma_start3A_606 = arith.constant 0 : i32
          %dma_start3A_607 = arith.constant 0 : i32
          %dma_start3A_608 = tpu.memref_slice %arg9[%dma_start3A_606, %dma_start3A_607] : memref<10240x128xf32, #tpu.memory_space<vmem_shared>> -> memref<10240x128xf32, #tpu.memory_space<vmem_shared>>
          tpu.enqueue_indirect_dma source(%dma_start3A_602 : memref<128x128xf32, #tpu.memory_space<vmem>>) target(%dma_start3A_608 : memref<10240x128xf32, #tpu.memory_space<vmem_shared>>) offsets(%dma_start3A_605 : memref<128xi32, #tpu.memory_space<vmem>>) semaphore(%run_scoped3A_598 : memref<!tpu.dma_semaphore, #tpu.memory_space<semaphore_mem>>) {add = true}
          %dma_wait3A_609 = arith.constant 0 : i32
          %dma_wait3A_610 = arith.constant 0 : i32
          %dma_wait3A_611 = tpu.memref_slice %arg8[%run_scoped3A_563, %dma_wait3A_609, %dma_wait3A_610] : memref<2x128x128xf32, #tpu.memory_space<vmem>> -> memref<1x128x128xf32, #tpu.memory_space<vmem>>
          %dma_wait3A_612 = tpu.memref_squeeze %dma_wait3A_611 : memref<1x128x128xf32, #tpu.memory_space<vmem>> -> memref<128x128xf32, #tpu.memory_space<vmem>>
          %dma_wait3A_613 = arith.constant 0 : i32
          %dma_wait3A_614 = tpu.memref_slice %arg7[%rem3A_121, %run_scoped3A_564, %run_scoped3A_565, %dma_wait3A_613] : memref<2x2x16x128xi32, #tpu.memory_space<vmem>> -> memref<1x1x1x128xi32, #tpu.memory_space<vmem>>
          %dma_wait3A_615 = tpu.memref_squeeze %dma_wait3A_614 : memref<1x1x1x128xi32, #tpu.memory_space<vmem>> -> memref<128xi32, #tpu.memory_space<vmem>>
          %dma_wait3A_616 = arith.constant 0 : i32
          %dma_wait3A_617 = arith.constant 0 : i32
          %dma_wait3A_618 = tpu.memref_slice %arg9[%dma_wait3A_616, %dma_wait3A_617] : memref<10240x128xf32, #tpu.memory_space<vmem_shared>> -> memref<10240x128xf32, #tpu.memory_space<vmem_shared>>
          tpu.wait_indirect_dma semaphore(%run_scoped3A_598 : memref<!tpu.dma_semaphore, #tpu.memory_space<semaphore_mem>>) src(%dma_wait3A_612 : memref<128x128xf32, #tpu.memory_space<vmem>>) dst(%dma_wait3A_618 : memref<10240x128xf32, #tpu.memory_space<vmem_shared>>)
          tpu.yield
        }) : () -> ()
        %add3A_566 = arith.constant 1 : i32
        %add3A_567 = arith.addi %scan3A_119, %add3A_566 : i32
        %lt3A_568 = arith.constant 10 : i32
        %lt3A_569 = arith.cmpi slt, %add3A_567, %lt3A_568 : i32
        %convert_element_type3A_570 = arith.extui %lt3A_569 : i1 to i32
        %cond3A_571 = arith.constant 0 : i32
        %cond3A_572 = arith.cmpi ne, %convert_element_type3A_570, %cond3A_571 : i32
        scf.if %cond3A_572 {
          %add3A_598 = arith.constant 0 : i32
          %add3A_599 = arith.addi %mul3A_47, %add3A_598 : i32
          %dma_wait3A_600 = arith.constant 0 : i32
          %dma_wait3A_601 = arith.constant 0 : i32
          %dma_wait3A_602 = arith.constant 0 : i32
          %dma_wait3A_603 = tpu.memref_slice %arg7[%sub3A_122, %dma_wait3A_600, %dma_wait3A_601, %dma_wait3A_602] : memref<2x2x16x128xi32, #tpu.memory_space<vmem>> -> memref<1x2x16x128xi32, #tpu.memory_space<vmem>>
          %dma_wait3A_604 = tpu.memref_squeeze %dma_wait3A_603 : memref<1x2x16x128xi32, #tpu.memory_space<vmem>> -> memref<2x16x128xi32, #tpu.memory_space<vmem>>
          %dma_wait3A_605 = arith.constant 0 : i32
          %dma_wait3A_606 = arith.constant 0 : i32
          %dma_wait3A_607 = tpu.memref_slice %arg4[%dma_wait3A_605, %add3A_599, %dma_wait3A_606] : memref<2x2560x128xi32, #tpu.memory_space<hbm>> -> memref<2x16x128xi32, #tpu.memory_space<hbm>>
          %dma_wait3A_608 = arith.constant 0 : i32
          %dma_wait3A_609 = arith.constant 0 : i32
          %dma_wait3A_610 = arith.constant 0 : i32
          %dma_wait3A_611 = tpu.memref_slice %arg7[%sub3A_122, %dma_wait3A_608, %dma_wait3A_609, %dma_wait3A_610] : memref<2x2x16x128xi32, #tpu.memory_space<vmem>> -> memref<1x2x16x128xi32, #tpu.memory_space<vmem>>
          %dma_wait3A_612 = tpu.memref_squeeze %dma_wait3A_611 : memref<1x2x16x128xi32, #tpu.memory_space<vmem>> -> memref<2x16x128xi32, #tpu.memory_space<vmem>>
          %dma_wait3A_613 = arith.constant 0 : i32
          %dma_wait3A_614 = arith.constant 0 : i32
          %dma_wait3A_615 = tpu.memref_slice %arg4[%dma_wait3A_613, %add3A_599, %dma_wait3A_614] : memref<2x2560x128xi32, #tpu.memory_space<hbm>> -> memref<2x16x128xi32, #tpu.memory_space<hbm>>
          tpu.wait_dma2 semaphore(%arg12 : memref<!tpu.dma_semaphore, #tpu.memory_space<semaphore_mem>>) src(%dma_wait3A_615 : memref<2x16x128xi32, #tpu.memory_space<hbm>>) dst(%dma_wait3A_612 : memref<2x16x128xi32, #tpu.memory_space<vmem>>)
          %dma_start3A_616 = arith.constant 0 : i32
          %dma_start3A_617 = arith.constant 0 : i32
          %dma_start3A_618 = arith.constant 0 : i32
          %dma_start3A_619 = arith.constant 0 : i32
          %dma_start3A_620 = arith.constant 0 : i32
          %dma_start3A_621 = tpu.memref_slice %arg8[%dma_start3A_618, %dma_start3A_619, %dma_start3A_620] : memref<2x128x128xf32, #tpu.memory_space<vmem>> -> memref<1x128x128xf32, #tpu.memory_space<vmem>>
          %dma_start3A_622 = tpu.memref_squeeze %dma_start3A_621 : memref<1x128x128xf32, #tpu.memory_space<vmem>> -> memref<128x128xf32, #tpu.memory_space<vmem>>
          %dma_start3A_623 = arith.constant 0 : i32
          %dma_start3A_624 = tpu.memref_slice %arg7[%sub3A_122, %dma_start3A_616, %dma_start3A_617, %dma_start3A_623] : memref<2x2x16x128xi32, #tpu.memory_space<vmem>> -> memref<1x1x1x128xi32, #tpu.memory_space<vmem>>
          %dma_start3A_625 = tpu.memref_squeeze %dma_start3A_624 : memref<1x1x1x128xi32, #tpu.memory_space<vmem>> -> memref<128xi32, #tpu.memory_space<vmem>>
          %dma_start3A_626 = arith.constant 0 : i32
          %dma_start3A_627 = arith.constant 0 : i32
          %dma_start3A_628 = tpu.memref_slice %arg3[%dma_start3A_626, %dma_start3A_627] : memref<10240x128xf32, #tpu.memory_space<hbm>> -> memref<10240x128xf32, #tpu.memory_space<hbm>>
          tpu.enqueue_indirect_dma source(%dma_start3A_628 : memref<10240x128xf32, #tpu.memory_space<hbm>>) target(%dma_start3A_622 : memref<128x128xf32, #tpu.memory_space<vmem>>) offsets(%dma_start3A_625 : memref<128xi32, #tpu.memory_space<vmem>>) semaphore(%arg10 : memref<!tpu.dma_semaphore, #tpu.memory_space<semaphore_mem>>)
        } else {
        }
        %dma_wait3A_573 = arith.constant 0 : i32
        %dma_wait3A_574 = arith.constant 0 : i32
        %dma_wait3A_575 = arith.constant 0 : i32
        %dma_wait3A_576 = arith.constant 1 : i32
        %dma_wait3A_577 = arith.constant 0 : i32
        %dma_wait3A_578 = arith.constant 0 : i32
        %dma_wait3A_579 = tpu.memref_slice %arg8[%dma_wait3A_576, %dma_wait3A_577, %dma_wait3A_578] : memref<2x128x128xf32, #tpu.memory_space<vmem>> -> memref<1x128x128xf32, #tpu.memory_space<vmem>>
        %dma_wait3A_580 = tpu.memref_squeeze %dma_wait3A_579 : memref<1x128x128xf32, #tpu.memory_space<vmem>> -> memref<128x128xf32, #tpu.memory_space<vmem>>
        %dma_wait3A_581 = arith.constant 0 : i32
        %dma_wait3A_582 = tpu.memref_slice %arg7[%dma_wait3A_573, %dma_wait3A_574, %dma_wait3A_575, %dma_wait3A_581] : memref<2x2x16x128xi32, #tpu.memory_space<vmem>> -> memref<1x1x1x128xi32, #tpu.memory_space<vmem>>
        %dma_wait3A_583 = tpu.memref_squeeze %dma_wait3A_582 : memref<1x1x1x128xi32, #tpu.memory_space<vmem>> -> memref<128xi32, #tpu.memory_space<vmem>>
        %dma_wait3A_584 = arith.constant 0 : i32
        %dma_wait3A_585 = arith.constant 0 : i32
        %dma_wait3A_586 = tpu.memref_slice %arg3[%dma_wait3A_584, %dma_wait3A_585] : memref<10240x128xf32, #tpu.memory_space<hbm>> -> memref<10240x128xf32, #tpu.memory_space<hbm>>
        tpu.wait_indirect_dma semaphore(%arg11 : memref<!tpu.dma_semaphore, #tpu.memory_space<semaphore_mem>>) src(%dma_wait3A_586 : memref<10240x128xf32, #tpu.memory_space<hbm>>) dst(%dma_wait3A_580 : memref<128x128xf32, #tpu.memory_space<vmem>>)
        %run_scoped3A_587 = arith.constant 1 : i32
        %run_scoped3A_588 = arith.constant 1 : i32
        %run_scoped3A_589 = arith.constant 15 : i32
        "tpu.region"() ({
          %run_scoped3A_598 = tpu.sem_alloc : memref<!tpu.dma_semaphore, #tpu.memory_space<semaphore_mem>>
          %dma_start3A_599 = arith.constant 0 : i32
          %dma_start3A_600 = arith.constant 0 : i32
          %dma_start3A_601 = tpu.memref_slice %arg8[%run_scoped3A_587, %dma_start3A_599, %dma_start3A_600] : memref<2x128x128xf32, #tpu.memory_space<vmem>> -> memref<1x128x128xf32, #tpu.memory_space<vmem>>
          %dma_start3A_602 = tpu.memref_squeeze %dma_start3A_601 : memref<1x128x128xf32, #tpu.memory_space<vmem>> -> memref<128x128xf32, #tpu.memory_space<vmem>>
          %dma_start3A_603 = arith.constant 0 : i32
          %dma_start3A_604 = tpu.memref_slice %arg7[%rem3A_121, %run_scoped3A_588, %run_scoped3A_589, %dma_start3A_603] : memref<2x2x16x128xi32, #tpu.memory_space<vmem>> -> memref<1x1x1x128xi32, #tpu.memory_space<vmem>>
          %dma_start3A_605 = tpu.memref_squeeze %dma_start3A_604 : memref<1x1x1x128xi32, #tpu.memory_space<vmem>> -> memref<128xi32, #tpu.memory_space<vmem>>
          %dma_start3A_606 = arith.constant 0 : i32
          %dma_start3A_607 = arith.constant 0 : i32
          %dma_start3A_608 = tpu.memref_slice %arg9[%dma_start3A_606, %dma_start3A_607] : memref<10240x128xf32, #tpu.memory_space<vmem_shared>> -> memref<10240x128xf32, #tpu.memory_space<vmem_shared>>
          tpu.enqueue_indirect_dma source(%dma_start3A_602 : memref<128x128xf32, #tpu.memory_space<vmem>>) target(%dma_start3A_608 : memref<10240x128xf32, #tpu.memory_space<vmem_shared>>) offsets(%dma_start3A_605 : memref<128xi32, #tpu.memory_space<vmem>>) semaphore(%run_scoped3A_598 : memref<!tpu.dma_semaphore, #tpu.memory_space<semaphore_mem>>) {add = true}
          %dma_wait3A_609 = arith.constant 0 : i32
          %dma_wait3A_610 = arith.constant 0 : i32
          %dma_wait3A_611 = tpu.memref_slice %arg8[%run_scoped3A_587, %dma_wait3A_609, %dma_wait3A_610] : memref<2x128x128xf32, #tpu.memory_space<vmem>> -> memref<1x128x128xf32, #tpu.memory_space<vmem>>
          %dma_wait3A_612 = tpu.memref_squeeze %dma_wait3A_611 : memref<1x128x128xf32, #tpu.memory_space<vmem>> -> memref<128x128xf32, #tpu.memory_space<vmem>>
          %dma_wait3A_613 = arith.constant 0 : i32
          %dma_wait3A_614 = tpu.memref_slice %arg7[%rem3A_121, %run_scoped3A_588, %run_scoped3A_589, %dma_wait3A_613] : memref<2x2x16x128xi32, #tpu.memory_space<vmem>> -> memref<1x1x1x128xi32, #tpu.memory_space<vmem>>
          %dma_wait3A_615 = tpu.memref_squeeze %dma_wait3A_614 : memref<1x1x1x128xi32, #tpu.memory_space<vmem>> -> memref<128xi32, #tpu.memory_space<vmem>>
          %dma_wait3A_616 = arith.constant 0 : i32
          %dma_wait3A_617 = arith.constant 0 : i32
          %dma_wait3A_618 = tpu.memref_slice %arg9[%dma_wait3A_616, %dma_wait3A_617] : memref<10240x128xf32, #tpu.memory_space<vmem_shared>> -> memref<10240x128xf32, #tpu.memory_space<vmem_shared>>
          tpu.wait_indirect_dma semaphore(%run_scoped3A_598 : memref<!tpu.dma_semaphore, #tpu.memory_space<semaphore_mem>>) src(%dma_wait3A_612 : memref<128x128xf32, #tpu.memory_space<vmem>>) dst(%dma_wait3A_618 : memref<10240x128xf32, #tpu.memory_space<vmem_shared>>)
          tpu.yield
        }) : () -> ()
        %add3A_590 = arith.constant 1 : i32
        %add3A_591 = arith.addi %scan3A_119, %add3A_590 : i32
        %lt3A_592 = arith.constant 10 : i32
        %lt3A_593 = arith.cmpi slt, %add3A_591, %lt3A_592 : i32
        %convert_element_type3A_594 = arith.extui %lt3A_593 : i1 to i32
        %cond3A_595 = arith.constant 0 : i32
        %cond3A_596 = arith.cmpi ne, %convert_element_type3A_594, %cond3A_595 : i32
        scf.if %cond3A_596 {
          %dma_start3A_598 = arith.constant 0 : i32
          %dma_start3A_599 = arith.constant 1 : i32
          %dma_start3A_600 = arith.constant 1 : i32
          %dma_start3A_601 = arith.constant 0 : i32
          %dma_start3A_602 = arith.constant 0 : i32
          %dma_start3A_603 = tpu.memref_slice %arg8[%dma_start3A_600, %dma_start3A_601, %dma_start3A_602] : memref<2x128x128xf32, #tpu.memory_space<vmem>> -> memref<1x128x128xf32, #tpu.memory_space<vmem>>
          %dma_start3A_604 = tpu.memref_squeeze %dma_start3A_603 : memref<1x128x128xf32, #tpu.memory_space<vmem>> -> memref<128x128xf32, #tpu.memory_space<vmem>>
          %dma_start3A_605 = arith.constant 0 : i32
          %dma_start3A_606 = tpu.memref_slice %arg7[%sub3A_122, %dma_start3A_598, %dma_start3A_599, %dma_start3A_605] : memref<2x2x16x128xi32, #tpu.memory_space<vmem>> -> memref<1x1x1x128xi32, #tpu.memory_space<vmem>>
          %dma_start3A_607 = tpu.memref_squeeze %dma_start3A_606 : memref<1x1x1x128xi32, #tpu.memory_space<vmem>> -> memref<128xi32, #tpu.memory_space<vmem>>
          %dma_start3A_608 = arith.constant 0 : i32
          %dma_start3A_609 = arith.constant 0 : i32
          %dma_start3A_610 = tpu.memref_slice %arg3[%dma_start3A_608, %dma_start3A_609] : memref<10240x128xf32, #tpu.memory_space<hbm>> -> memref<10240x128xf32, #tpu.memory_space<hbm>>
          tpu.enqueue_indirect_dma source(%dma_start3A_610 : memref<10240x128xf32, #tpu.memory_space<hbm>>) target(%dma_start3A_604 : memref<128x128xf32, #tpu.memory_space<vmem>>) offsets(%dma_start3A_607 : memref<128xi32, #tpu.memory_space<vmem>>) semaphore(%arg11 : memref<!tpu.dma_semaphore, #tpu.memory_space<semaphore_mem>>)
        } else {
        }
        %scan3A_597 = arith.constant 0 : i32
        scf.yield %scan3A_597 : i32
      }
      %scan3A_118 = arith.constant 10 : i32
    } else {
    }
    %barrier3A_35 = arith.constant 0 : index
    tpu.barrier barrier_id(%barrier3A_35)
    %eq3A_36 = arith.constant 0 : i32
    %eq3A_37 = arith.cmpi eq, %arg0, %eq3A_36 : i32
    %convert_element_type3A_38 = arith.extui %eq3A_37 : i1 to i32
    %cond3A_39 = arith.constant 0 : i32
    %cond3A_40 = arith.cmpi ne, %convert_element_type3A_38, %cond3A_39 : i32
    scf.if %cond3A_40 {
      %mul3A_46 = arith.constant 640 : i32
      %mul3A_47 = arith.muli %arg1, %mul3A_46 : i32
      %mul3A_48 = arith.constant 640 : i32
      %mul3A_49 = arith.muli %arg1, %mul3A_48 : i32
      "tpu.region"() ({
        %run_scoped3A_50 = tpu.sem_alloc : memref<!tpu.dma_semaphore, #tpu.memory_space<semaphore_mem>>
        %dma_start3A = arith.constant 0 : i32
        %dma_start3A_51 = tpu.memref_slice %arg5[%mul3A_49, %dma_start3A] : memref<10240x128xf32, #tpu.memory_space<hbm>> -> memref<640x128xf32, #tpu.memory_space<hbm>>
        %dma_start3A_52 = arith.constant 0 : i32
        %dma_start3A_53 = tpu.memref_slice %arg9[%mul3A_47, %dma_start3A_52] : memref<10240x128xf32, #tpu.memory_space<vmem_shared>> -> memref<640x128xf32, #tpu.memory_space<vmem_shared>>
        tpu.enqueue_dma source(%dma_start3A_53 : memref<640x128xf32, #tpu.memory_space<vmem_shared>>) target(%dma_start3A_51 : memref<640x128xf32, #tpu.memory_space<hbm>>) target_semaphore(%run_scoped3A_50 : memref<!tpu.dma_semaphore, #tpu.memory_space<semaphore_mem>>)
        %dma_wait3A = arith.constant 0 : i32
        %dma_wait3A_54 = tpu.memref_slice %arg5[%mul3A_49, %dma_wait3A] : memref<10240x128xf32, #tpu.memory_space<hbm>> -> memref<640x128xf32, #tpu.memory_space<hbm>>
        %dma_wait3A_55 = arith.constant 0 : i32
        %dma_wait3A_56 = tpu.memref_slice %arg9[%mul3A_47, %dma_wait3A_55] : memref<10240x128xf32, #tpu.memory_space<vmem_shared>> -> memref<640x128xf32, #tpu.memory_space<vmem_shared>>
        tpu.wait_dma2 semaphore(%run_scoped3A_50 : memref<!tpu.dma_semaphore, #tpu.memory_space<semaphore_mem>>) src(%dma_wait3A_56 : memref<640x128xf32, #tpu.memory_space<vmem_shared>>) dst(%dma_wait3A_54 : memref<640x128xf32, #tpu.memory_space<hbm>>)
        tpu.yield
      }) : () -> ()
    } else {
    }
    %eq3A_41 = arith.constant 1 : i32
    %eq3A_42 = arith.cmpi eq, %arg0, %eq3A_41 : i32
    %convert_element_type3A_43 = arith.extui %eq3A_42 : i1 to i32
    %cond3A_44 = arith.constant 0 : i32
    %cond3A_45 = arith.cmpi ne, %convert_element_type3A_43, %cond3A_44 : i32
    scf.if %cond3A_45 {
      %mul3A_46 = arith.constant 640 : i32
      %mul3A_47 = arith.muli %arg1, %mul3A_46 : i32
      %mul3A_48 = arith.constant 640 : i32
      %mul3A_49 = arith.muli %arg1, %mul3A_48 : i32
      "tpu.region"() ({
        %run_scoped3A_50 = tpu.sem_alloc : memref<!tpu.dma_semaphore, #tpu.memory_space<semaphore_mem>>
        %dma_start3A = arith.constant 0 : i32
        %dma_start3A_51 = tpu.memref_slice %arg6[%mul3A_49, %dma_start3A] : memref<10240x128xf32, #tpu.memory_space<hbm>> -> memref<640x128xf32, #tpu.memory_space<hbm>>
        %dma_start3A_52 = arith.constant 0 : i32
        %dma_start3A_53 = tpu.memref_slice %arg9[%mul3A_47, %dma_start3A_52] : memref<10240x128xf32, #tpu.memory_space<vmem_shared>> -> memref<640x128xf32, #tpu.memory_space<vmem_shared>>
        tpu.enqueue_dma source(%dma_start3A_53 : memref<640x128xf32, #tpu.memory_space<vmem_shared>>) target(%dma_start3A_51 : memref<640x128xf32, #tpu.memory_space<hbm>>) target_semaphore(%run_scoped3A_50 : memref<!tpu.dma_semaphore, #tpu.memory_space<semaphore_mem>>)
        %dma_wait3A = arith.constant 0 : i32
        %dma_wait3A_54 = tpu.memref_slice %arg6[%mul3A_49, %dma_wait3A] : memref<10240x128xf32, #tpu.memory_space<hbm>> -> memref<640x128xf32, #tpu.memory_space<hbm>>
        %dma_wait3A_55 = arith.constant 0 : i32
        %dma_wait3A_56 = tpu.memref_slice %arg9[%mul3A_47, %dma_wait3A_55] : memref<10240x128xf32, #tpu.memory_space<vmem_shared>> -> memref<640x128xf32, #tpu.memory_space<vmem_shared>>
        tpu.wait_dma2 semaphore(%run_scoped3A_50 : memref<!tpu.dma_semaphore, #tpu.memory_space<semaphore_mem>>) src(%dma_wait3A_56 : memref<640x128xf32, #tpu.memory_space<vmem_shared>>) dst(%dma_wait3A_54 : memref<640x128xf32, #tpu.memory_space<hbm>>)
        tpu.yield
      }) : () -> ()
    } else {
    }
    return
  }
}

#map = affine_map<(d0, d1) -> (0, 0, 0)>
module attributes {stable_mosaic.version = 14 : i64} {
  func.func @deg_k(%arg0: i32, %arg1: i32, %arg2: memref<2x2560x128xi32, #tpu.memory_space<hbm>>, %arg3: memref<2x2x10240xf32, #tpu.memory_space<hbm>>, %arg4: memref<2x80x128xi32, #tpu.memory_space<vmem>>, %arg5: memref<128xf32, #tpu.memory_space<vmem>>, %arg6: memref<640xf32, #tpu.memory_space<vmem>>, %arg7: memref<10240xf32, #tpu.memory_space<vmem_shared>>, %arg8: memref<10240xf32, #tpu.memory_space<vmem_shared>>, %arg9: memref<!tpu.dma_semaphore, #tpu.memory_space<semaphore_mem>>) attributes {dimension_semantics = [#tpu.dimension_semantics<core_parallel>, #tpu.dimension_semantics<subcore_parallel>], iteration_bounds = array<i64: 2, 16>, scalar_prefetch = 0 : i64, scratch_operands = 6 : i64, tpu.core_type = #tpu.core_type<sc_vector_subcore>, window_params = [{transform_indices = #map}, {transform_indices = #map}]} {
    %mul3A = arith.constant 16 : i32
    %mul3A_0 = arith.muli %arg0, %mul3A : i32
    %add3A = arith.addi %mul3A_0, %arg1 : i32
    %scan3A = arith.constant 0 : i32
    %scan3A_1 = arith.constant 0 : i32
    %scan3A_2 = arith.constant 8 : i32
    %scan3A_3 = arith.addi %scan3A_1, %scan3A_2 : i32
    %scan3A_4 = arith.constant 1 : i32
    %scan3A_5 = scf.for %scan3A_35 = %scan3A_1 to %scan3A_3 step %scan3A_4 iter_args(%scan3A_36 = %scan3A) -> (i32)  : i32 {
      %broadcast_in_dim3A = arith.constant 1.000000e+00 : f32
      %broadcast_in_dim3A_37 = vector.broadcast %broadcast_in_dim3A : f32 to vector<16xf32>
      %mul3A_38 = arith.constant 16 : i32
      %mul3A_39 = arith.muli %scan3A_35, %mul3A_38 : i32
      %swap3A = arith.index_cast %mul3A_39 : i32 to index
      %swap3A_40 = tpu.vector_load %arg5[%swap3A] {strides = array<i32>} : memref<128xf32, #tpu.memory_space<vmem>>, vector<16xf32>,
      %swap3A_41 = vector.shape_cast %swap3A_40 : vector<16xf32> to vector<16xf32>
      %swap3A_42 = vector.shape_cast %broadcast_in_dim3A_37 : vector<16xf32> to vector<16xf32>
      tpu.vector_store %arg5[%swap3A], %swap3A_42 {strides = array<i32>} : memref<128xf32, #tpu.memory_space<vmem>>, vector<16xf32>,
      %scan3A_43 = arith.constant 0 : i32
      scf.yield %scan3A_43 : i32
    }
    %scan3A_6 = arith.constant 8 : i32
    %scan3A_7 = arith.constant 0 : i32
    %scan3A_8 = arith.constant 0 : i32
    %scan3A_9 = arith.constant 40 : i32
    %scan3A_10 = arith.addi %scan3A_8, %scan3A_9 : i32
    %scan3A_11 = arith.constant 1 : i32
    %scan3A_12 = scf.for %scan3A_35 = %scan3A_8 to %scan3A_10 step %scan3A_11 iter_args(%scan3A_36 = %scan3A_7) -> (i32)  : i32 {
      %broadcast_in_dim3A = arith.constant 0.000000e+00 : f32
      %broadcast_in_dim3A_37 = vector.broadcast %broadcast_in_dim3A : f32 to vector<16xf32>
      %mul3A_38 = arith.constant 16 : i32
      %mul3A_39 = arith.muli %scan3A_35, %mul3A_38 : i32
      %swap3A = arith.index_cast %mul3A_39 : i32 to index
      %swap3A_40 = tpu.vector_load %arg6[%swap3A] {strides = array<i32>} : memref<640xf32, #tpu.memory_space<vmem>>, vector<16xf32>,
      %swap3A_41 = vector.shape_cast %swap3A_40 : vector<16xf32> to vector<16xf32>
      %swap3A_42 = vector.shape_cast %broadcast_in_dim3A_37 : vector<16xf32> to vector<16xf32>
      tpu.vector_store %arg6[%swap3A], %swap3A_42 {strides = array<i32>} : memref<640xf32, #tpu.memory_space<vmem>>, vector<16xf32>,
      %scan3A_43 = arith.constant 0 : i32
      scf.yield %scan3A_43 : i32
    }
    %scan3A_13 = arith.constant 40 : i32
    %mul3A_14 = arith.constant 640 : i32
    %mul3A_15 = arith.muli %arg1, %mul3A_14 : i32
    "tpu.region"() ({
      %run_scoped3A = tpu.sem_alloc : memref<!tpu.dma_semaphore, #tpu.memory_space<semaphore_mem>>
      %dma_start3A = tpu.memref_slice %arg7[%mul3A_15] : memref<10240xf32, #tpu.memory_space<vmem_shared>> -> memref<640xf32, #tpu.memory_space<vmem_shared>>
      %dma_start3A_35 = tpu.memref_slice %arg7[%mul3A_15] : memref<10240xf32, #tpu.memory_space<vmem_shared>> -> memref<640xf32, #tpu.memory_space<vmem_shared>>
      tpu.enqueue_dma source(%arg6 : memref<640xf32, #tpu.memory_space<vmem>>) target(%dma_start3A_35 : memref<640xf32, #tpu.memory_space<vmem_shared>>) target_semaphore(%run_scoped3A : memref<!tpu.dma_semaphore, #tpu.memory_space<semaphore_mem>>)
      %dma_wait3A = tpu.memref_slice %arg7[%mul3A_15] : memref<10240xf32, #tpu.memory_space<vmem_shared>> -> memref<640xf32, #tpu.memory_space<vmem_shared>>
      %dma_wait3A_36 = tpu.memref_slice %arg7[%mul3A_15] : memref<10240xf32, #tpu.memory_space<vmem_shared>> -> memref<640xf32, #tpu.memory_space<vmem_shared>>
      tpu.wait_dma2 semaphore(%run_scoped3A : memref<!tpu.dma_semaphore, #tpu.memory_space<semaphore_mem>>) src(%arg6 : memref<640xf32, #tpu.memory_space<vmem>>) dst(%dma_wait3A_36 : memref<640xf32, #tpu.memory_space<vmem_shared>>)
      tpu.yield
    }) : () -> ()
    %mul3A_16 = arith.constant 640 : i32
    %mul3A_17 = arith.muli %arg1, %mul3A_16 : i32
    "tpu.region"() ({
      %run_scoped3A = tpu.sem_alloc : memref<!tpu.dma_semaphore, #tpu.memory_space<semaphore_mem>>
      %dma_start3A = tpu.memref_slice %arg8[%mul3A_17] : memref<10240xf32, #tpu.memory_space<vmem_shared>> -> memref<640xf32, #tpu.memory_space<vmem_shared>>
      %dma_start3A_35 = tpu.memref_slice %arg8[%mul3A_17] : memref<10240xf32, #tpu.memory_space<vmem_shared>> -> memref<640xf32, #tpu.memory_space<vmem_shared>>
      tpu.enqueue_dma source(%arg6 : memref<640xf32, #tpu.memory_space<vmem>>) target(%dma_start3A_35 : memref<640xf32, #tpu.memory_space<vmem_shared>>) target_semaphore(%run_scoped3A : memref<!tpu.dma_semaphore, #tpu.memory_space<semaphore_mem>>)
      %dma_wait3A = tpu.memref_slice %arg8[%mul3A_17] : memref<10240xf32, #tpu.memory_space<vmem_shared>> -> memref<640xf32, #tpu.memory_space<vmem_shared>>
      %dma_wait3A_36 = tpu.memref_slice %arg8[%mul3A_17] : memref<10240xf32, #tpu.memory_space<vmem_shared>> -> memref<640xf32, #tpu.memory_space<vmem_shared>>
      tpu.wait_dma2 semaphore(%run_scoped3A : memref<!tpu.dma_semaphore, #tpu.memory_space<semaphore_mem>>) src(%arg6 : memref<640xf32, #tpu.memory_space<vmem>>) dst(%dma_wait3A_36 : memref<640xf32, #tpu.memory_space<vmem_shared>>)
      tpu.yield
    }) : () -> ()
    %barrier3A = arith.constant 0 : index
    tpu.barrier barrier_id(%barrier3A)
    %mul3A_18 = arith.constant 80 : i32
    %mul3A_19 = arith.muli %add3A, %mul3A_18 : i32
    "tpu.region"() ({
      %run_scoped3A = tpu.sem_alloc : memref<!tpu.dma_semaphore, #tpu.memory_space<semaphore_mem>>
      %dma_start3A = arith.constant 0 : i32
      %dma_start3A_35 = arith.constant 0 : i32
      %dma_start3A_36 = tpu.memref_slice %arg2[%dma_start3A, %mul3A_19, %dma_start3A_35] : memref<2x2560x128xi32, #tpu.memory_space<hbm>> -> memref<2x80x128xi32, #tpu.memory_space<hbm>>
      %dma_start3A_37 = arith.constant 0 : i32
      %dma_start3A_38 = arith.constant 0 : i32
      %dma_start3A_39 = tpu.memref_slice %arg2[%dma_start3A_37, %mul3A_19, %dma_start3A_38] : memref<2x2560x128xi32, #tpu.memory_space<hbm>> -> memref<2x80x128xi32, #tpu.memory_space<hbm>>
      tpu.enqueue_dma source(%dma_start3A_39 : memref<2x80x128xi32, #tpu.memory_space<hbm>>) target(%arg4 : memref<2x80x128xi32, #tpu.memory_space<vmem>>) target_semaphore(%run_scoped3A : memref<!tpu.dma_semaphore, #tpu.memory_space<semaphore_mem>>)
      %dma_wait3A = arith.constant 0 : i32
      %dma_wait3A_40 = arith.constant 0 : i32
      %dma_wait3A_41 = tpu.memref_slice %arg2[%dma_wait3A, %mul3A_19, %dma_wait3A_40] : memref<2x2560x128xi32, #tpu.memory_space<hbm>> -> memref<2x80x128xi32, #tpu.memory_space<hbm>>
      %dma_wait3A_42 = arith.constant 0 : i32
      %dma_wait3A_43 = arith.constant 0 : i32
      %dma_wait3A_44 = tpu.memref_slice %arg2[%dma_wait3A_42, %mul3A_19, %dma_wait3A_43] : memref<2x2560x128xi32, #tpu.memory_space<hbm>> -> memref<2x80x128xi32, #tpu.memory_space<hbm>>
      tpu.wait_dma2 semaphore(%run_scoped3A : memref<!tpu.dma_semaphore, #tpu.memory_space<semaphore_mem>>) src(%dma_wait3A_44 : memref<2x80x128xi32, #tpu.memory_space<hbm>>) dst(%arg4 : memref<2x80x128xi32, #tpu.memory_space<vmem>>)
      tpu.yield
    }) : () -> ()
    %scan3A_20 = arith.constant 0 : i32
    %scan3A_21 = arith.constant 0 : i32
    %scan3A_22 = arith.constant 10 : i32
    %scan3A_23 = arith.addi %scan3A_21, %scan3A_22 : i32
    %scan3A_24 = arith.constant 1 : i32
    %scan3A_25 = scf.for %scan3A_35 = %scan3A_21 to %scan3A_23 step %scan3A_24 iter_args(%scan3A_36 = %scan3A_20) -> (i32)  : i32 {
      %mul3A_37 = arith.constant 8 : i32
      %mul3A_38 = arith.muli %scan3A_35, %mul3A_37 : i32
      %add3A_39 = arith.constant 0 : i32
      %add3A_40 = arith.addi %mul3A_38, %add3A_39 : i32
      %dma_start3A = arith.constant 0 : i32
      %dma_start3A_41 = arith.constant 0 : i32
      %dma_start3A_42 = tpu.memref_slice %arg4[%dma_start3A, %add3A_40, %dma_start3A_41] : memref<2x80x128xi32, #tpu.memory_space<vmem>> -> memref<1x1x128xi32, #tpu.memory_space<vmem>>
      %dma_start3A_43 = tpu.memref_squeeze %dma_start3A_42 : memref<1x1x128xi32, #tpu.memory_space<vmem>> -> memref<128xi32, #tpu.memory_space<vmem>>
      %dma_start3A_44 = arith.constant 0 : i32
      %dma_start3A_45 = tpu.memref_slice %arg7[%dma_start3A_44] : memref<10240xf32, #tpu.memory_space<vmem_shared>> -> memref<10240xf32, #tpu.memory_space<vmem_shared>>
      tpu.enqueue_indirect_dma source(%arg5 : memref<128xf32, #tpu.memory_space<vmem>>) target(%dma_start3A_45 : memref<10240xf32, #tpu.memory_space<vmem_shared>>) offsets(%dma_start3A_43 : memref<128xi32, #tpu.memory_space<vmem>>) semaphore(%arg9 : memref<!tpu.dma_semaphore, #tpu.memory_space<semaphore_mem>>) {add = true}
      %mul3A_46 = arith.constant 8 : i32
      %mul3A_47 = arith.muli %scan3A_35, %mul3A_46 : i32
      %add3A_48 = arith.constant 0 : i32
      %add3A_49 = arith.addi %mul3A_47, %add3A_48 : i32
      %dma_start3A_50 = arith.constant 1 : i32
      %dma_start3A_51 = arith.constant 0 : i32
      %dma_start3A_52 = tpu.memref_slice %arg4[%dma_start3A_50, %add3A_49, %dma_start3A_51] : memref<2x80x128xi32, #tpu.memory_space<vmem>> -> memref<1x1x128xi32, #tpu.memory_space<vmem>>
      %dma_start3A_53 = tpu.memref_squeeze %dma_start3A_52 : memref<1x1x128xi32, #tpu.memory_space<vmem>> -> memref<128xi32, #tpu.memory_space<vmem>>
      %dma_start3A_54 = arith.constant 0 : i32
      %dma_start3A_55 = tpu.memref_slice %arg8[%dma_start3A_54] : memref<10240xf32, #tpu.memory_space<vmem_shared>> -> memref<10240xf32, #tpu.memory_space<vmem_shared>>
      tpu.enqueue_indirect_dma source(%arg5 : memref<128xf32, #tpu.memory_space<vmem>>) target(%dma_start3A_55 : memref<10240xf32, #tpu.memory_space<vmem_shared>>) offsets(%dma_start3A_53 : memref<128xi32, #tpu.memory_space<vmem>>) semaphore(%arg9 : memref<!tpu.dma_semaphore, #tpu.memory_space<semaphore_mem>>) {add = true}
      %mul3A_56 = arith.constant 8 : i32
      %mul3A_57 = arith.muli %scan3A_35, %mul3A_56 : i32
      %add3A_58 = arith.constant 1 : i32
      %add3A_59 = arith.addi %mul3A_57, %add3A_58 : i32
      %dma_start3A_60 = arith.constant 0 : i32
      %dma_start3A_61 = arith.constant 0 : i32
      %dma_start3A_62 = tpu.memref_slice %arg4[%dma_start3A_60, %add3A_59, %dma_start3A_61] : memref<2x80x128xi32, #tpu.memory_space<vmem>> -> memref<1x1x128xi32, #tpu.memory_space<vmem>>
      %dma_start3A_63 = tpu.memref_squeeze %dma_start3A_62 : memref<1x1x128xi32, #tpu.memory_space<vmem>> -> memref<128xi32, #tpu.memory_space<vmem>>
      %dma_start3A_64 = arith.constant 0 : i32
      %dma_start3A_65 = tpu.memref_slice %arg7[%dma_start3A_64] : memref<10240xf32, #tpu.memory_space<vmem_shared>> -> memref<10240xf32, #tpu.memory_space<vmem_shared>>
      tpu.enqueue_indirect_dma source(%arg5 : memref<128xf32, #tpu.memory_space<vmem>>) target(%dma_start3A_65 : memref<10240xf32, #tpu.memory_space<vmem_shared>>) offsets(%dma_start3A_63 : memref<128xi32, #tpu.memory_space<vmem>>) semaphore(%arg9 : memref<!tpu.dma_semaphore, #tpu.memory_space<semaphore_mem>>) {add = true}
      %mul3A_66 = arith.constant 8 : i32
      %mul3A_67 = arith.muli %scan3A_35, %mul3A_66 : i32
      %add3A_68 = arith.constant 1 : i32
      %add3A_69 = arith.addi %mul3A_67, %add3A_68 : i32
      %dma_start3A_70 = arith.constant 1 : i32
      %dma_start3A_71 = arith.constant 0 : i32
      %dma_start3A_72 = tpu.memref_slice %arg4[%dma_start3A_70, %add3A_69, %dma_start3A_71] : memref<2x80x128xi32, #tpu.memory_space<vmem>> -> memref<1x1x128xi32, #tpu.memory_space<vmem>>
      %dma_start3A_73 = tpu.memref_squeeze %dma_start3A_72 : memref<1x1x128xi32, #tpu.memory_space<vmem>> -> memref<128xi32, #tpu.memory_space<vmem>>
      %dma_start3A_74 = arith.constant 0 : i32
      %dma_start3A_75 = tpu.memref_slice %arg8[%dma_start3A_74] : memref<10240xf32, #tpu.memory_space<vmem_shared>> -> memref<10240xf32, #tpu.memory_space<vmem_shared>>
      tpu.enqueue_indirect_dma source(%arg5 : memref<128xf32, #tpu.memory_space<vmem>>) target(%dma_start3A_75 : memref<10240xf32, #tpu.memory_space<vmem_shared>>) offsets(%dma_start3A_73 : memref<128xi32, #tpu.memory_space<vmem>>) semaphore(%arg9 : memref<!tpu.dma_semaphore, #tpu.memory_space<semaphore_mem>>) {add = true}
      %mul3A_76 = arith.constant 8 : i32
      %mul3A_77 = arith.muli %scan3A_35, %mul3A_76 : i32
      %add3A_78 = arith.constant 2 : i32
      %add3A_79 = arith.addi %mul3A_77, %add3A_78 : i32
      %dma_start3A_80 = arith.constant 0 : i32
      %dma_start3A_81 = arith.constant 0 : i32
      %dma_start3A_82 = tpu.memref_slice %arg4[%dma_start3A_80, %add3A_79, %dma_start3A_81] : memref<2x80x128xi32, #tpu.memory_space<vmem>> -> memref<1x1x128xi32, #tpu.memory_space<vmem>>
      %dma_start3A_83 = tpu.memref_squeeze %dma_start3A_82 : memref<1x1x128xi32, #tpu.memory_space<vmem>> -> memref<128xi32, #tpu.memory_space<vmem>>
      %dma_start3A_84 = arith.constant 0 : i32
      %dma_start3A_85 = tpu.memref_slice %arg7[%dma_start3A_84] : memref<10240xf32, #tpu.memory_space<vmem_shared>> -> memref<10240xf32, #tpu.memory_space<vmem_shared>>
      tpu.enqueue_indirect_dma source(%arg5 : memref<128xf32, #tpu.memory_space<vmem>>) target(%dma_start3A_85 : memref<10240xf32, #tpu.memory_space<vmem_shared>>) offsets(%dma_start3A_83 : memref<128xi32, #tpu.memory_space<vmem>>) semaphore(%arg9 : memref<!tpu.dma_semaphore, #tpu.memory_space<semaphore_mem>>) {add = true}
      %mul3A_86 = arith.constant 8 : i32
      %mul3A_87 = arith.muli %scan3A_35, %mul3A_86 : i32
      %add3A_88 = arith.constant 2 : i32
      %add3A_89 = arith.addi %mul3A_87, %add3A_88 : i32
      %dma_start3A_90 = arith.constant 1 : i32
      %dma_start3A_91 = arith.constant 0 : i32
      %dma_start3A_92 = tpu.memref_slice %arg4[%dma_start3A_90, %add3A_89, %dma_start3A_91] : memref<2x80x128xi32, #tpu.memory_space<vmem>> -> memref<1x1x128xi32, #tpu.memory_space<vmem>>
      %dma_start3A_93 = tpu.memref_squeeze %dma_start3A_92 : memref<1x1x128xi32, #tpu.memory_space<vmem>> -> memref<128xi32, #tpu.memory_space<vmem>>
      %dma_start3A_94 = arith.constant 0 : i32
      %dma_start3A_95 = tpu.memref_slice %arg8[%dma_start3A_94] : memref<10240xf32, #tpu.memory_space<vmem_shared>> -> memref<10240xf32, #tpu.memory_space<vmem_shared>>
      tpu.enqueue_indirect_dma source(%arg5 : memref<128xf32, #tpu.memory_space<vmem>>) target(%dma_start3A_95 : memref<10240xf32, #tpu.memory_space<vmem_shared>>) offsets(%dma_start3A_93 : memref<128xi32, #tpu.memory_space<vmem>>) semaphore(%arg9 : memref<!tpu.dma_semaphore, #tpu.memory_space<semaphore_mem>>) {add = true}
      %mul3A_96 = arith.constant 8 : i32
      %mul3A_97 = arith.muli %scan3A_35, %mul3A_96 : i32
      %add3A_98 = arith.constant 3 : i32
      %add3A_99 = arith.addi %mul3A_97, %add3A_98 : i32
      %dma_start3A_100 = arith.constant 0 : i32
      %dma_start3A_101 = arith.constant 0 : i32
      %dma_start3A_102 = tpu.memref_slice %arg4[%dma_start3A_100, %add3A_99, %dma_start3A_101] : memref<2x80x128xi32, #tpu.memory_space<vmem>> -> memref<1x1x128xi32, #tpu.memory_space<vmem>>
      %dma_start3A_103 = tpu.memref_squeeze %dma_start3A_102 : memref<1x1x128xi32, #tpu.memory_space<vmem>> -> memref<128xi32, #tpu.memory_space<vmem>>
      %dma_start3A_104 = arith.constant 0 : i32
      %dma_start3A_105 = tpu.memref_slice %arg7[%dma_start3A_104] : memref<10240xf32, #tpu.memory_space<vmem_shared>> -> memref<10240xf32, #tpu.memory_space<vmem_shared>>
      tpu.enqueue_indirect_dma source(%arg5 : memref<128xf32, #tpu.memory_space<vmem>>) target(%dma_start3A_105 : memref<10240xf32, #tpu.memory_space<vmem_shared>>) offsets(%dma_start3A_103 : memref<128xi32, #tpu.memory_space<vmem>>) semaphore(%arg9 : memref<!tpu.dma_semaphore, #tpu.memory_space<semaphore_mem>>) {add = true}
      %mul3A_106 = arith.constant 8 : i32
      %mul3A_107 = arith.muli %scan3A_35, %mul3A_106 : i32
      %add3A_108 = arith.constant 3 : i32
      %add3A_109 = arith.addi %mul3A_107, %add3A_108 : i32
      %dma_start3A_110 = arith.constant 1 : i32
      %dma_start3A_111 = arith.constant 0 : i32
      %dma_start3A_112 = tpu.memref_slice %arg4[%dma_start3A_110, %add3A_109, %dma_start3A_111] : memref<2x80x128xi32, #tpu.memory_space<vmem>> -> memref<1x1x128xi32, #tpu.memory_space<vmem>>
      %dma_start3A_113 = tpu.memref_squeeze %dma_start3A_112 : memref<1x1x128xi32, #tpu.memory_space<vmem>> -> memref<128xi32, #tpu.memory_space<vmem>>
      %dma_start3A_114 = arith.constant 0 : i32
      %dma_start3A_115 = tpu.memref_slice %arg8[%dma_start3A_114] : memref<10240xf32, #tpu.memory_space<vmem_shared>> -> memref<10240xf32, #tpu.memory_space<vmem_shared>>
      tpu.enqueue_indirect_dma source(%arg5 : memref<128xf32, #tpu.memory_space<vmem>>) target(%dma_start3A_115 : memref<10240xf32, #tpu.memory_space<vmem_shared>>) offsets(%dma_start3A_113 : memref<128xi32, #tpu.memory_space<vmem>>) semaphore(%arg9 : memref<!tpu.dma_semaphore, #tpu.memory_space<semaphore_mem>>) {add = true}
      %mul3A_116 = arith.constant 8 : i32
      %mul3A_117 = arith.muli %scan3A_35, %mul3A_116 : i32
      %add3A_118 = arith.constant 4 : i32
      %add3A_119 = arith.addi %mul3A_117, %add3A_118 : i32
      %dma_start3A_120 = arith.constant 0 : i32
      %dma_start3A_121 = arith.constant 0 : i32
      %dma_start3A_122 = tpu.memref_slice %arg4[%dma_start3A_120, %add3A_119, %dma_start3A_121] : memref<2x80x128xi32, #tpu.memory_space<vmem>> -> memref<1x1x128xi32, #tpu.memory_space<vmem>>
      %dma_start3A_123 = tpu.memref_squeeze %dma_start3A_122 : memref<1x1x128xi32, #tpu.memory_space<vmem>> -> memref<128xi32, #tpu.memory_space<vmem>>
      %dma_start3A_124 = arith.constant 0 : i32
      %dma_start3A_125 = tpu.memref_slice %arg7[%dma_start3A_124] : memref<10240xf32, #tpu.memory_space<vmem_shared>> -> memref<10240xf32, #tpu.memory_space<vmem_shared>>
      tpu.enqueue_indirect_dma source(%arg5 : memref<128xf32, #tpu.memory_space<vmem>>) target(%dma_start3A_125 : memref<10240xf32, #tpu.memory_space<vmem_shared>>) offsets(%dma_start3A_123 : memref<128xi32, #tpu.memory_space<vmem>>) semaphore(%arg9 : memref<!tpu.dma_semaphore, #tpu.memory_space<semaphore_mem>>) {add = true}
      %mul3A_126 = arith.constant 8 : i32
      %mul3A_127 = arith.muli %scan3A_35, %mul3A_126 : i32
      %add3A_128 = arith.constant 4 : i32
      %add3A_129 = arith.addi %mul3A_127, %add3A_128 : i32
      %dma_start3A_130 = arith.constant 1 : i32
      %dma_start3A_131 = arith.constant 0 : i32
      %dma_start3A_132 = tpu.memref_slice %arg4[%dma_start3A_130, %add3A_129, %dma_start3A_131] : memref<2x80x128xi32, #tpu.memory_space<vmem>> -> memref<1x1x128xi32, #tpu.memory_space<vmem>>
      %dma_start3A_133 = tpu.memref_squeeze %dma_start3A_132 : memref<1x1x128xi32, #tpu.memory_space<vmem>> -> memref<128xi32, #tpu.memory_space<vmem>>
      %dma_start3A_134 = arith.constant 0 : i32
      %dma_start3A_135 = tpu.memref_slice %arg8[%dma_start3A_134] : memref<10240xf32, #tpu.memory_space<vmem_shared>> -> memref<10240xf32, #tpu.memory_space<vmem_shared>>
      tpu.enqueue_indirect_dma source(%arg5 : memref<128xf32, #tpu.memory_space<vmem>>) target(%dma_start3A_135 : memref<10240xf32, #tpu.memory_space<vmem_shared>>) offsets(%dma_start3A_133 : memref<128xi32, #tpu.memory_space<vmem>>) semaphore(%arg9 : memref<!tpu.dma_semaphore, #tpu.memory_space<semaphore_mem>>) {add = true}
      %mul3A_136 = arith.constant 8 : i32
      %mul3A_137 = arith.muli %scan3A_35, %mul3A_136 : i32
      %add3A_138 = arith.constant 5 : i32
      %add3A_139 = arith.addi %mul3A_137, %add3A_138 : i32
      %dma_start3A_140 = arith.constant 0 : i32
      %dma_start3A_141 = arith.constant 0 : i32
      %dma_start3A_142 = tpu.memref_slice %arg4[%dma_start3A_140, %add3A_139, %dma_start3A_141] : memref<2x80x128xi32, #tpu.memory_space<vmem>> -> memref<1x1x128xi32, #tpu.memory_space<vmem>>
      %dma_start3A_143 = tpu.memref_squeeze %dma_start3A_142 : memref<1x1x128xi32, #tpu.memory_space<vmem>> -> memref<128xi32, #tpu.memory_space<vmem>>
      %dma_start3A_144 = arith.constant 0 : i32
      %dma_start3A_145 = tpu.memref_slice %arg7[%dma_start3A_144] : memref<10240xf32, #tpu.memory_space<vmem_shared>> -> memref<10240xf32, #tpu.memory_space<vmem_shared>>
      tpu.enqueue_indirect_dma source(%arg5 : memref<128xf32, #tpu.memory_space<vmem>>) target(%dma_start3A_145 : memref<10240xf32, #tpu.memory_space<vmem_shared>>) offsets(%dma_start3A_143 : memref<128xi32, #tpu.memory_space<vmem>>) semaphore(%arg9 : memref<!tpu.dma_semaphore, #tpu.memory_space<semaphore_mem>>) {add = true}
      %mul3A_146 = arith.constant 8 : i32
      %mul3A_147 = arith.muli %scan3A_35, %mul3A_146 : i32
      %add3A_148 = arith.constant 5 : i32
      %add3A_149 = arith.addi %mul3A_147, %add3A_148 : i32
      %dma_start3A_150 = arith.constant 1 : i32
      %dma_start3A_151 = arith.constant 0 : i32
      %dma_start3A_152 = tpu.memref_slice %arg4[%dma_start3A_150, %add3A_149, %dma_start3A_151] : memref<2x80x128xi32, #tpu.memory_space<vmem>> -> memref<1x1x128xi32, #tpu.memory_space<vmem>>
      %dma_start3A_153 = tpu.memref_squeeze %dma_start3A_152 : memref<1x1x128xi32, #tpu.memory_space<vmem>> -> memref<128xi32, #tpu.memory_space<vmem>>
      %dma_start3A_154 = arith.constant 0 : i32
      %dma_start3A_155 = tpu.memref_slice %arg8[%dma_start3A_154] : memref<10240xf32, #tpu.memory_space<vmem_shared>> -> memref<10240xf32, #tpu.memory_space<vmem_shared>>
      tpu.enqueue_indirect_dma source(%arg5 : memref<128xf32, #tpu.memory_space<vmem>>) target(%dma_start3A_155 : memref<10240xf32, #tpu.memory_space<vmem_shared>>) offsets(%dma_start3A_153 : memref<128xi32, #tpu.memory_space<vmem>>) semaphore(%arg9 : memref<!tpu.dma_semaphore, #tpu.memory_space<semaphore_mem>>) {add = true}
      %mul3A_156 = arith.constant 8 : i32
      %mul3A_157 = arith.muli %scan3A_35, %mul3A_156 : i32
      %add3A_158 = arith.constant 6 : i32
      %add3A_159 = arith.addi %mul3A_157, %add3A_158 : i32
      %dma_start3A_160 = arith.constant 0 : i32
      %dma_start3A_161 = arith.constant 0 : i32
      %dma_start3A_162 = tpu.memref_slice %arg4[%dma_start3A_160, %add3A_159, %dma_start3A_161] : memref<2x80x128xi32, #tpu.memory_space<vmem>> -> memref<1x1x128xi32, #tpu.memory_space<vmem>>
      %dma_start3A_163 = tpu.memref_squeeze %dma_start3A_162 : memref<1x1x128xi32, #tpu.memory_space<vmem>> -> memref<128xi32, #tpu.memory_space<vmem>>
      %dma_start3A_164 = arith.constant 0 : i32
      %dma_start3A_165 = tpu.memref_slice %arg7[%dma_start3A_164] : memref<10240xf32, #tpu.memory_space<vmem_shared>> -> memref<10240xf32, #tpu.memory_space<vmem_shared>>
      tpu.enqueue_indirect_dma source(%arg5 : memref<128xf32, #tpu.memory_space<vmem>>) target(%dma_start3A_165 : memref<10240xf32, #tpu.memory_space<vmem_shared>>) offsets(%dma_start3A_163 : memref<128xi32, #tpu.memory_space<vmem>>) semaphore(%arg9 : memref<!tpu.dma_semaphore, #tpu.memory_space<semaphore_mem>>) {add = true}
      %mul3A_166 = arith.constant 8 : i32
      %mul3A_167 = arith.muli %scan3A_35, %mul3A_166 : i32
      %add3A_168 = arith.constant 6 : i32
      %add3A_169 = arith.addi %mul3A_167, %add3A_168 : i32
      %dma_start3A_170 = arith.constant 1 : i32
      %dma_start3A_171 = arith.constant 0 : i32
      %dma_start3A_172 = tpu.memref_slice %arg4[%dma_start3A_170, %add3A_169, %dma_start3A_171] : memref<2x80x128xi32, #tpu.memory_space<vmem>> -> memref<1x1x128xi32, #tpu.memory_space<vmem>>
      %dma_start3A_173 = tpu.memref_squeeze %dma_start3A_172 : memref<1x1x128xi32, #tpu.memory_space<vmem>> -> memref<128xi32, #tpu.memory_space<vmem>>
      %dma_start3A_174 = arith.constant 0 : i32
      %dma_start3A_175 = tpu.memref_slice %arg8[%dma_start3A_174] : memref<10240xf32, #tpu.memory_space<vmem_shared>> -> memref<10240xf32, #tpu.memory_space<vmem_shared>>
      tpu.enqueue_indirect_dma source(%arg5 : memref<128xf32, #tpu.memory_space<vmem>>) target(%dma_start3A_175 : memref<10240xf32, #tpu.memory_space<vmem_shared>>) offsets(%dma_start3A_173 : memref<128xi32, #tpu.memory_space<vmem>>) semaphore(%arg9 : memref<!tpu.dma_semaphore, #tpu.memory_space<semaphore_mem>>) {add = true}
      %mul3A_176 = arith.constant 8 : i32
      %mul3A_177 = arith.muli %scan3A_35, %mul3A_176 : i32
      %add3A_178 = arith.constant 7 : i32
      %add3A_179 = arith.addi %mul3A_177, %add3A_178 : i32
      %dma_start3A_180 = arith.constant 0 : i32
      %dma_start3A_181 = arith.constant 0 : i32
      %dma_start3A_182 = tpu.memref_slice %arg4[%dma_start3A_180, %add3A_179, %dma_start3A_181] : memref<2x80x128xi32, #tpu.memory_space<vmem>> -> memref<1x1x128xi32, #tpu.memory_space<vmem>>
      %dma_start3A_183 = tpu.memref_squeeze %dma_start3A_182 : memref<1x1x128xi32, #tpu.memory_space<vmem>> -> memref<128xi32, #tpu.memory_space<vmem>>
      %dma_start3A_184 = arith.constant 0 : i32
      %dma_start3A_185 = tpu.memref_slice %arg7[%dma_start3A_184] : memref<10240xf32, #tpu.memory_space<vmem_shared>> -> memref<10240xf32, #tpu.memory_space<vmem_shared>>
      tpu.enqueue_indirect_dma source(%arg5 : memref<128xf32, #tpu.memory_space<vmem>>) target(%dma_start3A_185 : memref<10240xf32, #tpu.memory_space<vmem_shared>>) offsets(%dma_start3A_183 : memref<128xi32, #tpu.memory_space<vmem>>) semaphore(%arg9 : memref<!tpu.dma_semaphore, #tpu.memory_space<semaphore_mem>>) {add = true}
      %mul3A_186 = arith.constant 8 : i32
      %mul3A_187 = arith.muli %scan3A_35, %mul3A_186 : i32
      %add3A_188 = arith.constant 7 : i32
      %add3A_189 = arith.addi %mul3A_187, %add3A_188 : i32
      %dma_start3A_190 = arith.constant 1 : i32
      %dma_start3A_191 = arith.constant 0 : i32
      %dma_start3A_192 = tpu.memref_slice %arg4[%dma_start3A_190, %add3A_189, %dma_start3A_191] : memref<2x80x128xi32, #tpu.memory_space<vmem>> -> memref<1x1x128xi32, #tpu.memory_space<vmem>>
      %dma_start3A_193 = tpu.memref_squeeze %dma_start3A_192 : memref<1x1x128xi32, #tpu.memory_space<vmem>> -> memref<128xi32, #tpu.memory_space<vmem>>
      %dma_start3A_194 = arith.constant 0 : i32
      %dma_start3A_195 = tpu.memref_slice %arg8[%dma_start3A_194] : memref<10240xf32, #tpu.memory_space<vmem_shared>> -> memref<10240xf32, #tpu.memory_space<vmem_shared>>
      tpu.enqueue_indirect_dma source(%arg5 : memref<128xf32, #tpu.memory_space<vmem>>) target(%dma_start3A_195 : memref<10240xf32, #tpu.memory_space<vmem_shared>>) offsets(%dma_start3A_193 : memref<128xi32, #tpu.memory_space<vmem>>) semaphore(%arg9 : memref<!tpu.dma_semaphore, #tpu.memory_space<semaphore_mem>>) {add = true}
      %dma_wait3A = arith.constant 0 : i32
      %dma_wait3A_196 = arith.constant 0 : i32
      %dma_wait3A_197 = arith.constant 0 : i32
      %dma_wait3A_198 = tpu.memref_slice %arg4[%dma_wait3A, %dma_wait3A_196, %dma_wait3A_197] : memref<2x80x128xi32, #tpu.memory_space<vmem>> -> memref<1x1x128xi32, #tpu.memory_space<vmem>>
      %dma_wait3A_199 = tpu.memref_squeeze %dma_wait3A_198 : memref<1x1x128xi32, #tpu.memory_space<vmem>> -> memref<128xi32, #tpu.memory_space<vmem>>
      %dma_wait3A_200 = arith.constant 0 : i32
      %dma_wait3A_201 = tpu.memref_slice %arg7[%dma_wait3A_200] : memref<10240xf32, #tpu.memory_space<vmem_shared>> -> memref<10240xf32, #tpu.memory_space<vmem_shared>>
      tpu.wait_indirect_dma semaphore(%arg9 : memref<!tpu.dma_semaphore, #tpu.memory_space<semaphore_mem>>) src(%arg5 : memref<128xf32, #tpu.memory_space<vmem>>) dst(%dma_wait3A_201 : memref<10240xf32, #tpu.memory_space<vmem_shared>>)
      %dma_wait3A_202 = arith.constant 0 : i32
      %dma_wait3A_203 = arith.constant 0 : i32
      %dma_wait3A_204 = arith.constant 0 : i32
      %dma_wait3A_205 = tpu.memref_slice %arg4[%dma_wait3A_202, %dma_wait3A_203, %dma_wait3A_204] : memref<2x80x128xi32, #tpu.memory_space<vmem>> -> memref<1x1x128xi32, #tpu.memory_space<vmem>>
      %dma_wait3A_206 = tpu.memref_squeeze %dma_wait3A_205 : memref<1x1x128xi32, #tpu.memory_space<vmem>> -> memref<128xi32, #tpu.memory_space<vmem>>
      %dma_wait3A_207 = arith.constant 0 : i32
      %dma_wait3A_208 = tpu.memref_slice %arg7[%dma_wait3A_207] : memref<10240xf32, #tpu.memory_space<vmem_shared>> -> memref<10240xf32, #tpu.memory_space<vmem_shared>>
      tpu.wait_indirect_dma semaphore(%arg9 : memref<!tpu.dma_semaphore, #tpu.memory_space<semaphore_mem>>) src(%arg5 : memref<128xf32, #tpu.memory_space<vmem>>) dst(%dma_wait3A_208 : memref<10240xf32, #tpu.memory_space<vmem_shared>>)
      %dma_wait3A_209 = arith.constant 0 : i32
      %dma_wait3A_210 = arith.constant 0 : i32
      %dma_wait3A_211 = arith.constant 0 : i32
      %dma_wait3A_212 = tpu.memref_slice %arg4[%dma_wait3A_209, %dma_wait3A_210, %dma_wait3A_211] : memref<2x80x128xi32, #tpu.memory_space<vmem>> -> memref<1x1x128xi32, #tpu.memory_space<vmem>>
      %dma_wait3A_213 = tpu.memref_squeeze %dma_wait3A_212 : memref<1x1x128xi32, #tpu.memory_space<vmem>> -> memref<128xi32, #tpu.memory_space<vmem>>
      %dma_wait3A_214 = arith.constant 0 : i32
      %dma_wait3A_215 = tpu.memref_slice %arg7[%dma_wait3A_214] : memref<10240xf32, #tpu.memory_space<vmem_shared>> -> memref<10240xf32, #tpu.memory_space<vmem_shared>>
      tpu.wait_indirect_dma semaphore(%arg9 : memref<!tpu.dma_semaphore, #tpu.memory_space<semaphore_mem>>) src(%arg5 : memref<128xf32, #tpu.memory_space<vmem>>) dst(%dma_wait3A_215 : memref<10240xf32, #tpu.memory_space<vmem_shared>>)
      %dma_wait3A_216 = arith.constant 0 : i32
      %dma_wait3A_217 = arith.constant 0 : i32
      %dma_wait3A_218 = arith.constant 0 : i32
      %dma_wait3A_219 = tpu.memref_slice %arg4[%dma_wait3A_216, %dma_wait3A_217, %dma_wait3A_218] : memref<2x80x128xi32, #tpu.memory_space<vmem>> -> memref<1x1x128xi32, #tpu.memory_space<vmem>>
      %dma_wait3A_220 = tpu.memref_squeeze %dma_wait3A_219 : memref<1x1x128xi32, #tpu.memory_space<vmem>> -> memref<128xi32, #tpu.memory_space<vmem>>
      %dma_wait3A_221 = arith.constant 0 : i32
      %dma_wait3A_222 = tpu.memref_slice %arg7[%dma_wait3A_221] : memref<10240xf32, #tpu.memory_space<vmem_shared>> -> memref<10240xf32, #tpu.memory_space<vmem_shared>>
      tpu.wait_indirect_dma semaphore(%arg9 : memref<!tpu.dma_semaphore, #tpu.memory_space<semaphore_mem>>) src(%arg5 : memref<128xf32, #tpu.memory_space<vmem>>) dst(%dma_wait3A_222 : memref<10240xf32, #tpu.memory_space<vmem_shared>>)
      %dma_wait3A_223 = arith.constant 0 : i32
      %dma_wait3A_224 = arith.constant 0 : i32
      %dma_wait3A_225 = arith.constant 0 : i32
      %dma_wait3A_226 = tpu.memref_slice %arg4[%dma_wait3A_223, %dma_wait3A_224, %dma_wait3A_225] : memref<2x80x128xi32, #tpu.memory_space<vmem>> -> memref<1x1x128xi32, #tpu.memory_space<vmem>>
      %dma_wait3A_227 = tpu.memref_squeeze %dma_wait3A_226 : memref<1x1x128xi32, #tpu.memory_space<vmem>> -> memref<128xi32, #tpu.memory_space<vmem>>
      %dma_wait3A_228 = arith.constant 0 : i32
      %dma_wait3A_229 = tpu.memref_slice %arg7[%dma_wait3A_228] : memref<10240xf32, #tpu.memory_space<vmem_shared>> -> memref<10240xf32, #tpu.memory_space<vmem_shared>>
      tpu.wait_indirect_dma semaphore(%arg9 : memref<!tpu.dma_semaphore, #tpu.memory_space<semaphore_mem>>) src(%arg5 : memref<128xf32, #tpu.memory_space<vmem>>) dst(%dma_wait3A_229 : memref<10240xf32, #tpu.memory_space<vmem_shared>>)
      %dma_wait3A_230 = arith.constant 0 : i32
      %dma_wait3A_231 = arith.constant 0 : i32
      %dma_wait3A_232 = arith.constant 0 : i32
      %dma_wait3A_233 = tpu.memref_slice %arg4[%dma_wait3A_230, %dma_wait3A_231, %dma_wait3A_232] : memref<2x80x128xi32, #tpu.memory_space<vmem>> -> memref<1x1x128xi32, #tpu.memory_space<vmem>>
      %dma_wait3A_234 = tpu.memref_squeeze %dma_wait3A_233 : memref<1x1x128xi32, #tpu.memory_space<vmem>> -> memref<128xi32, #tpu.memory_space<vmem>>
      %dma_wait3A_235 = arith.constant 0 : i32
      %dma_wait3A_236 = tpu.memref_slice %arg7[%dma_wait3A_235] : memref<10240xf32, #tpu.memory_space<vmem_shared>> -> memref<10240xf32, #tpu.memory_space<vmem_shared>>
      tpu.wait_indirect_dma semaphore(%arg9 : memref<!tpu.dma_semaphore, #tpu.memory_space<semaphore_mem>>) src(%arg5 : memref<128xf32, #tpu.memory_space<vmem>>) dst(%dma_wait3A_236 : memref<10240xf32, #tpu.memory_space<vmem_shared>>)
      %dma_wait3A_237 = arith.constant 0 : i32
      %dma_wait3A_238 = arith.constant 0 : i32
      %dma_wait3A_239 = arith.constant 0 : i32
      %dma_wait3A_240 = tpu.memref_slice %arg4[%dma_wait3A_237, %dma_wait3A_238, %dma_wait3A_239] : memref<2x80x128xi32, #tpu.memory_space<vmem>> -> memref<1x1x128xi32, #tpu.memory_space<vmem>>
      %dma_wait3A_241 = tpu.memref_squeeze %dma_wait3A_240 : memref<1x1x128xi32, #tpu.memory_space<vmem>> -> memref<128xi32, #tpu.memory_space<vmem>>
      %dma_wait3A_242 = arith.constant 0 : i32
      %dma_wait3A_243 = tpu.memref_slice %arg7[%dma_wait3A_242] : memref<10240xf32, #tpu.memory_space<vmem_shared>> -> memref<10240xf32, #tpu.memory_space<vmem_shared>>
      tpu.wait_indirect_dma semaphore(%arg9 : memref<!tpu.dma_semaphore, #tpu.memory_space<semaphore_mem>>) src(%arg5 : memref<128xf32, #tpu.memory_space<vmem>>) dst(%dma_wait3A_243 : memref<10240xf32, #tpu.memory_space<vmem_shared>>)
      %dma_wait3A_244 = arith.constant 0 : i32
      %dma_wait3A_245 = arith.constant 0 : i32
      %dma_wait3A_246 = arith.constant 0 : i32
      %dma_wait3A_247 = tpu.memref_slice %arg4[%dma_wait3A_244, %dma_wait3A_245, %dma_wait3A_246] : memref<2x80x128xi32, #tpu.memory_space<vmem>> -> memref<1x1x128xi32, #tpu.memory_space<vmem>>
      %dma_wait3A_248 = tpu.memref_squeeze %dma_wait3A_247 : memref<1x1x128xi32, #tpu.memory_space<vmem>> -> memref<128xi32, #tpu.memory_space<vmem>>
      %dma_wait3A_249 = arith.constant 0 : i32
      %dma_wait3A_250 = tpu.memref_slice %arg7[%dma_wait3A_249] : memref<10240xf32, #tpu.memory_space<vmem_shared>> -> memref<10240xf32, #tpu.memory_space<vmem_shared>>
      tpu.wait_indirect_dma semaphore(%arg9 : memref<!tpu.dma_semaphore, #tpu.memory_space<semaphore_mem>>) src(%arg5 : memref<128xf32, #tpu.memory_space<vmem>>) dst(%dma_wait3A_250 : memref<10240xf32, #tpu.memory_space<vmem_shared>>)
      %dma_wait3A_251 = arith.constant 0 : i32
      %dma_wait3A_252 = arith.constant 0 : i32
      %dma_wait3A_253 = arith.constant 0 : i32
      %dma_wait3A_254 = tpu.memref_slice %arg4[%dma_wait3A_251, %dma_wait3A_252, %dma_wait3A_253] : memref<2x80x128xi32, #tpu.memory_space<vmem>> -> memref<1x1x128xi32, #tpu.memory_space<vmem>>
      %dma_wait3A_255 = tpu.memref_squeeze %dma_wait3A_254 : memref<1x1x128xi32, #tpu.memory_space<vmem>> -> memref<128xi32, #tpu.memory_space<vmem>>
      %dma_wait3A_256 = arith.constant 0 : i32
      %dma_wait3A_257 = tpu.memref_slice %arg7[%dma_wait3A_256] : memref<10240xf32, #tpu.memory_space<vmem_shared>> -> memref<10240xf32, #tpu.memory_space<vmem_shared>>
      tpu.wait_indirect_dma semaphore(%arg9 : memref<!tpu.dma_semaphore, #tpu.memory_space<semaphore_mem>>) src(%arg5 : memref<128xf32, #tpu.memory_space<vmem>>) dst(%dma_wait3A_257 : memref<10240xf32, #tpu.memory_space<vmem_shared>>)
      %dma_wait3A_258 = arith.constant 0 : i32
      %dma_wait3A_259 = arith.constant 0 : i32
      %dma_wait3A_260 = arith.constant 0 : i32
      %dma_wait3A_261 = tpu.memref_slice %arg4[%dma_wait3A_258, %dma_wait3A_259, %dma_wait3A_260] : memref<2x80x128xi32, #tpu.memory_space<vmem>> -> memref<1x1x128xi32, #tpu.memory_space<vmem>>
      %dma_wait3A_262 = tpu.memref_squeeze %dma_wait3A_261 : memref<1x1x128xi32, #tpu.memory_space<vmem>> -> memref<128xi32, #tpu.memory_space<vmem>>
      %dma_wait3A_263 = arith.constant 0 : i32
      %dma_wait3A_264 = tpu.memref_slice %arg7[%dma_wait3A_263] : memref<10240xf32, #tpu.memory_space<vmem_shared>> -> memref<10240xf32, #tpu.memory_space<vmem_shared>>
      tpu.wait_indirect_dma semaphore(%arg9 : memref<!tpu.dma_semaphore, #tpu.memory_space<semaphore_mem>>) src(%arg5 : memref<128xf32, #tpu.memory_space<vmem>>) dst(%dma_wait3A_264 : memref<10240xf32, #tpu.memory_space<vmem_shared>>)
      %dma_wait3A_265 = arith.constant 0 : i32
      %dma_wait3A_266 = arith.constant 0 : i32
      %dma_wait3A_267 = arith.constant 0 : i32
      %dma_wait3A_268 = tpu.memref_slice %arg4[%dma_wait3A_265, %dma_wait3A_266, %dma_wait3A_267] : memref<2x80x128xi32, #tpu.memory_space<vmem>> -> memref<1x1x128xi32, #tpu.memory_space<vmem>>
      %dma_wait3A_269 = tpu.memref_squeeze %dma_wait3A_268 : memref<1x1x128xi32, #tpu.memory_space<vmem>> -> memref<128xi32, #tpu.memory_space<vmem>>
      %dma_wait3A_270 = arith.constant 0 : i32
      %dma_wait3A_271 = tpu.memref_slice %arg7[%dma_wait3A_270] : memref<10240xf32, #tpu.memory_space<vmem_shared>> -> memref<10240xf32, #tpu.memory_space<vmem_shared>>
      tpu.wait_indirect_dma semaphore(%arg9 : memref<!tpu.dma_semaphore, #tpu.memory_space<semaphore_mem>>) src(%arg5 : memref<128xf32, #tpu.memory_space<vmem>>) dst(%dma_wait3A_271 : memref<10240xf32, #tpu.memory_space<vmem_shared>>)
      %dma_wait3A_272 = arith.constant 0 : i32
      %dma_wait3A_273 = arith.constant 0 : i32
      %dma_wait3A_274 = arith.constant 0 : i32
      %dma_wait3A_275 = tpu.memref_slice %arg4[%dma_wait3A_272, %dma_wait3A_273, %dma_wait3A_274] : memref<2x80x128xi32, #tpu.memory_space<vmem>> -> memref<1x1x128xi32, #tpu.memory_space<vmem>>
      %dma_wait3A_276 = tpu.memref_squeeze %dma_wait3A_275 : memref<1x1x128xi32, #tpu.memory_space<vmem>> -> memref<128xi32, #tpu.memory_space<vmem>>
      %dma_wait3A_277 = arith.constant 0 : i32
      %dma_wait3A_278 = tpu.memref_slice %arg7[%dma_wait3A_277] : memref<10240xf32, #tpu.memory_space<vmem_shared>> -> memref<10240xf32, #tpu.memory_space<vmem_shared>>
      tpu.wait_indirect_dma semaphore(%arg9 : memref<!tpu.dma_semaphore, #tpu.memory_space<semaphore_mem>>) src(%arg5 : memref<128xf32, #tpu.memory_space<vmem>>) dst(%dma_wait3A_278 : memref<10240xf32, #tpu.memory_space<vmem_shared>>)
      %dma_wait3A_279 = arith.constant 0 : i32
      %dma_wait3A_280 = arith.constant 0 : i32
      %dma_wait3A_281 = arith.constant 0 : i32
      %dma_wait3A_282 = tpu.memref_slice %arg4[%dma_wait3A_279, %dma_wait3A_280, %dma_wait3A_281] : memref<2x80x128xi32, #tpu.memory_space<vmem>> -> memref<1x1x128xi32, #tpu.memory_space<vmem>>
      %dma_wait3A_283 = tpu.memref_squeeze %dma_wait3A_282 : memref<1x1x128xi32, #tpu.memory_space<vmem>> -> memref<128xi32, #tpu.memory_space<vmem>>
      %dma_wait3A_284 = arith.constant 0 : i32
      %dma_wait3A_285 = tpu.memref_slice %arg7[%dma_wait3A_284] : memref<10240xf32, #tpu.memory_space<vmem_shared>> -> memref<10240xf32, #tpu.memory_space<vmem_shared>>
      tpu.wait_indirect_dma semaphore(%arg9 : memref<!tpu.dma_semaphore, #tpu.memory_space<semaphore_mem>>) src(%arg5 : memref<128xf32, #tpu.memory_space<vmem>>) dst(%dma_wait3A_285 : memref<10240xf32, #tpu.memory_space<vmem_shared>>)
      %dma_wait3A_286 = arith.constant 0 : i32
      %dma_wait3A_287 = arith.constant 0 : i32
      %dma_wait3A_288 = arith.constant 0 : i32
      %dma_wait3A_289 = tpu.memref_slice %arg4[%dma_wait3A_286, %dma_wait3A_287, %dma_wait3A_288] : memref<2x80x128xi32, #tpu.memory_space<vmem>> -> memref<1x1x128xi32, #tpu.memory_space<vmem>>
      %dma_wait3A_290 = tpu.memref_squeeze %dma_wait3A_289 : memref<1x1x128xi32, #tpu.memory_space<vmem>> -> memref<128xi32, #tpu.memory_space<vmem>>
      %dma_wait3A_291 = arith.constant 0 : i32
      %dma_wait3A_292 = tpu.memref_slice %arg7[%dma_wait3A_291] : memref<10240xf32, #tpu.memory_space<vmem_shared>> -> memref<10240xf32, #tpu.memory_space<vmem_shared>>
      tpu.wait_indirect_dma semaphore(%arg9 : memref<!tpu.dma_semaphore, #tpu.memory_space<semaphore_mem>>) src(%arg5 : memref<128xf32, #tpu.memory_space<vmem>>) dst(%dma_wait3A_292 : memref<10240xf32, #tpu.memory_space<vmem_shared>>)
      %dma_wait3A_293 = arith.constant 0 : i32
      %dma_wait3A_294 = arith.constant 0 : i32
      %dma_wait3A_295 = arith.constant 0 : i32
      %dma_wait3A_296 = tpu.memref_slice %arg4[%dma_wait3A_293, %dma_wait3A_294, %dma_wait3A_295] : memref<2x80x128xi32, #tpu.memory_space<vmem>> -> memref<1x1x128xi32, #tpu.memory_space<vmem>>
      %dma_wait3A_297 = tpu.memref_squeeze %dma_wait3A_296 : memref<1x1x128xi32, #tpu.memory_space<vmem>> -> memref<128xi32, #tpu.memory_space<vmem>>
      %dma_wait3A_298 = arith.constant 0 : i32
      %dma_wait3A_299 = tpu.memref_slice %arg7[%dma_wait3A_298] : memref<10240xf32, #tpu.memory_space<vmem_shared>> -> memref<10240xf32, #tpu.memory_space<vmem_shared>>
      tpu.wait_indirect_dma semaphore(%arg9 : memref<!tpu.dma_semaphore, #tpu.memory_space<semaphore_mem>>) src(%arg5 : memref<128xf32, #tpu.memory_space<vmem>>) dst(%dma_wait3A_299 : memref<10240xf32, #tpu.memory_space<vmem_shared>>)
      %dma_wait3A_300 = arith.constant 0 : i32
      %dma_wait3A_301 = arith.constant 0 : i32
      %dma_wait3A_302 = arith.constant 0 : i32
      %dma_wait3A_303 = tpu.memref_slice %arg4[%dma_wait3A_300, %dma_wait3A_301, %dma_wait3A_302] : memref<2x80x128xi32, #tpu.memory_space<vmem>> -> memref<1x1x128xi32, #tpu.memory_space<vmem>>
      %dma_wait3A_304 = tpu.memref_squeeze %dma_wait3A_303 : memref<1x1x128xi32, #tpu.memory_space<vmem>> -> memref<128xi32, #tpu.memory_space<vmem>>
      %dma_wait3A_305 = arith.constant 0 : i32
      %dma_wait3A_306 = tpu.memref_slice %arg7[%dma_wait3A_305] : memref<10240xf32, #tpu.memory_space<vmem_shared>> -> memref<10240xf32, #tpu.memory_space<vmem_shared>>
      tpu.wait_indirect_dma semaphore(%arg9 : memref<!tpu.dma_semaphore, #tpu.memory_space<semaphore_mem>>) src(%arg5 : memref<128xf32, #tpu.memory_space<vmem>>) dst(%dma_wait3A_306 : memref<10240xf32, #tpu.memory_space<vmem_shared>>)
      %scan3A_307 = arith.constant 0 : i32
      scf.yield %scan3A_307 : i32
    }
    %scan3A_26 = arith.constant 10 : i32
    %barrier3A_27 = arith.constant 0 : index
    tpu.barrier barrier_id(%barrier3A_27)
    %eq3A = arith.constant 0 : i32
    %eq3A_28 = arith.cmpi eq, %arg1, %eq3A : i32
    %convert_element_type3A = arith.extui %eq3A_28 : i1 to i32
    %cond3A = arith.constant 0 : i32
    %cond3A_29 = arith.cmpi ne, %convert_element_type3A, %cond3A : i32
    scf.if %cond3A_29 {
      %run_scoped3A = arith.constant 0 : i32
      "tpu.region"() ({
        %run_scoped3A_35 = tpu.sem_alloc : memref<!tpu.dma_semaphore, #tpu.memory_space<semaphore_mem>>
        %dma_start3A = arith.constant 0 : i32
        %dma_start3A_36 = tpu.memref_slice %arg3[%arg0, %run_scoped3A, %dma_start3A] : memref<2x2x10240xf32, #tpu.memory_space<hbm>> -> memref<1x1x10240xf32, #tpu.memory_space<hbm>>
        %dma_start3A_37 = tpu.memref_squeeze %dma_start3A_36 : memref<1x1x10240xf32, #tpu.memory_space<hbm>> -> memref<10240xf32, #tpu.memory_space<hbm>>
        tpu.enqueue_dma source(%arg7 : memref<10240xf32, #tpu.memory_space<vmem_shared>>) target(%dma_start3A_37 : memref<10240xf32, #tpu.memory_space<hbm>>) target_semaphore(%run_scoped3A_35 : memref<!tpu.dma_semaphore, #tpu.memory_space<semaphore_mem>>)
        %dma_wait3A = arith.constant 0 : i32
        %dma_wait3A_38 = tpu.memref_slice %arg3[%arg0, %run_scoped3A, %dma_wait3A] : memref<2x2x10240xf32, #tpu.memory_space<hbm>> -> memref<1x1x10240xf32, #tpu.memory_space<hbm>>
        %dma_wait3A_39 = tpu.memref_squeeze %dma_wait3A_38 : memref<1x1x10240xf32, #tpu.memory_space<hbm>> -> memref<10240xf32, #tpu.memory_space<hbm>>
        tpu.wait_dma2 semaphore(%run_scoped3A_35 : memref<!tpu.dma_semaphore, #tpu.memory_space<semaphore_mem>>) src(%arg7 : memref<10240xf32, #tpu.memory_space<vmem_shared>>) dst(%dma_wait3A_39 : memref<10240xf32, #tpu.memory_space<hbm>>)
        tpu.yield
      }) : () -> ()
    } else {
    }
    %eq3A_30 = arith.constant 1 : i32
    %eq3A_31 = arith.cmpi eq, %arg1, %eq3A_30 : i32
    %convert_element_type3A_32 = arith.extui %eq3A_31 : i1 to i32
    %cond3A_33 = arith.constant 0 : i32
    %cond3A_34 = arith.cmpi ne, %convert_element_type3A_32, %cond3A_33 : i32
    scf.if %cond3A_34 {
      %run_scoped3A = arith.constant 1 : i32
      "tpu.region"() ({
        %run_scoped3A_35 = tpu.sem_alloc : memref<!tpu.dma_semaphore, #tpu.memory_space<semaphore_mem>>
        %dma_start3A = arith.constant 0 : i32
        %dma_start3A_36 = tpu.memref_slice %arg3[%arg0, %run_scoped3A, %dma_start3A] : memref<2x2x10240xf32, #tpu.memory_space<hbm>> -> memref<1x1x10240xf32, #tpu.memory_space<hbm>>
        %dma_start3A_37 = tpu.memref_squeeze %dma_start3A_36 : memref<1x1x10240xf32, #tpu.memory_space<hbm>> -> memref<10240xf32, #tpu.memory_space<hbm>>
        tpu.enqueue_dma source(%arg8 : memref<10240xf32, #tpu.memory_space<vmem_shared>>) target(%dma_start3A_37 : memref<10240xf32, #tpu.memory_space<hbm>>) target_semaphore(%run_scoped3A_35 : memref<!tpu.dma_semaphore, #tpu.memory_space<semaphore_mem>>)
        %dma_wait3A = arith.constant 0 : i32
        %dma_wait3A_38 = tpu.memref_slice %arg3[%arg0, %run_scoped3A, %dma_wait3A] : memref<2x2x10240xf32, #tpu.memory_space<hbm>> -> memref<1x1x10240xf32, #tpu.memory_space<hbm>>
        %dma_wait3A_39 = tpu.memref_squeeze %dma_wait3A_38 : memref<1x1x10240xf32, #tpu.memory_space<hbm>> -> memref<10240xf32, #tpu.memory_space<hbm>>
        tpu.wait_dma2 semaphore(%run_scoped3A_35 : memref<!tpu.dma_semaphore, #tpu.memory_space<semaphore_mem>>) src(%arg8 : memref<10240xf32, #tpu.memory_space<vmem_shared>>) dst(%dma_wait3A_39 : memref<10240xf32, #tpu.memory_space<hbm>>)
        tpu.yield
      }) : () -> ()
    } else {
    }
    return
  }
}

module attributes {stable_mosaic.version = 14 : i64} {
  func.func @body(%arg0: i32, %arg1: memref<2000x128xf32, #tpu.memory_space<vmem>>, %arg2: memref<2000x128xf32, #tpu.memory_space<vmem>>, %arg3: memref<2000x1xf32, #tpu.memory_space<vmem>>, %arg4: memref<2000x1xf32, #tpu.memory_space<vmem>>, %arg5: memref<128x128xf32, #tpu.memory_space<vmem>>, %arg6: memref<128x128xf32, #tpu.memory_space<vmem>>, %arg7: memref<2x128xf32, #tpu.memory_space<vmem>>, %arg8: memref<2000x128xf32, #tpu.memory_space<vmem>>) attributes {dimension_semantics = [#tpu.dimension_semantics<arbitrary>], iteration_bounds = array<i64: 5>, scalar_prefetch = 0 : i64, scratch_operands = 0 : i64, tpu.core_type = #tpu.core_type<tc>, window_params = [{transform_indices = @transform_0, window_bounds = array<i64: 2000, 128>}, {transform_indices = @transform_1, window_bounds = array<i64: 2000, 128>}, {transform_indices = @transform_2, window_bounds = array<i64: 2000, 1>}, {transform_indices = @transform_3, window_bounds = array<i64: 2000, 1>}, {pipeline_mode = #tpu.pipeline_mode<synchronous>, transform_indices = @transform_4, window_bounds = array<i64: 128, 128>}, {pipeline_mode = #tpu.pipeline_mode<synchronous>, transform_indices = @transform_5, window_bounds = array<i64: 128, 128>}, {pipeline_mode = #tpu.pipeline_mode<synchronous>, transform_indices = @transform_6, window_bounds = array<i64: 2, 128>}, {transform_indices = @transform_7, window_bounds = array<i64: 2000, 128>}]} {
    %get3A = arith.constant 0 : index
    %get3A_0 = arith.constant 0 : index
    %get3A_1 = vector.load %arg3[%get3A, %get3A_0] : memref<2000x1xf32, #tpu.memory_space<vmem>>, vector<2000x1xf32>
    %get3A_2 = arith.constant 0 : index
    %get3A_3 = arith.constant 0 : index
    %get3A_4 = vector.load %arg1[%get3A_2, %get3A_3] : memref<2000x128xf32, #tpu.memory_space<vmem>>, vector<2000x128xf32>
    %mul3A = vector.broadcast %get3A_1 : vector<2000x1xf32> to vector<2000x128xf32>
    %mul3A_5 = arith.mulf %mul3A, %get3A_4 : vector<2000x128xf32>
    %get3A_6 = arith.constant 0 : index
    %get3A_7 = arith.constant 0 : index
    %get3A_8 = vector.load %arg4[%get3A_6, %get3A_7] : memref<2000x1xf32, #tpu.memory_space<vmem>>, vector<2000x1xf32>
    %get3A_9 = arith.constant 0 : index
    %get3A_10 = arith.constant 0 : index
    %get3A_11 = vector.load %arg2[%get3A_9, %get3A_10] : memref<2000x128xf32, #tpu.memory_space<vmem>>, vector<2000x128xf32>
    %mul3A_12 = vector.broadcast %get3A_8 : vector<2000x1xf32> to vector<2000x128xf32>
    %mul3A_13 = arith.mulf %mul3A_12, %get3A_11 : vector<2000x128xf32>
    %get3A_14 = arith.constant 0 : index
    %get3A_15 = arith.constant 0 : index
    %get3A_16 = vector.load %arg5[%get3A_14, %get3A_15] : memref<128x128xf32, #tpu.memory_space<vmem>>, vector<128x128xf32>
    %dot_general3A = arith.constant dense<0.000000e+00> : vector<2000x128xf32>
    %dot_general3A_17 = tpu.matmul %mul3A_5, %get3A_16, %dot_general3A {dimension_numbers = #tpu.dot_dimension_numbers<[1], [1], [0], [0], [0, 0, 1, 0], [], []>, transpose_lhs_hint = false} : vector<2000x128xf32>, vector<128x128xf32>, vector<2000x128xf32> -> vector<2000x128xf32>
    %get3A_18 = arith.constant 0 : index
    %get3A_19 = arith.constant 0 : index
    %get3A_20 = vector.load %arg6[%get3A_18, %get3A_19] : memref<128x128xf32, #tpu.memory_space<vmem>>, vector<128x128xf32>
    %dot_general3A_21 = arith.constant dense<0.000000e+00> : vector<2000x128xf32>
    %dot_general3A_22 = tpu.matmul %mul3A_13, %get3A_20, %dot_general3A_21 {dimension_numbers = #tpu.dot_dimension_numbers<[1], [1], [0], [0], [0, 0, 1, 0], [], []>, transpose_lhs_hint = false} : vector<2000x128xf32>, vector<128x128xf32>, vector<2000x128xf32> -> vector<2000x128xf32>
    %get3A_23 = arith.constant 0 : index
    %get3A_24 = arith.constant 0 : index
    %get3A_25 = vector.load %arg7[%get3A_23, %get3A_24] : memref<2x128xf32, #tpu.memory_space<vmem>>, vector<1x128xf32>
    %mul3A_26 = arith.constant 5.000000e-01 : f32
    %mul3A_27 = vector.broadcast %mul3A_26 : f32 to vector<1x128xf32>
    %mul3A_28 = arith.mulf %mul3A_27, %get3A_25 : vector<1x128xf32>
    %get3A_29 = arith.constant 1 : index
    %get3A_30 = arith.constant 0 : index
    %get3A_31 = vector.load %arg7[%get3A_29, %get3A_30] : memref<2x128xf32, #tpu.memory_space<vmem>>, vector<1x128xf32>
    %mul3A_32 = arith.constant 5.000000e-01 : f32
    %mul3A_33 = vector.broadcast %mul3A_32 : f32 to vector<1x128xf32>
    %mul3A_34 = arith.mulf %mul3A_33, %get3A_31 : vector<1x128xf32>
    %add3A = arith.addf %mul3A_28, %mul3A_34 : vector<1x128xf32>
    %mul3A_35 = arith.constant 5.000000e-01 : f32
    %mul3A_36 = vector.broadcast %mul3A_35 : f32 to vector<2000x128xf32>
    %mul3A_37 = arith.mulf %mul3A_36, %dot_general3A_17 : vector<2000x128xf32>
    %mul3A_38 = arith.constant 5.000000e-01 : f32
    %mul3A_39 = vector.broadcast %mul3A_38 : f32 to vector<2000x128xf32>
    %mul3A_40 = arith.mulf %mul3A_39, %dot_general3A_22 : vector<2000x128xf32>
    %add3A_41 = arith.addf %mul3A_37, %mul3A_40 : vector<2000x128xf32>
    %add3A_42 = vector.broadcast %add3A : vector<1x128xf32> to vector<2000x128xf32>
    %add3A_43 = arith.addf %add3A_41, %add3A_42 : vector<2000x128xf32>
    %swap3A = arith.constant 0 : index
    %swap3A_44 = arith.constant 0 : index
    %swap3A_45 = vector.load %arg8[%swap3A, %swap3A_44] : memref<2000x128xf32, #tpu.memory_space<vmem>>, vector<2000x128xf32>
    tpu.vector_store %arg8[%swap3A, %swap3A_44], %add3A_43 {strides = array<i32>} : memref<2000x128xf32, #tpu.memory_space<vmem>>, vector<2000x128xf32>,
    return
  }
  func.func @transform_0(%arg0: i32) -> (i32, i32) {
    %c0_i32 = arith.constant 0 : i32
    %c0_i32_0 = arith.constant 0 : i32
    return %arg0, %c0_i32 : i32, i32
  }
  func.func @transform_1(%arg0: i32) -> (i32, i32) {
    %c0_i32 = arith.constant 0 : i32
    %c0_i32_0 = arith.constant 0 : i32
    return %arg0, %c0_i32 : i32, i32
  }
  func.func @transform_2(%arg0: i32) -> (i32, i32) {
    %c0_i32 = arith.constant 0 : i32
    %c0_i32_0 = arith.constant 0 : i32
    return %arg0, %c0_i32 : i32, i32
  }
  func.func @transform_3(%arg0: i32) -> (i32, i32) {
    %c0_i32 = arith.constant 0 : i32
    %c0_i32_0 = arith.constant 0 : i32
    return %arg0, %c0_i32 : i32, i32
  }
  func.func @transform_4(%arg0: i32) -> (i32, i32) {
    %c0_i32 = arith.constant 0 : i32
    %c0_i32_0 = arith.constant 0 : i32
    %c0_i32_1 = arith.constant 0 : i32
    return %c0_i32, %c0_i32_0 : i32, i32
  }
  func.func @transform_5(%arg0: i32) -> (i32, i32) {
    %c0_i32 = arith.constant 0 : i32
    %c0_i32_0 = arith.constant 0 : i32
    %c0_i32_1 = arith.constant 0 : i32
    return %c0_i32, %c0_i32_0 : i32, i32
  }
  func.func @transform_6(%arg0: i32) -> (i32, i32) {
    %c0_i32 = arith.constant 0 : i32
    %c0_i32_0 = arith.constant 0 : i32
    %c0_i32_1 = arith.constant 0 : i32
    return %c0_i32, %c0_i32_0 : i32, i32
  }
  func.func @transform_7(%arg0: i32) -> (i32, i32) {
    %c0_i32 = arith.constant 0 : i32
    %c0_i32_0 = arith.constant 0 : i32
    return %arg0, %c0_i32 : i32, i32
  }
}

module attributes {stable_mosaic.version = 14 : i64} {
  func.func @body(%arg0: i32, %arg1: memref<2x2x2000x1xf32, #tpu.memory_space<vmem>>, %arg2: memref<2000x128xf32, #tpu.memory_space<vmem>>, %arg3: memref<2000x128xf32, #tpu.memory_space<vmem>>, %arg4: memref<2000x128xf32, #tpu.memory_space<vmem>>, %arg5: memref<2000x1xf32, #tpu.memory_space<vmem>>, %arg6: memref<2000x1xf32, #tpu.memory_space<vmem>>) attributes {dimension_semantics = [#tpu.dimension_semantics<arbitrary>], iteration_bounds = array<i64: 5>, scalar_prefetch = 0 : i64, scratch_operands = 0 : i64, tpu.core_type = #tpu.core_type<tc>, window_params = [{transform_indices = @transform_0, window_bounds = array<i64: 2, 2, 2000, 1>}, {transform_indices = @transform_1, window_bounds = array<i64: 2000, 128>}, {transform_indices = @transform_2, window_bounds = array<i64: 2000, 128>}, {transform_indices = @transform_3, window_bounds = array<i64: 2000, 128>}, {transform_indices = @transform_4, window_bounds = array<i64: 2000, 1>}, {transform_indices = @transform_5, window_bounds = array<i64: 2000, 1>}]} {
    %get3A = arith.constant 0 : index
    %get3A_0 = arith.constant 0 : index
    %get3A_1 = arith.constant 0 : index
    %get3A_2 = arith.constant 0 : index
    %get3A_3 = vector.load %arg1[%get3A, %get3A_0, %get3A_1, %get3A_2] : memref<2x2x2000x1xf32, #tpu.memory_space<vmem>>, vector<1x1x2000x1xf32>
    %get3A_4 = vector.shape_cast %get3A_3 : vector<1x1x2000x1xf32> to vector<2000x1xf32>
    %get3A_5 = arith.constant 1 : index
    %get3A_6 = arith.constant 0 : index
    %get3A_7 = arith.constant 0 : index
    %get3A_8 = arith.constant 0 : index
    %get3A_9 = vector.load %arg1[%get3A_5, %get3A_6, %get3A_7, %get3A_8] : memref<2x2x2000x1xf32, #tpu.memory_space<vmem>>, vector<1x1x2000x1xf32>
    %get3A_10 = vector.shape_cast %get3A_9 : vector<1x1x2000x1xf32> to vector<2000x1xf32>
    %add3A = arith.addf %get3A_4, %get3A_10 : vector<2000x1xf32>
    %get3A_11 = arith.constant 0 : index
    %get3A_12 = arith.constant 1 : index
    %get3A_13 = arith.constant 0 : index
    %get3A_14 = arith.constant 0 : index
    %get3A_15 = vector.load %arg1[%get3A_11, %get3A_12, %get3A_13, %get3A_14] : memref<2x2x2000x1xf32, #tpu.memory_space<vmem>>, vector<1x1x2000x1xf32>
    %get3A_16 = vector.shape_cast %get3A_15 : vector<1x1x2000x1xf32> to vector<2000x1xf32>
    %get3A_17 = arith.constant 1 : index
    %get3A_18 = arith.constant 1 : index
    %get3A_19 = arith.constant 0 : index
    %get3A_20 = arith.constant 0 : index
    %get3A_21 = vector.load %arg1[%get3A_17, %get3A_18, %get3A_19, %get3A_20] : memref<2x2x2000x1xf32, #tpu.memory_space<vmem>>, vector<1x1x2000x1xf32>
    %get3A_22 = vector.shape_cast %get3A_21 : vector<1x1x2000x1xf32> to vector<2000x1xf32>
    %add3A_23 = arith.addf %get3A_16, %get3A_22 : vector<2000x1xf32>
    %gt3A = arith.constant 0.000000e+00 : f32
    %gt3A_24 = vector.broadcast %gt3A : f32 to vector<2000x1xf32>
    %gt3A_25 = arith.cmpf ogt, %add3A, %gt3A_24 : vector<2000x1xf32>
    %sqrt3A = math.sqrt %add3A : vector<2000x1xf32>
    %rsqrt3A = math.rsqrt %sqrt3A : vector<2000x1xf32>
    %jit3A = arith.constant 0.000000e+00 : f32
    %broadcast_in_dim3A = vector.broadcast %jit3A : f32 to vector<2000x1xf32>
    %select_n3A = arith.select %gt3A_25, %rsqrt3A, %broadcast_in_dim3A : vector<2000x1xi1>, vector<2000x1xf32>
    %gt3A_26 = arith.constant 0.000000e+00 : f32
    %gt3A_27 = vector.broadcast %gt3A_26 : f32 to vector<2000x1xf32>
    %gt3A_28 = arith.cmpf ogt, %add3A_23, %gt3A_27 : vector<2000x1xf32>
    %sqrt3A_29 = math.sqrt %add3A_23 : vector<2000x1xf32>
    %rsqrt3A_30 = math.rsqrt %sqrt3A_29 : vector<2000x1xf32>
    %jit3A_31 = arith.constant 0.000000e+00 : f32
    %broadcast_in_dim3A_32 = vector.broadcast %jit3A_31 : f32 to vector<2000x1xf32>
    %select_n3A_33 = arith.select %gt3A_28, %rsqrt3A_30, %broadcast_in_dim3A_32 : vector<2000x1xi1>, vector<2000x1xf32>
    %swap3A = arith.constant 0 : index
    %swap3A_34 = arith.constant 0 : index
    %swap3A_35 = vector.load %arg5[%swap3A, %swap3A_34] : memref<2000x1xf32, #tpu.memory_space<vmem>>, vector<2000x1xf32>
    tpu.vector_store %arg5[%swap3A, %swap3A_34], %select_n3A {strides = array<i32>} : memref<2000x1xf32, #tpu.memory_space<vmem>>, vector<2000x1xf32>,
    %swap3A_36 = arith.constant 0 : index
    %swap3A_37 = arith.constant 0 : index
    %swap3A_38 = vector.load %arg6[%swap3A_36, %swap3A_37] : memref<2000x1xf32, #tpu.memory_space<vmem>>, vector<2000x1xf32>
    tpu.vector_store %arg6[%swap3A_36, %swap3A_37], %select_n3A_33 {strides = array<i32>} : memref<2000x1xf32, #tpu.memory_space<vmem>>, vector<2000x1xf32>,
    %get3A_39 = arith.constant 0 : index
    %get3A_40 = arith.constant 0 : index
    %get3A_41 = vector.load %arg2[%get3A_39, %get3A_40] : memref<2000x128xf32, #tpu.memory_space<vmem>>, vector<2000x128xf32>
    %mul3A = vector.broadcast %select_n3A_33 : vector<2000x1xf32> to vector<2000x128xf32>
    %mul3A_42 = arith.mulf %mul3A, %get3A_41 : vector<2000x128xf32>
    %swap3A_43 = arith.constant 0 : index
    %swap3A_44 = arith.constant 0 : index
    %swap3A_45 = vector.load %arg3[%swap3A_43, %swap3A_44] : memref<2000x128xf32, #tpu.memory_space<vmem>>, vector<2000x128xf32>
    tpu.vector_store %arg3[%swap3A_43, %swap3A_44], %mul3A_42 {strides = array<i32>} : memref<2000x128xf32, #tpu.memory_space<vmem>>, vector<2000x128xf32>,
    %mul3A_46 = vector.broadcast %select_n3A : vector<2000x1xf32> to vector<2000x128xf32>
    %mul3A_47 = arith.mulf %mul3A_46, %get3A_41 : vector<2000x128xf32>
    %swap3A_48 = arith.constant 0 : index
    %swap3A_49 = arith.constant 0 : index
    %swap3A_50 = vector.load %arg4[%swap3A_48, %swap3A_49] : memref<2000x128xf32, #tpu.memory_space<vmem>>, vector<2000x128xf32>
    tpu.vector_store %arg4[%swap3A_48, %swap3A_49], %mul3A_47 {strides = array<i32>} : memref<2000x128xf32, #tpu.memory_space<vmem>>, vector<2000x128xf32>,
    return
  }
  func.func @transform_0(%arg0: i32) -> (i32, i32, i32, i32) {
    %c0_i32 = arith.constant 0 : i32
    %c0_i32_0 = arith.constant 0 : i32
    %c0_i32_1 = arith.constant 0 : i32
    %c0_i32_2 = arith.constant 0 : i32
    return %c0_i32, %c0_i32_0, %arg0, %c0_i32_1 : i32, i32, i32, i32
  }
  func.func @transform_1(%arg0: i32) -> (i32, i32) {
    %c0_i32 = arith.constant 0 : i32
    %c0_i32_0 = arith.constant 0 : i32
    return %arg0, %c0_i32 : i32, i32
  }
  func.func @transform_2(%arg0: i32) -> (i32, i32) {
    %c0_i32 = arith.constant 0 : i32
    %c0_i32_0 = arith.constant 0 : i32
    return %arg0, %c0_i32 : i32, i32
  }
  func.func @transform_3(%arg0: i32) -> (i32, i32) {
    %c0_i32 = arith.constant 0 : i32
    %c0_i32_0 = arith.constant 0 : i32
    return %arg0, %c0_i32 : i32, i32
  }
  func.func @transform_4(%arg0: i32) -> (i32, i32) {
    %c0_i32 = arith.constant 0 : i32
    %c0_i32_0 = arith.constant 0 : i32
    return %arg0, %c0_i32 : i32, i32
  }
  func.func @transform_5(%arg0: i32) -> (i32, i32) {
    %c0_i32 = arith.constant 0 : i32
    %c0_i32_0 = arith.constant 0 : i32
    return %arg0, %c0_i32 : i32, i32
  }
}

</mosaic_0001>

<sc_bundles>
// kernel: kernel.6.cloned.1.call-start
scs
__scs_entry_jumppad:
0x0: {  	(pc) =	sbr.rel $0x88, $3  }
0x1: {  	(tag) =	ssettag $0x0;
	lr =	simm.s32 $0x1  }
0x2: {  	[smem:$0x3F9B] =	sst lr;
	_ =	strace $0xD0000000  }
0x3: {  	_ = 	snop  }
0x4: {  	_ = 	snop  }
0x5: {  	_ = 	snop  }
0x6: {  	_ = 	snop  }
0x7: {  	_ = 	snop  }
__scs_overlays_trampoline_lowered:
0x8: {  	[smem:$0x3FAA] =	sst s0  }
0x9: {  	[smem:$0x3FAB] =	sst s1  }
0xa: {  	[smem:$0x3FAC] =	sst s2  }
0xb: {  	[smem:$0x3FAD] =	sst s3  }
0xc: {  	[smem:$0x3FAE] =	sst s4  }
0xd: {  	[smem:$0x3FAF] =	sst s5  }
0xe: {  	[smem:$0x3FB0] =	sst s6  }
0xf: {  	[smem:$0x3FB1] =	sst s7  }
0x10: {  	[smem:$0x3FB2] =	sst s8  }
0x11: {  	[smem:$0x3FB3] =	sst s9;
	s0 =	simm.s32 @!p0 $0x0  }
0x12: {  	s1 =	sld [smem:$0x3F99];
	s0 =	simm.s32 @p0 $0x1  }
0x13: {  	[smem:$0x3FB4] =	sst s0;
	s0 =	simm.s32 @!p1 $0x0  }
0x14: {  	s2 =	sld [smem:$0x3F98];
	s0 =	simm.s32 @p1 $0x1  }
0x15: {  	[smem:$0x3FB5] =	sst s0;
	s0 =	simm.s32 @!p2 $0x0  }
0x16: {  	s3 =	sld [smem:$0x3FDB];
	s0 =	simm.s32 @p2 $0x1  }
0x17: {  	s4 =	simm.s32 $0x1BF5;
	[smem:$0x3FB7] =	sst s0  }
0x18: {  	s0 =	sld [smem:$0x3F9A];
	_ =	swait.ge [sflag:s4], $0x0  }
0x19: {  	s7 =	sld [smem:$0x3F9B]  }
0x1a: {  	s8 =	sadd.s32 $0xFFFFE003, lr  }
0x1b: {  	s9 =	sadd.s32 $0xFFFFFEF7, lr;
	s5 =	simm.s32 $0xFFFFFFFF;
	p2 =	slt.u32 s8, $0xFFFFF086  }
0x1c: {  	p1 =	slt.u32 s9, $0xF7A;
	s5 =	simm.s32 @!p2 $0x0  }
0x1d: {  	s5 =	simm.s32 @p1 $0x1;
	p0 =	seq.s32 s7, s2  }
0x1e: {  	s7 =	smul.u32 @!p0 $0xF7A, s2;
	p2 =	seq.s32 @!p0 s5, $0x0  }
0x1f: {  	s9 =	smul.u32 $0xF7A, s1;
	s8 =	simm.s32 @!p0 $0x1BF5;
	p2 =	por !p2, p0  }
0x20: {  	[sflag:s8] =	ssyncset.s32 @!p0 $0xFFFFF086;
	s6 =	sadd.s32 @!p0 s3, s7;
	s7 =	simm.s32 @!p0 $0x108  }
0x21: {  	s3 =	sadd.s32 s3, s9;
	s6 =	sadd.s32 @!p0 $0x88, s6;
	s7 =	simm.s32 @p2 $0x1082  }
0x22: {  	[simem:s7], [sflag:s8] =	dma.local @!p0 [hbm:s6], $0xF7A  }
0x23: {  	s9 =	sor.u32 $0xD0000000, s2;
	s6 =	simm.s32 $0x108;
	_ =	swait.ge @!p0 [sflag:s8], $0x0  }
0x24: {  	s3 =	sadd.s32 $0x88, s3;
	s6 =	simm.s32 @!p1 $0x1082;
	[sflag:s4] =	ssyncset.s32 $0xFFFFF086  }
0x25: {  	[simem:s6], [sflag:s4] =	dma.local [hbm:s3], $0xF7A  }
0x26: {  	[smem:$0x3F9B] =	sst s1;
	(tag) =	ssettag s2;
	_ =	strace s9  }
0x27: {  	s1 =	sld [smem:$0x3FAB]  }
0x28: {  	s2 =	sld [smem:$0x3FAC]  }
0x29: {  	s4 =	sld [smem:$0x3FAE]  }
0x2a: {  	p0 =	seq.s32 s5, $0x0;
	s5 =	sld [smem:$0x3FAF]  }
0x2b: {  	s6 =	sld [smem:$0x3FB0]  }
0x2c: {  	s7 =	sld [smem:$0x3FB1]  }
0x2d: {  	s3 =	simm.s32 $0x108;
	s8 =	sld [smem:$0x3FB2]  }
0x2e: {  	s3 =	simm.s32 @!p0 $0x1082;
	s9 =	sld [smem:$0x3FB3]  }
0x2f: {  	lr =	sadd.s32 s0, s3;
	s0 =	sld [smem:$0x3FAA]  }
0x30: {  	s3 =	sld [smem:$0x3FAD]  }
0x31: {  	[smem:$0x3FB6] =	sst s10  }
0x32: {  	s10 =	sld [smem:$0x3FB4];
	_ =	sdelay $0x3  }
0x33: {  	p0 =	seq.s32 s10, $0x1;
	s10 =	sld [smem:$0x3FB6];
	_ =	sdelay $0x3  }
0x34: {  	[smem:$0x3FB6] =	sst s10  }
0x35: {  	s10 =	sld [smem:$0x3FB5];
	_ =	sdelay $0x3  }
0x36: {  	p1 =	seq.s32 s10, $0x1;
	s10 =	sld [smem:$0x3FB6];
	_ =	sdelay $0x3  }
0x37: {  	[smem:$0x3FB6] =	sst s10  }
0x38: {  	s10 =	sld [smem:$0x3FB7]  }
0x39: {  	_ = 	snop;
	(pc) =	sbr.ind lr, $3  }
0x3a: {  	_ = 	snop  }
0x3b: {  	_ = 	snop  }
0x3c: {  	p2 =	seq.s32 s10, $0x1;
	s10 =	sld [smem:$0x3FB6]  }
0x3d: {  	_ =	shalt  }
0x3e: {  	_ =	shalt  }
0x3f: {  	_ =	shalt  }
0x40: {  	_ =	shalt  }
0x41: {  	_ =	shalt  }
0x42: {  	_ =	shalt  }
0x43: {  	_ =	shalt  }
0x44: {  	_ =	shalt  }
0x45: {  	_ =	shalt  }
0x46: {  	_ =	shalt  }
0x47: {  	_ =	shalt  }
0x48: {  	_ =	shalt  }
0x49: {  	_ =	shalt  }
0x4a: {  	_ =	shalt  }
0x4b: {  	_ =	shalt  }
0x4c: {  	_ =	shalt  }
0x4d: {  	_ =	shalt  }
0x4e: {  	_ =	shalt  }
0x4f: {  	_ =	shalt  }
0x50: {  	_ =	shalt  }
0x51: {  	_ =	shalt  }
0x52: {  	_ =	shalt  }
0x53: {  	_ =	shalt  }
0x54: {  	_ =	shalt  }
0x55: {  	_ =	shalt  }
0x56: {  	_ =	shalt  }
0x57: {  	_ =	shalt  }
0x58: {  	_ =	shalt  }
0x59: {  	_ =	shalt  }
0x5a: {  	_ =	shalt  }
0x5b: {  	_ =	shalt  }
0x5c: {  	_ =	shalt  }
0x5d: {  	_ =	shalt  }
0x5e: {  	_ =	shalt  }
0x5f: {  	_ =	shalt  }
0x60: {  	_ =	shalt  }
0x61: {  	_ =	shalt  }
0x62: {  	_ =	shalt  }
0x63: {  	_ =	shalt  }
0x64: {  	_ =	shalt  }
0x65: {  	_ =	shalt  }
0x66: {  	_ =	shalt  }
0x67: {  	_ =	shalt  }
0x68: {  	_ =	shalt  }
0x69: {  	_ =	shalt  }
0x6a: {  	_ =	shalt  }
0x6b: {  	_ =	shalt  }
0x6c: {  	_ =	shalt  }
0x6d: {  	_ =	shalt  }
0x6e: {  	_ =	shalt  }
0x6f: {  	_ =	shalt  }
0x70: {  	_ =	shalt  }
0x71: {  	_ =	shalt  }
0x72: {  	_ =	shalt  }
0x73: {  	_ =	shalt  }
0x74: {  	_ =	shalt  }
0x75: {  	_ =	shalt  }
0x76: {  	_ =	shalt  }
0x77: {  	_ =	shalt  }
0x78: {  	_ =	shalt  }
0x79: {  	_ =	shalt  }
0x7a: {  	_ =	shalt  }
0x7b: {  	_ =	shalt  }
0x7c: {  	_ =	shalt  }
0x7d: {  	_ =	shalt  }
0x7e: {  	_ =	shalt  }
0x7f: {  	_ =	shalt  }
0x80: {  	_ =	shalt  }
0x81: {  	_ =	shalt  }
0x82: {  	_ =	shalt  }
0x83: {  	_ =	shalt  }
0x84: {  	_ =	shalt  }
0x85: {  	_ =	shalt  }
0x86: {  	_ =	shalt  }
0x87: {  	_ =	shalt  }
.Lfunc_end0:
.L_simem_size_0:
called_computation_lowered:
.L_overlay_start_0:
0x88: {  	s2 =	sld [smem:$0x3FD9]  }
0x89: {  	s3 =	sld [smem:$0x3FFE];
	_ =	sdelay $0x1  }
0x8a: {  	s1 =	srdreg.scid  }
0x8b: {  	s0 =	sand.u32 $0x1, s1  }
0x8c: {  	s17 =	sshll.u32 s0, $0xA;
	s2 =	sadd.s32 s3, s2  }
0x8d: {  	s2 =	sadd.s32 s2, s17  }
0x8e: {  	[smem:$0x3FC2] =	sst s2  }
0x8f: {  	_ = 	snop  }
0x90: {  	s2 =	sld [smem:$0x3FD0];
	(tm) =	ssettm $0x1  }
0x91: {  	s18 =	sld [smem:$0x3FFB];
	_ =	sdelay $0x3  }
0x92: {  	_ =	strace s18  }
0x93: {  	s3 =	sld [smem:$0x3FFC];
	_ =	sdelay $0x3  }
0x94: {  	_ =	strace s3  }
0x95: {  	s3 =	sld [smem:$0x3FFD];
	_ =	sdelay $0x3  }
0x96: {  	_ =	strace s3  }
0x97: {  	_ =	strace $0x8FFFFFFF  }
0x98: {  	s19 =	sld [smem:$0x3FDB];
	_ =	sdelay $0x1  }
0x99: {  	s4 =	simm.s32 $_scs_section_size  }
0x9a: {  	s5 =	simm.s32 $_size__tile_overlayer_lowered;
	s6 =	simm.s32 $_tile_overlayer_lowered  }
0x9b: {  	s22 =	simm.s32 $0x1BFF;
	s21 =	sshll.u32 s6, $0x1;
	s3 =	sadd.s32 s4, s19  }
0x9c: {  	s7 =	simm.s32 $0x0;
	s20 =	sshll.u32 s5, $0x1;
	s5 =	sadd.s32 s21, s3  }
0x9d: {  	[timem:s7], [sflag:s22] =	dma.local [hbm:s5], s20  }
0x9e: {  	_ =	swait.ge [sflag:s22], s20  }
0x9f: {  	s4 =	ssub.s32 $0x0, s20;
	[sflag:s22] =	ssyncset.done $0x0  }
0xa0: {  	[sflag:s22] =	ssyncadd.s32 s4;
	_ =	sdelay $0x1  }
0xa1: {  	s23 =	simm.s32 $0x1B8B  }
0xa2: {  	_ =	swait.ge [sflag:s23], $0x1  }
0xa3: {  	[sflag:s23] =	ssyncset.done $0x0  }
0xa4: {  	s25 =	simm.s32 $0x1B8E;
	s24 =	sld [smem:$0x3FFE];
	[sflag:s23] =	ssyncadd.s32 $0xFFFFFFFF  }
0xa5: {  	s26 =	simm.s32 $execute0_lowered;
	[smem:$0x3FD2] =	sst s25  }
0xa6: {  	s5 =	sshll.u32 s26, $0x1;
	_ =	strace $0x80000046;
	[dreg:$0x1] =	wrdreg $0xFFFFFFFF  }
0xa7: {  	s28 =	simm.s32 $_size_execute0_lowered;
	s3 =	sadd.s32 s3, s5;
	[dreg:$0x0] =	wrdreg $0x0  }
0xa8: {  	s5 =	sshll.u32 s28, $0x1;
	[dreg:$0x2] =	wrdreg s3  }
0xa9: {  	[dreg:$0x3] =	wrdreg s5  }
0xaa: {  	[dreg:$0x4] =	wrdreg $0xC0  }
0xab: {  	_ =	task [dreg:s7], $0x5FFFF  }
0xac: {  	[dreg:$0x1] =	wrdreg $0xFFFFFFFF  }
0xad: {  	[dreg:$0x0] =	wrdreg $0x60  }
0xae: {  	[dreg:$0x2] =	wrdreg s2  }
0xaf: {  	[dreg:$0x3] =	wrdreg s24  }
0xb0: {  	[dreg:$0x4] =	wrdreg $0x53000  }
0xb1: {  	[dreg:$0x5] =	wrdreg $0x55800  }
0xb2: {  	[dreg:$0x6] =	wrdreg $0x9  }
0xb3: {  	_ =	task.clear_ibuf [dreg:s7], $0x7FFFF;
	_ =	strace $0x90000046  }
0xb4: {  	s29 =	simm.s32 $0x9;
	_ =	strace $0x80000048  }
0xb5: {  	_ =	swait.ge [sflag:s29], $0x1  }
0xb6: {  	[sflag:s29] =	ssyncadd.s32 $0xFFFFFFFF  }
0xb7: {  	_ =	strace $0x90000048  }
0xb8: {  	_ =	sfence  }
0xb9: {  	s30 =	sld [smem:$0x0];
	_ =	sdelay $0x2  }
0xba: {  	s31 =	sshll.u32 s1, $0xD;
	s1 =	sshrl.u32 s1, $0x2  }
0xbb: {  	s3 =	sand.u32 $0x4000, s31;
	s1 =	sadd.s32 s1, s30  }
0xbc: {  	s0 =	sor.u32 s3, s0;
	s1 =	sshll.u32 s1, $0x11  }
0xbd: {  	s0 =	sor.u32 s1, s0  }
0xbe: {  	s0 =	sadd.s32 $0x8F2B, s0  }
0xbf: {  	[sflag:s0] =	ssyncadd.remote.s32 $0x1  }
0xc0: {  	_ =	sfence.sel $0xFFFF  }
0xc1: {  	[dreg:$0x0] =	wrdreg $0xFFFFFFFF;
	(pc) =	sbr.abs _section_cstart, $3  }
0xc2: {  	[dreg:$0x1] =	wrdreg $0xFFFFFFFF  }
0xc3: {  	_ =	task.clear_ibuf [dreg:s7], $0x2FFFF;
	_ =	strace $0x9FFFFFFF  }
0xc4: {  	(tm) =	ssettm $0x7FFFFFFF  }
0xc5: {  	_ =	shalt  }
tec
execute0_lowered:
.L_overlay_start_1:
0x0: {  	(tag) =	ssettag $0x1  }
0x1: {  	s6 =	rddreg [dreg:$0x0]  }
0x2: {  	s4 =	rddreg [dreg:$0x1]  }
0x3: {  	s1 =	rddreg [dreg:$0x2]  }
0x4: {  	s2 =	rddreg [dreg:$0x3]  }
0x5: {  	s0 =	rddreg [dreg:$0x4];
	s3 =	simm.s32 $0x0;
	s5 =	srdreg.scid  }
0x6: {  	s21 =	stileid.u32;
	s12 =	simm.s32 $0x2800;
	s13 =	simm.s32 $0x50000  }
0x7: {  	s14 =	simm.s32 $0x80;
	s15 =	simm.s32 $0x5000;
	s16 =	simm.s32 $0x1  }
0x8: {  	s18 =	simm.s32 $0x20;
	s19 =	simm.s32 $0x10;
	s20 =	simm.s32 $0x1C42  }
0x9: {  	s22 =	simm.s32 $0x1C02;
	s23 =	simm.s32 $0x0;
	[smem:$0x7FF] =	sst s3  }
0xa: {  	s5 =	sand.u32 $0x1, s5;
	s9 =	smul.u32 $0x280, s21;
	p1 =	seq.s32 s21, $0x1  }
0xb: {  	s17 =	sshrl.u32 s2, $0x3;
	p0 =	sne.s32 s21, $0x0;
	s7 =	smul.u32 $0xA00, s5  }
0xc: {  	s8 =	sshll.u32 s5, $0x4;
	s5 =	ssub.s32 $0x2, s5;
	_ =	strace $0x80000047  }
.Ltmp0:
0xd: {  	s8 =	sor.u32 s21, s8;
	s10 =	sshrl.u32 s5, $0x1;
	(pc) =	sbr.rel .LBB2_1-.Ltmp0, $4  }
0xe: {  	s21 =	sshrl.u32 s1, $0x3;
	s8 =	smul.u32 $0x500, s8;
	s11 =	sadd.s32 s7, s4  }
0xf: {  	s10 =	ssub.s32 s5, s10;
	s4 =	sadd.s32 s9, s1;
	s5 =	sadd.s32 s9, s2  }
0x10: {  	s7 =	sadd.s32 $0x2810, s11;
	s9 =	smax.u32 s10, $0x1;
	s10 =	simm.s32 $0x5080  }
0x11: {  	v0 =	vimm.f32 $1.000000000e+00;
	v1 =	vimm.f32 $0.0e+00;
	s6 =	sadd.s32 s6, s8;
	s8 =	sadd.s32 $0x2800, s11;
	s11 =	simm.s32 $0x2  }
.LBB2_6:
0x12: {  	[hbm:s7@s18], [sflag:s20] =	dma.strided [spmem:s17@s19], $0x500, s16, $0x10   }
.LBB2_7:
0x13: {  	_ =	swait.ge [sflag:s11], $0x500  }
0x14: {  	[sflag:s11] =	ssyncset.done $0x0  }
0x15: {  	[sflag:s11] =	ssyncadd.s32 $0xFFFFFB00  }
.LBB2_8:
0x16: {  	s23 =	sadd.s32 $0x1, s23  }
0x17: {  	p2 =	sne.s32 s23, s9  }
.Ltmp1:
0x18: {  	_ = 	snop;
	(pc) =	sbr.rel @!p2 .LBB2_9-.Ltmp1, $1  }
0x19: {  	_ =	sdelay $0x3  }
.LBB2_1:
0x1a: {  	[tilespmem:$0x5000] =	vst v0  }
0x1b: {  	[tilespmem:$0x5010] =	vst v0  }
0x1c: {  	[tilespmem:$0x5020] =	vst v0  }
0x1d: {  	[tilespmem:$0x5030] =	vst v0  }
0x1e: {  	[tilespmem:$0x5040] =	vst v0  }
0x1f: {  	[tilespmem:$0x5050] =	vst v0  }
0x20: {  	[tilespmem:$0x5060] =	vst v0  }
0x21: {  	[tilespmem:$0x5070] =	vst v0  }
0x22: {  	[tilespmem:$0x5080] =	vst v1  }
0x23: {  	[tilespmem:$0x5090] =	vst v1  }
0x24: {  	[tilespmem:$0x50A0] =	vst v1  }
0x25: {  	[tilespmem:$0x50B0] =	vst v1  }
0x26: {  	[tilespmem:$0x50C0] =	vst v1  }
0x27: {  	[tilespmem:$0x50D0] =	vst v1  }
0x28: {  	[tilespmem:$0x50E0] =	vst v1  }
0x29: {  	[tilespmem:$0x50F0] =	vst v1  }
0x2a: {  	[tilespmem:$0x5100] =	vst v1  }
0x2b: {  	[tilespmem:$0x5110] =	vst v1  }
0x2c: {  	[tilespmem:$0x5120] =	vst v1  }
0x2d: {  	[tilespmem:$0x5130] =	vst v1  }
0x2e: {  	[tilespmem:$0x5140] =	vst v1  }
0x2f: {  	[tilespmem:$0x5150] =	vst v1  }
0x30: {  	[tilespmem:$0x5160] =	vst v1  }
0x31: {  	[tilespmem:$0x5170] =	vst v1  }
0x32: {  	[tilespmem:$0x5180] =	vst v1  }
0x33: {  	[tilespmem:$0x5190] =	vst v1  }
0x34: {  	[tilespmem:$0x51A0] =	vst v1  }
0x35: {  	[tilespmem:$0x51B0] =	vst v1  }
0x36: {  	[tilespmem:$0x51C0] =	vst v1  }
0x37: {  	[tilespmem:$0x51D0] =	vst v1  }
0x38: {  	[tilespmem:$0x51E0] =	vst v1  }
0x39: {  	[tilespmem:$0x51F0] =	vst v1  }
0x3a: {  	[tilespmem:$0x5200] =	vst v1  }
0x3b: {  	[tilespmem:$0x5210] =	vst v1  }
0x3c: {  	[tilespmem:$0x5220] =	vst v1  }
0x3d: {  	[tilespmem:$0x5230] =	vst v1  }
0x3e: {  	[tilespmem:$0x5240] =	vst v1  }
0x3f: {  	[tilespmem:$0x5250] =	vst v1  }
0x40: {  	[tilespmem:$0x5260] =	vst v1  }
0x41: {  	[tilespmem:$0x5270] =	vst v1  }
0x42: {  	[tilespmem:$0x5280] =	vst v1  }
0x43: {  	[tilespmem:$0x5290] =	vst v1  }
0x44: {  	[tilespmem:$0x52A0] =	vst v1  }
0x45: {  	[tilespmem:$0x52B0] =	vst v1  }
0x46: {  	[tilespmem:$0x52C0] =	vst v1  }
0x47: {  	[tilespmem:$0x52D0] =	vst v1  }
0x48: {  	[tilespmem:$0x52E0] =	vst v1  }
0x49: {  	[tilespmem:$0x52F0] =	vst v1  }
0x4a: {  	[spmem:s4] =	stream.linear.scatter [tilespmem:s10], [sflag:$0x2], $0x280, $0x38;
	[tilespmem:$0x5800] =	vst v63  }
0x4b: {  	_ =	swait.ge [sflag:s11], $0x280  }
0x4c: {  	[sflag:s11] =	ssyncset.done $0x0  }
0x4d: {  	[sflag:s11] =	ssyncadd.s32 $0xFFFFFD80  }
0x4e: {  	[spmem:s5] =	stream.linear.scatter [tilespmem:s10], [sflag:$0x2], $0x280, $0x38;
	[tilespmem:$0x5800] =	vst v63  }
0x4f: {  	_ =	swait.ge [sflag:s11], $0x280  }
0x50: {  	[sflag:s11] =	ssyncset.done $0x0  }
0x51: {  	[sflag:s11] =	ssyncadd.s32 $0xFFFFFD80  }
0x52: {  	[bflag:$0x0] =	sbarrier.arrive $0xFFFF  }
0x53: {  	[tilespmem:s3], [sflag:$0x2] =	stream.strided.gather [hbm4b:s6+s12], $0x5000, s13, s12, $0x38;
	[tilespmem:$0x5800] =	vst v63  }
0x54: {  	_ =	swait.ge [sflag:s11], $0x5000  }
0x55: {  	[sflag:s11] =	ssyncset.done $0x0  }
0x56: {  	s24 =	simm.s32 $0x0;
	[sflag:s11] =	ssyncadd.s32 $0xFFFFB000  }
0x57: {  	[spmem:s1] =	stream.indirect.scatter.add.f32 [tilespmem:s15], [sflag:$0x1], $0x1, s24, s14, $0xb8;
	[tilespmem:$0x5800] =	vst v63  }
0x58: {  	s25 =	simm.s32 $0x2800  }
0x59: {  	[spmem:s2] =	stream.indirect.scatter.add.f32 [tilespmem:s15], [sflag:$0x1], $0x1, s25, s14, $0xb8;
	[tilespmem:$0x5800] =	vst v63  }
0x5a: {  	s26 =	simm.s32 $0x80  }
0x5b: {  	[spmem:s1] =	stream.indirect.scatter.add.f32 [tilespmem:s15], [sflag:$0x1], $0x1, s26, s14, $0xb8;
	[tilespmem:$0x5800] =	vst v63  }
0x5c: {  	s29 =	simm.s32 $0x2880  }
0x5d: {  	[spmem:s2] =	stream.indirect.scatter.add.f32 [tilespmem:s15], [sflag:$0x1], $0x1, s29, s14, $0xb8;
	[tilespmem:$0x5800] =	vst v63  }
0x5e: {  	s30 =	simm.s32 $0x100  }
0x5f: {  	[spmem:s1] =	stream.indirect.scatter.add.f32 [tilespmem:s15], [sflag:$0x1], $0x1, s30, s14, $0xb8;
	[tilespmem:$0x5800] =	vst v63  }
0x60: {  	s31 =	simm.s32 $0x2900  }
0x61: {  	[spmem:s2] =	stream.indirect.scatter.add.f32 [tilespmem:s15], [sflag:$0x1], $0x1, s31, s14, $0xb8;
	[tilespmem:$0x5800] =	vst v63  }
0x62: {  	s25 =	simm.s32 $0x180  }
0x63: {  	[spmem:s1] =	stream.indirect.scatter.add.f32 [tilespmem:s15], [sflag:$0x1], $0x1, s25, s14, $0xb8;
	[tilespmem:$0x5800] =	vst v63  }
0x64: {  	s26 =	simm.s32 $0x2980  }
0x65: {  	[spmem:s2] =	stream.indirect.scatter.add.f32 [tilespmem:s15], [sflag:$0x1], $0x1, s26, s14, $0xb8;
	[tilespmem:$0x5800] =	vst v63  }
0x66: {  	s29 =	simm.s32 $0x200  }
0x67: {  	[spmem:s1] =	stream.indirect.scatter.add.f32 [tilespmem:s15], [sflag:$0x1], $0x1, s29, s14, $0xb8;
	[tilespmem:$0x5800] =	vst v63  }
0x68: {  	s30 =	simm.s32 $0x2A00  }
0x69: {  	[spmem:s2] =	stream.indirect.scatter.add.f32 [tilespmem:s15], [sflag:$0x1], $0x1, s30, s14, $0xb8;
	[tilespmem:$0x5800] =	vst v63  }
0x6a: {  	s31 =	simm.s32 $0x280  }
0x6b: {  	[spmem:s1] =	stream.indirect.scatter.add.f32 [tilespmem:s15], [sflag:$0x1], $0x1, s31, s14, $0xb8;
	[tilespmem:$0x5800] =	vst v63  }
0x6c: {  	s25 =	simm.s32 $0x2A80  }
0x6d: {  	[spmem:s2] =	stream.indirect.scatter.add.f32 [tilespmem:s15], [sflag:$0x1], $0x1, s25, s14, $0xb8;
	[tilespmem:$0x5800] =	vst v63  }
0x6e: {  	s26 =	simm.s32 $0x300  }
0x6f: {  	[spmem:s1] =	stream.indirect.scatter.add.f32 [tilespmem:s15], [sflag:$0x1], $0x1, s26, s14, $0xb8;
	[tilespmem:$0x5800] =	vst v63  }
0x70: {  	s29 =	simm.s32 $0x2B00  }
0x71: {  	[spmem:s2] =	stream.indirect.scatter.add.f32 [tilespmem:s15], [sflag:$0x1], $0x1, s29, s14, $0xb8;
	[tilespmem:$0x5800] =	vst v63  }
0x72: {  	s30 =	simm.s32 $0x380  }
0x73: {  	[spmem:s1] =	stream.indirect.scatter.add.f32 [tilespmem:s15], [sflag:$0x1], $0x1, s30, s14, $0xb8;
	[tilespmem:$0x5800] =	vst v63  }
0x74: {  	s31 =	simm.s32 $0x2B80  }
0x75: {  	[spmem:s2] =	stream.indirect.scatter.add.f32 [tilespmem:s15], [sflag:$0x1], $0x1, s31, s14, $0xb8;
	[tilespmem:$0x5800] =	vst v63  }
0x76: {  	_ =	swait.ge [sflag:s16], $0x80  }
0x77: {  	[sflag:s16] =	ssyncset.done $0x0  }
0x78: {  	[sflag:s16] =	ssyncadd.s32 $0xFFFFFF80  }
0x79: {  	_ =	swait.ge [sflag:s16], $0x80  }
0x7a: {  	[sflag:s16] =	ssyncset.done $0x0  }
0x7b: {  	[sflag:s16] =	ssyncadd.s32 $0xFFFFFF80  }
0x7c: {  	_ =	swait.ge [sflag:s16], $0x80  }
0x7d: {  	[sflag:s16] =	ssyncset.done $0x0  }
0x7e: {  	[sflag:s16] =	ssyncadd.s32 $0xFFFFFF80  }
0x7f: {  	_ =	swait.ge [sflag:s16], $0x80  }
0x80: {  	[sflag:s16] =	ssyncset.done $0x0  }
0x81: {  	[sflag:s16] =	ssyncadd.s32 $0xFFFFFF80  }
0x82: {  	_ =	swait.ge [sflag:s16], $0x80  }
0x83: {  	[sflag:s16] =	ssyncset.done $0x0  }
0x84: {  	[sflag:s16] =	ssyncadd.s32 $0xFFFFFF80  }
0x85: {  	_ =	swait.ge [sflag:s16], $0x80  }
0x86: {  	[sflag:s16] =	ssyncset.done $0x0  }
0x87: {  	[sflag:s16] =	ssyncadd.s32 $0xFFFFFF80  }
0x88: {  	_ =	swait.ge [sflag:s16], $0x80  }
0x89: {  	[sflag:s16] =	ssyncset.done $0x0  }
0x8a: {  	[sflag:s16] =	ssyncadd.s32 $0xFFFFFF80  }
0x8b: {  	_ =	swait.ge [sflag:s16], $0x80  }
0x8c: {  	[sflag:s16] =	ssyncset.done $0x0  }
0x8d: {  	[sflag:s16] =	ssyncadd.s32 $0xFFFFFF80  }
0x8e: {  	_ =	swait.ge [sflag:s16], $0x80  }
0x8f: {  	[sflag:s16] =	ssyncset.done $0x0  }
0x90: {  	[sflag:s16] =	ssyncadd.s32 $0xFFFFFF80  }
0x91: {  	_ =	swait.ge [sflag:s16], $0x80  }
0x92: {  	[sflag:s16] =	ssyncset.done $0x0  }
0x93: {  	[sflag:s16] =	ssyncadd.s32 $0xFFFFFF80  }
0x94: {  	_ =	swait.ge [sflag:s16], $0x80  }
0x95: {  	[sflag:s16] =	ssyncset.done $0x0  }
0x96: {  	[sflag:s16] =	ssyncadd.s32 $0xFFFFFF80  }
0x97: {  	_ =	swait.ge [sflag:s16], $0x80  }
0x98: {  	[sflag:s16] =	ssyncset.done $0x0  }
0x99: {  	[sflag:s16] =	ssyncadd.s32 $0xFFFFFF80  }
0x9a: {  	_ =	swait.ge [sflag:s16], $0x80  }
0x9b: {  	[sflag:s16] =	ssyncset.done $0x0  }
0x9c: {  	[sflag:s16] =	ssyncadd.s32 $0xFFFFFF80  }
0x9d: {  	_ =	swait.ge [sflag:s16], $0x80  }
0x9e: {  	[sflag:s16] =	ssyncset.done $0x0  }
0x9f: {  	[sflag:s16] =	ssyncadd.s32 $0xFFFFFF80  }
0xa0: {  	_ =	swait.ge [sflag:s16], $0x80  }
0xa1: {  	[sflag:s16] =	ssyncset.done $0x0  }
0xa2: {  	[sflag:s16] =	ssyncadd.s32 $0xFFFFFF80  }
0xa3: {  	_ =	swait.ge [sflag:s16], $0x80  }
0xa4: {  	s28 =	simm.s32 $0x2000;
	s24 =	simm.s32 $0x1000;
	[sflag:s16] =	ssyncset.done $0x0  }
.LBB2_2:
0xa5: {  	s26 =	sshra.s32 s24, $0x2  }
0xa6: {  	[sflag:s16] =	ssyncadd.s32 $0xFFFFFF80;
	s24 =	smov.u32 s28;
	s25 =	sadd.s32 $0x1000, s28  }
0xa7: {  	[spmem:s1] =	stream.indirect.scatter.add.f32 [tilespmem:s15], [sflag:$0x1], $0x1, s26, s14, $0xb8;
	[tilespmem:$0x5800] =	vst v63  }
0xa8: {  	p2 =	sne.s32 s28, $0x9000;
	s28 =	sadd.s32 $0x2800, s26  }
0xa9: {  	[spmem:s2] =	stream.indirect.scatter.add.f32 [tilespmem:s15], [sflag:$0x1], $0x1, s28, s14, $0xb8;
	[tilespmem:$0x5800] =	vst v63  }
0xaa: {  	s28 =	sadd.s32 $0x80, s26  }
0xab: {  	[spmem:s1] =	stream.indirect.scatter.add.f32 [tilespmem:s15], [sflag:$0x1], $0x1, s28, s14, $0xb8;
	[tilespmem:$0x5800] =	vst v63  }
0xac: {  	s28 =	sadd.s32 $0x2880, s26  }
0xad: {  	[spmem:s2] =	stream.indirect.scatter.add.f32 [tilespmem:s15], [sflag:$0x1], $0x1, s28, s14, $0xb8;
	[tilespmem:$0x5800] =	vst v63  }
0xae: {  	s28 =	sadd.s32 $0x100, s26  }
0xaf: {  	[spmem:s1] =	stream.indirect.scatter.add.f32 [tilespmem:s15], [sflag:$0x1], $0x1, s28, s14, $0xb8;
	[tilespmem:$0x5800] =	vst v63  }
0xb0: {  	s28 =	sadd.s32 $0x2900, s26  }
0xb1: {  	[spmem:s2] =	stream.indirect.scatter.add.f32 [tilespmem:s15], [sflag:$0x1], $0x1, s28, s14, $0xb8;
	[tilespmem:$0x5800] =	vst v63  }
0xb2: {  	s28 =	sadd.s32 $0x180, s26  }
0xb3: {  	[spmem:s1] =	stream.indirect.scatter.add.f32 [tilespmem:s15], [sflag:$0x1], $0x1, s28, s14, $0xb8;
	[tilespmem:$0x5800] =	vst v63  }
0xb4: {  	s28 =	sadd.s32 $0x2980, s26  }
0xb5: {  	[spmem:s2] =	stream.indirect.scatter.add.f32 [tilespmem:s15], [sflag:$0x1], $0x1, s28, s14, $0xb8;
	[tilespmem:$0x5800] =	vst v63  }
0xb6: {  	s28 =	sadd.s32 $0x200, s26  }
0xb7: {  	[spmem:s1] =	stream.indirect.scatter.add.f32 [tilespmem:s15], [sflag:$0x1], $0x1, s28, s14, $0xb8;
	[tilespmem:$0x5800] =	vst v63  }
0xb8: {  	s28 =	sadd.s32 $0x2A00, s26  }
0xb9: {  	[spmem:s2] =	stream.indirect.scatter.add.f32 [tilespmem:s15], [sflag:$0x1], $0x1, s28, s14, $0xb8;
	[tilespmem:$0x5800] =	vst v63  }
0xba: {  	s28 =	sadd.s32 $0x280, s26  }
0xbb: {  	[spmem:s1] =	stream.indirect.scatter.add.f32 [tilespmem:s15], [sflag:$0x1], $0x1, s28, s14, $0xb8;
	[tilespmem:$0x5800] =	vst v63  }
0xbc: {  	s28 =	sadd.s32 $0x2A80, s26  }
0xbd: {  	[spmem:s2] =	stream.indirect.scatter.add.f32 [tilespmem:s15], [sflag:$0x1], $0x1, s28, s14, $0xb8;
	[tilespmem:$0x5800] =	vst v63  }
0xbe: {  	s28 =	sadd.s32 $0x300, s26  }
0xbf: {  	[spmem:s1] =	stream.indirect.scatter.add.f32 [tilespmem:s15], [sflag:$0x1], $0x1, s28, s14, $0xb8;
	[tilespmem:$0x5800] =	vst v63  }
0xc0: {  	s28 =	sadd.s32 $0x2B00, s26  }
0xc1: {  	[spmem:s2] =	stream.indirect.scatter.add.f32 [tilespmem:s15], [sflag:$0x1], $0x1, s28, s14, $0xb8;
	[tilespmem:$0x5800] =	vst v63  }
0xc2: {  	s28 =	sadd.s32 $0x380, s26  }
0xc3: {  	[spmem:s1] =	stream.indirect.scatter.add.f32 [tilespmem:s15], [sflag:$0x1], $0x1, s28, s14, $0xb8;
	[tilespmem:$0x5800] =	vst v63  }
0xc4: {  	s26 =	sadd.s32 $0x2B80, s26  }
0xc5: {  	[spmem:s2] =	stream.indirect.scatter.add.f32 [tilespmem:s15], [sflag:$0x1], $0x1, s26, s14, $0xb8;
	[tilespmem:$0x5800] =	vst v63  }
0xc6: {  	_ =	swait.ge [sflag:s16], $0x80  }
0xc7: {  	[sflag:s16] =	ssyncset.done $0x0  }
0xc8: {  	[sflag:s16] =	ssyncadd.s32 $0xFFFFFF80  }
0xc9: {  	_ =	swait.ge [sflag:s16], $0x80  }
0xca: {  	[sflag:s16] =	ssyncset.done $0x0  }
0xcb: {  	[sflag:s16] =	ssyncadd.s32 $0xFFFFFF80  }
0xcc: {  	_ =	swait.ge [sflag:s16], $0x80  }
0xcd: {  	[sflag:s16] =	ssyncset.done $0x0  }
0xce: {  	[sflag:s16] =	ssyncadd.s32 $0xFFFFFF80  }
0xcf: {  	_ =	swait.ge [sflag:s16], $0x80  }
0xd0: {  	[sflag:s16] =	ssyncset.done $0x0  }
0xd1: {  	[sflag:s16] =	ssyncadd.s32 $0xFFFFFF80  }
0xd2: {  	_ =	swait.ge [sflag:s16], $0x80  }
0xd3: {  	[sflag:s16] =	ssyncset.done $0x0  }
0xd4: {  	[sflag:s16] =	ssyncadd.s32 $0xFFFFFF80  }
0xd5: {  	_ =	swait.ge [sflag:s16], $0x80  }
0xd6: {  	[sflag:s16] =	ssyncset.done $0x0  }
0xd7: {  	[sflag:s16] =	ssyncadd.s32 $0xFFFFFF80  }
0xd8: {  	_ =	swait.ge [sflag:s16], $0x80  }
0xd9: {  	[sflag:s16] =	ssyncset.done $0x0  }
0xda: {  	[sflag:s16] =	ssyncadd.s32 $0xFFFFFF80  }
0xdb: {  	_ =	swait.ge [sflag:s16], $0x80  }
0xdc: {  	[sflag:s16] =	ssyncset.done $0x0  }
0xdd: {  	[sflag:s16] =	ssyncadd.s32 $0xFFFFFF80  }
0xde: {  	_ =	swait.ge [sflag:s16], $0x80  }
0xdf: {  	[sflag:s16] =	ssyncset.done $0x0  }
0xe0: {  	[sflag:s16] =	ssyncadd.s32 $0xFFFFFF80  }
0xe1: {  	_ =	swait.ge [sflag:s16], $0x80  }
0xe2: {  	[sflag:s16] =	ssyncset.done $0x0  }
0xe3: {  	[sflag:s16] =	ssyncadd.s32 $0xFFFFFF80  }
0xe4: {  	_ =	swait.ge [sflag:s16], $0x80  }
0xe5: {  	[sflag:s16] =	ssyncset.done $0x0  }
0xe6: {  	[sflag:s16] =	ssyncadd.s32 $0xFFFFFF80  }
0xe7: {  	_ =	swait.ge [sflag:s16], $0x80  }
0xe8: {  	[sflag:s16] =	ssyncset.done $0x0  }
0xe9: {  	[sflag:s16] =	ssyncadd.s32 $0xFFFFFF80  }
0xea: {  	_ =	swait.ge [sflag:s16], $0x80  }
0xeb: {  	[sflag:s16] =	ssyncset.done $0x0  }
0xec: {  	[sflag:s16] =	ssyncadd.s32 $0xFFFFFF80  }
0xed: {  	_ =	swait.ge [sflag:s16], $0x80  }
0xee: {  	[sflag:s16] =	ssyncset.done $0x0  }
0xef: {  	[sflag:s16] =	ssyncadd.s32 $0xFFFFFF80  }
.Ltmp2:
0xf0: {  	_ =	swait.ge [sflag:s16], $0x80;
	(pc) =	sbr.rel @p2 .LBB2_2-.Ltmp2, $4  }
0xf1: {  	[sflag:s16] =	ssyncset.done $0x0  }
0xf2: {  	[sflag:s16] =	ssyncadd.s32 $0xFFFFFF80  }
0xf3: {  	_ =	swait.ge [sflag:s16], $0x80  }
0xf4: {  	s28 =	smov.u32 s25;
	[sflag:s16] =	ssyncset.done $0x0  }
0xf5: {  	s24 =	sshra.s32 s24, $0x2;
	[sflag:s16] =	ssyncadd.s32 $0xFFFFFF80  }
0xf6: {  	[spmem:s1] =	stream.indirect.scatter.add.f32 [tilespmem:s15], [sflag:$0x1], $0x1, s24, s14, $0xb8;
	[tilespmem:$0x5800] =	vst v63  }
0xf7: {  	s25 =	sadd.s32 $0x2800, s24  }
0xf8: {  	[spmem:s2] =	stream.indirect.scatter.add.f32 [tilespmem:s15], [sflag:$0x1], $0x1, s25, s14, $0xb8;
	[tilespmem:$0x5800] =	vst v63  }
0xf9: {  	s29 =	sadd.s32 $0x80, s24  }
0xfa: {  	[spmem:s1] =	stream.indirect.scatter.add.f32 [tilespmem:s15], [sflag:$0x1], $0x1, s29, s14, $0xb8;
	[tilespmem:$0x5800] =	vst v63  }
0xfb: {  	s30 =	sadd.s32 $0x2880, s24  }
0xfc: {  	[spmem:s2] =	stream.indirect.scatter.add.f32 [tilespmem:s15], [sflag:$0x1], $0x1, s30, s14, $0xb8;
	[tilespmem:$0x5800] =	vst v63  }
0xfd: {  	s31 =	sadd.s32 $0x100, s24  }
0xfe: {  	[spmem:s1] =	stream.indirect.scatter.add.f32 [tilespmem:s15], [sflag:$0x1], $0x1, s31, s14, $0xb8;
	[tilespmem:$0x5800] =	vst v63  }
0xff: {  	s26 =	sadd.s32 $0x2900, s24  }
0x100: {  	[spmem:s2] =	stream.indirect.scatter.add.f32 [tilespmem:s15], [sflag:$0x1], $0x1, s26, s14, $0xb8;
	[tilespmem:$0x5800] =	vst v63  }
0x101: {  	s28 =	sadd.s32 $0x180, s24  }
0x102: {  	[spmem:s1] =	stream.indirect.scatter.add.f32 [tilespmem:s15], [sflag:$0x1], $0x1, s28, s14, $0xb8;
	[tilespmem:$0x5800] =	vst v63  }
0x103: {  	s29 =	sadd.s32 $0x2980, s24  }
0x104: {  	[spmem:s2] =	stream.indirect.scatter.add.f32 [tilespmem:s15], [sflag:$0x1], $0x1, s29, s14, $0xb8;
	[tilespmem:$0x5800] =	vst v63  }
0x105: {  	s30 =	sadd.s32 $0x200, s24  }
0x106: {  	[spmem:s1] =	stream.indirect.scatter.add.f32 [tilespmem:s15], [sflag:$0x1], $0x1, s30, s14, $0xb8;
	[tilespmem:$0x5800] =	vst v63  }
0x107: {  	s31 =	sadd.s32 $0x2A00, s24  }
0x108: {  	[spmem:s2] =	stream.indirect.scatter.add.f32 [tilespmem:s15], [sflag:$0x1], $0x1, s31, s14, $0xb8;
	[tilespmem:$0x5800] =	vst v63  }
0x109: {  	s26 =	sadd.s32 $0x280, s24  }
0x10a: {  	[spmem:s1] =	stream.indirect.scatter.add.f32 [tilespmem:s15], [sflag:$0x1], $0x1, s26, s14, $0xb8;
	[tilespmem:$0x5800] =	vst v63  }
0x10b: {  	s28 =	sadd.s32 $0x2A80, s24  }
0x10c: {  	[spmem:s2] =	stream.indirect.scatter.add.f32 [tilespmem:s15], [sflag:$0x1], $0x1, s28, s14, $0xb8;
	[tilespmem:$0x5800] =	vst v63  }
0x10d: {  	s29 =	sadd.s32 $0x300, s24  }
0x10e: {  	[spmem:s1] =	stream.indirect.scatter.add.f32 [tilespmem:s15], [sflag:$0x1], $0x1, s29, s14, $0xb8;
	[tilespmem:$0x5800] =	vst v63  }
0x10f: {  	s30 =	sadd.s32 $0x2B00, s24  }
0x110: {  	[spmem:s2] =	stream.indirect.scatter.add.f32 [tilespmem:s15], [sflag:$0x1], $0x1, s30, s14, $0xb8;
	[tilespmem:$0x5800] =	vst v63  }
0x111: {  	s31 =	sadd.s32 $0x380, s24  }
0x112: {  	[spmem:s1] =	stream.indirect.scatter.add.f32 [tilespmem:s15], [sflag:$0x1], $0x1, s31, s14, $0xb8;
	[tilespmem:$0x5800] =	vst v63  }
0x113: {  	s24 =	sadd.s32 $0x2B80, s24  }
0x114: {  	[spmem:s2] =	stream.indirect.scatter.add.f32 [tilespmem:s15], [sflag:$0x1], $0x1, s24, s14, $0xb8;
	[tilespmem:$0x5800] =	vst v63  }
0x115: {  	_ =	swait.ge [sflag:s16], $0x80  }
0x116: {  	[sflag:s16] =	ssyncset.done $0x0  }
0x117: {  	[sflag:s16] =	ssyncadd.s32 $0xFFFFFF80  }
0x118: {  	_ =	swait.ge [sflag:s16], $0x80  }
0x119: {  	[sflag:s16] =	ssyncset.done $0x0  }
0x11a: {  	[sflag:s16] =	ssyncadd.s32 $0xFFFFFF80  }
0x11b: {  	_ =	swait.ge [sflag:s16], $0x80  }
0x11c: {  	[sflag:s16] =	ssyncset.done $0x0  }
0x11d: {  	[sflag:s16] =	ssyncadd.s32 $0xFFFFFF80  }
0x11e: {  	_ =	swait.ge [sflag:s16], $0x80  }
0x11f: {  	[sflag:s16] =	ssyncset.done $0x0  }
0x120: {  	[sflag:s16] =	ssyncadd.s32 $0xFFFFFF80  }
0x121: {  	_ =	swait.ge [sflag:s16], $0x80  }
0x122: {  	[sflag:s16] =	ssyncset.done $0x0  }
0x123: {  	[sflag:s16] =	ssyncadd.s32 $0xFFFFFF80  }
0x124: {  	_ =	swait.ge [sflag:s16], $0x80  }
0x125: {  	[sflag:s16] =	ssyncset.done $0x0  }
0x126: {  	[sflag:s16] =	ssyncadd.s32 $0xFFFFFF80  }
0x127: {  	_ =	swait.ge [sflag:s16], $0x80  }
0x128: {  	[sflag:s16] =	ssyncset.done $0x0  }
0x129: {  	[sflag:s16] =	ssyncadd.s32 $0xFFFFFF80  }
0x12a: {  	_ =	swait.ge [sflag:s16], $0x80  }
0x12b: {  	[sflag:s16] =	ssyncset.done $0x0  }
0x12c: {  	[sflag:s16] =	ssyncadd.s32 $0xFFFFFF80  }
0x12d: {  	_ =	swait.ge [sflag:s16], $0x80  }
0x12e: {  	[sflag:s16] =	ssyncset.done $0x0  }
0x12f: {  	[sflag:s16] =	ssyncadd.s32 $0xFFFFFF80  }
0x130: {  	_ =	swait.ge [sflag:s16], $0x80  }
0x131: {  	[sflag:s16] =	ssyncset.done $0x0  }
0x132: {  	[sflag:s16] =	ssyncadd.s32 $0xFFFFFF80  }
0x133: {  	_ =	swait.ge [sflag:s16], $0x80  }
0x134: {  	[sflag:s16] =	ssyncset.done $0x0  }
0x135: {  	[sflag:s16] =	ssyncadd.s32 $0xFFFFFF80  }
0x136: {  	_ =	swait.ge [sflag:s16], $0x80  }
0x137: {  	[sflag:s16] =	ssyncset.done $0x0  }
0x138: {  	[sflag:s16] =	ssyncadd.s32 $0xFFFFFF80  }
0x139: {  	_ =	swait.ge [sflag:s16], $0x80  }
0x13a: {  	[sflag:s16] =	ssyncset.done $0x0  }
0x13b: {  	[sflag:s16] =	ssyncadd.s32 $0xFFFFFF80  }
0x13c: {  	_ =	swait.ge [sflag:s16], $0x80  }
0x13d: {  	[sflag:s16] =	ssyncset.done $0x0  }
0x13e: {  	[sflag:s16] =	ssyncadd.s32 $0xFFFFFF80  }
0x13f: {  	_ =	swait.ge [sflag:s16], $0x80  }
0x140: {  	[sflag:s16] =	ssyncset.done $0x0  }
0x141: {  	[sflag:s16] =	ssyncadd.s32 $0xFFFFFF80  }
.Ltmp3:
0x142: {  	_ =	swait.ge [sflag:s16], $0x80;
	(pc) =	sbr.rel @p1 .LBB2_6-.Ltmp3, $3  }
0x143: {  	[sflag:s16] =	ssyncset.done $0x0  }
0x144: {  	[sflag:s16] =	ssyncadd.s32 $0xFFFFFF80  }
0x145: {  	[bflag:$0x0] =	sbarrier.arrive $0xFFFF;
	_ =	sdelay $0x1  }
.Ltmp4:
0x146: {  	(pc) =	sbr.rel @p0 .LBB2_8-.Ltmp4, $1  }
0x147: {  	_ =	sdelay $0x3  }
.Ltmp5:
0x148: {  	(pc) =	sbr.rel .LBB2_7-.Ltmp5, $2  }
0x149: {  	_ =	sdelay $0x2  }
0x14a: {  	[hbm:s8@s18], [sflag:s22] =	dma.strided [spmem:s21@s19], $0x500, s16, $0x10   }
.LBB2_9:
0x14b: {  	_ =	sfence.sel $0x180000  }
0x14c: {  	[bflag:$0x0] =	sbarrier.arrive $0xFFFF  }
0x14d: {  	_ =	strace $0x90000047  }
0x14e: {  	s0 =	sadd.s32 @!p0 $0x100000, s0;
	[bflag:$0x2] =	sbarrier.arrive $0xFFFF  }
0x14f: {  	[sflag:s0] =	ssyncadd.tile.s32 @!p0 $0x1;
	_ =	shalt  }
.Lfunc_end2:
_tile_overlayer_lowered:
.L_overlay_start_2:
0x150: {  	(tag) =	ssettag $0x2  }
0x151: {  	s0 =	rddreg [dreg:$0x0];
	s2 =	stileid.u32  }
0x152: {  	s1 =	rddreg [dreg:$0x1];
	p0 =	sne.s32 s2, $0x0  }
0x153: {  	s3 =	rddreg [dreg:$0x2];
	[bflag:$0x3] =	sbarrier.arrive $0xFFFF;
	s2 =	simm.s32 @!p0 $0x1C02  }
0x154: {  	[timem:s3], [sflag:s2] =	dma.local @!p0 [hbm:s0], s1  }
0x155: {  	s0 =	simm.s32 @!p0 $0x2  }
0x156: {  	_ =	swait.ge @!p0 [sflag:s0], s1  }
0x157: {  	s1 =	ssub.s32 @!p0 $0x0, s1;
	[sflag:s0] =	ssyncset.done @!p0 $0x0  }
0x158: {  	[sflag:s0] =	ssyncadd.s32 @!p0 s1  }
0x159: {  	[bflag:$0x3] =	sbarrier.arrive $0xFFFF  }
0x15a: {  	_ =	shalt  }

// kernel: kernel.9.cloned.1.call-start
scs
__scs_entry_jumppad:
0x0: {  	(pc) =	sbr.rel $0x88, $3  }
0x1: {  	(tag) =	ssettag $0x0;
	lr =	simm.s32 $0x1  }
0x2: {  	[smem:$0x3F9B] =	sst lr;
	_ =	strace $0xD0000000  }
0x3: {  	_ = 	snop  }
0x4: {  	_ = 	snop  }
0x5: {  	_ = 	snop  }
0x6: {  	_ = 	snop  }
0x7: {  	_ = 	snop  }
__scs_overlays_trampoline_lowered:
0x8: {  	[smem:$0x3FAA] =	sst s0  }
0x9: {  	[smem:$0x3FAB] =	sst s1  }
0xa: {  	[smem:$0x3FAC] =	sst s2  }
0xb: {  	[smem:$0x3FAD] =	sst s3  }
0xc: {  	[smem:$0x3FAE] =	sst s4  }
0xd: {  	[smem:$0x3FAF] =	sst s5  }
0xe: {  	[smem:$0x3FB0] =	sst s6  }
0xf: {  	[smem:$0x3FB1] =	sst s7  }
0x10: {  	[smem:$0x3FB2] =	sst s8  }
0x11: {  	[smem:$0x3FB3] =	sst s9;
	s0 =	simm.s32 @!p0 $0x0  }
0x12: {  	s1 =	sld [smem:$0x3F99];
	s0 =	simm.s32 @p0 $0x1  }
0x13: {  	[smem:$0x3FB4] =	sst s0;
	s0 =	simm.s32 @!p1 $0x0  }
0x14: {  	s2 =	sld [smem:$0x3F98];
	s0 =	simm.s32 @p1 $0x1  }
0x15: {  	[smem:$0x3FB5] =	sst s0;
	s0 =	simm.s32 @!p2 $0x0  }
0x16: {  	s3 =	sld [smem:$0x3FDB];
	s0 =	simm.s32 @p2 $0x1  }
0x17: {  	s4 =	simm.s32 $0x1BF5;
	[smem:$0x3FB7] =	sst s0  }
0x18: {  	s0 =	sld [smem:$0x3F9A];
	_ =	swait.ge [sflag:s4], $0x0  }
0x19: {  	s7 =	sld [smem:$0x3F9B]  }
0x1a: {  	s8 =	sadd.s32 $0xFFFFE003, lr  }
0x1b: {  	s9 =	sadd.s32 $0xFFFFFEF7, lr;
	s5 =	simm.s32 $0xFFFFFFFF;
	p2 =	slt.u32 s8, $0xFFFFF086  }
0x1c: {  	p1 =	slt.u32 s9, $0xF7A;
	s5 =	simm.s32 @!p2 $0x0  }
0x1d: {  	s5 =	simm.s32 @p1 $0x1;
	p0 =	seq.s32 s7, s2  }
0x1e: {  	s7 =	smul.u32 @!p0 $0xF7A, s2;
	p2 =	seq.s32 @!p0 s5, $0x0  }
0x1f: {  	s9 =	smul.u32 $0xF7A, s1;
	s8 =	simm.s32 @!p0 $0x1BF5;
	p2 =	por !p2, p0  }
0x20: {  	[sflag:s8] =	ssyncset.s32 @!p0 $0xFFFFF086;
	s6 =	sadd.s32 @!p0 s3, s7;
	s7 =	simm.s32 @!p0 $0x108  }
0x21: {  	s3 =	sadd.s32 s3, s9;
	s6 =	sadd.s32 @!p0 $0x88, s6;
	s7 =	simm.s32 @p2 $0x1082  }
0x22: {  	[simem:s7], [sflag:s8] =	dma.local @!p0 [hbm:s6], $0xF7A  }
0x23: {  	s9 =	sor.u32 $0xD0000000, s2;
	s6 =	simm.s32 $0x108;
	_ =	swait.ge @!p0 [sflag:s8], $0x0  }
0x24: {  	s3 =	sadd.s32 $0x88, s3;
	s6 =	simm.s32 @!p1 $0x1082;
	[sflag:s4] =	ssyncset.s32 $0xFFFFF086  }
0x25: {  	[simem:s6], [sflag:s4] =	dma.local [hbm:s3], $0xF7A  }
0x26: {  	[smem:$0x3F9B] =	sst s1;
	(tag) =	ssettag s2;
	_ =	strace s9  }
0x27: {  	s1 =	sld [smem:$0x3FAB]  }
0x28: {  	s2 =	sld [smem:$0x3FAC]  }
0x29: {  	s4 =	sld [smem:$0x3FAE]  }
0x2a: {  	p0 =	seq.s32 s5, $0x0;
	s5 =	sld [smem:$0x3FAF]  }
0x2b: {  	s6 =	sld [smem:$0x3FB0]  }
0x2c: {  	s7 =	sld [smem:$0x3FB1]  }
0x2d: {  	s3 =	simm.s32 $0x108;
	s8 =	sld [smem:$0x3FB2]  }
0x2e: {  	s3 =	simm.s32 @!p0 $0x1082;
	s9 =	sld [smem:$0x3FB3]  }
0x2f: {  	lr =	sadd.s32 s0, s3;
	s0 =	sld [smem:$0x3FAA]  }
0x30: {  	s3 =	sld [smem:$0x3FAD]  }
0x31: {  	[smem:$0x3FB6] =	sst s10  }
0x32: {  	s10 =	sld [smem:$0x3FB4];
	_ =	sdelay $0x3  }
0x33: {  	p0 =	seq.s32 s10, $0x1;
	s10 =	sld [smem:$0x3FB6];
	_ =	sdelay $0x3  }
0x34: {  	[smem:$0x3FB6] =	sst s10  }
0x35: {  	s10 =	sld [smem:$0x3FB5];
	_ =	sdelay $0x3  }
0x36: {  	p1 =	seq.s32 s10, $0x1;
	s10 =	sld [smem:$0x3FB6];
	_ =	sdelay $0x3  }
0x37: {  	[smem:$0x3FB6] =	sst s10  }
0x38: {  	s10 =	sld [smem:$0x3FB7]  }
0x39: {  	_ = 	snop;
	(pc) =	sbr.ind lr, $3  }
0x3a: {  	_ = 	snop  }
0x3b: {  	_ = 	snop  }
0x3c: {  	p2 =	seq.s32 s10, $0x1;
	s10 =	sld [smem:$0x3FB6]  }
0x3d: {  	_ =	shalt  }
0x3e: {  	_ =	shalt  }
0x3f: {  	_ =	shalt  }
0x40: {  	_ =	shalt  }
0x41: {  	_ =	shalt  }
0x42: {  	_ =	shalt  }
0x43: {  	_ =	shalt  }
0x44: {  	_ =	shalt  }
0x45: {  	_ =	shalt  }
0x46: {  	_ =	shalt  }
0x47: {  	_ =	shalt  }
0x48: {  	_ =	shalt  }
0x49: {  	_ =	shalt  }
0x4a: {  	_ =	shalt  }
0x4b: {  	_ =	shalt  }
0x4c: {  	_ =	shalt  }
0x4d: {  	_ =	shalt  }
0x4e: {  	_ =	shalt  }
0x4f: {  	_ =	shalt  }
0x50: {  	_ =	shalt  }
0x51: {  	_ =	shalt  }
0x52: {  	_ =	shalt  }
0x53: {  	_ =	shalt  }
0x54: {  	_ =	shalt  }
0x55: {  	_ =	shalt  }
0x56: {  	_ =	shalt  }
0x57: {  	_ =	shalt  }
0x58: {  	_ =	shalt  }
0x59: {  	_ =	shalt  }
0x5a: {  	_ =	shalt  }
0x5b: {  	_ =	shalt  }
0x5c: {  	_ =	shalt  }
0x5d: {  	_ =	shalt  }
0x5e: {  	_ =	shalt  }
0x5f: {  	_ =	shalt  }
0x60: {  	_ =	shalt  }
0x61: {  	_ =	shalt  }
0x62: {  	_ =	shalt  }
0x63: {  	_ =	shalt  }
0x64: {  	_ =	shalt  }
0x65: {  	_ =	shalt  }
0x66: {  	_ =	shalt  }
0x67: {  	_ =	shalt  }
0x68: {  	_ =	shalt  }
0x69: {  	_ =	shalt  }
0x6a: {  	_ =	shalt  }
0x6b: {  	_ =	shalt  }
0x6c: {  	_ =	shalt  }
0x6d: {  	_ =	shalt  }
0x6e: {  	_ =	shalt  }
0x6f: {  	_ =	shalt  }
0x70: {  	_ =	shalt  }
0x71: {  	_ =	shalt  }
0x72: {  	_ =	shalt  }
0x73: {  	_ =	shalt  }
0x74: {  	_ =	shalt  }
0x75: {  	_ =	shalt  }
0x76: {  	_ =	shalt  }
0x77: {  	_ =	shalt  }
0x78: {  	_ =	shalt  }
0x79: {  	_ =	shalt  }
0x7a: {  	_ =	shalt  }
0x7b: {  	_ =	shalt  }
0x7c: {  	_ =	shalt  }
0x7d: {  	_ =	shalt  }
0x7e: {  	_ =	shalt  }
0x7f: {  	_ =	shalt  }
0x80: {  	_ =	shalt  }
0x81: {  	_ =	shalt  }
0x82: {  	_ =	shalt  }
0x83: {  	_ =	shalt  }
0x84: {  	_ =	shalt  }
0x85: {  	_ =	shalt  }
0x86: {  	_ =	shalt  }
0x87: {  	_ =	shalt  }
.Lfunc_end0:
.L_simem_size_0:
called_computation.1_lowered:
.L_overlay_start_0:
0x88: {  	s2 =	sld [smem:$0x3FD9]  }
0x89: {  	s3 =	sld [smem:$0x3FFE];
	_ =	sdelay $0x1  }
0x8a: {  	s1 =	srdreg.scid  }
0x8b: {  	s0 =	sand.u32 $0x1, s1  }
0x8c: {  	s17 =	sshll.u32 s0, $0xA;
	s2 =	sadd.s32 s3, s2  }
0x8d: {  	s2 =	sadd.s32 s2, s17  }
0x8e: {  	[smem:$0x3FC2] =	sst s2  }
0x8f: {  	_ = 	snop  }
0x90: {  	s2 =	sld [smem:$0x3FD0];
	(tm) =	ssettm $0x1  }
0x91: {  	s18 =	sld [smem:$0x3FFB];
	_ =	sdelay $0x3  }
0x92: {  	_ =	strace s18  }
0x93: {  	s3 =	sld [smem:$0x3FFC];
	_ =	sdelay $0x3  }
0x94: {  	_ =	strace s3  }
0x95: {  	s3 =	sld [smem:$0x3FFD];
	_ =	sdelay $0x3  }
0x96: {  	_ =	strace s3  }
0x97: {  	_ =	strace $0x8FFFFFFF  }
0x98: {  	s19 =	sld [smem:$0x3FDB];
	_ =	sdelay $0x1  }
0x99: {  	s4 =	simm.s32 $_scs_section_size  }
0x9a: {  	s5 =	simm.s32 $_size__tile_overlayer_lowered;
	s6 =	simm.s32 $_tile_overlayer_lowered  }
0x9b: {  	s22 =	simm.s32 $0x1BFF;
	s21 =	sshll.u32 s6, $0x1;
	s3 =	sadd.s32 s4, s19  }
0x9c: {  	s7 =	simm.s32 $0x0;
	s20 =	sshll.u32 s5, $0x1;
	s5 =	sadd.s32 s21, s3  }
0x9d: {  	[timem:s7], [sflag:s22] =	dma.local [hbm:s5], s20  }
0x9e: {  	_ =	swait.ge [sflag:s22], s20  }
0x9f: {  	s4 =	ssub.s32 $0x0, s20;
	[sflag:s22] =	ssyncset.done $0x0  }
0xa0: {  	[sflag:s22] =	ssyncadd.s32 s4;
	_ =	sdelay $0x1  }
0xa1: {  	s23 =	simm.s32 $0x1B8B  }
0xa2: {  	_ =	swait.ge [sflag:s23], $0x1  }
0xa3: {  	[sflag:s23] =	ssyncset.done $0x0  }
0xa4: {  	s25 =	simm.s32 $0x1B8E;
	s24 =	sld [smem:$0x3FFE];
	[sflag:s23] =	ssyncadd.s32 $0xFFFFFFFF  }
0xa5: {  	s26 =	simm.s32 $execute0_lowered;
	[smem:$0x3FD2] =	sst s25  }
0xa6: {  	s5 =	sshll.u32 s26, $0x1;
	_ =	strace $0x80000049;
	[dreg:$0x1] =	wrdreg $0xFFFFFFFF  }
0xa7: {  	s28 =	simm.s32 $_size_execute0_lowered;
	s3 =	sadd.s32 s3, s5;
	[dreg:$0x0] =	wrdreg $0x0  }
0xa8: {  	s5 =	sshll.u32 s28, $0x1;
	[dreg:$0x2] =	wrdreg s3  }
0xa9: {  	[dreg:$0x3] =	wrdreg s5  }
0xaa: {  	[dreg:$0x4] =	wrdreg $0xC0  }
0xab: {  	_ =	task [dreg:s7], $0x5FFFF  }
0xac: {  	[dreg:$0x1] =	wrdreg $0xFFFFFFFF  }
0xad: {  	[dreg:$0x0] =	wrdreg $0x60  }
0xae: {  	[dreg:$0x2] =	wrdreg s24  }
0xaf: {  	[dreg:$0x3] =	wrdreg s2  }
0xb0: {  	[dreg:$0x4] =	wrdreg $0xA0000  }
0xb1: {  	[dreg:$0x5] =	wrdreg $0x9  }
0xb2: {  	_ =	task.clear_ibuf [dreg:s7], $0x6FFFF;
	_ =	strace $0x90000049  }
0xb3: {  	s29 =	simm.s32 $0x9;
	_ =	strace $0x8000004B  }
0xb4: {  	_ =	swait.ge [sflag:s29], $0x1  }
0xb5: {  	[sflag:s29] =	ssyncadd.s32 $0xFFFFFFFF  }
0xb6: {  	_ =	strace $0x9000004B  }
0xb7: {  	_ =	sfence  }
0xb8: {  	s30 =	sld [smem:$0x0];
	_ =	sdelay $0x2  }
0xb9: {  	s31 =	sshll.u32 s1, $0xD;
	s1 =	sshrl.u32 s1, $0x2  }
0xba: {  	s3 =	sand.u32 $0x4000, s31;
	s1 =	sadd.s32 s1, s30  }
0xbb: {  	s0 =	sor.u32 s3, s0;
	s1 =	sshll.u32 s1, $0x11  }
0xbc: {  	s0 =	sor.u32 s1, s0  }
0xbd: {  	s0 =	sadd.s32 $0x8F2B, s0  }
0xbe: {  	[sflag:s0] =	ssyncadd.remote.s32 $0x1  }
0xbf: {  	_ =	sfence.sel $0xFFFF  }
0xc0: {  	[dreg:$0x0] =	wrdreg $0xFFFFFFFF;
	(pc) =	sbr.abs _section_cstart, $3  }
0xc1: {  	[dreg:$0x1] =	wrdreg $0xFFFFFFFF  }
0xc2: {  	_ =	task.clear_ibuf [dreg:s7], $0x2FFFF;
	_ =	strace $0x9FFFFFFF  }
0xc3: {  	(tm) =	ssettm $0x7FFFFFFF  }
tec
execute0_lowered:
.L_overlay_start_1:
0x0: {  	(tag) =	ssettag $0x1  }
0x1: {  	s6 =	rddreg [dreg:$0x0]  }
0x2: {  	s11 =	rddreg [dreg:$0x1]  }
0x3: {  	s2 =	rddreg [dreg:$0x2];
	s0 =	simm.s32 $0x0;
	s1 =	stileid.u32  }
0x4: {  	s4 =	srdreg.scid;
	s17 =	simm.s32 $0x4;
	s18 =	simm.s32 $0x800  }
0x5: {  	s19 =	simm.s32 $0x50000;
	s20 =	simm.s32 $0x3;
	s21 =	simm.s32 $0x80  }
0x6: {  	s23 =	simm.s32 $0x6000;
	s24 =	simm.s32 $0x1;
	s25 =	simm.s32 $0x2  }
0x7: {  	s26 =	simm.s32 $0x0;
	[smem:$0x7FF] =	sst s0;
	s7 =	smul.u32 $0x2800, s1  }
0x8: {  	s16 =	sand.u32 $0x1, s4;
	s8 =	smul.u32 $0x50000, s1;
	s4 =	sadd.s32 $0x2800, s6  }
0x9: {  	s5 =	sadd.s32 $0x2A800, s6;
	s12 =	smul.u32 $0xA00, s1;
	_ =	strace $0x8000004A  }
0xa: {  	s9 =	ssub.s32 $0x2, s16;
	p0 =	sne.s32 s16, $0x0;
	s16 =	simm.s32 $0x2000  }
.Ltmp0:
0xb: {  	s13 =	sadd.s32 s7, s6;
	s30 =	sshrl.u32 s9, $0x1;
	(pc) =	sbr.rel .LBB2_1-.Ltmp0, $4  }
0xc: {  	s31 =	sshrl.u32 s8, $0x2;
	s11 =	sadd.s32 s11, s12;
	s14 =	ssub.s32 s9, s30  }
0xd: {  	s6 =	sadd.s32 s31, s2;
	s12 =	sadd.s32 $0x7A800, s13;
	s13 =	sadd.s32 $0x52800, s13  }
0xe: {  	s15 =	sadd.s32 $0x100, s11;
	s7 =	sadd.s32 $0x4000, s6;
	s8 =	sadd.s32 $0x8000, s6  }
0xf: {  	v0 =	vimm.f32 $0.0e+00;
	s9 =	sadd.s32 $0xC000, s6;
	s10 =	sadd.s32 $0x10000, s6;
	s14 =	smax.u32 s14, $0x1  }
.LBB2_11:
0x10: {  	_ =	swait.ge [sflag:s25], $0x4000  }
0x11: {  	[sflag:s25] =	ssyncset.done $0x0  }
0x12: {  	s29 =	sadd.s32 $0xF80, s30;
	s28 =	smov.u32 s12;
	[sflag:s25] =	ssyncadd.s32 $0xFFFFC000  }
.LBB2_12:
0x13: {  	[spmem:s2] =	stream.indirect.scatter.add.f32 [tilespmem:s23], [sflag:$0x4], $0x80, s29, s21, $0xb8;
	[tilespmem:$0x1E000] =	vst v63  }
0x14: {  	_ =	swait.ge [sflag:s17], $0x4000  }
0x15: {  	[sflag:s17] =	ssyncset.done $0x0  }
0x16: {  	[sflag:s17] =	ssyncadd.s32 $0xFFFFC000  }
.LBB2_15:
0x17: {  	s26 =	sadd.s32 $0x1, s26  }
0x18: {  	s0 =	sshll.u32 s1, $0x6;
	[bflag:$0x0] =	sbarrier.arrive $0xFFFF;
	p1 =	sne.s32 s26, s14  }
.Ltmp1:
0x19: {  	s3 =	sshrl.u32 s6, $0x3;
	s0 =	sor.u32 $0x1C04, s0;
	(pc) =	sbr.rel @!p1 .LBB2_16-.Ltmp1, $4  }
0x1a: {  	[hbm:s28], [sflag:s0] =	dma.local [spmem:s3], $0x2800  }
0x1b: {  	_ =	swait.ge [sflag:s17], $0x2800  }
0x1c: {  	[sflag:s17] =	ssyncset.done $0x0  }
0x1d: {  	[sflag:s17] =	ssyncadd.s32 $0xFFFFD800  }
.LBB2_1:
0x1e: {  	s28 =	simm.s32 $0x0;
	s29 =	simm.s32 $0x200  }
.LBB2_2:
0x1f: {  	p1 =	sne.s32 s29, $0xFE00;
	[tilespmem:s28+$0x2070] =	vst v0  }
0x20: {  	[tilespmem:s28+$0x2000] =	vst v0  }
0x21: {  	[tilespmem:s28+$0x2010] =	vst v0  }
.Ltmp2:
0x22: {  	[tilespmem:s28+$0x2020] =	vst v0;
	(pc) =	sbr.rel @p1 .LBB2_2-.Ltmp2, $4  }
0x23: {  	[tilespmem:s28+$0x2030] =	vst v0  }
0x24: {  	[tilespmem:s28+$0x2040] =	vst v0  }
0x25: {  	[tilespmem:s28+$0x2050] =	vst v0  }
0x26: {  	[tilespmem:s28+$0x2060] =	vst v0;
	s28 =	sshra.s32 s29, $0x2;
	s29 =	sadd.s32 $0x200, s29  }
0x27: {  	[tilespmem:s28+$0x2070] =	vst v0  }
0x28: {  	[tilespmem:s28+$0x2000] =	vst v0  }
0x29: {  	[tilespmem:s28+$0x2010] =	vst v0  }
0x2a: {  	[tilespmem:s28+$0x2020] =	vst v0  }
0x2b: {  	[tilespmem:s28+$0x2030] =	vst v0  }
0x2c: {  	[tilespmem:s28+$0x2040] =	vst v0  }
0x2d: {  	[tilespmem:s28+$0x2050] =	vst v0  }
0x2e: {  	[tilespmem:s28+$0x2060] =	vst v0  }
0x2f: {  	[spmem:s6] =	stream.linear.scatter [tilespmem:s16], [sflag:$0x4], $0x4000, $0x38;
	[tilespmem:$0x1E000] =	vst v63  }
0x30: {  	_ =	swait.ge [sflag:s17], $0x4000  }
0x31: {  	[sflag:s17] =	ssyncset.done $0x0  }
0x32: {  	[sflag:s17] =	ssyncadd.s32 $0xFFFFC000  }
0x33: {  	[spmem:s7] =	stream.linear.scatter [tilespmem:s16], [sflag:$0x4], $0x4000, $0x38;
	[tilespmem:$0x1E000] =	vst v63  }
0x34: {  	_ =	swait.ge [sflag:s17], $0x4000  }
0x35: {  	[sflag:s17] =	ssyncset.done $0x0  }
0x36: {  	[sflag:s17] =	ssyncadd.s32 $0xFFFFC000  }
0x37: {  	[spmem:s8] =	stream.linear.scatter [tilespmem:s16], [sflag:$0x4], $0x4000, $0x38;
	[tilespmem:$0x1E000] =	vst v63  }
0x38: {  	_ =	swait.ge [sflag:s17], $0x4000  }
0x39: {  	[sflag:s17] =	ssyncset.done $0x0  }
0x3a: {  	[sflag:s17] =	ssyncadd.s32 $0xFFFFC000  }
0x3b: {  	[spmem:s9] =	stream.linear.scatter [tilespmem:s16], [sflag:$0x4], $0x4000, $0x38;
	[tilespmem:$0x1E000] =	vst v63  }
0x3c: {  	_ =	swait.ge [sflag:s17], $0x4000  }
0x3d: {  	[sflag:s17] =	ssyncset.done $0x0  }
0x3e: {  	[sflag:s17] =	ssyncadd.s32 $0xFFFFC000  }
0x3f: {  	[spmem:s10] =	stream.linear.scatter [tilespmem:s16], [sflag:$0x4], $0x4000, $0x38;
	[tilespmem:$0x1E000] =	vst v63  }
0x40: {  	_ =	swait.ge [sflag:s17], $0x4000  }
0x41: {  	[sflag:s17] =	ssyncset.done $0x0  }
0x42: {  	[sflag:s17] =	ssyncadd.s32 $0xFFFFC000  }
.Ltmp3:
0x43: {  	s0 =	simm.s32 $0x0;
	[bflag:$0x0] =	sbarrier.arrive $0xFFFF;
	(pc) =	sbr.rel @p0 .LBB2_9-.Ltmp3, $4  }
0x44: {  	[tilespmem:s0], [sflag:$0x3] =	stream.strided.gather [hbm4b:s11+s18], $0x1000, s19, s18, $0x38;
	[tilespmem:$0x1E000] =	vst v63  }
0x45: {  	_ =	swait.ge [sflag:s20], $0x1000  }
0x46: {  	[sflag:s20] =	ssyncset.done $0x0  }
0x47: {  	[sflag:s20] =	ssyncadd.s32 $0xFFFFF000  }
0x48: {  	[tilespmem:s16], [sflag:$0x1] =	stream.indirect.gather [hbm4b:s4+s21], $0x80, s18, s21, $0xb8;
	[tilespmem:$0x1E000] =	vst v63  }
0x49: {  	s0 =	simm.s32 $0x880;
	s28 =	simm.s32 $0x0;
	s29 =	smov.u32 s15  }
0x4a: {  	[tilespmem:s23], [sflag:$0x2] =	stream.indirect.gather [hbm4b:s4+s21], $0x80, s0, s21, $0xb8;
	[tilespmem:$0x1E000] =	vst v63  }
.LBB2_5:
0x4b: {  	s30 =	sand.u32 $0x1, s28  }
0x4c: {  	p1 =	seq.s32 s28, $0x9;
	s31 =	sxor.u32 $0x1, s30  }
0x4d: {  	s22 =	simm.s32 @!p1 $0x800;
	s3 =	simm.s32 @!p1 $0x50000;
	s0 =	sshll.u32 @!p1 s31, $0xC  }
0x4e: {  	[tilespmem:s0], [sflag:$0x3] =	stream.strided.gather @!p1 [hbm4b:s29+s22], $0x1000, s3, s22, $0x38;
	[tilespmem:$0x1E000] =	vst v63  }
0x4f: {  	_ =	swait.ge [sflag:s24], $0x4000  }
0x50: {  	[sflag:s24] =	ssyncset.done $0x0  }
0x51: {  	s30 =	sshll.u32 s30, $0xC;
	[sflag:s24] =	ssyncadd.s32 $0xFFFFC000  }
0x52: {  	[spmem:s2] =	stream.indirect.scatter.add.f32 [tilespmem:s16], [sflag:$0x4], $0x80, s30, s21, $0xb8;
	[tilespmem:$0x1E000] =	vst v63  }
0x53: {  	_ =	swait.ge [sflag:s17], $0x4000  }
0x54: {  	[sflag:s17] =	ssyncset.done $0x0  }
0x55: {  	s3 =	sor.u32 $0x900, s30;
	[sflag:s17] =	ssyncadd.s32 $0xFFFFC000  }
0x56: {  	[tilespmem:s16], [sflag:$0x1] =	stream.indirect.gather [hbm4b:s4+s21], $0x80, s3, s21, $0xb8;
	[tilespmem:$0x1E000] =	vst v63  }
0x57: {  	_ =	swait.ge [sflag:s25], $0x4000  }
0x58: {  	[sflag:s25] =	ssyncset.done $0x0  }
0x59: {  	s22 =	sor.u32 $0x80, s30;
	[sflag:s25] =	ssyncadd.s32 $0xFFFFC000  }
0x5a: {  	[spmem:s2] =	stream.indirect.scatter.add.f32 [tilespmem:s23], [sflag:$0x4], $0x80, s22, s21, $0xb8;
	[tilespmem:$0x1E000] =	vst v63  }
0x5b: {  	_ =	swait.ge [sflag:s17], $0x4000  }
0x5c: {  	[sflag:s17] =	ssyncset.done $0x0  }
0x5d: {  	s3 =	sor.u32 $0x980, s30;
	[sflag:s17] =	ssyncadd.s32 $0xFFFFC000  }
0x5e: {  	[tilespmem:s23], [sflag:$0x2] =	stream.indirect.gather [hbm4b:s4+s21], $0x80, s3, s21, $0xb8;
	[tilespmem:$0x1E000] =	vst v63  }
0x5f: {  	_ =	swait.ge [sflag:s24], $0x4000  }
0x60: {  	[sflag:s24] =	ssyncset.done $0x0  }
0x61: {  	s22 =	sor.u32 $0x100, s30;
	[sflag:s24] =	ssyncadd.s32 $0xFFFFC000  }
0x62: {  	[spmem:s2] =	stream.indirect.scatter.add.f32 [tilespmem:s16], [sflag:$0x4], $0x80, s22, s21, $0xb8;
	[tilespmem:$0x1E000] =	vst v63  }
0x63: {  	_ =	swait.ge [sflag:s17], $0x4000  }
0x64: {  	[sflag:s17] =	ssyncset.done $0x0  }
0x65: {  	s3 =	sor.u32 $0xA00, s30;
	[sflag:s17] =	ssyncadd.s32 $0xFFFFC000  }
0x66: {  	[tilespmem:s16], [sflag:$0x1] =	stream.indirect.gather [hbm4b:s4+s21], $0x80, s3, s21, $0xb8;
	[tilespmem:$0x1E000] =	vst v63  }
0x67: {  	_ =	swait.ge [sflag:s25], $0x4000  }
0x68: {  	[sflag:s25] =	ssyncset.done $0x0  }
0x69: {  	s22 =	sor.u32 $0x180, s30;
	[sflag:s25] =	ssyncadd.s32 $0xFFFFC000  }
0x6a: {  	[spmem:s2] =	stream.indirect.scatter.add.f32 [tilespmem:s23], [sflag:$0x4], $0x80, s22, s21, $0xb8;
	[tilespmem:$0x1E000] =	vst v63  }
0x6b: {  	_ =	swait.ge [sflag:s17], $0x4000  }
0x6c: {  	[sflag:s17] =	ssyncset.done $0x0  }
0x6d: {  	s3 =	sor.u32 $0xA80, s30;
	[sflag:s17] =	ssyncadd.s32 $0xFFFFC000  }
0x6e: {  	[tilespmem:s23], [sflag:$0x2] =	stream.indirect.gather [hbm4b:s4+s21], $0x80, s3, s21, $0xb8;
	[tilespmem:$0x1E000] =	vst v63  }
0x6f: {  	_ =	swait.ge [sflag:s24], $0x4000  }
0x70: {  	[sflag:s24] =	ssyncset.done $0x0  }
0x71: {  	s22 =	sor.u32 $0x200, s30;
	[sflag:s24] =	ssyncadd.s32 $0xFFFFC000  }
0x72: {  	[spmem:s2] =	stream.indirect.scatter.add.f32 [tilespmem:s16], [sflag:$0x4], $0x80, s22, s21, $0xb8;
	[tilespmem:$0x1E000] =	vst v63  }
0x73: {  	_ =	swait.ge [sflag:s17], $0x4000  }
0x74: {  	[sflag:s17] =	ssyncset.done $0x0  }
0x75: {  	s3 =	sor.u32 $0xB00, s30;
	[sflag:s17] =	ssyncadd.s32 $0xFFFFC000  }
0x76: {  	[tilespmem:s16], [sflag:$0x1] =	stream.indirect.gather [hbm4b:s4+s21], $0x80, s3, s21, $0xb8;
	[tilespmem:$0x1E000] =	vst v63  }
0x77: {  	_ =	swait.ge [sflag:s25], $0x4000  }
0x78: {  	[sflag:s25] =	ssyncset.done $0x0  }
0x79: {  	s22 =	sor.u32 $0x280, s30;
	[sflag:s25] =	ssyncadd.s32 $0xFFFFC000  }
0x7a: {  	[spmem:s2] =	stream.indirect.scatter.add.f32 [tilespmem:s23], [sflag:$0x4], $0x80, s22, s21, $0xb8;
	[tilespmem:$0x1E000] =	vst v63  }
0x7b: {  	_ =	swait.ge [sflag:s17], $0x4000  }
0x7c: {  	[sflag:s17] =	ssyncset.done $0x0  }
0x7d: {  	s3 =	sor.u32 $0xB80, s30;
	[sflag:s17] =	ssyncadd.s32 $0xFFFFC000  }
0x7e: {  	[tilespmem:s23], [sflag:$0x2] =	stream.indirect.gather [hbm4b:s4+s21], $0x80, s3, s21, $0xb8;
	[tilespmem:$0x1E000] =	vst v63  }
0x7f: {  	_ =	swait.ge [sflag:s24], $0x4000  }
0x80: {  	[sflag:s24] =	ssyncset.done $0x0  }
0x81: {  	s22 =	sor.u32 $0x300, s30;
	[sflag:s24] =	ssyncadd.s32 $0xFFFFC000  }
0x82: {  	[spmem:s2] =	stream.indirect.scatter.add.f32 [tilespmem:s16], [sflag:$0x4], $0x80, s22, s21, $0xb8;
	[tilespmem:$0x1E000] =	vst v63  }
0x83: {  	_ =	swait.ge [sflag:s17], $0x4000  }
0x84: {  	[sflag:s17] =	ssyncset.done $0x0  }
0x85: {  	s3 =	sor.u32 $0xC00, s30;
	[sflag:s17] =	ssyncadd.s32 $0xFFFFC000  }
0x86: {  	[tilespmem:s16], [sflag:$0x1] =	stream.indirect.gather [hbm4b:s4+s21], $0x80, s3, s21, $0xb8;
	[tilespmem:$0x1E000] =	vst v63  }
0x87: {  	_ =	swait.ge [sflag:s25], $0x4000  }
0x88: {  	[sflag:s25] =	ssyncset.done $0x0  }
0x89: {  	s22 =	sor.u32 $0x380, s30;
	[sflag:s25] =	ssyncadd.s32 $0xFFFFC000  }
0x8a: {  	[spmem:s2] =	stream.indirect.scatter.add.f32 [tilespmem:s23], [sflag:$0x4], $0x80, s22, s21, $0xb8;
	[tilespmem:$0x1E000] =	vst v63  }
0x8b: {  	_ =	swait.ge [sflag:s17], $0x4000  }
0x8c: {  	[sflag:s17] =	ssyncset.done $0x0  }
0x8d: {  	s3 =	sor.u32 $0xC80, s30;
	[sflag:s17] =	ssyncadd.s32 $0xFFFFC000  }
0x8e: {  	[tilespmem:s23], [sflag:$0x2] =	stream.indirect.gather [hbm4b:s4+s21], $0x80, s3, s21, $0xb8;
	[tilespmem:$0x1E000] =	vst v63  }
0x8f: {  	_ =	swait.ge [sflag:s24], $0x4000  }
0x90: {  	[sflag:s24] =	ssyncset.done $0x0  }
0x91: {  	s22 =	sor.u32 $0x400, s30;
	[sflag:s24] =	ssyncadd.s32 $0xFFFFC000  }
0x92: {  	[spmem:s2] =	stream.indirect.scatter.add.f32 [tilespmem:s16], [sflag:$0x4], $0x80, s22, s21, $0xb8;
	[tilespmem:$0x1E000] =	vst v63  }
0x93: {  	_ =	swait.ge [sflag:s17], $0x4000  }
0x94: {  	[sflag:s17] =	ssyncset.done $0x0  }
0x95: {  	s3 =	sor.u32 $0xD00, s30;
	[sflag:s17] =	ssyncadd.s32 $0xFFFFC000  }
0x96: {  	[tilespmem:s16], [sflag:$0x1] =	stream.indirect.gather [hbm4b:s4+s21], $0x80, s3, s21, $0xb8;
	[tilespmem:$0x1E000] =	vst v63  }
0x97: {  	_ =	swait.ge [sflag:s25], $0x4000  }
0x98: {  	[sflag:s25] =	ssyncset.done $0x0  }
0x99: {  	s22 =	sor.u32 $0x480, s30;
	[sflag:s25] =	ssyncadd.s32 $0xFFFFC000  }
0x9a: {  	[spmem:s2] =	stream.indirect.scatter.add.f32 [tilespmem:s23], [sflag:$0x4], $0x80, s22, s21, $0xb8;
	[tilespmem:$0x1E000] =	vst v63  }
0x9b: {  	_ =	swait.ge [sflag:s17], $0x4000  }
0x9c: {  	[sflag:s17] =	ssyncset.done $0x0  }
0x9d: {  	s3 =	sor.u32 $0xD80, s30;
	[sflag:s17] =	ssyncadd.s32 $0xFFFFC000  }
0x9e: {  	[tilespmem:s23], [sflag:$0x2] =	stream.indirect.gather [hbm4b:s4+s21], $0x80, s3, s21, $0xb8;
	[tilespmem:$0x1E000] =	vst v63  }
0x9f: {  	_ =	swait.ge [sflag:s24], $0x4000  }
0xa0: {  	[sflag:s24] =	ssyncset.done $0x0  }
0xa1: {  	s22 =	sor.u32 $0x500, s30;
	[sflag:s24] =	ssyncadd.s32 $0xFFFFC000  }
0xa2: {  	[spmem:s2] =	stream.indirect.scatter.add.f32 [tilespmem:s16], [sflag:$0x4], $0x80, s22, s21, $0xb8;
	[tilespmem:$0x1E000] =	vst v63  }
0xa3: {  	_ =	swait.ge [sflag:s17], $0x4000  }
0xa4: {  	[sflag:s17] =	ssyncset.done $0x0  }
0xa5: {  	s3 =	sor.u32 $0xE00, s30;
	[sflag:s17] =	ssyncadd.s32 $0xFFFFC000  }
0xa6: {  	[tilespmem:s16], [sflag:$0x1] =	stream.indirect.gather [hbm4b:s4+s21], $0x80, s3, s21, $0xb8;
	[tilespmem:$0x1E000] =	vst v63  }
0xa7: {  	_ =	swait.ge [sflag:s25], $0x4000  }
0xa8: {  	[sflag:s25] =	ssyncset.done $0x0  }
0xa9: {  	s22 =	sor.u32 $0x580, s30;
	[sflag:s25] =	ssyncadd.s32 $0xFFFFC000  }
0xaa: {  	[spmem:s2] =	stream.indirect.scatter.add.f32 [tilespmem:s23], [sflag:$0x4], $0x80, s22, s21, $0xb8;
	[tilespmem:$0x1E000] =	vst v63  }
0xab: {  	_ =	swait.ge [sflag:s17], $0x4000  }
0xac: {  	[sflag:s17] =	ssyncset.done $0x0  }
0xad: {  	s3 =	sor.u32 $0xE80, s30;
	[sflag:s17] =	ssyncadd.s32 $0xFFFFC000  }
0xae: {  	[tilespmem:s23], [sflag:$0x2] =	stream.indirect.gather [hbm4b:s4+s21], $0x80, s3, s21, $0xb8;
	[tilespmem:$0x1E000] =	vst v63  }
0xaf: {  	_ =	swait.ge [sflag:s24], $0x4000  }
0xb0: {  	[sflag:s24] =	ssyncset.done $0x0  }
0xb1: {  	s22 =	sor.u32 $0x600, s30;
	[sflag:s24] =	ssyncadd.s32 $0xFFFFC000  }
0xb2: {  	[spmem:s2] =	stream.indirect.scatter.add.f32 [tilespmem:s16], [sflag:$0x4], $0x80, s22, s21, $0xb8;
	[tilespmem:$0x1E000] =	vst v63  }
0xb3: {  	_ =	swait.ge [sflag:s17], $0x4000  }
0xb4: {  	[sflag:s17] =	ssyncset.done $0x0  }
0xb5: {  	s3 =	sor.u32 $0xF00, s30;
	[sflag:s17] =	ssyncadd.s32 $0xFFFFC000  }
0xb6: {  	[tilespmem:s16], [sflag:$0x1] =	stream.indirect.gather [hbm4b:s4+s21], $0x80, s3, s21, $0xb8;
	[tilespmem:$0x1E000] =	vst v63  }
0xb7: {  	_ =	swait.ge [sflag:s25], $0x4000  }
0xb8: {  	[sflag:s25] =	ssyncset.done $0x0  }
0xb9: {  	s22 =	sor.u32 $0x680, s30;
	[sflag:s25] =	ssyncadd.s32 $0xFFFFC000  }
0xba: {  	[spmem:s2] =	stream.indirect.scatter.add.f32 [tilespmem:s23], [sflag:$0x4], $0x80, s22, s21, $0xb8;
	[tilespmem:$0x1E000] =	vst v63  }
0xbb: {  	_ =	swait.ge [sflag:s17], $0x4000  }
0xbc: {  	[sflag:s17] =	ssyncset.done $0x0  }
0xbd: {  	s3 =	sor.u32 $0xF80, s30;
	[sflag:s17] =	ssyncadd.s32 $0xFFFFC000  }
0xbe: {  	[tilespmem:s23], [sflag:$0x2] =	stream.indirect.gather [hbm4b:s4+s21], $0x80, s3, s21, $0xb8;
	[tilespmem:$0x1E000] =	vst v63  }
0xbf: {  	_ =	swait.ge [sflag:s24], $0x4000  }
0xc0: {  	p1 =	sne.s32 s28, $0x9;
	[sflag:s24] =	ssyncset.done $0x0  }
.Ltmp4:
0xc1: {  	s22 =	sor.u32 $0x700, s30;
	[sflag:s24] =	ssyncadd.s32 $0xFFFFC000;
	(pc) =	sbr.rel @!p1 .LBB2_6-.Ltmp4, $4  }
0xc2: {  	[spmem:s2] =	stream.indirect.scatter.add.f32 [tilespmem:s16], [sflag:$0x4], $0x80, s22, s21, $0xb8;
	[tilespmem:$0x1E000] =	vst v63  }
0xc3: {  	_ =	swait.ge [sflag:s17], $0x4000  }
0xc4: {  	[sflag:s17] =	ssyncset.done $0x0  }
0xc5: {  	[sflag:s17] =	ssyncadd.s32 $0xFFFFC000  }
0xc6: {  	_ =	swait.ge [sflag:s20], $0x1000  }
0xc7: {  	s0 =	sshll.u32 s31, $0xC;
	[sflag:s20] =	ssyncset.done $0x0  }
0xc8: {  	s3 =	sor.u32 $0x800, s0;
	[sflag:s20] =	ssyncadd.s32 $0xFFFFF000  }
0xc9: {  	[tilespmem:s16], [sflag:$0x1] =	stream.indirect.gather [hbm4b:s4+s21], $0x80, s3, s21, $0xb8;
	[tilespmem:$0x1E000] =	vst v63  }
0xca: {  	_ =	swait.ge [sflag:s25], $0x4000  }
0xcb: {  	s28 =	sadd.s32 $0x1, s28;
	[sflag:s25] =	ssyncset.done $0x0  }
0xcc: {  	s31 =	sadd.s32 $0x780, s30;
	p1 =	seq.s32 s28, $0xA;
	[sflag:s25] =	ssyncadd.s32 $0xFFFFC000  }
0xcd: {  	[spmem:s2] =	stream.indirect.scatter.add.f32 [tilespmem:s23], [sflag:$0x4], $0x80, s31, s21, $0xb8;
	[tilespmem:$0x1E000] =	vst v63  }
.Ltmp5:
0xce: {  	_ = 	snop;
	(pc) =	sbr.rel @!p1 .LBB2_5-.Ltmp5, $4  }
0xcf: {  	_ =	swait.ge [sflag:s17], $0x4000  }
0xd0: {  	[sflag:s17] =	ssyncset.done $0x0  }
0xd1: {  	s29 =	sadd.s32 $0x100, s29;
	s0 =	sor.u32 $0x880, s0;
	[sflag:s17] =	ssyncadd.s32 $0xFFFFC000  }
0xd2: {  	[tilespmem:s23], [sflag:$0x2] =	stream.indirect.gather [hbm4b:s4+s21], $0x80, s0, s21, $0xb8;
	[tilespmem:$0x1E000] =	vst v63  }
.Ltmp6:
0xd3: {  	(pc) =	sbr.rel .LBB2_15-.Ltmp6, $2  }
0xd4: {  	_ =	sdelay $0x2  }
0xd5: {  	s28 =	smov.u32 s13  }
.LBB2_9:
0xd6: {  	s28 =	simm.s32 $0x0  }
0xd7: {  	[tilespmem:s16], [sflag:$0x1] =	stream.indirect.gather [hbm4b:s5+s21], $0x80, s28, s21, $0xb8;
	[tilespmem:$0x1E000] =	vst v63  }
0xd8: {  	s29 =	smov.u32 s15  }
0xd9: {  	[tilespmem:s23], [sflag:$0x2] =	stream.indirect.gather [hbm4b:s5+s21], $0x80, s21, s21, $0xb8;
	[tilespmem:$0x1E000] =	vst v63  }
.LBB2_10:
0xda: {  	s0 =	sand.u32 $0x1, s28  }
0xdb: {  	p1 =	seq.s32 s28, $0x9;
	s31 =	sxor.u32 $0x1, s0  }
0xdc: {  	s22 =	simm.s32 @!p1 $0x800;
	s30 =	simm.s32 @!p1 $0x50000;
	s3 =	sshll.u32 @!p1 s31, $0xC  }
0xdd: {  	[tilespmem:s3], [sflag:$0x3] =	stream.strided.gather @!p1 [hbm4b:s29+s22], $0x1000, s30, s22, $0x38;
	[tilespmem:$0x1E000] =	vst v63  }
0xde: {  	_ =	swait.ge [sflag:s24], $0x4000  }
0xdf: {  	s30 =	sshll.u32 s0, $0xC;
	[sflag:s24] =	ssyncset.done $0x0  }
0xe0: {  	s0 =	sor.u32 $0x800, s30;
	[sflag:s24] =	ssyncadd.s32 $0xFFFFC000  }
0xe1: {  	[spmem:s2] =	stream.indirect.scatter.add.f32 [tilespmem:s16], [sflag:$0x4], $0x80, s0, s21, $0xb8;
	[tilespmem:$0x1E000] =	vst v63  }
0xe2: {  	_ =	swait.ge [sflag:s17], $0x4000  }
0xe3: {  	[sflag:s17] =	ssyncset.done $0x0  }
0xe4: {  	s3 =	sor.u32 $0x100, s30;
	[sflag:s17] =	ssyncadd.s32 $0xFFFFC000  }
0xe5: {  	[tilespmem:s16], [sflag:$0x1] =	stream.indirect.gather [hbm4b:s5+s21], $0x80, s3, s21, $0xb8;
	[tilespmem:$0x1E000] =	vst v63  }
0xe6: {  	_ =	swait.ge [sflag:s25], $0x4000  }
0xe7: {  	[sflag:s25] =	ssyncset.done $0x0  }
0xe8: {  	s22 =	sor.u32 $0x880, s30;
	[sflag:s25] =	ssyncadd.s32 $0xFFFFC000  }
0xe9: {  	[spmem:s2] =	stream.indirect.scatter.add.f32 [tilespmem:s23], [sflag:$0x4], $0x80, s22, s21, $0xb8;
	[tilespmem:$0x1E000] =	vst v63  }
0xea: {  	_ =	swait.ge [sflag:s17], $0x4000  }
0xeb: {  	[sflag:s17] =	ssyncset.done $0x0  }
0xec: {  	s3 =	sor.u32 $0x180, s30;
	[sflag:s17] =	ssyncadd.s32 $0xFFFFC000  }
0xed: {  	[tilespmem:s23], [sflag:$0x2] =	stream.indirect.gather [hbm4b:s5+s21], $0x80, s3, s21, $0xb8;
	[tilespmem:$0x1E000] =	vst v63  }
0xee: {  	_ =	swait.ge [sflag:s24], $0x4000  }
0xef: {  	[sflag:s24] =	ssyncset.done $0x0  }
0xf0: {  	s22 =	sor.u32 $0x900, s30;
	[sflag:s24] =	ssyncadd.s32 $0xFFFFC000  }
0xf1: {  	[spmem:s2] =	stream.indirect.scatter.add.f32 [tilespmem:s16], [sflag:$0x4], $0x80, s22, s21, $0xb8;
	[tilespmem:$0x1E000] =	vst v63  }
0xf2: {  	_ =	swait.ge [sflag:s17], $0x4000  }
0xf3: {  	[sflag:s17] =	ssyncset.done $0x0  }
0xf4: {  	s3 =	sor.u32 $0x200, s30;
	[sflag:s17] =	ssyncadd.s32 $0xFFFFC000  }
0xf5: {  	[tilespmem:s16], [sflag:$0x1] =	stream.indirect.gather [hbm4b:s5+s21], $0x80, s3, s21, $0xb8;
	[tilespmem:$0x1E000] =	vst v63  }
0xf6: {  	_ =	swait.ge [sflag:s25], $0x4000  }
0xf7: {  	[sflag:s25] =	ssyncset.done $0x0  }
0xf8: {  	s22 =	sor.u32 $0x980, s30;
	[sflag:s25] =	ssyncadd.s32 $0xFFFFC000  }
0xf9: {  	[spmem:s2] =	stream.indirect.scatter.add.f32 [tilespmem:s23], [sflag:$0x4], $0x80, s22, s21, $0xb8;
	[tilespmem:$0x1E000] =	vst v63  }
0xfa: {  	_ =	swait.ge [sflag:s17], $0x4000  }
0xfb: {  	[sflag:s17] =	ssyncset.done $0x0  }
0xfc: {  	s3 =	sor.u32 $0x280, s30;
	[sflag:s17] =	ssyncadd.s32 $0xFFFFC000  }
0xfd: {  	[tilespmem:s23], [sflag:$0x2] =	stream.indirect.gather [hbm4b:s5+s21], $0x80, s3, s21, $0xb8;
	[tilespmem:$0x1E000] =	vst v63  }
0xfe: {  	_ =	swait.ge [sflag:s24], $0x4000  }
0xff: {  	[sflag:s24] =	ssyncset.done $0x0  }
0x100: {  	s22 =	sor.u32 $0xA00, s30;
	[sflag:s24] =	ssyncadd.s32 $0xFFFFC000  }
0x101: {  	[spmem:s2] =	stream.indirect.scatter.add.f32 [tilespmem:s16], [sflag:$0x4], $0x80, s22, s21, $0xb8;
	[tilespmem:$0x1E000] =	vst v63  }
0x102: {  	_ =	swait.ge [sflag:s17], $0x4000  }
0x103: {  	[sflag:s17] =	ssyncset.done $0x0  }
0x104: {  	s3 =	sor.u32 $0x300, s30;
	[sflag:s17] =	ssyncadd.s32 $0xFFFFC000  }
0x105: {  	[tilespmem:s16], [sflag:$0x1] =	stream.indirect.gather [hbm4b:s5+s21], $0x80, s3, s21, $0xb8;
	[tilespmem:$0x1E000] =	vst v63  }
0x106: {  	_ =	swait.ge [sflag:s25], $0x4000  }
0x107: {  	[sflag:s25] =	ssyncset.done $0x0  }
0x108: {  	s22 =	sor.u32 $0xA80, s30;
	[sflag:s25] =	ssyncadd.s32 $0xFFFFC000  }
0x109: {  	[spmem:s2] =	stream.indirect.scatter.add.f32 [tilespmem:s23], [sflag:$0x4], $0x80, s22, s21, $0xb8;
	[tilespmem:$0x1E000] =	vst v63  }
0x10a: {  	_ =	swait.ge [sflag:s17], $0x4000  }
0x10b: {  	[sflag:s17] =	ssyncset.done $0x0  }
0x10c: {  	s3 =	sor.u32 $0x380, s30;
	[sflag:s17] =	ssyncadd.s32 $0xFFFFC000  }
0x10d: {  	[tilespmem:s23], [sflag:$0x2] =	stream.indirect.gather [hbm4b:s5+s21], $0x80, s3, s21, $0xb8;
	[tilespmem:$0x1E000] =	vst v63  }
0x10e: {  	_ =	swait.ge [sflag:s24], $0x4000  }
0x10f: {  	[sflag:s24] =	ssyncset.done $0x0  }
0x110: {  	s22 =	sor.u32 $0xB00, s30;
	[sflag:s24] =	ssyncadd.s32 $0xFFFFC000  }
0x111: {  	[spmem:s2] =	stream.indirect.scatter.add.f32 [tilespmem:s16], [sflag:$0x4], $0x80, s22, s21, $0xb8;
	[tilespmem:$0x1E000] =	vst v63  }
0x112: {  	_ =	swait.ge [sflag:s17], $0x4000  }
0x113: {  	[sflag:s17] =	ssyncset.done $0x0  }
0x114: {  	s3 =	sor.u32 $0x400, s30;
	[sflag:s17] =	ssyncadd.s32 $0xFFFFC000  }
0x115: {  	[tilespmem:s16], [sflag:$0x1] =	stream.indirect.gather [hbm4b:s5+s21], $0x80, s3, s21, $0xb8;
	[tilespmem:$0x1E000] =	vst v63  }
0x116: {  	_ =	swait.ge [sflag:s25], $0x4000  }
0x117: {  	[sflag:s25] =	ssyncset.done $0x0  }
0x118: {  	s22 =	sor.u32 $0xB80, s30;
	[sflag:s25] =	ssyncadd.s32 $0xFFFFC000  }
0x119: {  	[spmem:s2] =	stream.indirect.scatter.add.f32 [tilespmem:s23], [sflag:$0x4], $0x80, s22, s21, $0xb8;
	[tilespmem:$0x1E000] =	vst v63  }
0x11a: {  	_ =	swait.ge [sflag:s17], $0x4000  }
0x11b: {  	[sflag:s17] =	ssyncset.done $0x0  }
0x11c: {  	s3 =	sor.u32 $0x480, s30;
	[sflag:s17] =	ssyncadd.s32 $0xFFFFC000  }
0x11d: {  	[tilespmem:s23], [sflag:$0x2] =	stream.indirect.gather [hbm4b:s5+s21], $0x80, s3, s21, $0xb8;
	[tilespmem:$0x1E000] =	vst v63  }
0x11e: {  	_ =	swait.ge [sflag:s24], $0x4000  }
0x11f: {  	[sflag:s24] =	ssyncset.done $0x0  }
0x120: {  	s22 =	sor.u32 $0xC00, s30;
	[sflag:s24] =	ssyncadd.s32 $0xFFFFC000  }
0x121: {  	[spmem:s2] =	stream.indirect.scatter.add.f32 [tilespmem:s16], [sflag:$0x4], $0x80, s22, s21, $0xb8;
	[tilespmem:$0x1E000] =	vst v63  }
0x122: {  	_ =	swait.ge [sflag:s17], $0x4000  }
0x123: {  	[sflag:s17] =	ssyncset.done $0x0  }
0x124: {  	s3 =	sor.u32 $0x500, s30;
	[sflag:s17] =	ssyncadd.s32 $0xFFFFC000  }
0x125: {  	[tilespmem:s16], [sflag:$0x1] =	stream.indirect.gather [hbm4b:s5+s21], $0x80, s3, s21, $0xb8;
	[tilespmem:$0x1E000] =	vst v63  }
0x126: {  	_ =	swait.ge [sflag:s25], $0x4000  }
0x127: {  	[sflag:s25] =	ssyncset.done $0x0  }
0x128: {  	s22 =	sor.u32 $0xC80, s30;
	[sflag:s25] =	ssyncadd.s32 $0xFFFFC000  }
0x129: {  	[spmem:s2] =	stream.indirect.scatter.add.f32 [tilespmem:s23], [sflag:$0x4], $0x80, s22, s21, $0xb8;
	[tilespmem:$0x1E000] =	vst v63  }
0x12a: {  	_ =	swait.ge [sflag:s17], $0x4000  }
0x12b: {  	[sflag:s17] =	ssyncset.done $0x0  }
0x12c: {  	s3 =	sor.u32 $0x580, s30;
	[sflag:s17] =	ssyncadd.s32 $0xFFFFC000  }
0x12d: {  	[tilespmem:s23], [sflag:$0x2] =	stream.indirect.gather [hbm4b:s5+s21], $0x80, s3, s21, $0xb8;
	[tilespmem:$0x1E000] =	vst v63  }
0x12e: {  	_ =	swait.ge [sflag:s24], $0x4000  }
0x12f: {  	[sflag:s24] =	ssyncset.done $0x0  }
0x130: {  	s22 =	sor.u32 $0xD00, s30;
	[sflag:s24] =	ssyncadd.s32 $0xFFFFC000  }
0x131: {  	[spmem:s2] =	stream.indirect.scatter.add.f32 [tilespmem:s16], [sflag:$0x4], $0x80, s22, s21, $0xb8;
	[tilespmem:$0x1E000] =	vst v63  }
0x132: {  	_ =	swait.ge [sflag:s17], $0x4000  }
0x133: {  	[sflag:s17] =	ssyncset.done $0x0  }
0x134: {  	s3 =	sor.u32 $0x600, s30;
	[sflag:s17] =	ssyncadd.s32 $0xFFFFC000  }
0x135: {  	[tilespmem:s16], [sflag:$0x1] =	stream.indirect.gather [hbm4b:s5+s21], $0x80, s3, s21, $0xb8;
	[tilespmem:$0x1E000] =	vst v63  }
0x136: {  	_ =	swait.ge [sflag:s25], $0x4000  }
0x137: {  	[sflag:s25] =	ssyncset.done $0x0  }
0x138: {  	s22 =	sor.u32 $0xD80, s30;
	[sflag:s25] =	ssyncadd.s32 $0xFFFFC000  }
0x139: {  	[spmem:s2] =	stream.indirect.scatter.add.f32 [tilespmem:s23], [sflag:$0x4], $0x80, s22, s21, $0xb8;
	[tilespmem:$0x1E000] =	vst v63  }
0x13a: {  	_ =	swait.ge [sflag:s17], $0x4000  }
0x13b: {  	[sflag:s17] =	ssyncset.done $0x0  }
0x13c: {  	s3 =	sor.u32 $0x680, s30;
	[sflag:s17] =	ssyncadd.s32 $0xFFFFC000  }
0x13d: {  	[tilespmem:s23], [sflag:$0x2] =	stream.indirect.gather [hbm4b:s5+s21], $0x80, s3, s21, $0xb8;
	[tilespmem:$0x1E000] =	vst v63  }
0x13e: {  	_ =	swait.ge [sflag:s24], $0x4000  }
0x13f: {  	[sflag:s24] =	ssyncset.done $0x0  }
0x140: {  	s22 =	sor.u32 $0xE00, s30;
	[sflag:s24] =	ssyncadd.s32 $0xFFFFC000  }
0x141: {  	[spmem:s2] =	stream.indirect.scatter.add.f32 [tilespmem:s16], [sflag:$0x4], $0x80, s22, s21, $0xb8;
	[tilespmem:$0x1E000] =	vst v63  }
0x142: {  	_ =	swait.ge [sflag:s17], $0x4000  }
0x143: {  	[sflag:s17] =	ssyncset.done $0x0  }
0x144: {  	s3 =	sor.u32 $0x700, s30;
	[sflag:s17] =	ssyncadd.s32 $0xFFFFC000  }
0x145: {  	[tilespmem:s16], [sflag:$0x1] =	stream.indirect.gather [hbm4b:s5+s21], $0x80, s3, s21, $0xb8;
	[tilespmem:$0x1E000] =	vst v63  }
0x146: {  	_ =	swait.ge [sflag:s25], $0x4000  }
0x147: {  	[sflag:s25] =	ssyncset.done $0x0  }
0x148: {  	s22 =	sor.u32 $0xE80, s30;
	[sflag:s25] =	ssyncadd.s32 $0xFFFFC000  }
0x149: {  	[spmem:s2] =	stream.indirect.scatter.add.f32 [tilespmem:s23], [sflag:$0x4], $0x80, s22, s21, $0xb8;
	[tilespmem:$0x1E000] =	vst v63  }
0x14a: {  	_ =	swait.ge [sflag:s17], $0x4000  }
0x14b: {  	[sflag:s17] =	ssyncset.done $0x0  }
0x14c: {  	s3 =	sor.u32 $0x780, s30;
	[sflag:s17] =	ssyncadd.s32 $0xFFFFC000  }
0x14d: {  	[tilespmem:s23], [sflag:$0x2] =	stream.indirect.gather [hbm4b:s5+s21], $0x80, s3, s21, $0xb8;
	[tilespmem:$0x1E000] =	vst v63  }
0x14e: {  	_ =	swait.ge [sflag:s24], $0x4000  }
0x14f: {  	p1 =	sne.s32 s28, $0x9;
	[sflag:s24] =	ssyncset.done $0x0  }
.Ltmp7:
0x150: {  	s22 =	sor.u32 $0xF00, s30;
	[sflag:s24] =	ssyncadd.s32 $0xFFFFC000;
	(pc) =	sbr.rel @!p1 .LBB2_11-.Ltmp7, $4  }
0x151: {  	[spmem:s2] =	stream.indirect.scatter.add.f32 [tilespmem:s16], [sflag:$0x4], $0x80, s22, s21, $0xb8;
	[tilespmem:$0x1E000] =	vst v63  }
0x152: {  	_ =	swait.ge [sflag:s17], $0x4000  }
0x153: {  	[sflag:s17] =	ssyncset.done $0x0  }
0x154: {  	[sflag:s17] =	ssyncadd.s32 $0xFFFFC000  }
0x155: {  	_ =	swait.ge [sflag:s20], $0x1000  }
0x156: {  	[sflag:s20] =	ssyncset.done $0x0  }
0x157: {  	s0 =	sshll.u32 s31, $0xC;
	[sflag:s20] =	ssyncadd.s32 $0xFFFFF000  }
0x158: {  	[tilespmem:s16], [sflag:$0x1] =	stream.indirect.gather [hbm4b:s5+s21], $0x80, s0, s21, $0xb8;
	[tilespmem:$0x1E000] =	vst v63  }
0x159: {  	_ =	swait.ge [sflag:s25], $0x4000  }
0x15a: {  	s28 =	sadd.s32 $0x1, s28;
	[sflag:s25] =	ssyncset.done $0x0  }
0x15b: {  	s3 =	sadd.s32 $0xF80, s30;
	p1 =	seq.s32 s28, $0xA;
	[sflag:s25] =	ssyncadd.s32 $0xFFFFC000  }
0x15c: {  	[spmem:s2] =	stream.indirect.scatter.add.f32 [tilespmem:s23], [sflag:$0x4], $0x80, s3, s21, $0xb8;
	[tilespmem:$0x1E000] =	vst v63  }
.Ltmp8:
0x15d: {  	_ = 	snop;
	(pc) =	sbr.rel @!p1 .LBB2_10-.Ltmp8, $4  }
0x15e: {  	_ =	swait.ge [sflag:s17], $0x4000  }
0x15f: {  	[sflag:s17] =	ssyncset.done $0x0  }
0x160: {  	s29 =	sadd.s32 $0x100, s29;
	s0 =	sor.u32 $0x80, s0;
	[sflag:s17] =	ssyncadd.s32 $0xFFFFC000  }
0x161: {  	[tilespmem:s23], [sflag:$0x2] =	stream.indirect.gather [hbm4b:s5+s21], $0x80, s0, s21, $0xb8;
	[tilespmem:$0x1E000] =	vst v63  }
.Ltmp9:
0x162: {  	(pc) =	sbr.rel .LBB2_15-.Ltmp9, $2  }
0x163: {  	_ =	sdelay $0x2  }
0x164: {  	s28 =	smov.u32 s12  }
.LBB2_6:
.Ltmp10:
0x165: {  	(pc) =	sbr.rel .LBB2_12-.Ltmp10, $4  }
0x166: {  	_ = 	snop  }
0x167: {  	_ =	swait.ge [sflag:s25], $0x4000  }
0x168: {  	[sflag:s25] =	ssyncset.done $0x0  }
0x169: {  	s29 =	sadd.s32 $0x780, s30;
	s28 =	smov.u32 s13;
	[sflag:s25] =	ssyncadd.s32 $0xFFFFC000  }
.LBB2_16:
0x16a: {  	_ =	sfence.sel $0x180000  }
0x16b: {  	[bflag:$0x0] =	sbarrier.arrive $0xFFFF  }
0x16c: {  	_ =	strace $0x9000004A  }
0x16d: {  	[bflag:$0x2] =	sbarrier.arrive $0xFFFF  }
0x16e: {  	p0 =	sne.s32 s1, $0x0;
	s0 =	rddreg [dreg:$0x3]  }
0x16f: {  	s0 =	sadd.s32 @!p0 $0x100000, s0  }
0x170: {  	[sflag:s0] =	ssyncadd.tile.s32 @!p0 $0x1;
	_ =	shalt  }
.Lfunc_end2:
_tile_overlayer_lowered:
.L_overlay_start_2:
0x171: {  	(tag) =	ssettag $0x2  }
0x172: {  	s0 =	rddreg [dreg:$0x0];
	s2 =	stileid.u32  }
0x173: {  	s1 =	rddreg [dreg:$0x1];
	p0 =	sne.s32 s2, $0x0  }
0x174: {  	s3 =	rddreg [dreg:$0x2];
	[bflag:$0x3] =	sbarrier.arrive $0xFFFF;
	s2 =	simm.s32 @!p0 $0x1C04  }
0x175: {  	[timem:s3], [sflag:s2] =	dma.local @!p0 [hbm:s0], s1  }
0x176: {  	s0 =	simm.s32 @!p0 $0x4  }
0x177: {  	_ =	swait.ge @!p0 [sflag:s0], s1  }
0x178: {  	s1 =	ssub.s32 @!p0 $0x0, s1;
	[sflag:s0] =	ssyncset.done @!p0 $0x0  }
0x179: {  	[sflag:s0] =	ssyncadd.s32 @!p0 s1  }
0x17a: {  	[bflag:$0x3] =	sbarrier.arrive $0xFFFF  }
0x17b: {  	_ =	shalt  }

</sc_bundles>
